<compile_context>
chip_gen: v7x
topology: tpu7x:2x2x1
jax: 0.10.2.dev20260603
libtpu: 0.0.44.dev20260713+nightly
codegen_flags: <defaults>
</compile_context>

<pallas_src>
import functools

import jax
import jax.numpy as jnp
from jax import lax
from jax.experimental import pallas as pl
from jax.experimental.pallas import tpu as pltpu
from jax.experimental.pallas import tpu_sc as plsc

_NUM_NUMERICAL = 6
_N_CAT = 26
_VOCAB = 100000
_D = 64
_T = 20
_F = _NUM_NUMERICAL + _N_CAT
_ROWS = 1 + _T * _F
_NC, _NS, _L = 2, 16, 16
_NW = _NC * _NS
_BB = 128
_G = _BB // _L


def _i16(val):
    return jnp.full((_L,), val, jnp.int32)


def _tokenizer_body(x_hbm, cls_hbm, w_hbm, b_hbm, table_hbm, pos_hbm, out_hbm,
                    xslab, idx3, half3, pairbuf2, posTS, outbufs, posv, wv, bv, clsv,
                    sg, so):
    wid = lax.axis_index("s") * _NC + lax.axis_index("c")
    b0 = wid * _BB

    pltpu.sync_copy(pos_hbm, posv)
    pltpu.sync_copy(w_hbm, wv)
    pltpu.sync_copy(b_hbm, bv)
    pltpu.sync_copy(cls_hbm, clsv)

    lane = lax.iota(jnp.int32, _L)
    rowidx = [lane + g * _L for g in range(_G)]

    def cls_d(d, _):
        csplat = plsc.load_gather(clsv, [_i16(d)])
        for g in range(_G):
            outbufs[0, d, pl.ds(g * _L, _L)] = csplat
        return _
    lax.fori_loop(0, _D, cls_d, None)
    pltpu.sync_copy(outbufs.at[0], out_hbm.at[0, :, pl.ds(b0, _BB)])

    def fire(c, jj):
        for g in range(_G):
            raw = xslab[_NUM_NUMERICAL + c, pl.ds(g * _L, _L)]
            vi = jnp.clip(raw.astype(jnp.int32), 0, _VOCAB - 1)
            idx3[jj, pl.ds(g * _L, _L)] = (
                c * (_VOCAB // 2) + lax.shift_right_logical(vi, 1))
            half3[jj, pl.ds(g * _L, _L)] = (vi & 1) * _D
        pltpu.make_async_copy(
            table_hbm.at[idx3.at[jj]],
            pairbuf2.at[pl.ds(jj * _BB, _BB), pl.ds(0, 2 * _D)],
            sg.at[jj]).start()

    def out_tile_write(p, t, f, first):
        r = 1 + t * _F + f
        dst = out_hbm.at[r, :, pl.ds(b0, _BB)]
        cp = pltpu.make_async_copy(outbufs.at[p], dst, so.at[p])

        @pl.when(jnp.logical_not(first))
        def _():
            cp.wait()
        return cp

    def per_t(t, _):
        pltpu.sync_copy(x_hbm.at[t, :, pl.ds(b0, _BB)], xslab)

        def mk_pos(d, _):
            posTS[d, pl.ds(0, _L)] = plsc.load_gather(posv, [_i16(t), _i16(d)])
            return _
        lax.fori_loop(0, _D, mk_pos, None, unroll=8)

        fire(0, 0)
        fire(1, 1)

        def per_cat(c, _):
            jj = c % 2
            p = c % 2
            with jax.named_scope("gwait"):
                pltpu.make_async_copy(
                    table_hbm.at[idx3.at[jj]],
                    pairbuf2.at[pl.ds(jj * _BB, _BB), pl.ds(0, 2 * _D)],
                    sg.at[jj]).wait()

            first = jnp.logical_and(t == 0, c < 2)
            with jax.named_scope("owait"):
                cp = out_tile_write(p, t, _NUM_NUMERICAL + c, first)

            rowfull = [jj * _BB + rowidx[g] for g in range(_G)]
            halfv = [half3[jj, pl.ds(g * _L, _L)] for g in range(_G)]

            def per_d(d, _):
                psplat = posTS[d, pl.ds(0, _L)]
                for g in range(_G):
                    col = halfv[g] + d
                    vals = plsc.load_gather(pairbuf2, [rowfull[g], col])
                    outbufs[p, d, pl.ds(g * _L, _L)] = vals + psplat
                return _
            with jax.named_scope("xpose"):
                lax.fori_loop(0, _D, per_d, None, unroll=16)

            cp.start()

            with jax.named_scope("fire"):
                @pl.when(c < _N_CAT - 2)
                def _():
                    fire(c + 2, (c + 2) % 2)
            return _
        lax.fori_loop(0, _N_CAT, per_cat, None)

        def per_num(f, _):
            p = (_N_CAT + f) % 2
            cp = out_tile_write(p, t, f, jnp.bool_(False))
            xvecs = [xslab[f, pl.ds(g * _L, _L)] for g in range(_G)]

            def per_d(d, _):
                wsplat = plsc.load_gather(wv, [_i16(f), _i16(d)])
                bsplat = plsc.load_gather(bv, [_i16(f), _i16(d)])
                bp = bsplat + posTS[d, pl.ds(0, _L)]
                for g in range(_G):
                    outbufs[p, d, pl.ds(g * _L, _L)] = xvecs[g] * wsplat + bp
                return _
            lax.fori_loop(0, _D, per_d, None, unroll=8)

            cp.start()
            return _
        lax.fori_loop(0, _NUM_NUMERICAL, per_num, None)
        return _

    lax.fori_loop(0, _T, per_t, None)

    for p in range(2):
        pltpu.make_async_copy(
            outbufs.at[p], out_hbm.at[0, :, pl.ds(b0, _BB)], so.at[p]).wait()


def kernel(x_seq, cls_token, num_weights, num_biases, cat_tables, temporal_pos):
    B, T, F = x_seq.shape

    x_t = jnp.transpose(x_seq, (1, 2, 0))
    table = cat_tables.reshape(_N_CAT * _VOCAB // 2, 2 * _D)
    cls = cls_token.reshape(_D)

    mesh = plsc.VectorSubcoreMesh(core_axis_name="c", subcore_axis_name="s")
    out_t = pl.kernel(
        _tokenizer_body,
        out_type=jax.ShapeDtypeStruct((_ROWS, _D, B), jnp.float32),
        mesh=mesh,
        compiler_params=pltpu.CompilerParams(
            use_tc_tiling_on_sc=True, needs_layout_passes=False,
            disable_bounds_checks=True),
        scratch_types=[
            pltpu.VMEM((_F, _BB), jnp.float32),
            pltpu.VMEM((2, _BB), jnp.int32),
            pltpu.VMEM((2, _BB), jnp.int32),
            pltpu.VMEM((2 * _BB, 2 * _D + 1), jnp.float32),
            pltpu.VMEM((_D, _L), jnp.float32),
            pltpu.VMEM((2, _D, _BB), jnp.float32),
            pltpu.VMEM((_T, _D), jnp.float32),
            pltpu.VMEM((_NUM_NUMERICAL, _D), jnp.float32),
            pltpu.VMEM((_NUM_NUMERICAL, _D), jnp.float32),
            pltpu.VMEM((_D,), jnp.float32),
            pltpu.SemaphoreType.DMA((2,)),
            pltpu.SemaphoreType.DMA((2,)),
        ],
    )(x_t, cls, num_weights, num_biases, table, temporal_pos)
    return jnp.transpose(out_t, (2, 0, 1))

# --- scband reference (transcript-rebuilt; emitter-appended) ---
"""Pipeline reference for scband-sequence-feature-tokenizer-4655744549212 (READ-ONLY COPY).

The authoritative reference and input builder live on the scoring server;
editing this copy changes nothing except your own understanding.
"""

import jax, jax.numpy as jnp
import numpy as np

NUM_NUMERICAL = 6
N_CAT = 26
VOCAB = 100000
D_TOKEN = 64
SEQ_LEN = 20
BATCH = 4096


def setup_inputs(seed: int = 0) -> dict:
    key = jax.random.key(seed)
    ks = jax.random.split(key, 6)
    # x_seq holds both numerical and categorical features as float32; categorical
    # columns (the last N_CAT) are integer-valued indices in [0, VOCAB).
    x_seq = jax.random.randint(ks[0], (BATCH, SEQ_LEN, NUM_NUMERICAL + N_CAT), 0, VOCAB).astype(jnp.float32)
    cls_token = jax.random.normal(ks[1], (1, 1, D_TOKEN), dtype=jnp.float32)
    num_weights = jax.random.normal(ks[2], (NUM_NUMERICAL, D_TOKEN), dtype=jnp.float32)
    num_biases = jax.random.normal(ks[3], (NUM_NUMERICAL, D_TOKEN), dtype=jnp.float32)
    # ModuleList of 26 nn.Embedding(100000, 64) tables, stacked into one array.
    cat_tables = jax.random.normal(ks[4], (N_CAT, VOCAB, D_TOKEN), dtype=jnp.float32)
    temporal_pos = jax.random.normal(ks[5], (SEQ_LEN, D_TOKEN), dtype=jnp.float32)
    return {"x_seq": x_seq, "cls_token": cls_token, "num_weights": num_weights,
            "num_biases": num_biases, "cat_tables": cat_tables, "temporal_pos": temporal_pos}


def reference(x_seq, cls_token, num_weights, num_biases, cat_tables, temporal_pos):
    B, T, F = x_seq.shape
    x_num = x_seq[:, :, :NUM_NUMERICAL]                      # [B, T, 6]
    x_cat = x_seq[:, :, NUM_NUMERICAL:].astype(jnp.int32)    # [B, T, 26]
    # numerical tokens: x_num[..., None] * W + b -> [B, T, 6, d]
    num_tokens = x_num[..., None] * num_weights[None, None, :, :] + num_biases[None, None, :, :]
    # categorical tokens: per-field embedding gather -> [B, T, 26, d]
    cat_tokens = jnp.stack([jnp.take(cat_tables[i], x_cat[:, :, i], axis=0) for i in range(N_CAT)], axis=2)
    # concat over feature/token axis (matches torch per-timestep cat order: num then cat)
    tokens = jnp.concatenate([num_tokens, cat_tokens], axis=2)  # [B, T, 32, d]
    # add temporal positional embedding per timestep
    tokens = tokens + temporal_pos[None, :, None, :]
    # flatten timesteps sequentially (matches torch cat of per-timestep blocks along dim=1)
    seq_tokens = tokens.reshape(B, T * (NUM_NUMERICAL + N_CAT), D_TOKEN)
    cls = jnp.broadcast_to(cls_token, (B, 1, D_TOKEN))
    return jnp.concatenate([cls, seq_tokens], axis=1)  # [B, 1 + T*32, d]

if __name__ == "__main__":
    import jax
    _d = setup_inputs()
    print(jax.jit(kernel)(*tuple(_d.values())))

</pallas_src>

<mosaic_0001>
#map = affine_map<(d0, d1) -> (0, 0, 0)>
#map1 = affine_map<(d0, d1) -> (0)>
#map2 = affine_map<(d0, d1) -> (0, 0)>
module attributes {stable_mosaic.version = 14 : i64} {
  func.func @_tokenizer_body(%arg0: i32, %arg1: i32, %arg2: memref<20x32x4096xf32, #tpu.memory_space<hbm>>, %arg3: memref<64xf32, #tpu.memory_space<hbm>>, %arg4: memref<6x64xf32, #tpu.memory_space<hbm>>, %arg5: memref<6x64xf32, #tpu.memory_space<hbm>>, %arg6: memref<1300000x128xf32, #tpu.memory_space<hbm>>, %arg7: memref<20x64xf32, #tpu.memory_space<hbm>>, %arg8: memref<641x64x4096xf32, #tpu.memory_space<hbm>>, %arg9: memref<32x128xf32, #tpu.memory_space<vmem>>, %arg10: memref<2x128xi32, #tpu.memory_space<vmem>>, %arg11: memref<2x128xi32, #tpu.memory_space<vmem>>, %arg12: memref<256x129xf32, #tpu.memory_space<vmem>>, %arg13: memref<64x16xf32, #tpu.memory_space<vmem>>, %arg14: memref<2x64x128xf32, #tpu.memory_space<vmem>>, %arg15: memref<20x64xf32, #tpu.memory_space<vmem>>, %arg16: memref<6x64xf32, #tpu.memory_space<vmem>>, %arg17: memref<6x64xf32, #tpu.memory_space<vmem>>, %arg18: memref<64xf32, #tpu.memory_space<vmem>>, %arg19: memref<2x!tpu.dma_semaphore, #tpu.memory_space<semaphore_mem>>, %arg20: memref<2x!tpu.dma_semaphore, #tpu.memory_space<semaphore_mem>>) attributes {dimension_semantics = [#tpu.dimension_semantics<core_parallel>, #tpu.dimension_semantics<subcore_parallel>], iteration_bounds = array<i64: 2, 16>, scalar_prefetch = 0 : i64, scratch_operands = 12 : i64, tpu.core_type = #tpu.core_type<sc_vector_subcore>, window_params = [{transform_indices = #map}, {transform_indices = #map1}, {transform_indices = #map2}, {transform_indices = #map2}, {transform_indices = #map2}, {transform_indices = #map2}, {transform_indices = #map}]} {
    %mul3A = arith.constant 2 : i32
    %mul3A_0 = arith.muli %arg1, %mul3A : i32
    %add3A = arith.addi %mul3A_0, %arg0 : i32
    %mul3A_1 = arith.constant 128 : i32
    %mul3A_2 = arith.muli %add3A, %mul3A_1 : i32
    "tpu.region"() ({
      %run_scoped3A_74 = tpu.sem_alloc : memref<!tpu.dma_semaphore, #tpu.memory_space<semaphore_mem>>
      tpu.enqueue_dma source(%arg7 : memref<20x64xf32, #tpu.memory_space<hbm>>) target(%arg15 : memref<20x64xf32, #tpu.memory_space<vmem>>) target_semaphore(%run_scoped3A_74 : memref<!tpu.dma_semaphore, #tpu.memory_space<semaphore_mem>>)
      tpu.wait_dma2 semaphore(%run_scoped3A_74 : memref<!tpu.dma_semaphore, #tpu.memory_space<semaphore_mem>>) src(%arg7 : memref<20x64xf32, #tpu.memory_space<hbm>>) dst(%arg15 : memref<20x64xf32, #tpu.memory_space<vmem>>)
      tpu.yield
    }) : () -> ()
    "tpu.region"() ({
      %run_scoped3A_74 = tpu.sem_alloc : memref<!tpu.dma_semaphore, #tpu.memory_space<semaphore_mem>>
      tpu.enqueue_dma source(%arg4 : memref<6x64xf32, #tpu.memory_space<hbm>>) target(%arg16 : memref<6x64xf32, #tpu.memory_space<vmem>>) target_semaphore(%run_scoped3A_74 : memref<!tpu.dma_semaphore, #tpu.memory_space<semaphore_mem>>)
      tpu.wait_dma2 semaphore(%run_scoped3A_74 : memref<!tpu.dma_semaphore, #tpu.memory_space<semaphore_mem>>) src(%arg4 : memref<6x64xf32, #tpu.memory_space<hbm>>) dst(%arg16 : memref<6x64xf32, #tpu.memory_space<vmem>>)
      tpu.yield
    }) : () -> ()
    "tpu.region"() ({
      %run_scoped3A_74 = tpu.sem_alloc : memref<!tpu.dma_semaphore, #tpu.memory_space<semaphore_mem>>
      tpu.enqueue_dma source(%arg5 : memref<6x64xf32, #tpu.memory_space<hbm>>) target(%arg17 : memref<6x64xf32, #tpu.memory_space<vmem>>) target_semaphore(%run_scoped3A_74 : memref<!tpu.dma_semaphore, #tpu.memory_space<semaphore_mem>>)
      tpu.wait_dma2 semaphore(%run_scoped3A_74 : memref<!tpu.dma_semaphore, #tpu.memory_space<semaphore_mem>>) src(%arg5 : memref<6x64xf32, #tpu.memory_space<hbm>>) dst(%arg17 : memref<6x64xf32, #tpu.memory_space<vmem>>)
      tpu.yield
    }) : () -> ()
    "tpu.region"() ({
      %run_scoped3A_74 = tpu.sem_alloc : memref<!tpu.dma_semaphore, #tpu.memory_space<semaphore_mem>>
      tpu.enqueue_dma source(%arg3 : memref<64xf32, #tpu.memory_space<hbm>>) target(%arg18 : memref<64xf32, #tpu.memory_space<vmem>>) target_semaphore(%run_scoped3A_74 : memref<!tpu.dma_semaphore, #tpu.memory_space<semaphore_mem>>)
      tpu.wait_dma2 semaphore(%run_scoped3A_74 : memref<!tpu.dma_semaphore, #tpu.memory_space<semaphore_mem>>) src(%arg3 : memref<64xf32, #tpu.memory_space<hbm>>) dst(%arg18 : memref<64xf32, #tpu.memory_space<vmem>>)
      tpu.yield
    }) : () -> ()
    %iota3A = tpu.iota {dimensions = array<i32: 0>} : vector<16xi32>
    %add3A_3 = arith.constant 0 : i32
    %add3A_4 = vector.broadcast %add3A_3 : i32 to vector<16xi32>
    %add3A_5 = arith.addi %iota3A, %add3A_4 : vector<16xi32>
    %add3A_6 = arith.constant 16 : i32
    %add3A_7 = vector.broadcast %add3A_6 : i32 to vector<16xi32>
    %add3A_8 = arith.addi %iota3A, %add3A_7 : vector<16xi32>
    %add3A_9 = arith.constant 32 : i32
    %add3A_10 = vector.broadcast %add3A_9 : i32 to vector<16xi32>
    %add3A_11 = arith.addi %iota3A, %add3A_10 : vector<16xi32>
    %add3A_12 = arith.constant 48 : i32
    %add3A_13 = vector.broadcast %add3A_12 : i32 to vector<16xi32>
    %add3A_14 = arith.addi %iota3A, %add3A_13 : vector<16xi32>
    %add3A_15 = arith.constant 64 : i32
    %add3A_16 = vector.broadcast %add3A_15 : i32 to vector<16xi32>
    %add3A_17 = arith.addi %iota3A, %add3A_16 : vector<16xi32>
    %add3A_18 = arith.constant 80 : i32
    %add3A_19 = vector.broadcast %add3A_18 : i32 to vector<16xi32>
    %add3A_20 = arith.addi %iota3A, %add3A_19 : vector<16xi32>
    %add3A_21 = arith.constant 96 : i32
    %add3A_22 = vector.broadcast %add3A_21 : i32 to vector<16xi32>
    %add3A_23 = arith.addi %iota3A, %add3A_22 : vector<16xi32>
    %add3A_24 = arith.constant 112 : i32
    %add3A_25 = vector.broadcast %add3A_24 : i32 to vector<16xi32>
    %add3A_26 = arith.addi %iota3A, %add3A_25 : vector<16xi32>
    %scan3A = arith.constant 0 : i32
    %scan3A_27 = arith.constant 64 : i32
    %scan3A_28 = arith.addi %scan3A, %scan3A_27 : i32
    %scan3A_29 = arith.constant 1 : i32
    scf.for %scan3A_74 = %scan3A to %scan3A_28 step %scan3A_29  : i32 {
      %broadcast_in_dim3A = vector.broadcast %scan3A_74 : i32 to vector<16xi32>
      %gather3A = tpu.vector_load_idx %arg18[%broadcast_in_dim3A] : memref<64xf32, #tpu.memory_space<vmem>>[vector<16xi32>], vector<16xf32>,
      %swap3A = arith.constant 0 : i32
      %swap3A_75 = arith.index_cast %swap3A : i32 to index
      %swap3A_76 = arith.index_cast %scan3A_74 : i32 to index
      %swap3A_77 = arith.constant 0 : index
      %swap3A_78 = tpu.vector_load %arg14[%swap3A_75, %swap3A_76, %swap3A_77] {strides = array<i32>} : memref<2x64x128xf32, #tpu.memory_space<vmem>>, vector<16xf32>,
      tpu.vector_store %arg14[%swap3A_75, %swap3A_76, %swap3A_77], %gather3A {strides = array<i32>} : memref<2x64x128xf32, #tpu.memory_space<vmem>>, vector<16xf32>,
      %swap3A_79 = arith.constant 0 : i32
      %swap3A_80 = arith.index_cast %swap3A_79 : i32 to index
      %swap3A_81 = arith.index_cast %scan3A_74 : i32 to index
      %swap3A_82 = arith.constant 16 : index
      %swap3A_83 = tpu.vector_load %arg14[%swap3A_80, %swap3A_81, %swap3A_82] {strides = array<i32>} : memref<2x64x128xf32, #tpu.memory_space<vmem>>, vector<16xf32>,
      tpu.vector_store %arg14[%swap3A_80, %swap3A_81, %swap3A_82], %gather3A {strides = array<i32>} : memref<2x64x128xf32, #tpu.memory_space<vmem>>, vector<16xf32>,
      %swap3A_84 = arith.constant 0 : i32
      %swap3A_85 = arith.index_cast %swap3A_84 : i32 to index
      %swap3A_86 = arith.index_cast %scan3A_74 : i32 to index
      %swap3A_87 = arith.constant 32 : index
      %swap3A_88 = tpu.vector_load %arg14[%swap3A_85, %swap3A_86, %swap3A_87] {strides = array<i32>} : memref<2x64x128xf32, #tpu.memory_space<vmem>>, vector<16xf32>,
      tpu.vector_store %arg14[%swap3A_85, %swap3A_86, %swap3A_87], %gather3A {strides = array<i32>} : memref<2x64x128xf32, #tpu.memory_space<vmem>>, vector<16xf32>,
      %swap3A_89 = arith.constant 0 : i32
      %swap3A_90 = arith.index_cast %swap3A_89 : i32 to index
      %swap3A_91 = arith.index_cast %scan3A_74 : i32 to index
      %swap3A_92 = arith.constant 48 : index
      %swap3A_93 = tpu.vector_load %arg14[%swap3A_90, %swap3A_91, %swap3A_92] {strides = array<i32>} : memref<2x64x128xf32, #tpu.memory_space<vmem>>, vector<16xf32>,
      tpu.vector_store %arg14[%swap3A_90, %swap3A_91, %swap3A_92], %gather3A {strides = array<i32>} : memref<2x64x128xf32, #tpu.memory_space<vmem>>, vector<16xf32>,
      %swap3A_94 = arith.constant 0 : i32
      %swap3A_95 = arith.index_cast %swap3A_94 : i32 to index
      %swap3A_96 = arith.index_cast %scan3A_74 : i32 to index
      %swap3A_97 = arith.constant 64 : index
      %swap3A_98 = tpu.vector_load %arg14[%swap3A_95, %swap3A_96, %swap3A_97] {strides = array<i32>} : memref<2x64x128xf32, #tpu.memory_space<vmem>>, vector<16xf32>,
      tpu.vector_store %arg14[%swap3A_95, %swap3A_96, %swap3A_97], %gather3A {strides = array<i32>} : memref<2x64x128xf32, #tpu.memory_space<vmem>>, vector<16xf32>,
      %swap3A_99 = arith.constant 0 : i32
      %swap3A_100 = arith.index_cast %swap3A_99 : i32 to index
      %swap3A_101 = arith.index_cast %scan3A_74 : i32 to index
      %swap3A_102 = arith.constant 80 : index
      %swap3A_103 = tpu.vector_load %arg14[%swap3A_100, %swap3A_101, %swap3A_102] {strides = array<i32>} : memref<2x64x128xf32, #tpu.memory_space<vmem>>, vector<16xf32>,
      tpu.vector_store %arg14[%swap3A_100, %swap3A_101, %swap3A_102], %gather3A {strides = array<i32>} : memref<2x64x128xf32, #tpu.memory_space<vmem>>, vector<16xf32>,
      %swap3A_104 = arith.constant 0 : i32
      %swap3A_105 = arith.index_cast %swap3A_104 : i32 to index
      %swap3A_106 = arith.index_cast %scan3A_74 : i32 to index
      %swap3A_107 = arith.constant 96 : index
      %swap3A_108 = tpu.vector_load %arg14[%swap3A_105, %swap3A_106, %swap3A_107] {strides = array<i32>} : memref<2x64x128xf32, #tpu.memory_space<vmem>>, vector<16xf32>,
      tpu.vector_store %arg14[%swap3A_105, %swap3A_106, %swap3A_107], %gather3A {strides = array<i32>} : memref<2x64x128xf32, #tpu.memory_space<vmem>>, vector<16xf32>,
      %swap3A_109 = arith.constant 0 : i32
      %swap3A_110 = arith.index_cast %swap3A_109 : i32 to index
      %swap3A_111 = arith.index_cast %scan3A_74 : i32 to index
      %swap3A_112 = arith.constant 112 : index
      %swap3A_113 = tpu.vector_load %arg14[%swap3A_110, %swap3A_111, %swap3A_112] {strides = array<i32>} : memref<2x64x128xf32, #tpu.memory_space<vmem>>, vector<16xf32>,
      tpu.vector_store %arg14[%swap3A_110, %swap3A_111, %swap3A_112], %gather3A {strides = array<i32>} : memref<2x64x128xf32, #tpu.memory_space<vmem>>, vector<16xf32>,
    }
    %scan3A_30 = arith.constant 64 : i32
    %run_scoped3A = arith.constant 0 : i32
    %run_scoped3A_31 = arith.constant 0 : i32
    "tpu.region"() ({
      %run_scoped3A_74 = tpu.sem_alloc : memref<!tpu.dma_semaphore, #tpu.memory_space<semaphore_mem>>
      %dma_start3A = arith.constant 0 : i32
      %dma_start3A_75 = arith.constant 0 : i32
      %dma_start3A_76 = tpu.memref_slice %arg14[%run_scoped3A, %dma_start3A, %dma_start3A_75] : memref<2x64x128xf32, #tpu.memory_space<vmem>> -> memref<1x64x128xf32, #tpu.memory_space<vmem>>
      %dma_start3A_77 = tpu.memref_squeeze %dma_start3A_76 : memref<1x64x128xf32, #tpu.memory_space<vmem>> -> memref<64x128xf32, #tpu.memory_space<vmem>>
      %dma_start3A_78 = arith.constant 0 : i32
      %dma_start3A_79 = tpu.memref_slice %arg8[%run_scoped3A_31, %dma_start3A_78, %mul3A_2] : memref<641x64x4096xf32, #tpu.memory_space<hbm>> -> memref<1x64x128xf32, #tpu.memory_space<hbm>>
      %dma_start3A_80 = tpu.memref_squeeze %dma_start3A_79 : memref<1x64x128xf32, #tpu.memory_space<hbm>> -> memref<64x128xf32, #tpu.memory_space<hbm>>
      %dma_start3A_81 = arith.constant 0 : i32
      %dma_start3A_82 = tpu.memref_slice %arg8[%run_scoped3A_31, %dma_start3A_81, %mul3A_2] : memref<641x64x4096xf32, #tpu.memory_space<hbm>> -> memref<1x64x128xf32, #tpu.memory_space<hbm>>
      %dma_start3A_83 = tpu.memref_squeeze %dma_start3A_82 : memref<1x64x128xf32, #tpu.memory_space<hbm>> -> memref<64x128xf32, #tpu.memory_space<hbm>>
      %dma_start3A_84 = arith.constant 0 : i32
      %dma_start3A_85 = arith.constant 0 : i32
      %dma_start3A_86 = tpu.memref_slice %arg14[%run_scoped3A, %dma_start3A_84, %dma_start3A_85] : memref<2x64x128xf32, #tpu.memory_space<vmem>> -> memref<1x64x128xf32, #tpu.memory_space<vmem>>
      %dma_start3A_87 = tpu.memref_squeeze %dma_start3A_86 : memref<1x64x128xf32, #tpu.memory_space<vmem>> -> memref<64x128xf32, #tpu.memory_space<vmem>>
      tpu.enqueue_dma source(%dma_start3A_87 : memref<64x128xf32, #tpu.memory_space<vmem>>) target(%dma_start3A_83 : memref<64x128xf32, #tpu.memory_space<hbm>>) target_semaphore(%run_scoped3A_74 : memref<!tpu.dma_semaphore, #tpu.memory_space<semaphore_mem>>)
      %dma_wait3A_88 = arith.constant 0 : i32
      %dma_wait3A_89 = arith.constant 0 : i32
      %dma_wait3A_90 = tpu.memref_slice %arg14[%run_scoped3A, %dma_wait3A_88, %dma_wait3A_89] : memref<2x64x128xf32, #tpu.memory_space<vmem>> -> memref<1x64x128xf32, #tpu.memory_space<vmem>>
      %dma_wait3A_91 = tpu.memref_squeeze %dma_wait3A_90 : memref<1x64x128xf32, #tpu.memory_space<vmem>> -> memref<64x128xf32, #tpu.memory_space<vmem>>
      %dma_wait3A_92 = arith.constant 0 : i32
      %dma_wait3A_93 = tpu.memref_slice %arg8[%run_scoped3A_31, %dma_wait3A_92, %mul3A_2] : memref<641x64x4096xf32, #tpu.memory_space<hbm>> -> memref<1x64x128xf32, #tpu.memory_space<hbm>>
      %dma_wait3A_94 = tpu.memref_squeeze %dma_wait3A_93 : memref<1x64x128xf32, #tpu.memory_space<hbm>> -> memref<64x128xf32, #tpu.memory_space<hbm>>
      %dma_wait3A_95 = arith.constant 0 : i32
      %dma_wait3A_96 = tpu.memref_slice %arg8[%run_scoped3A_31, %dma_wait3A_95, %mul3A_2] : memref<641x64x4096xf32, #tpu.memory_space<hbm>> -> memref<1x64x128xf32, #tpu.memory_space<hbm>>
      %dma_wait3A_97 = tpu.memref_squeeze %dma_wait3A_96 : memref<1x64x128xf32, #tpu.memory_space<hbm>> -> memref<64x128xf32, #tpu.memory_space<hbm>>
      %dma_wait3A_98 = arith.constant 0 : i32
      %dma_wait3A_99 = arith.constant 0 : i32
      %dma_wait3A_100 = tpu.memref_slice %arg14[%run_scoped3A, %dma_wait3A_98, %dma_wait3A_99] : memref<2x64x128xf32, #tpu.memory_space<vmem>> -> memref<1x64x128xf32, #tpu.memory_space<vmem>>
      %dma_wait3A_101 = tpu.memref_squeeze %dma_wait3A_100 : memref<1x64x128xf32, #tpu.memory_space<vmem>> -> memref<64x128xf32, #tpu.memory_space<vmem>>
      tpu.wait_dma2 semaphore(%run_scoped3A_74 : memref<!tpu.dma_semaphore, #tpu.memory_space<semaphore_mem>>) src(%dma_wait3A_101 : memref<64x128xf32, #tpu.memory_space<vmem>>) dst(%dma_wait3A_97 : memref<64x128xf32, #tpu.memory_space<hbm>>)
      tpu.yield
    }) : () -> ()
    %scan3A_32 = arith.constant 0 : i32
    %scan3A_33 = arith.constant 20 : i32
    %scan3A_34 = arith.addi %scan3A_32, %scan3A_33 : i32
    %scan3A_35 = arith.constant 1 : i32
    scf.for %scan3A_74 = %scan3A_32 to %scan3A_34 step %scan3A_35  : i32 {
      "tpu.region"() ({
        %run_scoped3A_603 = tpu.sem_alloc : memref<!tpu.dma_semaphore, #tpu.memory_space<semaphore_mem>>
        %dma_start3A_604 = arith.constant 0 : i32
        %dma_start3A_605 = tpu.memref_slice %arg2[%scan3A_74, %dma_start3A_604, %mul3A_2] : memref<20x32x4096xf32, #tpu.memory_space<hbm>> -> memref<1x32x128xf32, #tpu.memory_space<hbm>>
        %dma_start3A_606 = tpu.memref_squeeze %dma_start3A_605 : memref<1x32x128xf32, #tpu.memory_space<hbm>> -> memref<32x128xf32, #tpu.memory_space<hbm>>
        %dma_start3A_607 = arith.constant 0 : i32
        %dma_start3A_608 = tpu.memref_slice %arg2[%scan3A_74, %dma_start3A_607, %mul3A_2] : memref<20x32x4096xf32, #tpu.memory_space<hbm>> -> memref<1x32x128xf32, #tpu.memory_space<hbm>>
        %dma_start3A_609 = tpu.memref_squeeze %dma_start3A_608 : memref<1x32x128xf32, #tpu.memory_space<hbm>> -> memref<32x128xf32, #tpu.memory_space<hbm>>
        tpu.enqueue_dma source(%dma_start3A_609 : memref<32x128xf32, #tpu.memory_space<hbm>>) target(%arg9 : memref<32x128xf32, #tpu.memory_space<vmem>>) target_semaphore(%run_scoped3A_603 : memref<!tpu.dma_semaphore, #tpu.memory_space<semaphore_mem>>)
        %dma_wait3A_610 = arith.constant 0 : i32
        %dma_wait3A_611 = tpu.memref_slice %arg2[%scan3A_74, %dma_wait3A_610, %mul3A_2] : memref<20x32x4096xf32, #tpu.memory_space<hbm>> -> memref<1x32x128xf32, #tpu.memory_space<hbm>>
        %dma_wait3A_612 = tpu.memref_squeeze %dma_wait3A_611 : memref<1x32x128xf32, #tpu.memory_space<hbm>> -> memref<32x128xf32, #tpu.memory_space<hbm>>
        %dma_wait3A_613 = arith.constant 0 : i32
        %dma_wait3A_614 = tpu.memref_slice %arg2[%scan3A_74, %dma_wait3A_613, %mul3A_2] : memref<20x32x4096xf32, #tpu.memory_space<hbm>> -> memref<1x32x128xf32, #tpu.memory_space<hbm>>
        %dma_wait3A_615 = tpu.memref_squeeze %dma_wait3A_614 : memref<1x32x128xf32, #tpu.memory_space<hbm>> -> memref<32x128xf32, #tpu.memory_space<hbm>>
        tpu.wait_dma2 semaphore(%run_scoped3A_603 : memref<!tpu.dma_semaphore, #tpu.memory_space<semaphore_mem>>) src(%dma_wait3A_615 : memref<32x128xf32, #tpu.memory_space<hbm>>) dst(%arg9 : memref<32x128xf32, #tpu.memory_space<vmem>>)
        tpu.yield
      }) : () -> ()
      %scan3A_75 = arith.constant 0 : i32
      %scan3A_76 = arith.constant 64 : i32
      %scan3A_77 = arith.addi %scan3A_75, %scan3A_76 : i32
      %scan3A_78 = arith.constant 8 : i32
      scf.for %scan3A_603 = %scan3A_75 to %scan3A_77 step %scan3A_78  : i32 {
        %broadcast_in_dim3A = vector.broadcast %scan3A_74 : i32 to vector<16xi32>
        %broadcast_in_dim3A_604 = vector.broadcast %scan3A_603 : i32 to vector<16xi32>
        %gather3A = tpu.vector_load_idx %arg15[%broadcast_in_dim3A, %broadcast_in_dim3A_604] : memref<20x64xf32, #tpu.memory_space<vmem>>[vector<16xi32>, vector<16xi32>], vector<16xf32>,
        %swap3A_605 = arith.index_cast %scan3A_603 : i32 to index
        %swap3A_606 = arith.constant 0 : index
        %swap3A_607 = tpu.vector_load %arg13[%swap3A_605, %swap3A_606] {strides = array<i32>} : memref<64x16xf32, #tpu.memory_space<vmem>>, vector<16xf32>,
        tpu.vector_store %arg13[%swap3A_605, %swap3A_606], %gather3A {strides = array<i32>} : memref<64x16xf32, #tpu.memory_space<vmem>>, vector<16xf32>,
        %scan3A_608 = arith.constant 1 : i32
        %scan3A_609 = arith.addi %scan3A_603, %scan3A_608 : i32
        %broadcast_in_dim3A_610 = vector.broadcast %scan3A_74 : i32 to vector<16xi32>
        %broadcast_in_dim3A_611 = vector.broadcast %scan3A_609 : i32 to vector<16xi32>
        %gather3A_612 = tpu.vector_load_idx %arg15[%broadcast_in_dim3A_610, %broadcast_in_dim3A_611] : memref<20x64xf32, #tpu.memory_space<vmem>>[vector<16xi32>, vector<16xi32>], vector<16xf32>,
        %swap3A_613 = arith.index_cast %scan3A_609 : i32 to index
        %swap3A_614 = arith.constant 0 : index
        %swap3A_615 = tpu.vector_load %arg13[%swap3A_613, %swap3A_614] {strides = array<i32>} : memref<64x16xf32, #tpu.memory_space<vmem>>, vector<16xf32>,
        tpu.vector_store %arg13[%swap3A_613, %swap3A_614], %gather3A_612 {strides = array<i32>} : memref<64x16xf32, #tpu.memory_space<vmem>>, vector<16xf32>,
        %scan3A_616 = arith.constant 2 : i32
        %scan3A_617 = arith.addi %scan3A_603, %scan3A_616 : i32
        %broadcast_in_dim3A_618 = vector.broadcast %scan3A_74 : i32 to vector<16xi32>
        %broadcast_in_dim3A_619 = vector.broadcast %scan3A_617 : i32 to vector<16xi32>
        %gather3A_620 = tpu.vector_load_idx %arg15[%broadcast_in_dim3A_618, %broadcast_in_dim3A_619] : memref<20x64xf32, #tpu.memory_space<vmem>>[vector<16xi32>, vector<16xi32>], vector<16xf32>,
        %swap3A_621 = arith.index_cast %scan3A_617 : i32 to index
        %swap3A_622 = arith.constant 0 : index
        %swap3A_623 = tpu.vector_load %arg13[%swap3A_621, %swap3A_622] {strides = array<i32>} : memref<64x16xf32, #tpu.memory_space<vmem>>, vector<16xf32>,
        tpu.vector_store %arg13[%swap3A_621, %swap3A_622], %gather3A_620 {strides = array<i32>} : memref<64x16xf32, #tpu.memory_space<vmem>>, vector<16xf32>,
        %scan3A_624 = arith.constant 3 : i32
        %scan3A_625 = arith.addi %scan3A_603, %scan3A_624 : i32
        %broadcast_in_dim3A_626 = vector.broadcast %scan3A_74 : i32 to vector<16xi32>
        %broadcast_in_dim3A_627 = vector.broadcast %scan3A_625 : i32 to vector<16xi32>
        %gather3A_628 = tpu.vector_load_idx %arg15[%broadcast_in_dim3A_626, %broadcast_in_dim3A_627] : memref<20x64xf32, #tpu.memory_space<vmem>>[vector<16xi32>, vector<16xi32>], vector<16xf32>,
        %swap3A_629 = arith.index_cast %scan3A_625 : i32 to index
        %swap3A_630 = arith.constant 0 : index
        %swap3A_631 = tpu.vector_load %arg13[%swap3A_629, %swap3A_630] {strides = array<i32>} : memref<64x16xf32, #tpu.memory_space<vmem>>, vector<16xf32>,
        tpu.vector_store %arg13[%swap3A_629, %swap3A_630], %gather3A_628 {strides = array<i32>} : memref<64x16xf32, #tpu.memory_space<vmem>>, vector<16xf32>,
        %scan3A_632 = arith.constant 4 : i32
        %scan3A_633 = arith.addi %scan3A_603, %scan3A_632 : i32
        %broadcast_in_dim3A_634 = vector.broadcast %scan3A_74 : i32 to vector<16xi32>
        %broadcast_in_dim3A_635 = vector.broadcast %scan3A_633 : i32 to vector<16xi32>
        %gather3A_636 = tpu.vector_load_idx %arg15[%broadcast_in_dim3A_634, %broadcast_in_dim3A_635] : memref<20x64xf32, #tpu.memory_space<vmem>>[vector<16xi32>, vector<16xi32>], vector<16xf32>,
        %swap3A_637 = arith.index_cast %scan3A_633 : i32 to index
        %swap3A_638 = arith.constant 0 : index
        %swap3A_639 = tpu.vector_load %arg13[%swap3A_637, %swap3A_638] {strides = array<i32>} : memref<64x16xf32, #tpu.memory_space<vmem>>, vector<16xf32>,
        tpu.vector_store %arg13[%swap3A_637, %swap3A_638], %gather3A_636 {strides = array<i32>} : memref<64x16xf32, #tpu.memory_space<vmem>>, vector<16xf32>,
        %scan3A_640 = arith.constant 5 : i32
        %scan3A_641 = arith.addi %scan3A_603, %scan3A_640 : i32
        %broadcast_in_dim3A_642 = vector.broadcast %scan3A_74 : i32 to vector<16xi32>
        %broadcast_in_dim3A_643 = vector.broadcast %scan3A_641 : i32 to vector<16xi32>
        %gather3A_644 = tpu.vector_load_idx %arg15[%broadcast_in_dim3A_642, %broadcast_in_dim3A_643] : memref<20x64xf32, #tpu.memory_space<vmem>>[vector<16xi32>, vector<16xi32>], vector<16xf32>,
        %swap3A_645 = arith.index_cast %scan3A_641 : i32 to index
        %swap3A_646 = arith.constant 0 : index
        %swap3A_647 = tpu.vector_load %arg13[%swap3A_645, %swap3A_646] {strides = array<i32>} : memref<64x16xf32, #tpu.memory_space<vmem>>, vector<16xf32>,
        tpu.vector_store %arg13[%swap3A_645, %swap3A_646], %gather3A_644 {strides = array<i32>} : memref<64x16xf32, #tpu.memory_space<vmem>>, vector<16xf32>,
        %scan3A_648 = arith.constant 6 : i32
        %scan3A_649 = arith.addi %scan3A_603, %scan3A_648 : i32
        %broadcast_in_dim3A_650 = vector.broadcast %scan3A_74 : i32 to vector<16xi32>
        %broadcast_in_dim3A_651 = vector.broadcast %scan3A_649 : i32 to vector<16xi32>
        %gather3A_652 = tpu.vector_load_idx %arg15[%broadcast_in_dim3A_650, %broadcast_in_dim3A_651] : memref<20x64xf32, #tpu.memory_space<vmem>>[vector<16xi32>, vector<16xi32>], vector<16xf32>,
        %swap3A_653 = arith.index_cast %scan3A_649 : i32 to index
        %swap3A_654 = arith.constant 0 : index
        %swap3A_655 = tpu.vector_load %arg13[%swap3A_653, %swap3A_654] {strides = array<i32>} : memref<64x16xf32, #tpu.memory_space<vmem>>, vector<16xf32>,
        tpu.vector_store %arg13[%swap3A_653, %swap3A_654], %gather3A_652 {strides = array<i32>} : memref<64x16xf32, #tpu.memory_space<vmem>>, vector<16xf32>,
        %scan3A_656 = arith.constant 7 : i32
        %scan3A_657 = arith.addi %scan3A_603, %scan3A_656 : i32
        %broadcast_in_dim3A_658 = vector.broadcast %scan3A_74 : i32 to vector<16xi32>
        %broadcast_in_dim3A_659 = vector.broadcast %scan3A_657 : i32 to vector<16xi32>
        %gather3A_660 = tpu.vector_load_idx %arg15[%broadcast_in_dim3A_658, %broadcast_in_dim3A_659] : memref<20x64xf32, #tpu.memory_space<vmem>>[vector<16xi32>, vector<16xi32>], vector<16xf32>,
        %swap3A_661 = arith.index_cast %scan3A_657 : i32 to index
        %swap3A_662 = arith.constant 0 : index
        %swap3A_663 = tpu.vector_load %arg13[%swap3A_661, %swap3A_662] {strides = array<i32>} : memref<64x16xf32, #tpu.memory_space<vmem>>, vector<16xf32>,
        tpu.vector_store %arg13[%swap3A_661, %swap3A_662], %gather3A_660 {strides = array<i32>} : memref<64x16xf32, #tpu.memory_space<vmem>>, vector<16xf32>,
      }
      %scan3A_79 = arith.constant 64 : i32
      %get3A = arith.constant 6 : i32
      %get3A_80 = arith.index_cast %get3A : i32 to index
      %get3A_81 = arith.constant 0 : index
      %get3A_82 = tpu.vector_load %arg9[%get3A_80, %get3A_81] {strides = array<i32>} : memref<32x128xf32, #tpu.memory_space<vmem>>, vector<16xf32>,
      %convert_element_type3A = arith.fptosi %get3A_82 : vector<16xf32> to vector<16xi32>
      %jit3A = arith.constant 0 : i32
      %jit3A_83 = arith.constant 99999 : i32
      %max3A = vector.broadcast %jit3A : i32 to vector<16xi32>
      %max3A_84 = arith.maxsi %max3A, %convert_element_type3A : vector<16xi32>
      %min3A = vector.broadcast %jit3A_83 : i32 to vector<16xi32>
      %min3A_85 = arith.minsi %min3A, %max3A_84 : vector<16xi32>
      %shift_right_logical3A = arith.constant 1 : i32
      %shift_right_logical3A_86 = vector.broadcast %shift_right_logical3A : i32 to vector<16xi32>
      %shift_right_logical3A_87 = arith.shrui %min3A_85, %shift_right_logical3A_86 : vector<16xi32>
      %add3A_88 = arith.constant 0 : i32
      %add3A_89 = vector.broadcast %add3A_88 : i32 to vector<16xi32>
      %add3A_90 = arith.addi %add3A_89, %shift_right_logical3A_87 : vector<16xi32>
      %swap3A = arith.constant 0 : i32
      %swap3A_91 = arith.index_cast %swap3A : i32 to index
      %swap3A_92 = arith.constant 0 : index
      %swap3A_93 = tpu.vector_load %arg10[%swap3A_91, %swap3A_92] {strides = array<i32>} : memref<2x128xi32, #tpu.memory_space<vmem>>, vector<16xi32>,
      tpu.vector_store %arg10[%swap3A_91, %swap3A_92], %add3A_90 {strides = array<i32>} : memref<2x128xi32, #tpu.memory_space<vmem>>, vector<16xi32>,
      %and3A = arith.constant 1 : i32
      %and3A_94 = vector.broadcast %and3A : i32 to vector<16xi32>
      %and3A_95 = arith.andi %min3A_85, %and3A_94 : vector<16xi32>
      %mul3A_96 = arith.constant 64 : i32
      %mul3A_97 = vector.broadcast %mul3A_96 : i32 to vector<16xi32>
      %mul3A_98 = arith.muli %and3A_95, %mul3A_97 : vector<16xi32>
      %swap3A_99 = arith.constant 0 : i32
      %swap3A_100 = arith.index_cast %swap3A_99 : i32 to index
      %swap3A_101 = arith.constant 0 : index
      %swap3A_102 = tpu.vector_load %arg11[%swap3A_100, %swap3A_101] {strides = array<i32>} : memref<2x128xi32, #tpu.memory_space<vmem>>, vector<16xi32>,
      tpu.vector_store %arg11[%swap3A_100, %swap3A_101], %mul3A_98 {strides = array<i32>} : memref<2x128xi32, #tpu.memory_space<vmem>>, vector<16xi32>,
      %get3A_103 = arith.constant 6 : i32
      %get3A_104 = arith.index_cast %get3A_103 : i32 to index
      %get3A_105 = arith.constant 16 : index
      %get3A_106 = tpu.vector_load %arg9[%get3A_104, %get3A_105] {strides = array<i32>} : memref<32x128xf32, #tpu.memory_space<vmem>>, vector<16xf32>,
      %convert_element_type3A_107 = arith.fptosi %get3A_106 : vector<16xf32> to vector<16xi32>
      %jit3A_108 = arith.constant 0 : i32
      %jit3A_109 = arith.constant 99999 : i32
      %max3A_110 = vector.broadcast %jit3A_108 : i32 to vector<16xi32>
      %max3A_111 = arith.maxsi %max3A_110, %convert_element_type3A_107 : vector<16xi32>
      %min3A_112 = vector.broadcast %jit3A_109 : i32 to vector<16xi32>
      %min3A_113 = arith.minsi %min3A_112, %max3A_111 : vector<16xi32>
      %shift_right_logical3A_114 = arith.constant 1 : i32
      %shift_right_logical3A_115 = vector.broadcast %shift_right_logical3A_114 : i32 to vector<16xi32>
      %shift_right_logical3A_116 = arith.shrui %min3A_113, %shift_right_logical3A_115 : vector<16xi32>
      %add3A_117 = arith.constant 0 : i32
      %add3A_118 = vector.broadcast %add3A_117 : i32 to vector<16xi32>
      %add3A_119 = arith.addi %add3A_118, %shift_right_logical3A_116 : vector<16xi32>
      %swap3A_120 = arith.constant 0 : i32
      %swap3A_121 = arith.index_cast %swap3A_120 : i32 to index
      %swap3A_122 = arith.constant 16 : index
      %swap3A_123 = tpu.vector_load %arg10[%swap3A_121, %swap3A_122] {strides = array<i32>} : memref<2x128xi32, #tpu.memory_space<vmem>>, vector<16xi32>,
      tpu.vector_store %arg10[%swap3A_121, %swap3A_122], %add3A_119 {strides = array<i32>} : memref<2x128xi32, #tpu.memory_space<vmem>>, vector<16xi32>,
      %and3A_124 = arith.constant 1 : i32
      %and3A_125 = vector.broadcast %and3A_124 : i32 to vector<16xi32>
      %and3A_126 = arith.andi %min3A_113, %and3A_125 : vector<16xi32>
      %mul3A_127 = arith.constant 64 : i32
      %mul3A_128 = vector.broadcast %mul3A_127 : i32 to vector<16xi32>
      %mul3A_129 = arith.muli %and3A_126, %mul3A_128 : vector<16xi32>
      %swap3A_130 = arith.constant 0 : i32
      %swap3A_131 = arith.index_cast %swap3A_130 : i32 to index
      %swap3A_132 = arith.constant 16 : index
      %swap3A_133 = tpu.vector_load %arg11[%swap3A_131, %swap3A_132] {strides = array<i32>} : memref<2x128xi32, #tpu.memory_space<vmem>>, vector<16xi32>,
      tpu.vector_store %arg11[%swap3A_131, %swap3A_132], %mul3A_129 {strides = array<i32>} : memref<2x128xi32, #tpu.memory_space<vmem>>, vector<16xi32>,
      %get3A_134 = arith.constant 6 : i32
      %get3A_135 = arith.index_cast %get3A_134 : i32 to index
      %get3A_136 = arith.constant 32 : index
      %get3A_137 = tpu.vector_load %arg9[%get3A_135, %get3A_136] {strides = array<i32>} : memref<32x128xf32, #tpu.memory_space<vmem>>, vector<16xf32>,
      %convert_element_type3A_138 = arith.fptosi %get3A_137 : vector<16xf32> to vector<16xi32>
      %jit3A_139 = arith.constant 0 : i32
      %jit3A_140 = arith.constant 99999 : i32
      %max3A_141 = vector.broadcast %jit3A_139 : i32 to vector<16xi32>
      %max3A_142 = arith.maxsi %max3A_141, %convert_element_type3A_138 : vector<16xi32>
      %min3A_143 = vector.broadcast %jit3A_140 : i32 to vector<16xi32>
      %min3A_144 = arith.minsi %min3A_143, %max3A_142 : vector<16xi32>
      %shift_right_logical3A_145 = arith.constant 1 : i32
      %shift_right_logical3A_146 = vector.broadcast %shift_right_logical3A_145 : i32 to vector<16xi32>
      %shift_right_logical3A_147 = arith.shrui %min3A_144, %shift_right_logical3A_146 : vector<16xi32>
      %add3A_148 = arith.constant 0 : i32
      %add3A_149 = vector.broadcast %add3A_148 : i32 to vector<16xi32>
      %add3A_150 = arith.addi %add3A_149, %shift_right_logical3A_147 : vector<16xi32>
      %swap3A_151 = arith.constant 0 : i32
      %swap3A_152 = arith.index_cast %swap3A_151 : i32 to index
      %swap3A_153 = arith.constant 32 : index
      %swap3A_154 = tpu.vector_load %arg10[%swap3A_152, %swap3A_153] {strides = array<i32>} : memref<2x128xi32, #tpu.memory_space<vmem>>, vector<16xi32>,
      tpu.vector_store %arg10[%swap3A_152, %swap3A_153], %add3A_150 {strides = array<i32>} : memref<2x128xi32, #tpu.memory_space<vmem>>, vector<16xi32>,
      %and3A_155 = arith.constant 1 : i32
      %and3A_156 = vector.broadcast %and3A_155 : i32 to vector<16xi32>
      %and3A_157 = arith.andi %min3A_144, %and3A_156 : vector<16xi32>
      %mul3A_158 = arith.constant 64 : i32
      %mul3A_159 = vector.broadcast %mul3A_158 : i32 to vector<16xi32>
      %mul3A_160 = arith.muli %and3A_157, %mul3A_159 : vector<16xi32>
      %swap3A_161 = arith.constant 0 : i32
      %swap3A_162 = arith.index_cast %swap3A_161 : i32 to index
      %swap3A_163 = arith.constant 32 : index
      %swap3A_164 = tpu.vector_load %arg11[%swap3A_162, %swap3A_163] {strides = array<i32>} : memref<2x128xi32, #tpu.memory_space<vmem>>, vector<16xi32>,
      tpu.vector_store %arg11[%swap3A_162, %swap3A_163], %mul3A_160 {strides = array<i32>} : memref<2x128xi32, #tpu.memory_space<vmem>>, vector<16xi32>,
      %get3A_165 = arith.constant 6 : i32
      %get3A_166 = arith.index_cast %get3A_165 : i32 to index
      %get3A_167 = arith.constant 48 : index
      %get3A_168 = tpu.vector_load %arg9[%get3A_166, %get3A_167] {strides = array<i32>} : memref<32x128xf32, #tpu.memory_space<vmem>>, vector<16xf32>,
      %convert_element_type3A_169 = arith.fptosi %get3A_168 : vector<16xf32> to vector<16xi32>
      %jit3A_170 = arith.constant 0 : i32
      %jit3A_171 = arith.constant 99999 : i32
      %max3A_172 = vector.broadcast %jit3A_170 : i32 to vector<16xi32>
      %max3A_173 = arith.maxsi %max3A_172, %convert_element_type3A_169 : vector<16xi32>
      %min3A_174 = vector.broadcast %jit3A_171 : i32 to vector<16xi32>
      %min3A_175 = arith.minsi %min3A_174, %max3A_173 : vector<16xi32>
      %shift_right_logical3A_176 = arith.constant 1 : i32
      %shift_right_logical3A_177 = vector.broadcast %shift_right_logical3A_176 : i32 to vector<16xi32>
      %shift_right_logical3A_178 = arith.shrui %min3A_175, %shift_right_logical3A_177 : vector<16xi32>
      %add3A_179 = arith.constant 0 : i32
      %add3A_180 = vector.broadcast %add3A_179 : i32 to vector<16xi32>
      %add3A_181 = arith.addi %add3A_180, %shift_right_logical3A_178 : vector<16xi32>
      %swap3A_182 = arith.constant 0 : i32
      %swap3A_183 = arith.index_cast %swap3A_182 : i32 to index
      %swap3A_184 = arith.constant 48 : index
      %swap3A_185 = tpu.vector_load %arg10[%swap3A_183, %swap3A_184] {strides = array<i32>} : memref<2x128xi32, #tpu.memory_space<vmem>>, vector<16xi32>,
      tpu.vector_store %arg10[%swap3A_183, %swap3A_184], %add3A_181 {strides = array<i32>} : memref<2x128xi32, #tpu.memory_space<vmem>>, vector<16xi32>,
      %and3A_186 = arith.constant 1 : i32
      %and3A_187 = vector.broadcast %and3A_186 : i32 to vector<16xi32>
      %and3A_188 = arith.andi %min3A_175, %and3A_187 : vector<16xi32>
      %mul3A_189 = arith.constant 64 : i32
      %mul3A_190 = vector.broadcast %mul3A_189 : i32 to vector<16xi32>
      %mul3A_191 = arith.muli %and3A_188, %mul3A_190 : vector<16xi32>
      %swap3A_192 = arith.constant 0 : i32
      %swap3A_193 = arith.index_cast %swap3A_192 : i32 to index
      %swap3A_194 = arith.constant 48 : index
      %swap3A_195 = tpu.vector_load %arg11[%swap3A_193, %swap3A_194] {strides = array<i32>} : memref<2x128xi32, #tpu.memory_space<vmem>>, vector<16xi32>,
      tpu.vector_store %arg11[%swap3A_193, %swap3A_194], %mul3A_191 {strides = array<i32>} : memref<2x128xi32, #tpu.memory_space<vmem>>, vector<16xi32>,
      %get3A_196 = arith.constant 6 : i32
      %get3A_197 = arith.index_cast %get3A_196 : i32 to index
      %get3A_198 = arith.constant 64 : index
      %get3A_199 = tpu.vector_load %arg9[%get3A_197, %get3A_198] {strides = array<i32>} : memref<32x128xf32, #tpu.memory_space<vmem>>, vector<16xf32>,
      %convert_element_type3A_200 = arith.fptosi %get3A_199 : vector<16xf32> to vector<16xi32>
      %jit3A_201 = arith.constant 0 : i32
      %jit3A_202 = arith.constant 99999 : i32
      %max3A_203 = vector.broadcast %jit3A_201 : i32 to vector<16xi32>
      %max3A_204 = arith.maxsi %max3A_203, %convert_element_type3A_200 : vector<16xi32>
      %min3A_205 = vector.broadcast %jit3A_202 : i32 to vector<16xi32>
      %min3A_206 = arith.minsi %min3A_205, %max3A_204 : vector<16xi32>
      %shift_right_logical3A_207 = arith.constant 1 : i32
      %shift_right_logical3A_208 = vector.broadcast %shift_right_logical3A_207 : i32 to vector<16xi32>
      %shift_right_logical3A_209 = arith.shrui %min3A_206, %shift_right_logical3A_208 : vector<16xi32>
      %add3A_210 = arith.constant 0 : i32
      %add3A_211 = vector.broadcast %add3A_210 : i32 to vector<16xi32>
      %add3A_212 = arith.addi %add3A_211, %shift_right_logical3A_209 : vector<16xi32>
      %swap3A_213 = arith.constant 0 : i32
      %swap3A_214 = arith.index_cast %swap3A_213 : i32 to index
      %swap3A_215 = arith.constant 64 : index
      %swap3A_216 = tpu.vector_load %arg10[%swap3A_214, %swap3A_215] {strides = array<i32>} : memref<2x128xi32, #tpu.memory_space<vmem>>, vector<16xi32>,
      tpu.vector_store %arg10[%swap3A_214, %swap3A_215], %add3A_212 {strides = array<i32>} : memref<2x128xi32, #tpu.memory_space<vmem>>, vector<16xi32>,
      %and3A_217 = arith.constant 1 : i32
      %and3A_218 = vector.broadcast %and3A_217 : i32 to vector<16xi32>
      %and3A_219 = arith.andi %min3A_206, %and3A_218 : vector<16xi32>
      %mul3A_220 = arith.constant 64 : i32
      %mul3A_221 = vector.broadcast %mul3A_220 : i32 to vector<16xi32>
      %mul3A_222 = arith.muli %and3A_219, %mul3A_221 : vector<16xi32>
      %swap3A_223 = arith.constant 0 : i32
      %swap3A_224 = arith.index_cast %swap3A_223 : i32 to index
      %swap3A_225 = arith.constant 64 : index
      %swap3A_226 = tpu.vector_load %arg11[%swap3A_224, %swap3A_225] {strides = array<i32>} : memref<2x128xi32, #tpu.memory_space<vmem>>, vector<16xi32>,
      tpu.vector_store %arg11[%swap3A_224, %swap3A_225], %mul3A_222 {strides = array<i32>} : memref<2x128xi32, #tpu.memory_space<vmem>>, vector<16xi32>,
      %get3A_227 = arith.constant 6 : i32
      %get3A_228 = arith.index_cast %get3A_227 : i32 to index
      %get3A_229 = arith.constant 80 : index
      %get3A_230 = tpu.vector_load %arg9[%get3A_228, %get3A_229] {strides = array<i32>} : memref<32x128xf32, #tpu.memory_space<vmem>>, vector<16xf32>,
      %convert_element_type3A_231 = arith.fptosi %get3A_230 : vector<16xf32> to vector<16xi32>
      %jit3A_232 = arith.constant 0 : i32
      %jit3A_233 = arith.constant 99999 : i32
      %max3A_234 = vector.broadcast %jit3A_232 : i32 to vector<16xi32>
      %max3A_235 = arith.maxsi %max3A_234, %convert_element_type3A_231 : vector<16xi32>
      %min3A_236 = vector.broadcast %jit3A_233 : i32 to vector<16xi32>
      %min3A_237 = arith.minsi %min3A_236, %max3A_235 : vector<16xi32>
      %shift_right_logical3A_238 = arith.constant 1 : i32
      %shift_right_logical3A_239 = vector.broadcast %shift_right_logical3A_238 : i32 to vector<16xi32>
      %shift_right_logical3A_240 = arith.shrui %min3A_237, %shift_right_logical3A_239 : vector<16xi32>
      %add3A_241 = arith.constant 0 : i32
      %add3A_242 = vector.broadcast %add3A_241 : i32 to vector<16xi32>
      %add3A_243 = arith.addi %add3A_242, %shift_right_logical3A_240 : vector<16xi32>
      %swap3A_244 = arith.constant 0 : i32
      %swap3A_245 = arith.index_cast %swap3A_244 : i32 to index
      %swap3A_246 = arith.constant 80 : index
      %swap3A_247 = tpu.vector_load %arg10[%swap3A_245, %swap3A_246] {strides = array<i32>} : memref<2x128xi32, #tpu.memory_space<vmem>>, vector<16xi32>,
      tpu.vector_store %arg10[%swap3A_245, %swap3A_246], %add3A_243 {strides = array<i32>} : memref<2x128xi32, #tpu.memory_space<vmem>>, vector<16xi32>,
      %and3A_248 = arith.constant 1 : i32
      %and3A_249 = vector.broadcast %and3A_248 : i32 to vector<16xi32>
      %and3A_250 = arith.andi %min3A_237, %and3A_249 : vector<16xi32>
      %mul3A_251 = arith.constant 64 : i32
      %mul3A_252 = vector.broadcast %mul3A_251 : i32 to vector<16xi32>
      %mul3A_253 = arith.muli %and3A_250, %mul3A_252 : vector<16xi32>
      %swap3A_254 = arith.constant 0 : i32
      %swap3A_255 = arith.index_cast %swap3A_254 : i32 to index
      %swap3A_256 = arith.constant 80 : index
      %swap3A_257 = tpu.vector_load %arg11[%swap3A_255, %swap3A_256] {strides = array<i32>} : memref<2x128xi32, #tpu.memory_space<vmem>>, vector<16xi32>,
      tpu.vector_store %arg11[%swap3A_255, %swap3A_256], %mul3A_253 {strides = array<i32>} : memref<2x128xi32, #tpu.memory_space<vmem>>, vector<16xi32>,
      %get3A_258 = arith.constant 6 : i32
      %get3A_259 = arith.index_cast %get3A_258 : i32 to index
      %get3A_260 = arith.constant 96 : index
      %get3A_261 = tpu.vector_load %arg9[%get3A_259, %get3A_260] {strides = array<i32>} : memref<32x128xf32, #tpu.memory_space<vmem>>, vector<16xf32>,
      %convert_element_type3A_262 = arith.fptosi %get3A_261 : vector<16xf32> to vector<16xi32>
      %jit3A_263 = arith.constant 0 : i32
      %jit3A_264 = arith.constant 99999 : i32
      %max3A_265 = vector.broadcast %jit3A_263 : i32 to vector<16xi32>
      %max3A_266 = arith.maxsi %max3A_265, %convert_element_type3A_262 : vector<16xi32>
      %min3A_267 = vector.broadcast %jit3A_264 : i32 to vector<16xi32>
      %min3A_268 = arith.minsi %min3A_267, %max3A_266 : vector<16xi32>
      %shift_right_logical3A_269 = arith.constant 1 : i32
      %shift_right_logical3A_270 = vector.broadcast %shift_right_logical3A_269 : i32 to vector<16xi32>
      %shift_right_logical3A_271 = arith.shrui %min3A_268, %shift_right_logical3A_270 : vector<16xi32>
      %add3A_272 = arith.constant 0 : i32
      %add3A_273 = vector.broadcast %add3A_272 : i32 to vector<16xi32>
      %add3A_274 = arith.addi %add3A_273, %shift_right_logical3A_271 : vector<16xi32>
      %swap3A_275 = arith.constant 0 : i32
      %swap3A_276 = arith.index_cast %swap3A_275 : i32 to index
      %swap3A_277 = arith.constant 96 : index
      %swap3A_278 = tpu.vector_load %arg10[%swap3A_276, %swap3A_277] {strides = array<i32>} : memref<2x128xi32, #tpu.memory_space<vmem>>, vector<16xi32>,
      tpu.vector_store %arg10[%swap3A_276, %swap3A_277], %add3A_274 {strides = array<i32>} : memref<2x128xi32, #tpu.memory_space<vmem>>, vector<16xi32>,
      %and3A_279 = arith.constant 1 : i32
      %and3A_280 = vector.broadcast %and3A_279 : i32 to vector<16xi32>
      %and3A_281 = arith.andi %min3A_268, %and3A_280 : vector<16xi32>
      %mul3A_282 = arith.constant 64 : i32
      %mul3A_283 = vector.broadcast %mul3A_282 : i32 to vector<16xi32>
      %mul3A_284 = arith.muli %and3A_281, %mul3A_283 : vector<16xi32>
      %swap3A_285 = arith.constant 0 : i32
      %swap3A_286 = arith.index_cast %swap3A_285 : i32 to index
      %swap3A_287 = arith.constant 96 : index
      %swap3A_288 = tpu.vector_load %arg11[%swap3A_286, %swap3A_287] {strides = array<i32>} : memref<2x128xi32, #tpu.memory_space<vmem>>, vector<16xi32>,
      tpu.vector_store %arg11[%swap3A_286, %swap3A_287], %mul3A_284 {strides = array<i32>} : memref<2x128xi32, #tpu.memory_space<vmem>>, vector<16xi32>,
      %get3A_289 = arith.constant 6 : i32
      %get3A_290 = arith.index_cast %get3A_289 : i32 to index
      %get3A_291 = arith.constant 112 : index
      %get3A_292 = tpu.vector_load %arg9[%get3A_290, %get3A_291] {strides = array<i32>} : memref<32x128xf32, #tpu.memory_space<vmem>>, vector<16xf32>,
      %convert_element_type3A_293 = arith.fptosi %get3A_292 : vector<16xf32> to vector<16xi32>
      %jit3A_294 = arith.constant 0 : i32
      %jit3A_295 = arith.constant 99999 : i32
      %max3A_296 = vector.broadcast %jit3A_294 : i32 to vector<16xi32>
      %max3A_297 = arith.maxsi %max3A_296, %convert_element_type3A_293 : vector<16xi32>
      %min3A_298 = vector.broadcast %jit3A_295 : i32 to vector<16xi32>
      %min3A_299 = arith.minsi %min3A_298, %max3A_297 : vector<16xi32>
      %shift_right_logical3A_300 = arith.constant 1 : i32
      %shift_right_logical3A_301 = vector.broadcast %shift_right_logical3A_300 : i32 to vector<16xi32>
      %shift_right_logical3A_302 = arith.shrui %min3A_299, %shift_right_logical3A_301 : vector<16xi32>
      %add3A_303 = arith.constant 0 : i32
      %add3A_304 = vector.broadcast %add3A_303 : i32 to vector<16xi32>
      %add3A_305 = arith.addi %add3A_304, %shift_right_logical3A_302 : vector<16xi32>
      %swap3A_306 = arith.constant 0 : i32
      %swap3A_307 = arith.index_cast %swap3A_306 : i32 to index
      %swap3A_308 = arith.constant 112 : index
      %swap3A_309 = tpu.vector_load %arg10[%swap3A_307, %swap3A_308] {strides = array<i32>} : memref<2x128xi32, #tpu.memory_space<vmem>>, vector<16xi32>,
      tpu.vector_store %arg10[%swap3A_307, %swap3A_308], %add3A_305 {strides = array<i32>} : memref<2x128xi32, #tpu.memory_space<vmem>>, vector<16xi32>,
      %and3A_310 = arith.constant 1 : i32
      %and3A_311 = vector.broadcast %and3A_310 : i32 to vector<16xi32>
      %and3A_312 = arith.andi %min3A_299, %and3A_311 : vector<16xi32>
      %mul3A_313 = arith.constant 64 : i32
      %mul3A_314 = vector.broadcast %mul3A_313 : i32 to vector<16xi32>
      %mul3A_315 = arith.muli %and3A_312, %mul3A_314 : vector<16xi32>
      %swap3A_316 = arith.constant 0 : i32
      %swap3A_317 = arith.index_cast %swap3A_316 : i32 to index
      %swap3A_318 = arith.constant 112 : index
      %swap3A_319 = tpu.vector_load %arg11[%swap3A_317, %swap3A_318] {strides = array<i32>} : memref<2x128xi32, #tpu.memory_space<vmem>>, vector<16xi32>,
      tpu.vector_store %arg11[%swap3A_317, %swap3A_318], %mul3A_315 {strides = array<i32>} : memref<2x128xi32, #tpu.memory_space<vmem>>, vector<16xi32>,
      %dma_start3A = arith.constant 0 : i32
      %dma_start3A_320 = arith.constant 0 : i32
      %dma_start3A_321 = arith.constant 0 : i32
      %dma_start3A_322 = arith.constant 0 : i32
      %dma_start3A_323 = tpu.memref_slice %arg12[%dma_start3A_321, %dma_start3A_322] : memref<256x129xf32, #tpu.memory_space<vmem>> -> memref<128x128xf32, #tpu.memory_space<vmem>>
      %dma_start3A_324 = arith.constant 0 : i32
      %dma_start3A_325 = tpu.memref_slice %arg10[%dma_start3A, %dma_start3A_324] : memref<2x128xi32, #tpu.memory_space<vmem>> -> memref<1x128xi32, #tpu.memory_space<vmem>>
      %dma_start3A_326 = tpu.memref_squeeze %dma_start3A_325 : memref<1x128xi32, #tpu.memory_space<vmem>> -> memref<128xi32, #tpu.memory_space<vmem>>
      %dma_start3A_327 = arith.constant 0 : i32
      %dma_start3A_328 = arith.constant 0 : i32
      %dma_start3A_329 = tpu.memref_slice %arg6[%dma_start3A_327, %dma_start3A_328] : memref<1300000x128xf32, #tpu.memory_space<hbm>> -> memref<1300000x128xf32, #tpu.memory_space<hbm>>
      %dma_start3A_330 = tpu.memref_slice %arg19[%dma_start3A_320] : memref<2x!tpu.dma_semaphore, #tpu.memory_space<semaphore_mem>> -> memref<1x!tpu.dma_semaphore, #tpu.memory_space<semaphore_mem>>
      %dma_start3A_331 = tpu.memref_squeeze %dma_start3A_330 : memref<1x!tpu.dma_semaphore, #tpu.memory_space<semaphore_mem>> -> memref<!tpu.dma_semaphore, #tpu.memory_space<semaphore_mem>>
      tpu.enqueue_indirect_dma source(%dma_start3A_329 : memref<1300000x128xf32, #tpu.memory_space<hbm>>) target(%dma_start3A_323 : memref<128x128xf32, #tpu.memory_space<vmem>>) offsets(%dma_start3A_326 : memref<128xi32, #tpu.memory_space<vmem>>) semaphore(%dma_start3A_331 : memref<!tpu.dma_semaphore, #tpu.memory_space<semaphore_mem>>)
      %get3A_332 = arith.constant 7 : i32
      %get3A_333 = arith.index_cast %get3A_332 : i32 to index
      %get3A_334 = arith.constant 0 : index
      %get3A_335 = tpu.vector_load %arg9[%get3A_333, %get3A_334] {strides = array<i32>} : memref<32x128xf32, #tpu.memory_space<vmem>>, vector<16xf32>,
      %convert_element_type3A_336 = arith.fptosi %get3A_335 : vector<16xf32> to vector<16xi32>
      %jit3A_337 = arith.constant 0 : i32
      %jit3A_338 = arith.constant 99999 : i32
      %max3A_339 = vector.broadcast %jit3A_337 : i32 to vector<16xi32>
      %max3A_340 = arith.maxsi %max3A_339, %convert_element_type3A_336 : vector<16xi32>
      %min3A_341 = vector.broadcast %jit3A_338 : i32 to vector<16xi32>
      %min3A_342 = arith.minsi %min3A_341, %max3A_340 : vector<16xi32>
      %shift_right_logical3A_343 = arith.constant 1 : i32
      %shift_right_logical3A_344 = vector.broadcast %shift_right_logical3A_343 : i32 to vector<16xi32>
      %shift_right_logical3A_345 = arith.shrui %min3A_342, %shift_right_logical3A_344 : vector<16xi32>
      %add3A_346 = arith.constant 50000 : i32
      %add3A_347 = vector.broadcast %add3A_346 : i32 to vector<16xi32>
      %add3A_348 = arith.addi %add3A_347, %shift_right_logical3A_345 : vector<16xi32>
      %swap3A_349 = arith.constant 1 : i32
      %swap3A_350 = arith.index_cast %swap3A_349 : i32 to index
      %swap3A_351 = arith.constant 0 : index
      %swap3A_352 = tpu.vector_load %arg10[%swap3A_350, %swap3A_351] {strides = array<i32>} : memref<2x128xi32, #tpu.memory_space<vmem>>, vector<16xi32>,
      tpu.vector_store %arg10[%swap3A_350, %swap3A_351], %add3A_348 {strides = array<i32>} : memref<2x128xi32, #tpu.memory_space<vmem>>, vector<16xi32>,
      %and3A_353 = arith.constant 1 : i32
      %and3A_354 = vector.broadcast %and3A_353 : i32 to vector<16xi32>
      %and3A_355 = arith.andi %min3A_342, %and3A_354 : vector<16xi32>
      %mul3A_356 = arith.constant 64 : i32
      %mul3A_357 = vector.broadcast %mul3A_356 : i32 to vector<16xi32>
      %mul3A_358 = arith.muli %and3A_355, %mul3A_357 : vector<16xi32>
      %swap3A_359 = arith.constant 1 : i32
      %swap3A_360 = arith.index_cast %swap3A_359 : i32 to index
      %swap3A_361 = arith.constant 0 : index
      %swap3A_362 = tpu.vector_load %arg11[%swap3A_360, %swap3A_361] {strides = array<i32>} : memref<2x128xi32, #tpu.memory_space<vmem>>, vector<16xi32>,
      tpu.vector_store %arg11[%swap3A_360, %swap3A_361], %mul3A_358 {strides = array<i32>} : memref<2x128xi32, #tpu.memory_space<vmem>>, vector<16xi32>,
      %get3A_363 = arith.constant 7 : i32
      %get3A_364 = arith.index_cast %get3A_363 : i32 to index
      %get3A_365 = arith.constant 16 : index
      %get3A_366 = tpu.vector_load %arg9[%get3A_364, %get3A_365] {strides = array<i32>} : memref<32x128xf32, #tpu.memory_space<vmem>>, vector<16xf32>,
      %convert_element_type3A_367 = arith.fptosi %get3A_366 : vector<16xf32> to vector<16xi32>
      %jit3A_368 = arith.constant 0 : i32
      %jit3A_369 = arith.constant 99999 : i32
      %max3A_370 = vector.broadcast %jit3A_368 : i32 to vector<16xi32>
      %max3A_371 = arith.maxsi %max3A_370, %convert_element_type3A_367 : vector<16xi32>
      %min3A_372 = vector.broadcast %jit3A_369 : i32 to vector<16xi32>
      %min3A_373 = arith.minsi %min3A_372, %max3A_371 : vector<16xi32>
      %shift_right_logical3A_374 = arith.constant 1 : i32
      %shift_right_logical3A_375 = vector.broadcast %shift_right_logical3A_374 : i32 to vector<16xi32>
      %shift_right_logical3A_376 = arith.shrui %min3A_373, %shift_right_logical3A_375 : vector<16xi32>
      %add3A_377 = arith.constant 50000 : i32
      %add3A_378 = vector.broadcast %add3A_377 : i32 to vector<16xi32>
      %add3A_379 = arith.addi %add3A_378, %shift_right_logical3A_376 : vector<16xi32>
      %swap3A_380 = arith.constant 1 : i32
      %swap3A_381 = arith.index_cast %swap3A_380 : i32 to index
      %swap3A_382 = arith.constant 16 : index
      %swap3A_383 = tpu.vector_load %arg10[%swap3A_381, %swap3A_382] {strides = array<i32>} : memref<2x128xi32, #tpu.memory_space<vmem>>, vector<16xi32>,
      tpu.vector_store %arg10[%swap3A_381, %swap3A_382], %add3A_379 {strides = array<i32>} : memref<2x128xi32, #tpu.memory_space<vmem>>, vector<16xi32>,
      %and3A_384 = arith.constant 1 : i32
      %and3A_385 = vector.broadcast %and3A_384 : i32 to vector<16xi32>
      %and3A_386 = arith.andi %min3A_373, %and3A_385 : vector<16xi32>
      %mul3A_387 = arith.constant 64 : i32
      %mul3A_388 = vector.broadcast %mul3A_387 : i32 to vector<16xi32>
      %mul3A_389 = arith.muli %and3A_386, %mul3A_388 : vector<16xi32>
      %swap3A_390 = arith.constant 1 : i32
      %swap3A_391 = arith.index_cast %swap3A_390 : i32 to index
      %swap3A_392 = arith.constant 16 : index
      %swap3A_393 = tpu.vector_load %arg11[%swap3A_391, %swap3A_392] {strides = array<i32>} : memref<2x128xi32, #tpu.memory_space<vmem>>, vector<16xi32>,
      tpu.vector_store %arg11[%swap3A_391, %swap3A_392], %mul3A_389 {strides = array<i32>} : memref<2x128xi32, #tpu.memory_space<vmem>>, vector<16xi32>,
      %get3A_394 = arith.constant 7 : i32
      %get3A_395 = arith.index_cast %get3A_394 : i32 to index
      %get3A_396 = arith.constant 32 : index
      %get3A_397 = tpu.vector_load %arg9[%get3A_395, %get3A_396] {strides = array<i32>} : memref<32x128xf32, #tpu.memory_space<vmem>>, vector<16xf32>,
      %convert_element_type3A_398 = arith.fptosi %get3A_397 : vector<16xf32> to vector<16xi32>
      %jit3A_399 = arith.constant 0 : i32
      %jit3A_400 = arith.constant 99999 : i32
      %max3A_401 = vector.broadcast %jit3A_399 : i32 to vector<16xi32>
      %max3A_402 = arith.maxsi %max3A_401, %convert_element_type3A_398 : vector<16xi32>
      %min3A_403 = vector.broadcast %jit3A_400 : i32 to vector<16xi32>
      %min3A_404 = arith.minsi %min3A_403, %max3A_402 : vector<16xi32>
      %shift_right_logical3A_405 = arith.constant 1 : i32
      %shift_right_logical3A_406 = vector.broadcast %shift_right_logical3A_405 : i32 to vector<16xi32>
      %shift_right_logical3A_407 = arith.shrui %min3A_404, %shift_right_logical3A_406 : vector<16xi32>
      %add3A_408 = arith.constant 50000 : i32
      %add3A_409 = vector.broadcast %add3A_408 : i32 to vector<16xi32>
      %add3A_410 = arith.addi %add3A_409, %shift_right_logical3A_407 : vector<16xi32>
      %swap3A_411 = arith.constant 1 : i32
      %swap3A_412 = arith.index_cast %swap3A_411 : i32 to index
      %swap3A_413 = arith.constant 32 : index
      %swap3A_414 = tpu.vector_load %arg10[%swap3A_412, %swap3A_413] {strides = array<i32>} : memref<2x128xi32, #tpu.memory_space<vmem>>, vector<16xi32>,
      tpu.vector_store %arg10[%swap3A_412, %swap3A_413], %add3A_410 {strides = array<i32>} : memref<2x128xi32, #tpu.memory_space<vmem>>, vector<16xi32>,
      %and3A_415 = arith.constant 1 : i32
      %and3A_416 = vector.broadcast %and3A_415 : i32 to vector<16xi32>
      %and3A_417 = arith.andi %min3A_404, %and3A_416 : vector<16xi32>
      %mul3A_418 = arith.constant 64 : i32
      %mul3A_419 = vector.broadcast %mul3A_418 : i32 to vector<16xi32>
      %mul3A_420 = arith.muli %and3A_417, %mul3A_419 : vector<16xi32>
      %swap3A_421 = arith.constant 1 : i32
      %swap3A_422 = arith.index_cast %swap3A_421 : i32 to index
      %swap3A_423 = arith.constant 32 : index
      %swap3A_424 = tpu.vector_load %arg11[%swap3A_422, %swap3A_423] {strides = array<i32>} : memref<2x128xi32, #tpu.memory_space<vmem>>, vector<16xi32>,
      tpu.vector_store %arg11[%swap3A_422, %swap3A_423], %mul3A_420 {strides = array<i32>} : memref<2x128xi32, #tpu.memory_space<vmem>>, vector<16xi32>,
      %get3A_425 = arith.constant 7 : i32
      %get3A_426 = arith.index_cast %get3A_425 : i32 to index
      %get3A_427 = arith.constant 48 : index
      %get3A_428 = tpu.vector_load %arg9[%get3A_426, %get3A_427] {strides = array<i32>} : memref<32x128xf32, #tpu.memory_space<vmem>>, vector<16xf32>,
      %convert_element_type3A_429 = arith.fptosi %get3A_428 : vector<16xf32> to vector<16xi32>
      %jit3A_430 = arith.constant 0 : i32
      %jit3A_431 = arith.constant 99999 : i32
      %max3A_432 = vector.broadcast %jit3A_430 : i32 to vector<16xi32>
      %max3A_433 = arith.maxsi %max3A_432, %convert_element_type3A_429 : vector<16xi32>
      %min3A_434 = vector.broadcast %jit3A_431 : i32 to vector<16xi32>
      %min3A_435 = arith.minsi %min3A_434, %max3A_433 : vector<16xi32>
      %shift_right_logical3A_436 = arith.constant 1 : i32
      %shift_right_logical3A_437 = vector.broadcast %shift_right_logical3A_436 : i32 to vector<16xi32>
      %shift_right_logical3A_438 = arith.shrui %min3A_435, %shift_right_logical3A_437 : vector<16xi32>
      %add3A_439 = arith.constant 50000 : i32
      %add3A_440 = vector.broadcast %add3A_439 : i32 to vector<16xi32>
      %add3A_441 = arith.addi %add3A_440, %shift_right_logical3A_438 : vector<16xi32>
      %swap3A_442 = arith.constant 1 : i32
      %swap3A_443 = arith.index_cast %swap3A_442 : i32 to index
      %swap3A_444 = arith.constant 48 : index
      %swap3A_445 = tpu.vector_load %arg10[%swap3A_443, %swap3A_444] {strides = array<i32>} : memref<2x128xi32, #tpu.memory_space<vmem>>, vector<16xi32>,
      tpu.vector_store %arg10[%swap3A_443, %swap3A_444], %add3A_441 {strides = array<i32>} : memref<2x128xi32, #tpu.memory_space<vmem>>, vector<16xi32>,
      %and3A_446 = arith.constant 1 : i32
      %and3A_447 = vector.broadcast %and3A_446 : i32 to vector<16xi32>
      %and3A_448 = arith.andi %min3A_435, %and3A_447 : vector<16xi32>
      %mul3A_449 = arith.constant 64 : i32
      %mul3A_450 = vector.broadcast %mul3A_449 : i32 to vector<16xi32>
      %mul3A_451 = arith.muli %and3A_448, %mul3A_450 : vector<16xi32>
      %swap3A_452 = arith.constant 1 : i32
      %swap3A_453 = arith.index_cast %swap3A_452 : i32 to index
      %swap3A_454 = arith.constant 48 : index
      %swap3A_455 = tpu.vector_load %arg11[%swap3A_453, %swap3A_454] {strides = array<i32>} : memref<2x128xi32, #tpu.memory_space<vmem>>, vector<16xi32>,
      tpu.vector_store %arg11[%swap3A_453, %swap3A_454], %mul3A_451 {strides = array<i32>} : memref<2x128xi32, #tpu.memory_space<vmem>>, vector<16xi32>,
      %get3A_456 = arith.constant 7 : i32
      %get3A_457 = arith.index_cast %get3A_456 : i32 to index
      %get3A_458 = arith.constant 64 : index
      %get3A_459 = tpu.vector_load %arg9[%get3A_457, %get3A_458] {strides = array<i32>} : memref<32x128xf32, #tpu.memory_space<vmem>>, vector<16xf32>,
      %convert_element_type3A_460 = arith.fptosi %get3A_459 : vector<16xf32> to vector<16xi32>
      %jit3A_461 = arith.constant 0 : i32
      %jit3A_462 = arith.constant 99999 : i32
      %max3A_463 = vector.broadcast %jit3A_461 : i32 to vector<16xi32>
      %max3A_464 = arith.maxsi %max3A_463, %convert_element_type3A_460 : vector<16xi32>
      %min3A_465 = vector.broadcast %jit3A_462 : i32 to vector<16xi32>
      %min3A_466 = arith.minsi %min3A_465, %max3A_464 : vector<16xi32>
      %shift_right_logical3A_467 = arith.constant 1 : i32
      %shift_right_logical3A_468 = vector.broadcast %shift_right_logical3A_467 : i32 to vector<16xi32>
      %shift_right_logical3A_469 = arith.shrui %min3A_466, %shift_right_logical3A_468 : vector<16xi32>
      %add3A_470 = arith.constant 50000 : i32
      %add3A_471 = vector.broadcast %add3A_470 : i32 to vector<16xi32>
      %add3A_472 = arith.addi %add3A_471, %shift_right_logical3A_469 : vector<16xi32>
      %swap3A_473 = arith.constant 1 : i32
      %swap3A_474 = arith.index_cast %swap3A_473 : i32 to index
      %swap3A_475 = arith.constant 64 : index
      %swap3A_476 = tpu.vector_load %arg10[%swap3A_474, %swap3A_475] {strides = array<i32>} : memref<2x128xi32, #tpu.memory_space<vmem>>, vector<16xi32>,
      tpu.vector_store %arg10[%swap3A_474, %swap3A_475], %add3A_472 {strides = array<i32>} : memref<2x128xi32, #tpu.memory_space<vmem>>, vector<16xi32>,
      %and3A_477 = arith.constant 1 : i32
      %and3A_478 = vector.broadcast %and3A_477 : i32 to vector<16xi32>
      %and3A_479 = arith.andi %min3A_466, %and3A_478 : vector<16xi32>
      %mul3A_480 = arith.constant 64 : i32
      %mul3A_481 = vector.broadcast %mul3A_480 : i32 to vector<16xi32>
      %mul3A_482 = arith.muli %and3A_479, %mul3A_481 : vector<16xi32>
      %swap3A_483 = arith.constant 1 : i32
      %swap3A_484 = arith.index_cast %swap3A_483 : i32 to index
      %swap3A_485 = arith.constant 64 : index
      %swap3A_486 = tpu.vector_load %arg11[%swap3A_484, %swap3A_485] {strides = array<i32>} : memref<2x128xi32, #tpu.memory_space<vmem>>, vector<16xi32>,
      tpu.vector_store %arg11[%swap3A_484, %swap3A_485], %mul3A_482 {strides = array<i32>} : memref<2x128xi32, #tpu.memory_space<vmem>>, vector<16xi32>,
      %get3A_487 = arith.constant 7 : i32
      %get3A_488 = arith.index_cast %get3A_487 : i32 to index
      %get3A_489 = arith.constant 80 : index
      %get3A_490 = tpu.vector_load %arg9[%get3A_488, %get3A_489] {strides = array<i32>} : memref<32x128xf32, #tpu.memory_space<vmem>>, vector<16xf32>,
      %convert_element_type3A_491 = arith.fptosi %get3A_490 : vector<16xf32> to vector<16xi32>
      %jit3A_492 = arith.constant 0 : i32
      %jit3A_493 = arith.constant 99999 : i32
      %max3A_494 = vector.broadcast %jit3A_492 : i32 to vector<16xi32>
      %max3A_495 = arith.maxsi %max3A_494, %convert_element_type3A_491 : vector<16xi32>
      %min3A_496 = vector.broadcast %jit3A_493 : i32 to vector<16xi32>
      %min3A_497 = arith.minsi %min3A_496, %max3A_495 : vector<16xi32>
      %shift_right_logical3A_498 = arith.constant 1 : i32
      %shift_right_logical3A_499 = vector.broadcast %shift_right_logical3A_498 : i32 to vector<16xi32>
      %shift_right_logical3A_500 = arith.shrui %min3A_497, %shift_right_logical3A_499 : vector<16xi32>
      %add3A_501 = arith.constant 50000 : i32
      %add3A_502 = vector.broadcast %add3A_501 : i32 to vector<16xi32>
      %add3A_503 = arith.addi %add3A_502, %shift_right_logical3A_500 : vector<16xi32>
      %swap3A_504 = arith.constant 1 : i32
      %swap3A_505 = arith.index_cast %swap3A_504 : i32 to index
      %swap3A_506 = arith.constant 80 : index
      %swap3A_507 = tpu.vector_load %arg10[%swap3A_505, %swap3A_506] {strides = array<i32>} : memref<2x128xi32, #tpu.memory_space<vmem>>, vector<16xi32>,
      tpu.vector_store %arg10[%swap3A_505, %swap3A_506], %add3A_503 {strides = array<i32>} : memref<2x128xi32, #tpu.memory_space<vmem>>, vector<16xi32>,
      %and3A_508 = arith.constant 1 : i32
      %and3A_509 = vector.broadcast %and3A_508 : i32 to vector<16xi32>
      %and3A_510 = arith.andi %min3A_497, %and3A_509 : vector<16xi32>
      %mul3A_511 = arith.constant 64 : i32
      %mul3A_512 = vector.broadcast %mul3A_511 : i32 to vector<16xi32>
      %mul3A_513 = arith.muli %and3A_510, %mul3A_512 : vector<16xi32>
      %swap3A_514 = arith.constant 1 : i32
      %swap3A_515 = arith.index_cast %swap3A_514 : i32 to index
      %swap3A_516 = arith.constant 80 : index
      %swap3A_517 = tpu.vector_load %arg11[%swap3A_515, %swap3A_516] {strides = array<i32>} : memref<2x128xi32, #tpu.memory_space<vmem>>, vector<16xi32>,
      tpu.vector_store %arg11[%swap3A_515, %swap3A_516], %mul3A_513 {strides = array<i32>} : memref<2x128xi32, #tpu.memory_space<vmem>>, vector<16xi32>,
      %get3A_518 = arith.constant 7 : i32
      %get3A_519 = arith.index_cast %get3A_518 : i32 to index
      %get3A_520 = arith.constant 96 : index
      %get3A_521 = tpu.vector_load %arg9[%get3A_519, %get3A_520] {strides = array<i32>} : memref<32x128xf32, #tpu.memory_space<vmem>>, vector<16xf32>,
      %convert_element_type3A_522 = arith.fptosi %get3A_521 : vector<16xf32> to vector<16xi32>
      %jit3A_523 = arith.constant 0 : i32
      %jit3A_524 = arith.constant 99999 : i32
      %max3A_525 = vector.broadcast %jit3A_523 : i32 to vector<16xi32>
      %max3A_526 = arith.maxsi %max3A_525, %convert_element_type3A_522 : vector<16xi32>
      %min3A_527 = vector.broadcast %jit3A_524 : i32 to vector<16xi32>
      %min3A_528 = arith.minsi %min3A_527, %max3A_526 : vector<16xi32>
      %shift_right_logical3A_529 = arith.constant 1 : i32
      %shift_right_logical3A_530 = vector.broadcast %shift_right_logical3A_529 : i32 to vector<16xi32>
      %shift_right_logical3A_531 = arith.shrui %min3A_528, %shift_right_logical3A_530 : vector<16xi32>
      %add3A_532 = arith.constant 50000 : i32
      %add3A_533 = vector.broadcast %add3A_532 : i32 to vector<16xi32>
      %add3A_534 = arith.addi %add3A_533, %shift_right_logical3A_531 : vector<16xi32>
      %swap3A_535 = arith.constant 1 : i32
      %swap3A_536 = arith.index_cast %swap3A_535 : i32 to index
      %swap3A_537 = arith.constant 96 : index
      %swap3A_538 = tpu.vector_load %arg10[%swap3A_536, %swap3A_537] {strides = array<i32>} : memref<2x128xi32, #tpu.memory_space<vmem>>, vector<16xi32>,
      tpu.vector_store %arg10[%swap3A_536, %swap3A_537], %add3A_534 {strides = array<i32>} : memref<2x128xi32, #tpu.memory_space<vmem>>, vector<16xi32>,
      %and3A_539 = arith.constant 1 : i32
      %and3A_540 = vector.broadcast %and3A_539 : i32 to vector<16xi32>
      %and3A_541 = arith.andi %min3A_528, %and3A_540 : vector<16xi32>
      %mul3A_542 = arith.constant 64 : i32
      %mul3A_543 = vector.broadcast %mul3A_542 : i32 to vector<16xi32>
      %mul3A_544 = arith.muli %and3A_541, %mul3A_543 : vector<16xi32>
      %swap3A_545 = arith.constant 1 : i32
      %swap3A_546 = arith.index_cast %swap3A_545 : i32 to index
      %swap3A_547 = arith.constant 96 : index
      %swap3A_548 = tpu.vector_load %arg11[%swap3A_546, %swap3A_547] {strides = array<i32>} : memref<2x128xi32, #tpu.memory_space<vmem>>, vector<16xi32>,
      tpu.vector_store %arg11[%swap3A_546, %swap3A_547], %mul3A_544 {strides = array<i32>} : memref<2x128xi32, #tpu.memory_space<vmem>>, vector<16xi32>,
      %get3A_549 = arith.constant 7 : i32
      %get3A_550 = arith.index_cast %get3A_549 : i32 to index
      %get3A_551 = arith.constant 112 : index
      %get3A_552 = tpu.vector_load %arg9[%get3A_550, %get3A_551] {strides = array<i32>} : memref<32x128xf32, #tpu.memory_space<vmem>>, vector<16xf32>,
      %convert_element_type3A_553 = arith.fptosi %get3A_552 : vector<16xf32> to vector<16xi32>
      %jit3A_554 = arith.constant 0 : i32
      %jit3A_555 = arith.constant 99999 : i32
      %max3A_556 = vector.broadcast %jit3A_554 : i32 to vector<16xi32>
      %max3A_557 = arith.maxsi %max3A_556, %convert_element_type3A_553 : vector<16xi32>
      %min3A_558 = vector.broadcast %jit3A_555 : i32 to vector<16xi32>
      %min3A_559 = arith.minsi %min3A_558, %max3A_557 : vector<16xi32>
      %shift_right_logical3A_560 = arith.constant 1 : i32
      %shift_right_logical3A_561 = vector.broadcast %shift_right_logical3A_560 : i32 to vector<16xi32>
      %shift_right_logical3A_562 = arith.shrui %min3A_559, %shift_right_logical3A_561 : vector<16xi32>
      %add3A_563 = arith.constant 50000 : i32
      %add3A_564 = vector.broadcast %add3A_563 : i32 to vector<16xi32>
      %add3A_565 = arith.addi %add3A_564, %shift_right_logical3A_562 : vector<16xi32>
      %swap3A_566 = arith.constant 1 : i32
      %swap3A_567 = arith.index_cast %swap3A_566 : i32 to index
      %swap3A_568 = arith.constant 112 : index
      %swap3A_569 = tpu.vector_load %arg10[%swap3A_567, %swap3A_568] {strides = array<i32>} : memref<2x128xi32, #tpu.memory_space<vmem>>, vector<16xi32>,
      tpu.vector_store %arg10[%swap3A_567, %swap3A_568], %add3A_565 {strides = array<i32>} : memref<2x128xi32, #tpu.memory_space<vmem>>, vector<16xi32>,
      %and3A_570 = arith.constant 1 : i32
      %and3A_571 = vector.broadcast %and3A_570 : i32 to vector<16xi32>
      %and3A_572 = arith.andi %min3A_559, %and3A_571 : vector<16xi32>
      %mul3A_573 = arith.constant 64 : i32
      %mul3A_574 = vector.broadcast %mul3A_573 : i32 to vector<16xi32>
      %mul3A_575 = arith.muli %and3A_572, %mul3A_574 : vector<16xi32>
      %swap3A_576 = arith.constant 1 : i32
      %swap3A_577 = arith.index_cast %swap3A_576 : i32 to index
      %swap3A_578 = arith.constant 112 : index
      %swap3A_579 = tpu.vector_load %arg11[%swap3A_577, %swap3A_578] {strides = array<i32>} : memref<2x128xi32, #tpu.memory_space<vmem>>, vector<16xi32>,
      tpu.vector_store %arg11[%swap3A_577, %swap3A_578], %mul3A_575 {strides = array<i32>} : memref<2x128xi32, #tpu.memory_space<vmem>>, vector<16xi32>,
      %dma_start3A_580 = arith.constant 1 : i32
      %dma_start3A_581 = arith.constant 1 : i32
      %dma_start3A_582 = arith.constant 128 : i32
      %dma_start3A_583 = arith.constant 0 : i32
      %dma_start3A_584 = tpu.memref_slice %arg12[%dma_start3A_582, %dma_start3A_583] : memref<256x129xf32, #tpu.memory_space<vmem>> -> memref<128x128xf32, #tpu.memory_space<vmem>>
      %dma_start3A_585 = arith.constant 0 : i32
      %dma_start3A_586 = tpu.memref_slice %arg10[%dma_start3A_580, %dma_start3A_585] : memref<2x128xi32, #tpu.memory_space<vmem>> -> memref<1x128xi32, #tpu.memory_space<vmem>>
      %dma_start3A_587 = tpu.memref_squeeze %dma_start3A_586 : memref<1x128xi32, #tpu.memory_space<vmem>> -> memref<128xi32, #tpu.memory_space<vmem>>
      %dma_start3A_588 = arith.constant 0 : i32
      %dma_start3A_589 = arith.constant 0 : i32
      %dma_start3A_590 = tpu.memref_slice %arg6[%dma_start3A_588, %dma_start3A_589] : memref<1300000x128xf32, #tpu.memory_space<hbm>> -> memref<1300000x128xf32, #tpu.memory_space<hbm>>
      %dma_start3A_591 = tpu.memref_slice %arg19[%dma_start3A_581] : memref<2x!tpu.dma_semaphore, #tpu.memory_space<semaphore_mem>> -> memref<1x!tpu.dma_semaphore, #tpu.memory_space<semaphore_mem>>
      %dma_start3A_592 = tpu.memref_squeeze %dma_start3A_591 : memref<1x!tpu.dma_semaphore, #tpu.memory_space<semaphore_mem>> -> memref<!tpu.dma_semaphore, #tpu.memory_space<semaphore_mem>>
      tpu.enqueue_indirect_dma source(%dma_start3A_590 : memref<1300000x128xf32, #tpu.memory_space<hbm>>) target(%dma_start3A_584 : memref<128x128xf32, #tpu.memory_space<vmem>>) offsets(%dma_start3A_587 : memref<128xi32, #tpu.memory_space<vmem>>) semaphore(%dma_start3A_592 : memref<!tpu.dma_semaphore, #tpu.memory_space<semaphore_mem>>)
      %scan3A_593 = arith.constant 0 : i32
      %scan3A_594 = arith.constant 26 : i32
      %scan3A_595 = arith.addi %scan3A_593, %scan3A_594 : i32
      %scan3A_596 = arith.constant 1 : i32
      scf.for %scan3A_603 = %scan3A_593 to %scan3A_595 step %scan3A_596  : i32 {
        %jit3A_604 = arith.constant 2 : i32
        %eq3A = arith.constant 0 : i32
        %eq3A_605 = arith.cmpi eq, %jit3A_604, %eq3A : i32
        %jit3A_606 = arith.constant 1 : i32
        %select_n3A = arith.select %eq3A_605, %jit3A_606, %jit3A_604 : i32
        %rem3A = arith.remsi %scan3A_603, %select_n3A : i32
        %ne3A = arith.constant 0 : i32
        %ne3A_607 = arith.cmpi ne, %rem3A, %ne3A : i32
        %lt3A = arith.constant 0 : i32
        %lt3A_608 = arith.cmpi slt, %rem3A, %lt3A : i32
        %lt3A_609 = arith.constant 0 : i32
        %lt3A_610 = arith.cmpi slt, %select_n3A, %lt3A_609 : i32
        %ne3A_611 = arith.xori %lt3A_608, %lt3A_610 : i1
        %and3A_612 = arith.andi %ne3A_611, %ne3A_607 : i1
        %add3A_613 = arith.addi %rem3A, %select_n3A : i32
        %select_n3A_614 = arith.select %and3A_612, %add3A_613, %rem3A : i32
        %jit3A_615 = arith.constant 2 : i32
        %eq3A_616 = arith.constant 0 : i32
        %eq3A_617 = arith.cmpi eq, %jit3A_615, %eq3A_616 : i32
        %jit3A_618 = arith.constant 1 : i32
        %select_n3A_619 = arith.select %eq3A_617, %jit3A_618, %jit3A_615 : i32
        %rem3A_620 = arith.remsi %scan3A_603, %select_n3A_619 : i32
        %ne3A_621 = arith.constant 0 : i32
        %ne3A_622 = arith.cmpi ne, %rem3A_620, %ne3A_621 : i32
        %lt3A_623 = arith.constant 0 : i32
        %lt3A_624 = arith.cmpi slt, %rem3A_620, %lt3A_623 : i32
        %lt3A_625 = arith.constant 0 : i32
        %lt3A_626 = arith.cmpi slt, %select_n3A_619, %lt3A_625 : i32
        %ne3A_627 = arith.xori %lt3A_624, %lt3A_626 : i1
        %and3A_628 = arith.andi %ne3A_627, %ne3A_622 : i1
        %add3A_629 = arith.addi %rem3A_620, %select_n3A_619 : i32
        %select_n3A_630 = arith.select %and3A_628, %add3A_629, %rem3A_620 : i32
        "tpu.trace_start"() <{level = 10 : i32, message = "gwait"}> : () -> ()
        %mul3A_631 = arith.constant 128 : i32
        %mul3A_632 = arith.muli %select_n3A_614, %mul3A_631 : i32
        %dma_wait3A_633 = arith.constant 0 : i32
        %dma_wait3A_634 = tpu.memref_slice %arg12[%mul3A_632, %dma_wait3A_633] : memref<256x129xf32, #tpu.memory_space<vmem>> -> memref<128x128xf32, #tpu.memory_space<vmem>>
        %dma_wait3A_635 = arith.constant 0 : i32
        %dma_wait3A_636 = tpu.memref_slice %arg10[%select_n3A_614, %dma_wait3A_635] : memref<2x128xi32, #tpu.memory_space<vmem>> -> memref<1x128xi32, #tpu.memory_space<vmem>>
        %dma_wait3A_637 = tpu.memref_squeeze %dma_wait3A_636 : memref<1x128xi32, #tpu.memory_space<vmem>> -> memref<128xi32, #tpu.memory_space<vmem>>
        %dma_wait3A_638 = arith.constant 0 : i32
        %dma_wait3A_639 = arith.constant 0 : i32
        %dma_wait3A_640 = tpu.memref_slice %arg6[%dma_wait3A_638, %dma_wait3A_639] : memref<1300000x128xf32, #tpu.memory_space<hbm>> -> memref<1300000x128xf32, #tpu.memory_space<hbm>>
        %dma_wait3A_641 = tpu.memref_slice %arg19[%select_n3A_614] : memref<2x!tpu.dma_semaphore, #tpu.memory_space<semaphore_mem>> -> memref<1x!tpu.dma_semaphore, #tpu.memory_space<semaphore_mem>>
        %dma_wait3A_642 = tpu.memref_squeeze %dma_wait3A_641 : memref<1x!tpu.dma_semaphore, #tpu.memory_space<semaphore_mem>> -> memref<!tpu.dma_semaphore, #tpu.memory_space<semaphore_mem>>
        tpu.wait_indirect_dma semaphore(%dma_wait3A_642 : memref<!tpu.dma_semaphore, #tpu.memory_space<semaphore_mem>>) src(%dma_wait3A_640 : memref<1300000x128xf32, #tpu.memory_space<hbm>>) dst(%dma_wait3A_634 : memref<128x128xf32, #tpu.memory_space<vmem>>)
        %eq3A_643 = arith.constant 0 : i32
        "tpu.trace_stop"() : () -> ()
        %eq3A_644 = arith.cmpi eq, %scan3A_74, %eq3A_643 : i32
        %lt3A_645 = arith.constant 2 : i32
        %lt3A_646 = arith.cmpi slt, %scan3A_603, %lt3A_645 : i32
        %and3A_647 = arith.andi %eq3A_644, %lt3A_646 : i1
        "tpu.trace_start"() <{level = 10 : i32, message = "owait"}> : () -> ()
        %add3A_648 = arith.constant 6 : i32
        %add3A_649 = arith.addi %add3A_648, %scan3A_603 : i32
        %mul3A_650 = arith.constant 32 : i32
        %mul3A_651 = arith.muli %scan3A_74, %mul3A_650 : i32
        %add3A_652 = arith.constant 1 : i32
        %add3A_653 = arith.addi %add3A_652, %mul3A_651 : i32
        %add3A_654 = arith.addi %add3A_653, %add3A_649 : i32
        %not3A = arith.constant true
        %not3A_655 = arith.xori %and3A_647, %not3A : i1
        %convert_element_type3A_656 = arith.extui %not3A_655 : i1 to i32
        %cond3A = arith.constant 0 : i32
        %cond3A_657 = arith.cmpi ne, %convert_element_type3A_656, %cond3A : i32
        scf.if %cond3A_657 {
          %dma_wait3A_740 = arith.constant 0 : i32
          %dma_wait3A_741 = arith.constant 0 : i32
          %dma_wait3A_742 = tpu.memref_slice %arg14[%select_n3A_630, %dma_wait3A_740, %dma_wait3A_741] : memref<2x64x128xf32, #tpu.memory_space<vmem>> -> memref<1x64x128xf32, #tpu.memory_space<vmem>>
          %dma_wait3A_743 = tpu.memref_squeeze %dma_wait3A_742 : memref<1x64x128xf32, #tpu.memory_space<vmem>> -> memref<64x128xf32, #tpu.memory_space<vmem>>
          %dma_wait3A_744 = arith.constant 0 : i32
          %dma_wait3A_745 = tpu.memref_slice %arg8[%add3A_654, %dma_wait3A_744, %mul3A_2] : memref<641x64x4096xf32, #tpu.memory_space<hbm>> -> memref<1x64x128xf32, #tpu.memory_space<hbm>>
          %dma_wait3A_746 = tpu.memref_squeeze %dma_wait3A_745 : memref<1x64x128xf32, #tpu.memory_space<hbm>> -> memref<64x128xf32, #tpu.memory_space<hbm>>
          %dma_wait3A_747 = tpu.memref_slice %arg20[%select_n3A_630] : memref<2x!tpu.dma_semaphore, #tpu.memory_space<semaphore_mem>> -> memref<1x!tpu.dma_semaphore, #tpu.memory_space<semaphore_mem>>
          %dma_wait3A_748 = tpu.memref_squeeze %dma_wait3A_747 : memref<1x!tpu.dma_semaphore, #tpu.memory_space<semaphore_mem>> -> memref<!tpu.dma_semaphore, #tpu.memory_space<semaphore_mem>>
          %dma_wait3A_749 = arith.constant 0 : i32
          %dma_wait3A_750 = tpu.memref_slice %arg8[%add3A_654, %dma_wait3A_749, %mul3A_2] : memref<641x64x4096xf32, #tpu.memory_space<hbm>> -> memref<1x64x128xf32, #tpu.memory_space<hbm>>
          %dma_wait3A_751 = tpu.memref_squeeze %dma_wait3A_750 : memref<1x64x128xf32, #tpu.memory_space<hbm>> -> memref<64x128xf32, #tpu.memory_space<hbm>>
          %dma_wait3A_752 = arith.constant 0 : i32
          %dma_wait3A_753 = arith.constant 0 : i32
          %dma_wait3A_754 = tpu.memref_slice %arg14[%select_n3A_630, %dma_wait3A_752, %dma_wait3A_753] : memref<2x64x128xf32, #tpu.memory_space<vmem>> -> memref<1x64x128xf32, #tpu.memory_space<vmem>>
          %dma_wait3A_755 = tpu.memref_squeeze %dma_wait3A_754 : memref<1x64x128xf32, #tpu.memory_space<vmem>> -> memref<64x128xf32, #tpu.memory_space<vmem>>
          tpu.wait_dma2 semaphore(%dma_wait3A_748 : memref<!tpu.dma_semaphore, #tpu.memory_space<semaphore_mem>>) src(%dma_wait3A_755 : memref<64x128xf32, #tpu.memory_space<vmem>>) dst(%dma_wait3A_751 : memref<64x128xf32, #tpu.memory_space<hbm>>)
        } else {
        }
        "tpu.trace_stop"() : () -> ()
        %mul3A_658 = arith.constant 128 : i32
        %mul3A_659 = arith.muli %select_n3A_614, %mul3A_658 : i32
        %add3A_660 = vector.broadcast %mul3A_659 : i32 to vector<16xi32>
        %add3A_661 = arith.addi %add3A_660, %add3A_5 : vector<16xi32>
        %mul3A_662 = arith.constant 128 : i32
        %mul3A_663 = arith.muli %select_n3A_614, %mul3A_662 : i32
        %add3A_664 = vector.broadcast %mul3A_663 : i32 to vector<16xi32>
        %add3A_665 = arith.addi %add3A_664, %add3A_8 : vector<16xi32>
        %mul3A_666 = arith.constant 128 : i32
        %mul3A_667 = arith.muli %select_n3A_614, %mul3A_666 : i32
        %add3A_668 = vector.broadcast %mul3A_667 : i32 to vector<16xi32>
        %add3A_669 = arith.addi %add3A_668, %add3A_11 : vector<16xi32>
        %mul3A_670 = arith.constant 128 : i32
        %mul3A_671 = arith.muli %select_n3A_614, %mul3A_670 : i32
        %add3A_672 = vector.broadcast %mul3A_671 : i32 to vector<16xi32>
        %add3A_673 = arith.addi %add3A_672, %add3A_14 : vector<16xi32>
        %mul3A_674 = arith.constant 128 : i32
        %mul3A_675 = arith.muli %select_n3A_614, %mul3A_674 : i32
        %add3A_676 = vector.broadcast %mul3A_675 : i32 to vector<16xi32>
        %add3A_677 = arith.addi %add3A_676, %add3A_17 : vector<16xi32>
        %mul3A_678 = arith.constant 128 : i32
        %mul3A_679 = arith.muli %select_n3A_614, %mul3A_678 : i32
        %add3A_680 = vector.broadcast %mul3A_679 : i32 to vector<16xi32>
        %add3A_681 = arith.addi %add3A_680, %add3A_20 : vector<16xi32>
        %mul3A_682 = arith.constant 128 : i32
        %mul3A_683 = arith.muli %select_n3A_614, %mul3A_682 : i32
        %add3A_684 = vector.broadcast %mul3A_683 : i32 to vector<16xi32>
        %add3A_685 = arith.addi %add3A_684, %add3A_23 : vector<16xi32>
        %mul3A_686 = arith.constant 128 : i32
        %mul3A_687 = arith.muli %select_n3A_614, %mul3A_686 : i32
        %add3A_688 = vector.broadcast %mul3A_687 : i32 to vector<16xi32>
        %add3A_689 = arith.addi %add3A_688, %add3A_26 : vector<16xi32>
        %get3A_690 = arith.index_cast %select_n3A_614 : i32 to index
        %get3A_691 = arith.constant 0 : index
        %get3A_692 = tpu.vector_load %arg11[%get3A_690, %get3A_691] {strides = array<i32>} : memref<2x128xi32, #tpu.memory_space<vmem>>, vector<16xi32>,
        %get3A_693 = arith.index_cast %select_n3A_614 : i32 to index
        %get3A_694 = arith.constant 16 : index
        %get3A_695 = tpu.vector_load %arg11[%get3A_693, %get3A_694] {strides = array<i32>} : memref<2x128xi32, #tpu.memory_space<vmem>>, vector<16xi32>,
        %get3A_696 = arith.index_cast %select_n3A_614 : i32 to index
        %get3A_697 = arith.constant 32 : index
        %get3A_698 = tpu.vector_load %arg11[%get3A_696, %get3A_697] {strides = array<i32>} : memref<2x128xi32, #tpu.memory_space<vmem>>, vector<16xi32>,
        %get3A_699 = arith.index_cast %select_n3A_614 : i32 to index
        %get3A_700 = arith.constant 48 : index
        %get3A_701 = tpu.vector_load %arg11[%get3A_699, %get3A_700] {strides = array<i32>} : memref<2x128xi32, #tpu.memory_space<vmem>>, vector<16xi32>,
        %get3A_702 = arith.index_cast %select_n3A_614 : i32 to index
        %get3A_703 = arith.constant 64 : index
        %get3A_704 = tpu.vector_load %arg11[%get3A_702, %get3A_703] {strides = array<i32>} : memref<2x128xi32, #tpu.memory_space<vmem>>, vector<16xi32>,
        %get3A_705 = arith.index_cast %select_n3A_614 : i32 to index
        %get3A_706 = arith.constant 80 : index
        %get3A_707 = tpu.vector_load %arg11[%get3A_705, %get3A_706] {strides = array<i32>} : memref<2x128xi32, #tpu.memory_space<vmem>>, vector<16xi32>,
        %get3A_708 = arith.index_cast %select_n3A_614 : i32 to index
        %get3A_709 = arith.constant 96 : index
        %get3A_710 = tpu.vector_load %arg11[%get3A_708, %get3A_709] {strides = array<i32>} : memref<2x128xi32, #tpu.memory_space<vmem>>, vector<16xi32>,
        %get3A_711 = arith.index_cast %select_n3A_614 : i32 to index
        %get3A_712 = arith.constant 112 : index
        %get3A_713 = tpu.vector_load %arg11[%get3A_711, %get3A_712] {strides = array<i32>} : memref<2x128xi32, #tpu.memory_space<vmem>>, vector<16xi32>,
        "tpu.trace_start"() <{level = 10 : i32, message = "xpose"}> : () -> ()
        %scan3A_714 = arith.constant 0 : i32
        %scan3A_715 = arith.constant 64 : i32
        %scan3A_716 = arith.addi %scan3A_714, %scan3A_715 : i32
        %scan3A_717 = arith.constant 16 : i32
        scf.for %scan3A_740 = %scan3A_714 to %scan3A_716 step %scan3A_717  : i32 {
          %get3A_741 = arith.index_cast %scan3A_740 : i32 to index
          %get3A_742 = arith.constant 0 : index
          %get3A_743 = tpu.vector_load %arg13[%get3A_741, %get3A_742] {strides = array<i32>} : memref<64x16xf32, #tpu.memory_space<vmem>>, vector<16xf32>,
          %add3A_744 = vector.broadcast %scan3A_740 : i32 to vector<16xi32>
          %add3A_745 = arith.addi %get3A_692, %add3A_744 : vector<16xi32>
          %gather3A = tpu.vector_load_idx %arg12[%add3A_661, %add3A_745] : memref<256x129xf32, #tpu.memory_space<vmem>>[vector<16xi32>, vector<16xi32>], vector<16xf32>,
          %add3A_746 = arith.addf %gather3A, %get3A_743 : vector<16xf32>
          %swap3A_747 = arith.index_cast %select_n3A_630 : i32 to index
          %swap3A_748 = arith.index_cast %scan3A_740 : i32 to index
          %swap3A_749 = arith.constant 0 : index
          %swap3A_750 = tpu.vector_load %arg14[%swap3A_747, %swap3A_748, %swap3A_749] {strides = array<i32>} : memref<2x64x128xf32, #tpu.memory_space<vmem>>, vector<16xf32>,
          tpu.vector_store %arg14[%swap3A_747, %swap3A_748, %swap3A_749], %add3A_746 {strides = array<i32>} : memref<2x64x128xf32, #tpu.memory_space<vmem>>, vector<16xf32>,
          %add3A_751 = vector.broadcast %scan3A_740 : i32 to vector<16xi32>
          %add3A_752 = arith.addi %get3A_695, %add3A_751 : vector<16xi32>
          %gather3A_753 = tpu.vector_load_idx %arg12[%add3A_665, %add3A_752] : memref<256x129xf32, #tpu.memory_space<vmem>>[vector<16xi32>, vector<16xi32>], vector<16xf32>,
          %add3A_754 = arith.addf %gather3A_753, %get3A_743 : vector<16xf32>
          %swap3A_755 = arith.index_cast %select_n3A_630 : i32 to index
          %swap3A_756 = arith.index_cast %scan3A_740 : i32 to index
          %swap3A_757 = arith.constant 16 : index
          %swap3A_758 = tpu.vector_load %arg14[%swap3A_755, %swap3A_756, %swap3A_757] {strides = array<i32>} : memref<2x64x128xf32, #tpu.memory_space<vmem>>, vector<16xf32>,
          tpu.vector_store %arg14[%swap3A_755, %swap3A_756, %swap3A_757], %add3A_754 {strides = array<i32>} : memref<2x64x128xf32, #tpu.memory_space<vmem>>, vector<16xf32>,
          %add3A_759 = vector.broadcast %scan3A_740 : i32 to vector<16xi32>
          %add3A_760 = arith.addi %get3A_698, %add3A_759 : vector<16xi32>
          %gather3A_761 = tpu.vector_load_idx %arg12[%add3A_669, %add3A_760] : memref<256x129xf32, #tpu.memory_space<vmem>>[vector<16xi32>, vector<16xi32>], vector<16xf32>,
          %add3A_762 = arith.addf %gather3A_761, %get3A_743 : vector<16xf32>
          %swap3A_763 = arith.index_cast %select_n3A_630 : i32 to index
          %swap3A_764 = arith.index_cast %scan3A_740 : i32 to index
          %swap3A_765 = arith.constant 32 : index
          %swap3A_766 = tpu.vector_load %arg14[%swap3A_763, %swap3A_764, %swap3A_765] {strides = array<i32>} : memref<2x64x128xf32, #tpu.memory_space<vmem>>, vector<16xf32>,
          tpu.vector_store %arg14[%swap3A_763, %swap3A_764, %swap3A_765], %add3A_762 {strides = array<i32>} : memref<2x64x128xf32, #tpu.memory_space<vmem>>, vector<16xf32>,
          %add3A_767 = vector.broadcast %scan3A_740 : i32 to vector<16xi32>
          %add3A_768 = arith.addi %get3A_701, %add3A_767 : vector<16xi32>
          %gather3A_769 = tpu.vector_load_idx %arg12[%add3A_673, %add3A_768] : memref<256x129xf32, #tpu.memory_space<vmem>>[vector<16xi32>, vector<16xi32>], vector<16xf32>,
          %add3A_770 = arith.addf %gather3A_769, %get3A_743 : vector<16xf32>
          %swap3A_771 = arith.index_cast %select_n3A_630 : i32 to index
          %swap3A_772 = arith.index_cast %scan3A_740 : i32 to index
          %swap3A_773 = arith.constant 48 : index
          %swap3A_774 = tpu.vector_load %arg14[%swap3A_771, %swap3A_772, %swap3A_773] {strides = array<i32>} : memref<2x64x128xf32, #tpu.memory_space<vmem>>, vector<16xf32>,
          tpu.vector_store %arg14[%swap3A_771, %swap3A_772, %swap3A_773], %add3A_770 {strides = array<i32>} : memref<2x64x128xf32, #tpu.memory_space<vmem>>, vector<16xf32>,
          %add3A_775 = vector.broadcast %scan3A_740 : i32 to vector<16xi32>
          %add3A_776 = arith.addi %get3A_704, %add3A_775 : vector<16xi32>
          %gather3A_777 = tpu.vector_load_idx %arg12[%add3A_677, %add3A_776] : memref<256x129xf32, #tpu.memory_space<vmem>>[vector<16xi32>, vector<16xi32>], vector<16xf32>,
          %add3A_778 = arith.addf %gather3A_777, %get3A_743 : vector<16xf32>
          %swap3A_779 = arith.index_cast %select_n3A_630 : i32 to index
          %swap3A_780 = arith.index_cast %scan3A_740 : i32 to index
          %swap3A_781 = arith.constant 64 : index
          %swap3A_782 = tpu.vector_load %arg14[%swap3A_779, %swap3A_780, %swap3A_781] {strides = array<i32>} : memref<2x64x128xf32, #tpu.memory_space<vmem>>, vector<16xf32>,
          tpu.vector_store %arg14[%swap3A_779, %swap3A_780, %swap3A_781], %add3A_778 {strides = array<i32>} : memref<2x64x128xf32, #tpu.memory_space<vmem>>, vector<16xf32>,
          %add3A_783 = vector.broadcast %scan3A_740 : i32 to vector<16xi32>
          %add3A_784 = arith.addi %get3A_707, %add3A_783 : vector<16xi32>
          %gather3A_785 = tpu.vector_load_idx %arg12[%add3A_681, %add3A_784] : memref<256x129xf32, #tpu.memory_space<vmem>>[vector<16xi32>, vector<16xi32>], vector<16xf32>,
          %add3A_786 = arith.addf %gather3A_785, %get3A_743 : vector<16xf32>
          %swap3A_787 = arith.index_cast %select_n3A_630 : i32 to index
          %swap3A_788 = arith.index_cast %scan3A_740 : i32 to index
          %swap3A_789 = arith.constant 80 : index
          %swap3A_790 = tpu.vector_load %arg14[%swap3A_787, %swap3A_788, %swap3A_789] {strides = array<i32>} : memref<2x64x128xf32, #tpu.memory_space<vmem>>, vector<16xf32>,
          tpu.vector_store %arg14[%swap3A_787, %swap3A_788, %swap3A_789], %add3A_786 {strides = array<i32>} : memref<2x64x128xf32, #tpu.memory_space<vmem>>, vector<16xf32>,
          %add3A_791 = vector.broadcast %scan3A_740 : i32 to vector<16xi32>
          %add3A_792 = arith.addi %get3A_710, %add3A_791 : vector<16xi32>
          %gather3A_793 = tpu.vector_load_idx %arg12[%add3A_685, %add3A_792] : memref<256x129xf32, #tpu.memory_space<vmem>>[vector<16xi32>, vector<16xi32>], vector<16xf32>,
          %add3A_794 = arith.addf %gather3A_793, %get3A_743 : vector<16xf32>
          %swap3A_795 = arith.index_cast %select_n3A_630 : i32 to index
          %swap3A_796 = arith.index_cast %scan3A_740 : i32 to index
          %swap3A_797 = arith.constant 96 : index
          %swap3A_798 = tpu.vector_load %arg14[%swap3A_795, %swap3A_796, %swap3A_797] {strides = array<i32>} : memref<2x64x128xf32, #tpu.memory_space<vmem>>, vector<16xf32>,
          tpu.vector_store %arg14[%swap3A_795, %swap3A_796, %swap3A_797], %add3A_794 {strides = array<i32>} : memref<2x64x128xf32, #tpu.memory_space<vmem>>, vector<16xf32>,
          %add3A_799 = vector.broadcast %scan3A_740 : i32 to vector<16xi32>
          %add3A_800 = arith.addi %get3A_713, %add3A_799 : vector<16xi32>
          %gather3A_801 = tpu.vector_load_idx %arg12[%add3A_689, %add3A_800] : memref<256x129xf32, #tpu.memory_space<vmem>>[vector<16xi32>, vector<16xi32>], vector<16xf32>,
          %add3A_802 = arith.addf %gather3A_801, %get3A_743 : vector<16xf32>
          %swap3A_803 = arith.index_cast %select_n3A_630 : i32 to index
          %swap3A_804 = arith.index_cast %scan3A_740 : i32 to index
          %swap3A_805 = arith.constant 112 : index
          %swap3A_806 = tpu.vector_load %arg14[%swap3A_803, %swap3A_804, %swap3A_805] {strides = array<i32>} : memref<2x64x128xf32, #tpu.memory_space<vmem>>, vector<16xf32>,
          tpu.vector_store %arg14[%swap3A_803, %swap3A_804, %swap3A_805], %add3A_802 {strides = array<i32>} : memref<2x64x128xf32, #tpu.memory_space<vmem>>, vector<16xf32>,
          %scan3A_807 = arith.constant 1 : i32
          %scan3A_808 = arith.addi %scan3A_740, %scan3A_807 : i32
          %get3A_809 = arith.index_cast %scan3A_808 : i32 to index
          %get3A_810 = arith.constant 0 : index
          %get3A_811 = tpu.vector_load %arg13[%get3A_809, %get3A_810] {strides = array<i32>} : memref<64x16xf32, #tpu.memory_space<vmem>>, vector<16xf32>,
          %add3A_812 = vector.broadcast %scan3A_808 : i32 to vector<16xi32>
          %add3A_813 = arith.addi %get3A_692, %add3A_812 : vector<16xi32>
          %gather3A_814 = tpu.vector_load_idx %arg12[%add3A_661, %add3A_813] : memref<256x129xf32, #tpu.memory_space<vmem>>[vector<16xi32>, vector<16xi32>], vector<16xf32>,
          %add3A_815 = arith.addf %gather3A_814, %get3A_811 : vector<16xf32>
          %swap3A_816 = arith.index_cast %select_n3A_630 : i32 to index
          %swap3A_817 = arith.index_cast %scan3A_808 : i32 to index
          %swap3A_818 = arith.constant 0 : index
          %swap3A_819 = tpu.vector_load %arg14[%swap3A_816, %swap3A_817, %swap3A_818] {strides = array<i32>} : memref<2x64x128xf32, #tpu.memory_space<vmem>>, vector<16xf32>,
          tpu.vector_store %arg14[%swap3A_816, %swap3A_817, %swap3A_818], %add3A_815 {strides = array<i32>} : memref<2x64x128xf32, #tpu.memory_space<vmem>>, vector<16xf32>,
          %add3A_820 = vector.broadcast %scan3A_808 : i32 to vector<16xi32>
          %add3A_821 = arith.addi %get3A_695, %add3A_820 : vector<16xi32>
          %gather3A_822 = tpu.vector_load_idx %arg12[%add3A_665, %add3A_821] : memref<256x129xf32, #tpu.memory_space<vmem>>[vector<16xi32>, vector<16xi32>], vector<16xf32>,
          %add3A_823 = arith.addf %gather3A_822, %get3A_811 : vector<16xf32>
          %swap3A_824 = arith.index_cast %select_n3A_630 : i32 to index
          %swap3A_825 = arith.index_cast %scan3A_808 : i32 to index
          %swap3A_826 = arith.constant 16 : index
          %swap3A_827 = tpu.vector_load %arg14[%swap3A_824, %swap3A_825, %swap3A_826] {strides = array<i32>} : memref<2x64x128xf32, #tpu.memory_space<vmem>>, vector<16xf32>,
          tpu.vector_store %arg14[%swap3A_824, %swap3A_825, %swap3A_826], %add3A_823 {strides = array<i32>} : memref<2x64x128xf32, #tpu.memory_space<vmem>>, vector<16xf32>,
          %add3A_828 = vector.broadcast %scan3A_808 : i32 to vector<16xi32>
          %add3A_829 = arith.addi %get3A_698, %add3A_828 : vector<16xi32>
          %gather3A_830 = tpu.vector_load_idx %arg12[%add3A_669, %add3A_829] : memref<256x129xf32, #tpu.memory_space<vmem>>[vector<16xi32>, vector<16xi32>], vector<16xf32>,
          %add3A_831 = arith.addf %gather3A_830, %get3A_811 : vector<16xf32>
          %swap3A_832 = arith.index_cast %select_n3A_630 : i32 to index
          %swap3A_833 = arith.index_cast %scan3A_808 : i32 to index
          %swap3A_834 = arith.constant 32 : index
          %swap3A_835 = tpu.vector_load %arg14[%swap3A_832, %swap3A_833, %swap3A_834] {strides = array<i32>} : memref<2x64x128xf32, #tpu.memory_space<vmem>>, vector<16xf32>,
          tpu.vector_store %arg14[%swap3A_832, %swap3A_833, %swap3A_834], %add3A_831 {strides = array<i32>} : memref<2x64x128xf32, #tpu.memory_space<vmem>>, vector<16xf32>,
          %add3A_836 = vector.broadcast %scan3A_808 : i32 to vector<16xi32>
          %add3A_837 = arith.addi %get3A_701, %add3A_836 : vector<16xi32>
          %gather3A_838 = tpu.vector_load_idx %arg12[%add3A_673, %add3A_837] : memref<256x129xf32, #tpu.memory_space<vmem>>[vector<16xi32>, vector<16xi32>], vector<16xf32>,
          %add3A_839 = arith.addf %gather3A_838, %get3A_811 : vector<16xf32>
          %swap3A_840 = arith.index_cast %select_n3A_630 : i32 to index
          %swap3A_841 = arith.index_cast %scan3A_808 : i32 to index
          %swap3A_842 = arith.constant 48 : index
          %swap3A_843 = tpu.vector_load %arg14[%swap3A_840, %swap3A_841, %swap3A_842] {strides = array<i32>} : memref<2x64x128xf32, #tpu.memory_space<vmem>>, vector<16xf32>,
          tpu.vector_store %arg14[%swap3A_840, %swap3A_841, %swap3A_842], %add3A_839 {strides = array<i32>} : memref<2x64x128xf32, #tpu.memory_space<vmem>>, vector<16xf32>,
          %add3A_844 = vector.broadcast %scan3A_808 : i32 to vector<16xi32>
          %add3A_845 = arith.addi %get3A_704, %add3A_844 : vector<16xi32>
          %gather3A_846 = tpu.vector_load_idx %arg12[%add3A_677, %add3A_845] : memref<256x129xf32, #tpu.memory_space<vmem>>[vector<16xi32>, vector<16xi32>], vector<16xf32>,
          %add3A_847 = arith.addf %gather3A_846, %get3A_811 : vector<16xf32>
          %swap3A_848 = arith.index_cast %select_n3A_630 : i32 to index
          %swap3A_849 = arith.index_cast %scan3A_808 : i32 to index
          %swap3A_850 = arith.constant 64 : index
          %swap3A_851 = tpu.vector_load %arg14[%swap3A_848, %swap3A_849, %swap3A_850] {strides = array<i32>} : memref<2x64x128xf32, #tpu.memory_space<vmem>>, vector<16xf32>,
          tpu.vector_store %arg14[%swap3A_848, %swap3A_849, %swap3A_850], %add3A_847 {strides = array<i32>} : memref<2x64x128xf32, #tpu.memory_space<vmem>>, vector<16xf32>,
          %add3A_852 = vector.broadcast %scan3A_808 : i32 to vector<16xi32>
          %add3A_853 = arith.addi %get3A_707, %add3A_852 : vector<16xi32>
          %gather3A_854 = tpu.vector_load_idx %arg12[%add3A_681, %add3A_853] : memref<256x129xf32, #tpu.memory_space<vmem>>[vector<16xi32>, vector<16xi32>], vector<16xf32>,
          %add3A_855 = arith.addf %gather3A_854, %get3A_811 : vector<16xf32>
          %swap3A_856 = arith.index_cast %select_n3A_630 : i32 to index
          %swap3A_857 = arith.index_cast %scan3A_808 : i32 to index
          %swap3A_858 = arith.constant 80 : index
          %swap3A_859 = tpu.vector_load %arg14[%swap3A_856, %swap3A_857, %swap3A_858] {strides = array<i32>} : memref<2x64x128xf32, #tpu.memory_space<vmem>>, vector<16xf32>,
          tpu.vector_store %arg14[%swap3A_856, %swap3A_857, %swap3A_858], %add3A_855 {strides = array<i32>} : memref<2x64x128xf32, #tpu.memory_space<vmem>>, vector<16xf32>,
          %add3A_860 = vector.broadcast %scan3A_808 : i32 to vector<16xi32>
          %add3A_861 = arith.addi %get3A_710, %add3A_860 : vector<16xi32>
          %gather3A_862 = tpu.vector_load_idx %arg12[%add3A_685, %add3A_861] : memref<256x129xf32, #tpu.memory_space<vmem>>[vector<16xi32>, vector<16xi32>], vector<16xf32>,
          %add3A_863 = arith.addf %gather3A_862, %get3A_811 : vector<16xf32>
          %swap3A_864 = arith.index_cast %select_n3A_630 : i32 to index
          %swap3A_865 = arith.index_cast %scan3A_808 : i32 to index
          %swap3A_866 = arith.constant 96 : index
          %swap3A_867 = tpu.vector_load %arg14[%swap3A_864, %swap3A_865, %swap3A_866] {strides = array<i32>} : memref<2x64x128xf32, #tpu.memory_space<vmem>>, vector<16xf32>,
          tpu.vector_store %arg14[%swap3A_864, %swap3A_865, %swap3A_866], %add3A_863 {strides = array<i32>} : memref<2x64x128xf32, #tpu.memory_space<vmem>>, vector<16xf32>,
          %add3A_868 = vector.broadcast %scan3A_808 : i32 to vector<16xi32>
          %add3A_869 = arith.addi %get3A_713, %add3A_868 : vector<16xi32>
          %gather3A_870 = tpu.vector_load_idx %arg12[%add3A_689, %add3A_869] : memref<256x129xf32, #tpu.memory_space<vmem>>[vector<16xi32>, vector<16xi32>], vector<16xf32>,
          %add3A_871 = arith.addf %gather3A_870, %get3A_811 : vector<16xf32>
          %swap3A_872 = arith.index_cast %select_n3A_630 : i32 to index
          %swap3A_873 = arith.index_cast %scan3A_808 : i32 to index
          %swap3A_874 = arith.constant 112 : index
          %swap3A_875 = tpu.vector_load %arg14[%swap3A_872, %swap3A_873, %swap3A_874] {strides = array<i32>} : memref<2x64x128xf32, #tpu.memory_space<vmem>>, vector<16xf32>,
          tpu.vector_store %arg14[%swap3A_872, %swap3A_873, %swap3A_874], %add3A_871 {strides = array<i32>} : memref<2x64x128xf32, #tpu.memory_space<vmem>>, vector<16xf32>,
          %scan3A_876 = arith.constant 2 : i32
          %scan3A_877 = arith.addi %scan3A_740, %scan3A_876 : i32
          %get3A_878 = arith.index_cast %scan3A_877 : i32 to index
          %get3A_879 = arith.constant 0 : index
          %get3A_880 = tpu.vector_load %arg13[%get3A_878, %get3A_879] {strides = array<i32>} : memref<64x16xf32, #tpu.memory_space<vmem>>, vector<16xf32>,
          %add3A_881 = vector.broadcast %scan3A_877 : i32 to vector<16xi32>
          %add3A_882 = arith.addi %get3A_692, %add3A_881 : vector<16xi32>
          %gather3A_883 = tpu.vector_load_idx %arg12[%add3A_661, %add3A_882] : memref<256x129xf32, #tpu.memory_space<vmem>>[vector<16xi32>, vector<16xi32>], vector<16xf32>,
          %add3A_884 = arith.addf %gather3A_883, %get3A_880 : vector<16xf32>
          %swap3A_885 = arith.index_cast %select_n3A_630 : i32 to index
          %swap3A_886 = arith.index_cast %scan3A_877 : i32 to index
          %swap3A_887 = arith.constant 0 : index
          %swap3A_888 = tpu.vector_load %arg14[%swap3A_885, %swap3A_886, %swap3A_887] {strides = array<i32>} : memref<2x64x128xf32, #tpu.memory_space<vmem>>, vector<16xf32>,
          tpu.vector_store %arg14[%swap3A_885, %swap3A_886, %swap3A_887], %add3A_884 {strides = array<i32>} : memref<2x64x128xf32, #tpu.memory_space<vmem>>, vector<16xf32>,
          %add3A_889 = vector.broadcast %scan3A_877 : i32 to vector<16xi32>
          %add3A_890 = arith.addi %get3A_695, %add3A_889 : vector<16xi32>
          %gather3A_891 = tpu.vector_load_idx %arg12[%add3A_665, %add3A_890] : memref<256x129xf32, #tpu.memory_space<vmem>>[vector<16xi32>, vector<16xi32>], vector<16xf32>,
          %add3A_892 = arith.addf %gather3A_891, %get3A_880 : vector<16xf32>
          %swap3A_893 = arith.index_cast %select_n3A_630 : i32 to index
          %swap3A_894 = arith.index_cast %scan3A_877 : i32 to index
          %swap3A_895 = arith.constant 16 : index
          %swap3A_896 = tpu.vector_load %arg14[%swap3A_893, %swap3A_894, %swap3A_895] {strides = array<i32>} : memref<2x64x128xf32, #tpu.memory_space<vmem>>, vector<16xf32>,
          tpu.vector_store %arg14[%swap3A_893, %swap3A_894, %swap3A_895], %add3A_892 {strides = array<i32>} : memref<2x64x128xf32, #tpu.memory_space<vmem>>, vector<16xf32>,
          %add3A_897 = vector.broadcast %scan3A_877 : i32 to vector<16xi32>
          %add3A_898 = arith.addi %get3A_698, %add3A_897 : vector<16xi32>
          %gather3A_899 = tpu.vector_load_idx %arg12[%add3A_669, %add3A_898] : memref<256x129xf32, #tpu.memory_space<vmem>>[vector<16xi32>, vector<16xi32>], vector<16xf32>,
          %add3A_900 = arith.addf %gather3A_899, %get3A_880 : vector<16xf32>
          %swap3A_901 = arith.index_cast %select_n3A_630 : i32 to index
          %swap3A_902 = arith.index_cast %scan3A_877 : i32 to index
          %swap3A_903 = arith.constant 32 : index
          %swap3A_904 = tpu.vector_load %arg14[%swap3A_901, %swap3A_902, %swap3A_903] {strides = array<i32>} : memref<2x64x128xf32, #tpu.memory_space<vmem>>, vector<16xf32>,
          tpu.vector_store %arg14[%swap3A_901, %swap3A_902, %swap3A_903], %add3A_900 {strides = array<i32>} : memref<2x64x128xf32, #tpu.memory_space<vmem>>, vector<16xf32>,
          %add3A_905 = vector.broadcast %scan3A_877 : i32 to vector<16xi32>
          %add3A_906 = arith.addi %get3A_701, %add3A_905 : vector<16xi32>
          %gather3A_907 = tpu.vector_load_idx %arg12[%add3A_673, %add3A_906] : memref<256x129xf32, #tpu.memory_space<vmem>>[vector<16xi32>, vector<16xi32>], vector<16xf32>,
          %add3A_908 = arith.addf %gather3A_907, %get3A_880 : vector<16xf32>
          %swap3A_909 = arith.index_cast %select_n3A_630 : i32 to index
          %swap3A_910 = arith.index_cast %scan3A_877 : i32 to index
          %swap3A_911 = arith.constant 48 : index
          %swap3A_912 = tpu.vector_load %arg14[%swap3A_909, %swap3A_910, %swap3A_911] {strides = array<i32>} : memref<2x64x128xf32, #tpu.memory_space<vmem>>, vector<16xf32>,
          tpu.vector_store %arg14[%swap3A_909, %swap3A_910, %swap3A_911], %add3A_908 {strides = array<i32>} : memref<2x64x128xf32, #tpu.memory_space<vmem>>, vector<16xf32>,
          %add3A_913 = vector.broadcast %scan3A_877 : i32 to vector<16xi32>
          %add3A_914 = arith.addi %get3A_704, %add3A_913 : vector<16xi32>
          %gather3A_915 = tpu.vector_load_idx %arg12[%add3A_677, %add3A_914] : memref<256x129xf32, #tpu.memory_space<vmem>>[vector<16xi32>, vector<16xi32>], vector<16xf32>,
          %add3A_916 = arith.addf %gather3A_915, %get3A_880 : vector<16xf32>
          %swap3A_917 = arith.index_cast %select_n3A_630 : i32 to index
          %swap3A_918 = arith.index_cast %scan3A_877 : i32 to index
          %swap3A_919 = arith.constant 64 : index
          %swap3A_920 = tpu.vector_load %arg14[%swap3A_917, %swap3A_918, %swap3A_919] {strides = array<i32>} : memref<2x64x128xf32, #tpu.memory_space<vmem>>, vector<16xf32>,
          tpu.vector_store %arg14[%swap3A_917, %swap3A_918, %swap3A_919], %add3A_916 {strides = array<i32>} : memref<2x64x128xf32, #tpu.memory_space<vmem>>, vector<16xf32>,
          %add3A_921 = vector.broadcast %scan3A_877 : i32 to vector<16xi32>
          %add3A_922 = arith.addi %get3A_707, %add3A_921 : vector<16xi32>
          %gather3A_923 = tpu.vector_load_idx %arg12[%add3A_681, %add3A_922] : memref<256x129xf32, #tpu.memory_space<vmem>>[vector<16xi32>, vector<16xi32>], vector<16xf32>,
          %add3A_924 = arith.addf %gather3A_923, %get3A_880 : vector<16xf32>
          %swap3A_925 = arith.index_cast %select_n3A_630 : i32 to index
          %swap3A_926 = arith.index_cast %scan3A_877 : i32 to index
          %swap3A_927 = arith.constant 80 : index
          %swap3A_928 = tpu.vector_load %arg14[%swap3A_925, %swap3A_926, %swap3A_927] {strides = array<i32>} : memref<2x64x128xf32, #tpu.memory_space<vmem>>, vector<16xf32>,
          tpu.vector_store %arg14[%swap3A_925, %swap3A_926, %swap3A_927], %add3A_924 {strides = array<i32>} : memref<2x64x128xf32, #tpu.memory_space<vmem>>, vector<16xf32>,
          %add3A_929 = vector.broadcast %scan3A_877 : i32 to vector<16xi32>
          %add3A_930 = arith.addi %get3A_710, %add3A_929 : vector<16xi32>
          %gather3A_931 = tpu.vector_load_idx %arg12[%add3A_685, %add3A_930] : memref<256x129xf32, #tpu.memory_space<vmem>>[vector<16xi32>, vector<16xi32>], vector<16xf32>,
          %add3A_932 = arith.addf %gather3A_931, %get3A_880 : vector<16xf32>
          %swap3A_933 = arith.index_cast %select_n3A_630 : i32 to index
          %swap3A_934 = arith.index_cast %scan3A_877 : i32 to index
          %swap3A_935 = arith.constant 96 : index
          %swap3A_936 = tpu.vector_load %arg14[%swap3A_933, %swap3A_934, %swap3A_935] {strides = array<i32>} : memref<2x64x128xf32, #tpu.memory_space<vmem>>, vector<16xf32>,
          tpu.vector_store %arg14[%swap3A_933, %swap3A_934, %swap3A_935], %add3A_932 {strides = array<i32>} : memref<2x64x128xf32, #tpu.memory_space<vmem>>, vector<16xf32>,
          %add3A_937 = vector.broadcast %scan3A_877 : i32 to vector<16xi32>
          %add3A_938 = arith.addi %get3A_713, %add3A_937 : vector<16xi32>
          %gather3A_939 = tpu.vector_load_idx %arg12[%add3A_689, %add3A_938] : memref<256x129xf32, #tpu.memory_space<vmem>>[vector<16xi32>, vector<16xi32>], vector<16xf32>,
          %add3A_940 = arith.addf %gather3A_939, %get3A_880 : vector<16xf32>
          %swap3A_941 = arith.index_cast %select_n3A_630 : i32 to index
          %swap3A_942 = arith.index_cast %scan3A_877 : i32 to index
          %swap3A_943 = arith.constant 112 : index
          %swap3A_944 = tpu.vector_load %arg14[%swap3A_941, %swap3A_942, %swap3A_943] {strides = array<i32>} : memref<2x64x128xf32, #tpu.memory_space<vmem>>, vector<16xf32>,
          tpu.vector_store %arg14[%swap3A_941, %swap3A_942, %swap3A_943], %add3A_940 {strides = array<i32>} : memref<2x64x128xf32, #tpu.memory_space<vmem>>, vector<16xf32>,
          %scan3A_945 = arith.constant 3 : i32
          %scan3A_946 = arith.addi %scan3A_740, %scan3A_945 : i32
          %get3A_947 = arith.index_cast %scan3A_946 : i32 to index
          %get3A_948 = arith.constant 0 : index
          %get3A_949 = tpu.vector_load %arg13[%get3A_947, %get3A_948] {strides = array<i32>} : memref<64x16xf32, #tpu.memory_space<vmem>>, vector<16xf32>,
          %add3A_950 = vector.broadcast %scan3A_946 : i32 to vector<16xi32>
          %add3A_951 = arith.addi %get3A_692, %add3A_950 : vector<16xi32>
          %gather3A_952 = tpu.vector_load_idx %arg12[%add3A_661, %add3A_951] : memref<256x129xf32, #tpu.memory_space<vmem>>[vector<16xi32>, vector<16xi32>], vector<16xf32>,
          %add3A_953 = arith.addf %gather3A_952, %get3A_949 : vector<16xf32>
          %swap3A_954 = arith.index_cast %select_n3A_630 : i32 to index
          %swap3A_955 = arith.index_cast %scan3A_946 : i32 to index
          %swap3A_956 = arith.constant 0 : index
          %swap3A_957 = tpu.vector_load %arg14[%swap3A_954, %swap3A_955, %swap3A_956] {strides = array<i32>} : memref<2x64x128xf32, #tpu.memory_space<vmem>>, vector<16xf32>,
          tpu.vector_store %arg14[%swap3A_954, %swap3A_955, %swap3A_956], %add3A_953 {strides = array<i32>} : memref<2x64x128xf32, #tpu.memory_space<vmem>>, vector<16xf32>,
          %add3A_958 = vector.broadcast %scan3A_946 : i32 to vector<16xi32>
          %add3A_959 = arith.addi %get3A_695, %add3A_958 : vector<16xi32>
          %gather3A_960 = tpu.vector_load_idx %arg12[%add3A_665, %add3A_959] : memref<256x129xf32, #tpu.memory_space<vmem>>[vector<16xi32>, vector<16xi32>], vector<16xf32>,
          %add3A_961 = arith.addf %gather3A_960, %get3A_949 : vector<16xf32>
          %swap3A_962 = arith.index_cast %select_n3A_630 : i32 to index
          %swap3A_963 = arith.index_cast %scan3A_946 : i32 to index
          %swap3A_964 = arith.constant 16 : index
          %swap3A_965 = tpu.vector_load %arg14[%swap3A_962, %swap3A_963, %swap3A_964] {strides = array<i32>} : memref<2x64x128xf32, #tpu.memory_space<vmem>>, vector<16xf32>,
          tpu.vector_store %arg14[%swap3A_962, %swap3A_963, %swap3A_964], %add3A_961 {strides = array<i32>} : memref<2x64x128xf32, #tpu.memory_space<vmem>>, vector<16xf32>,
          %add3A_966 = vector.broadcast %scan3A_946 : i32 to vector<16xi32>
          %add3A_967 = arith.addi %get3A_698, %add3A_966 : vector<16xi32>
          %gather3A_968 = tpu.vector_load_idx %arg12[%add3A_669, %add3A_967] : memref<256x129xf32, #tpu.memory_space<vmem>>[vector<16xi32>, vector<16xi32>], vector<16xf32>,
          %add3A_969 = arith.addf %gather3A_968, %get3A_949 : vector<16xf32>
          %swap3A_970 = arith.index_cast %select_n3A_630 : i32 to index
          %swap3A_971 = arith.index_cast %scan3A_946 : i32 to index
          %swap3A_972 = arith.constant 32 : index
          %swap3A_973 = tpu.vector_load %arg14[%swap3A_970, %swap3A_971, %swap3A_972] {strides = array<i32>} : memref<2x64x128xf32, #tpu.memory_space<vmem>>, vector<16xf32>,
          tpu.vector_store %arg14[%swap3A_970, %swap3A_971, %swap3A_972], %add3A_969 {strides = array<i32>} : memref<2x64x128xf32, #tpu.memory_space<vmem>>, vector<16xf32>,
          %add3A_974 = vector.broadcast %scan3A_946 : i32 to vector<16xi32>
          %add3A_975 = arith.addi %get3A_701, %add3A_974 : vector<16xi32>
          %gather3A_976 = tpu.vector_load_idx %arg12[%add3A_673, %add3A_975] : memref<256x129xf32, #tpu.memory_space<vmem>>[vector<16xi32>, vector<16xi32>], vector<16xf32>,
          %add3A_977 = arith.addf %gather3A_976, %get3A_949 : vector<16xf32>
          %swap3A_978 = arith.index_cast %select_n3A_630 : i32 to index
          %swap3A_979 = arith.index_cast %scan3A_946 : i32 to index
          %swap3A_980 = arith.constant 48 : index
          %swap3A_981 = tpu.vector_load %arg14[%swap3A_978, %swap3A_979, %swap3A_980] {strides = array<i32>} : memref<2x64x128xf32, #tpu.memory_space<vmem>>, vector<16xf32>,
          tpu.vector_store %arg14[%swap3A_978, %swap3A_979, %swap3A_980], %add3A_977 {strides = array<i32>} : memref<2x64x128xf32, #tpu.memory_space<vmem>>, vector<16xf32>,
          %add3A_982 = vector.broadcast %scan3A_946 : i32 to vector<16xi32>
          %add3A_983 = arith.addi %get3A_704, %add3A_982 : vector<16xi32>
          %gather3A_984 = tpu.vector_load_idx %arg12[%add3A_677, %add3A_983] : memref<256x129xf32, #tpu.memory_space<vmem>>[vector<16xi32>, vector<16xi32>], vector<16xf32>,
          %add3A_985 = arith.addf %gather3A_984, %get3A_949 : vector<16xf32>
          %swap3A_986 = arith.index_cast %select_n3A_630 : i32 to index
          %swap3A_987 = arith.index_cast %scan3A_946 : i32 to index
          %swap3A_988 = arith.constant 64 : index
          %swap3A_989 = tpu.vector_load %arg14[%swap3A_986, %swap3A_987, %swap3A_988] {strides = array<i32>} : memref<2x64x128xf32, #tpu.memory_space<vmem>>, vector<16xf32>,
          tpu.vector_store %arg14[%swap3A_986, %swap3A_987, %swap3A_988], %add3A_985 {strides = array<i32>} : memref<2x64x128xf32, #tpu.memory_space<vmem>>, vector<16xf32>,
          %add3A_990 = vector.broadcast %scan3A_946 : i32 to vector<16xi32>
          %add3A_991 = arith.addi %get3A_707, %add3A_990 : vector<16xi32>
          %gather3A_992 = tpu.vector_load_idx %arg12[%add3A_681, %add3A_991] : memref<256x129xf32, #tpu.memory_space<vmem>>[vector<16xi32>, vector<16xi32>], vector<16xf32>,
          %add3A_993 = arith.addf %gather3A_992, %get3A_949 : vector<16xf32>
          %swap3A_994 = arith.index_cast %select_n3A_630 : i32 to index
          %swap3A_995 = arith.index_cast %scan3A_946 : i32 to index
          %swap3A_996 = arith.constant 80 : index
          %swap3A_997 = tpu.vector_load %arg14[%swap3A_994, %swap3A_995, %swap3A_996] {strides = array<i32>} : memref<2x64x128xf32, #tpu.memory_space<vmem>>, vector<16xf32>,
          tpu.vector_store %arg14[%swap3A_994, %swap3A_995, %swap3A_996], %add3A_993 {strides = array<i32>} : memref<2x64x128xf32, #tpu.memory_space<vmem>>, vector<16xf32>,
          %add3A_998 = vector.broadcast %scan3A_946 : i32 to vector<16xi32>
          %add3A_999 = arith.addi %get3A_710, %add3A_998 : vector<16xi32>
          %gather3A_1000 = tpu.vector_load_idx %arg12[%add3A_685, %add3A_999] : memref<256x129xf32, #tpu.memory_space<vmem>>[vector<16xi32>, vector<16xi32>], vector<16xf32>,
          %add3A_1001 = arith.addf %gather3A_1000, %get3A_949 : vector<16xf32>
          %swap3A_1002 = arith.index_cast %select_n3A_630 : i32 to index
          %swap3A_1003 = arith.index_cast %scan3A_946 : i32 to index
          %swap3A_1004 = arith.constant 96 : index
          %swap3A_1005 = tpu.vector_load %arg14[%swap3A_1002, %swap3A_1003, %swap3A_1004] {strides = array<i32>} : memref<2x64x128xf32, #tpu.memory_space<vmem>>, vector<16xf32>,
          tpu.vector_store %arg14[%swap3A_1002, %swap3A_1003, %swap3A_1004], %add3A_1001 {strides = array<i32>} : memref<2x64x128xf32, #tpu.memory_space<vmem>>, vector<16xf32>,
          %add3A_1006 = vector.broadcast %scan3A_946 : i32 to vector<16xi32>
          %add3A_1007 = arith.addi %get3A_713, %add3A_1006 : vector<16xi32>
          %gather3A_1008 = tpu.vector_load_idx %arg12[%add3A_689, %add3A_1007] : memref<256x129xf32, #tpu.memory_space<vmem>>[vector<16xi32>, vector<16xi32>], vector<16xf32>,
          %add3A_1009 = arith.addf %gather3A_1008, %get3A_949 : vector<16xf32>
          %swap3A_1010 = arith.index_cast %select_n3A_630 : i32 to index
          %swap3A_1011 = arith.index_cast %scan3A_946 : i32 to index
          %swap3A_1012 = arith.constant 112 : index
          %swap3A_1013 = tpu.vector_load %arg14[%swap3A_1010, %swap3A_1011, %swap3A_1012] {strides = array<i32>} : memref<2x64x128xf32, #tpu.memory_space<vmem>>, vector<16xf32>,
          tpu.vector_store %arg14[%swap3A_1010, %swap3A_1011, %swap3A_1012], %add3A_1009 {strides = array<i32>} : memref<2x64x128xf32, #tpu.memory_space<vmem>>, vector<16xf32>,
          %scan3A_1014 = arith.constant 4 : i32
          %scan3A_1015 = arith.addi %scan3A_740, %scan3A_1014 : i32
          %get3A_1016 = arith.index_cast %scan3A_1015 : i32 to index
          %get3A_1017 = arith.constant 0 : index
          %get3A_1018 = tpu.vector_load %arg13[%get3A_1016, %get3A_1017] {strides = array<i32>} : memref<64x16xf32, #tpu.memory_space<vmem>>, vector<16xf32>,
          %add3A_1019 = vector.broadcast %scan3A_1015 : i32 to vector<16xi32>
          %add3A_1020 = arith.addi %get3A_692, %add3A_1019 : vector<16xi32>
          %gather3A_1021 = tpu.vector_load_idx %arg12[%add3A_661, %add3A_1020] : memref<256x129xf32, #tpu.memory_space<vmem>>[vector<16xi32>, vector<16xi32>], vector<16xf32>,
          %add3A_1022 = arith.addf %gather3A_1021, %get3A_1018 : vector<16xf32>
          %swap3A_1023 = arith.index_cast %select_n3A_630 : i32 to index
          %swap3A_1024 = arith.index_cast %scan3A_1015 : i32 to index
          %swap3A_1025 = arith.constant 0 : index
          %swap3A_1026 = tpu.vector_load %arg14[%swap3A_1023, %swap3A_1024, %swap3A_1025] {strides = array<i32>} : memref<2x64x128xf32, #tpu.memory_space<vmem>>, vector<16xf32>,
          tpu.vector_store %arg14[%swap3A_1023, %swap3A_1024, %swap3A_1025], %add3A_1022 {strides = array<i32>} : memref<2x64x128xf32, #tpu.memory_space<vmem>>, vector<16xf32>,
          %add3A_1027 = vector.broadcast %scan3A_1015 : i32 to vector<16xi32>
          %add3A_1028 = arith.addi %get3A_695, %add3A_1027 : vector<16xi32>
          %gather3A_1029 = tpu.vector_load_idx %arg12[%add3A_665, %add3A_1028] : memref<256x129xf32, #tpu.memory_space<vmem>>[vector<16xi32>, vector<16xi32>], vector<16xf32>,
          %add3A_1030 = arith.addf %gather3A_1029, %get3A_1018 : vector<16xf32>
          %swap3A_1031 = arith.index_cast %select_n3A_630 : i32 to index
          %swap3A_1032 = arith.index_cast %scan3A_1015 : i32 to index
          %swap3A_1033 = arith.constant 16 : index
          %swap3A_1034 = tpu.vector_load %arg14[%swap3A_1031, %swap3A_1032, %swap3A_1033] {strides = array<i32>} : memref<2x64x128xf32, #tpu.memory_space<vmem>>, vector<16xf32>,
          tpu.vector_store %arg14[%swap3A_1031, %swap3A_1032, %swap3A_1033], %add3A_1030 {strides = array<i32>} : memref<2x64x128xf32, #tpu.memory_space<vmem>>, vector<16xf32>,
          %add3A_1035 = vector.broadcast %scan3A_1015 : i32 to vector<16xi32>
          %add3A_1036 = arith.addi %get3A_698, %add3A_1035 : vector<16xi32>
          %gather3A_1037 = tpu.vector_load_idx %arg12[%add3A_669, %add3A_1036] : memref<256x129xf32, #tpu.memory_space<vmem>>[vector<16xi32>, vector<16xi32>], vector<16xf32>,
          %add3A_1038 = arith.addf %gather3A_1037, %get3A_1018 : vector<16xf32>
          %swap3A_1039 = arith.index_cast %select_n3A_630 : i32 to index
          %swap3A_1040 = arith.index_cast %scan3A_1015 : i32 to index
          %swap3A_1041 = arith.constant 32 : index
          %swap3A_1042 = tpu.vector_load %arg14[%swap3A_1039, %swap3A_1040, %swap3A_1041] {strides = array<i32>} : memref<2x64x128xf32, #tpu.memory_space<vmem>>, vector<16xf32>,
          tpu.vector_store %arg14[%swap3A_1039, %swap3A_1040, %swap3A_1041], %add3A_1038 {strides = array<i32>} : memref<2x64x128xf32, #tpu.memory_space<vmem>>, vector<16xf32>,
          %add3A_1043 = vector.broadcast %scan3A_1015 : i32 to vector<16xi32>
          %add3A_1044 = arith.addi %get3A_701, %add3A_1043 : vector<16xi32>
          %gather3A_1045 = tpu.vector_load_idx %arg12[%add3A_673, %add3A_1044] : memref<256x129xf32, #tpu.memory_space<vmem>>[vector<16xi32>, vector<16xi32>], vector<16xf32>,
          %add3A_1046 = arith.addf %gather3A_1045, %get3A_1018 : vector<16xf32>
          %swap3A_1047 = arith.index_cast %select_n3A_630 : i32 to index
          %swap3A_1048 = arith.index_cast %scan3A_1015 : i32 to index
          %swap3A_1049 = arith.constant 48 : index
          %swap3A_1050 = tpu.vector_load %arg14[%swap3A_1047, %swap3A_1048, %swap3A_1049] {strides = array<i32>} : memref<2x64x128xf32, #tpu.memory_space<vmem>>, vector<16xf32>,
          tpu.vector_store %arg14[%swap3A_1047, %swap3A_1048, %swap3A_1049], %add3A_1046 {strides = array<i32>} : memref<2x64x128xf32, #tpu.memory_space<vmem>>, vector<16xf32>,
          %add3A_1051 = vector.broadcast %scan3A_1015 : i32 to vector<16xi32>
          %add3A_1052 = arith.addi %get3A_704, %add3A_1051 : vector<16xi32>
          %gather3A_1053 = tpu.vector_load_idx %arg12[%add3A_677, %add3A_1052] : memref<256x129xf32, #tpu.memory_space<vmem>>[vector<16xi32>, vector<16xi32>], vector<16xf32>,
          %add3A_1054 = arith.addf %gather3A_1053, %get3A_1018 : vector<16xf32>
          %swap3A_1055 = arith.index_cast %select_n3A_630 : i32 to index
          %swap3A_1056 = arith.index_cast %scan3A_1015 : i32 to index
          %swap3A_1057 = arith.constant 64 : index
          %swap3A_1058 = tpu.vector_load %arg14[%swap3A_1055, %swap3A_1056, %swap3A_1057] {strides = array<i32>} : memref<2x64x128xf32, #tpu.memory_space<vmem>>, vector<16xf32>,
          tpu.vector_store %arg14[%swap3A_1055, %swap3A_1056, %swap3A_1057], %add3A_1054 {strides = array<i32>} : memref<2x64x128xf32, #tpu.memory_space<vmem>>, vector<16xf32>,
          %add3A_1059 = vector.broadcast %scan3A_1015 : i32 to vector<16xi32>
          %add3A_1060 = arith.addi %get3A_707, %add3A_1059 : vector<16xi32>
          %gather3A_1061 = tpu.vector_load_idx %arg12[%add3A_681, %add3A_1060] : memref<256x129xf32, #tpu.memory_space<vmem>>[vector<16xi32>, vector<16xi32>], vector<16xf32>,
          %add3A_1062 = arith.addf %gather3A_1061, %get3A_1018 : vector<16xf32>
          %swap3A_1063 = arith.index_cast %select_n3A_630 : i32 to index
          %swap3A_1064 = arith.index_cast %scan3A_1015 : i32 to index
          %swap3A_1065 = arith.constant 80 : index
          %swap3A_1066 = tpu.vector_load %arg14[%swap3A_1063, %swap3A_1064, %swap3A_1065] {strides = array<i32>} : memref<2x64x128xf32, #tpu.memory_space<vmem>>, vector<16xf32>,
          tpu.vector_store %arg14[%swap3A_1063, %swap3A_1064, %swap3A_1065], %add3A_1062 {strides = array<i32>} : memref<2x64x128xf32, #tpu.memory_space<vmem>>, vector<16xf32>,
          %add3A_1067 = vector.broadcast %scan3A_1015 : i32 to vector<16xi32>
          %add3A_1068 = arith.addi %get3A_710, %add3A_1067 : vector<16xi32>
          %gather3A_1069 = tpu.vector_load_idx %arg12[%add3A_685, %add3A_1068] : memref<256x129xf32, #tpu.memory_space<vmem>>[vector<16xi32>, vector<16xi32>], vector<16xf32>,
          %add3A_1070 = arith.addf %gather3A_1069, %get3A_1018 : vector<16xf32>
          %swap3A_1071 = arith.index_cast %select_n3A_630 : i32 to index
          %swap3A_1072 = arith.index_cast %scan3A_1015 : i32 to index
          %swap3A_1073 = arith.constant 96 : index
          %swap3A_1074 = tpu.vector_load %arg14[%swap3A_1071, %swap3A_1072, %swap3A_1073] {strides = array<i32>} : memref<2x64x128xf32, #tpu.memory_space<vmem>>, vector<16xf32>,
          tpu.vector_store %arg14[%swap3A_1071, %swap3A_1072, %swap3A_1073], %add3A_1070 {strides = array<i32>} : memref<2x64x128xf32, #tpu.memory_space<vmem>>, vector<16xf32>,
          %add3A_1075 = vector.broadcast %scan3A_1015 : i32 to vector<16xi32>
          %add3A_1076 = arith.addi %get3A_713, %add3A_1075 : vector<16xi32>
          %gather3A_1077 = tpu.vector_load_idx %arg12[%add3A_689, %add3A_1076] : memref<256x129xf32, #tpu.memory_space<vmem>>[vector<16xi32>, vector<16xi32>], vector<16xf32>,
          %add3A_1078 = arith.addf %gather3A_1077, %get3A_1018 : vector<16xf32>
          %swap3A_1079 = arith.index_cast %select_n3A_630 : i32 to index
          %swap3A_1080 = arith.index_cast %scan3A_1015 : i32 to index
          %swap3A_1081 = arith.constant 112 : index
          %swap3A_1082 = tpu.vector_load %arg14[%swap3A_1079, %swap3A_1080, %swap3A_1081] {strides = array<i32>} : memref<2x64x128xf32, #tpu.memory_space<vmem>>, vector<16xf32>,
          tpu.vector_store %arg14[%swap3A_1079, %swap3A_1080, %swap3A_1081], %add3A_1078 {strides = array<i32>} : memref<2x64x128xf32, #tpu.memory_space<vmem>>, vector<16xf32>,
          %scan3A_1083 = arith.constant 5 : i32
          %scan3A_1084 = arith.addi %scan3A_740, %scan3A_1083 : i32
          %get3A_1085 = arith.index_cast %scan3A_1084 : i32 to index
          %get3A_1086 = arith.constant 0 : index
          %get3A_1087 = tpu.vector_load %arg13[%get3A_1085, %get3A_1086] {strides = array<i32>} : memref<64x16xf32, #tpu.memory_space<vmem>>, vector<16xf32>,
          %add3A_1088 = vector.broadcast %scan3A_1084 : i32 to vector<16xi32>
          %add3A_1089 = arith.addi %get3A_692, %add3A_1088 : vector<16xi32>
          %gather3A_1090 = tpu.vector_load_idx %arg12[%add3A_661, %add3A_1089] : memref<256x129xf32, #tpu.memory_space<vmem>>[vector<16xi32>, vector<16xi32>], vector<16xf32>,
          %add3A_1091 = arith.addf %gather3A_1090, %get3A_1087 : vector<16xf32>
          %swap3A_1092 = arith.index_cast %select_n3A_630 : i32 to index
          %swap3A_1093 = arith.index_cast %scan3A_1084 : i32 to index
          %swap3A_1094 = arith.constant 0 : index
          %swap3A_1095 = tpu.vector_load %arg14[%swap3A_1092, %swap3A_1093, %swap3A_1094] {strides = array<i32>} : memref<2x64x128xf32, #tpu.memory_space<vmem>>, vector<16xf32>,
          tpu.vector_store %arg14[%swap3A_1092, %swap3A_1093, %swap3A_1094], %add3A_1091 {strides = array<i32>} : memref<2x64x128xf32, #tpu.memory_space<vmem>>, vector<16xf32>,
          %add3A_1096 = vector.broadcast %scan3A_1084 : i32 to vector<16xi32>
          %add3A_1097 = arith.addi %get3A_695, %add3A_1096 : vector<16xi32>
          %gather3A_1098 = tpu.vector_load_idx %arg12[%add3A_665, %add3A_1097] : memref<256x129xf32, #tpu.memory_space<vmem>>[vector<16xi32>, vector<16xi32>], vector<16xf32>,
          %add3A_1099 = arith.addf %gather3A_1098, %get3A_1087 : vector<16xf32>
          %swap3A_1100 = arith.index_cast %select_n3A_630 : i32 to index
          %swap3A_1101 = arith.index_cast %scan3A_1084 : i32 to index
          %swap3A_1102 = arith.constant 16 : index
          %swap3A_1103 = tpu.vector_load %arg14[%swap3A_1100, %swap3A_1101, %swap3A_1102] {strides = array<i32>} : memref<2x64x128xf32, #tpu.memory_space<vmem>>, vector<16xf32>,
          tpu.vector_store %arg14[%swap3A_1100, %swap3A_1101, %swap3A_1102], %add3A_1099 {strides = array<i32>} : memref<2x64x128xf32, #tpu.memory_space<vmem>>, vector<16xf32>,
          %add3A_1104 = vector.broadcast %scan3A_1084 : i32 to vector<16xi32>
          %add3A_1105 = arith.addi %get3A_698, %add3A_1104 : vector<16xi32>
          %gather3A_1106 = tpu.vector_load_idx %arg12[%add3A_669, %add3A_1105] : memref<256x129xf32, #tpu.memory_space<vmem>>[vector<16xi32>, vector<16xi32>], vector<16xf32>,
          %add3A_1107 = arith.addf %gather3A_1106, %get3A_1087 : vector<16xf32>
          %swap3A_1108 = arith.index_cast %select_n3A_630 : i32 to index
          %swap3A_1109 = arith.index_cast %scan3A_1084 : i32 to index
          %swap3A_1110 = arith.constant 32 : index
          %swap3A_1111 = tpu.vector_load %arg14[%swap3A_1108, %swap3A_1109, %swap3A_1110] {strides = array<i32>} : memref<2x64x128xf32, #tpu.memory_space<vmem>>, vector<16xf32>,
          tpu.vector_store %arg14[%swap3A_1108, %swap3A_1109, %swap3A_1110], %add3A_1107 {strides = array<i32>} : memref<2x64x128xf32, #tpu.memory_space<vmem>>, vector<16xf32>,
          %add3A_1112 = vector.broadcast %scan3A_1084 : i32 to vector<16xi32>
          %add3A_1113 = arith.addi %get3A_701, %add3A_1112 : vector<16xi32>
          %gather3A_1114 = tpu.vector_load_idx %arg12[%add3A_673, %add3A_1113] : memref<256x129xf32, #tpu.memory_space<vmem>>[vector<16xi32>, vector<16xi32>], vector<16xf32>,
          %add3A_1115 = arith.addf %gather3A_1114, %get3A_1087 : vector<16xf32>
          %swap3A_1116 = arith.index_cast %select_n3A_630 : i32 to index
          %swap3A_1117 = arith.index_cast %scan3A_1084 : i32 to index
          %swap3A_1118 = arith.constant 48 : index
          %swap3A_1119 = tpu.vector_load %arg14[%swap3A_1116, %swap3A_1117, %swap3A_1118] {strides = array<i32>} : memref<2x64x128xf32, #tpu.memory_space<vmem>>, vector<16xf32>,
          tpu.vector_store %arg14[%swap3A_1116, %swap3A_1117, %swap3A_1118], %add3A_1115 {strides = array<i32>} : memref<2x64x128xf32, #tpu.memory_space<vmem>>, vector<16xf32>,
          %add3A_1120 = vector.broadcast %scan3A_1084 : i32 to vector<16xi32>
          %add3A_1121 = arith.addi %get3A_704, %add3A_1120 : vector<16xi32>
          %gather3A_1122 = tpu.vector_load_idx %arg12[%add3A_677, %add3A_1121] : memref<256x129xf32, #tpu.memory_space<vmem>>[vector<16xi32>, vector<16xi32>], vector<16xf32>,
          %add3A_1123 = arith.addf %gather3A_1122, %get3A_1087 : vector<16xf32>
          %swap3A_1124 = arith.index_cast %select_n3A_630 : i32 to index
          %swap3A_1125 = arith.index_cast %scan3A_1084 : i32 to index
          %swap3A_1126 = arith.constant 64 : index
          %swap3A_1127 = tpu.vector_load %arg14[%swap3A_1124, %swap3A_1125, %swap3A_1126] {strides = array<i32>} : memref<2x64x128xf32, #tpu.memory_space<vmem>>, vector<16xf32>,
          tpu.vector_store %arg14[%swap3A_1124, %swap3A_1125, %swap3A_1126], %add3A_1123 {strides = array<i32>} : memref<2x64x128xf32, #tpu.memory_space<vmem>>, vector<16xf32>,
          %add3A_1128 = vector.broadcast %scan3A_1084 : i32 to vector<16xi32>
          %add3A_1129 = arith.addi %get3A_707, %add3A_1128 : vector<16xi32>
          %gather3A_1130 = tpu.vector_load_idx %arg12[%add3A_681, %add3A_1129] : memref<256x129xf32, #tpu.memory_space<vmem>>[vector<16xi32>, vector<16xi32>], vector<16xf32>,
          %add3A_1131 = arith.addf %gather3A_1130, %get3A_1087 : vector<16xf32>
          %swap3A_1132 = arith.index_cast %select_n3A_630 : i32 to index
          %swap3A_1133 = arith.index_cast %scan3A_1084 : i32 to index
          %swap3A_1134 = arith.constant 80 : index
          %swap3A_1135 = tpu.vector_load %arg14[%swap3A_1132, %swap3A_1133, %swap3A_1134] {strides = array<i32>} : memref<2x64x128xf32, #tpu.memory_space<vmem>>, vector<16xf32>,
          tpu.vector_store %arg14[%swap3A_1132, %swap3A_1133, %swap3A_1134], %add3A_1131 {strides = array<i32>} : memref<2x64x128xf32, #tpu.memory_space<vmem>>, vector<16xf32>,
          %add3A_1136 = vector.broadcast %scan3A_1084 : i32 to vector<16xi32>
          %add3A_1137 = arith.addi %get3A_710, %add3A_1136 : vector<16xi32>
          %gather3A_1138 = tpu.vector_load_idx %arg12[%add3A_685, %add3A_1137] : memref<256x129xf32, #tpu.memory_space<vmem>>[vector<16xi32>, vector<16xi32>], vector<16xf32>,
          %add3A_1139 = arith.addf %gather3A_1138, %get3A_1087 : vector<16xf32>
          %swap3A_1140 = arith.index_cast %select_n3A_630 : i32 to index
          %swap3A_1141 = arith.index_cast %scan3A_1084 : i32 to index
          %swap3A_1142 = arith.constant 96 : index
          %swap3A_1143 = tpu.vector_load %arg14[%swap3A_1140, %swap3A_1141, %swap3A_1142] {strides = array<i32>} : memref<2x64x128xf32, #tpu.memory_space<vmem>>, vector<16xf32>,
          tpu.vector_store %arg14[%swap3A_1140, %swap3A_1141, %swap3A_1142], %add3A_1139 {strides = array<i32>} : memref<2x64x128xf32, #tpu.memory_space<vmem>>, vector<16xf32>,
          %add3A_1144 = vector.broadcast %scan3A_1084 : i32 to vector<16xi32>
          %add3A_1145 = arith.addi %get3A_713, %add3A_1144 : vector<16xi32>
          %gather3A_1146 = tpu.vector_load_idx %arg12[%add3A_689, %add3A_1145] : memref<256x129xf32, #tpu.memory_space<vmem>>[vector<16xi32>, vector<16xi32>], vector<16xf32>,
          %add3A_1147 = arith.addf %gather3A_1146, %get3A_1087 : vector<16xf32>
          %swap3A_1148 = arith.index_cast %select_n3A_630 : i32 to index
          %swap3A_1149 = arith.index_cast %scan3A_1084 : i32 to index
          %swap3A_1150 = arith.constant 112 : index
          %swap3A_1151 = tpu.vector_load %arg14[%swap3A_1148, %swap3A_1149, %swap3A_1150] {strides = array<i32>} : memref<2x64x128xf32, #tpu.memory_space<vmem>>, vector<16xf32>,
          tpu.vector_store %arg14[%swap3A_1148, %swap3A_1149, %swap3A_1150], %add3A_1147 {strides = array<i32>} : memref<2x64x128xf32, #tpu.memory_space<vmem>>, vector<16xf32>,
          %scan3A_1152 = arith.constant 6 : i32
          %scan3A_1153 = arith.addi %scan3A_740, %scan3A_1152 : i32
          %get3A_1154 = arith.index_cast %scan3A_1153 : i32 to index
          %get3A_1155 = arith.constant 0 : index
          %get3A_1156 = tpu.vector_load %arg13[%get3A_1154, %get3A_1155] {strides = array<i32>} : memref<64x16xf32, #tpu.memory_space<vmem>>, vector<16xf32>,
          %add3A_1157 = vector.broadcast %scan3A_1153 : i32 to vector<16xi32>
          %add3A_1158 = arith.addi %get3A_692, %add3A_1157 : vector<16xi32>
          %gather3A_1159 = tpu.vector_load_idx %arg12[%add3A_661, %add3A_1158] : memref<256x129xf32, #tpu.memory_space<vmem>>[vector<16xi32>, vector<16xi32>], vector<16xf32>,
          %add3A_1160 = arith.addf %gather3A_1159, %get3A_1156 : vector<16xf32>
          %swap3A_1161 = arith.index_cast %select_n3A_630 : i32 to index
          %swap3A_1162 = arith.index_cast %scan3A_1153 : i32 to index
          %swap3A_1163 = arith.constant 0 : index
          %swap3A_1164 = tpu.vector_load %arg14[%swap3A_1161, %swap3A_1162, %swap3A_1163] {strides = array<i32>} : memref<2x64x128xf32, #tpu.memory_space<vmem>>, vector<16xf32>,
          tpu.vector_store %arg14[%swap3A_1161, %swap3A_1162, %swap3A_1163], %add3A_1160 {strides = array<i32>} : memref<2x64x128xf32, #tpu.memory_space<vmem>>, vector<16xf32>,
          %add3A_1165 = vector.broadcast %scan3A_1153 : i32 to vector<16xi32>
          %add3A_1166 = arith.addi %get3A_695, %add3A_1165 : vector<16xi32>
          %gather3A_1167 = tpu.vector_load_idx %arg12[%add3A_665, %add3A_1166] : memref<256x129xf32, #tpu.memory_space<vmem>>[vector<16xi32>, vector<16xi32>], vector<16xf32>,
          %add3A_1168 = arith.addf %gather3A_1167, %get3A_1156 : vector<16xf32>
          %swap3A_1169 = arith.index_cast %select_n3A_630 : i32 to index
          %swap3A_1170 = arith.index_cast %scan3A_1153 : i32 to index
          %swap3A_1171 = arith.constant 16 : index
          %swap3A_1172 = tpu.vector_load %arg14[%swap3A_1169, %swap3A_1170, %swap3A_1171] {strides = array<i32>} : memref<2x64x128xf32, #tpu.memory_space<vmem>>, vector<16xf32>,
          tpu.vector_store %arg14[%swap3A_1169, %swap3A_1170, %swap3A_1171], %add3A_1168 {strides = array<i32>} : memref<2x64x128xf32, #tpu.memory_space<vmem>>, vector<16xf32>,
          %add3A_1173 = vector.broadcast %scan3A_1153 : i32 to vector<16xi32>
          %add3A_1174 = arith.addi %get3A_698, %add3A_1173 : vector<16xi32>
          %gather3A_1175 = tpu.vector_load_idx %arg12[%add3A_669, %add3A_1174] : memref<256x129xf32, #tpu.memory_space<vmem>>[vector<16xi32>, vector<16xi32>], vector<16xf32>,
          %add3A_1176 = arith.addf %gather3A_1175, %get3A_1156 : vector<16xf32>
          %swap3A_1177 = arith.index_cast %select_n3A_630 : i32 to index
          %swap3A_1178 = arith.index_cast %scan3A_1153 : i32 to index
          %swap3A_1179 = arith.constant 32 : index
          %swap3A_1180 = tpu.vector_load %arg14[%swap3A_1177, %swap3A_1178, %swap3A_1179] {strides = array<i32>} : memref<2x64x128xf32, #tpu.memory_space<vmem>>, vector<16xf32>,
          tpu.vector_store %arg14[%swap3A_1177, %swap3A_1178, %swap3A_1179], %add3A_1176 {strides = array<i32>} : memref<2x64x128xf32, #tpu.memory_space<vmem>>, vector<16xf32>,
          %add3A_1181 = vector.broadcast %scan3A_1153 : i32 to vector<16xi32>
          %add3A_1182 = arith.addi %get3A_701, %add3A_1181 : vector<16xi32>
          %gather3A_1183 = tpu.vector_load_idx %arg12[%add3A_673, %add3A_1182] : memref<256x129xf32, #tpu.memory_space<vmem>>[vector<16xi32>, vector<16xi32>], vector<16xf32>,
          %add3A_1184 = arith.addf %gather3A_1183, %get3A_1156 : vector<16xf32>
          %swap3A_1185 = arith.index_cast %select_n3A_630 : i32 to index
          %swap3A_1186 = arith.index_cast %scan3A_1153 : i32 to index
          %swap3A_1187 = arith.constant 48 : index
          %swap3A_1188 = tpu.vector_load %arg14[%swap3A_1185, %swap3A_1186, %swap3A_1187] {strides = array<i32>} : memref<2x64x128xf32, #tpu.memory_space<vmem>>, vector<16xf32>,
          tpu.vector_store %arg14[%swap3A_1185, %swap3A_1186, %swap3A_1187], %add3A_1184 {strides = array<i32>} : memref<2x64x128xf32, #tpu.memory_space<vmem>>, vector<16xf32>,
          %add3A_1189 = vector.broadcast %scan3A_1153 : i32 to vector<16xi32>
          %add3A_1190 = arith.addi %get3A_704, %add3A_1189 : vector<16xi32>
          %gather3A_1191 = tpu.vector_load_idx %arg12[%add3A_677, %add3A_1190] : memref<256x129xf32, #tpu.memory_space<vmem>>[vector<16xi32>, vector<16xi32>], vector<16xf32>,
          %add3A_1192 = arith.addf %gather3A_1191, %get3A_1156 : vector<16xf32>
          %swap3A_1193 = arith.index_cast %select_n3A_630 : i32 to index
          %swap3A_1194 = arith.index_cast %scan3A_1153 : i32 to index
          %swap3A_1195 = arith.constant 64 : index
          %swap3A_1196 = tpu.vector_load %arg14[%swap3A_1193, %swap3A_1194, %swap3A_1195] {strides = array<i32>} : memref<2x64x128xf32, #tpu.memory_space<vmem>>, vector<16xf32>,
          tpu.vector_store %arg14[%swap3A_1193, %swap3A_1194, %swap3A_1195], %add3A_1192 {strides = array<i32>} : memref<2x64x128xf32, #tpu.memory_space<vmem>>, vector<16xf32>,
          %add3A_1197 = vector.broadcast %scan3A_1153 : i32 to vector<16xi32>
          %add3A_1198 = arith.addi %get3A_707, %add3A_1197 : vector<16xi32>
          %gather3A_1199 = tpu.vector_load_idx %arg12[%add3A_681, %add3A_1198] : memref<256x129xf32, #tpu.memory_space<vmem>>[vector<16xi32>, vector<16xi32>], vector<16xf32>,
          %add3A_1200 = arith.addf %gather3A_1199, %get3A_1156 : vector<16xf32>
          %swap3A_1201 = arith.index_cast %select_n3A_630 : i32 to index
          %swap3A_1202 = arith.index_cast %scan3A_1153 : i32 to index
          %swap3A_1203 = arith.constant 80 : index
          %swap3A_1204 = tpu.vector_load %arg14[%swap3A_1201, %swap3A_1202, %swap3A_1203] {strides = array<i32>} : memref<2x64x128xf32, #tpu.memory_space<vmem>>, vector<16xf32>,
          tpu.vector_store %arg14[%swap3A_1201, %swap3A_1202, %swap3A_1203], %add3A_1200 {strides = array<i32>} : memref<2x64x128xf32, #tpu.memory_space<vmem>>, vector<16xf32>,
          %add3A_1205 = vector.broadcast %scan3A_1153 : i32 to vector<16xi32>
          %add3A_1206 = arith.addi %get3A_710, %add3A_1205 : vector<16xi32>
          %gather3A_1207 = tpu.vector_load_idx %arg12[%add3A_685, %add3A_1206] : memref<256x129xf32, #tpu.memory_space<vmem>>[vector<16xi32>, vector<16xi32>], vector<16xf32>,
          %add3A_1208 = arith.addf %gather3A_1207, %get3A_1156 : vector<16xf32>
          %swap3A_1209 = arith.index_cast %select_n3A_630 : i32 to index
          %swap3A_1210 = arith.index_cast %scan3A_1153 : i32 to index
          %swap3A_1211 = arith.constant 96 : index
          %swap3A_1212 = tpu.vector_load %arg14[%swap3A_1209, %swap3A_1210, %swap3A_1211] {strides = array<i32>} : memref<2x64x128xf32, #tpu.memory_space<vmem>>, vector<16xf32>,
          tpu.vector_store %arg14[%swap3A_1209, %swap3A_1210, %swap3A_1211], %add3A_1208 {strides = array<i32>} : memref<2x64x128xf32, #tpu.memory_space<vmem>>, vector<16xf32>,
          %add3A_1213 = vector.broadcast %scan3A_1153 : i32 to vector<16xi32>
          %add3A_1214 = arith.addi %get3A_713, %add3A_1213 : vector<16xi32>
          %gather3A_1215 = tpu.vector_load_idx %arg12[%add3A_689, %add3A_1214] : memref<256x129xf32, #tpu.memory_space<vmem>>[vector<16xi32>, vector<16xi32>], vector<16xf32>,
          %add3A_1216 = arith.addf %gather3A_1215, %get3A_1156 : vector<16xf32>
          %swap3A_1217 = arith.index_cast %select_n3A_630 : i32 to index
          %swap3A_1218 = arith.index_cast %scan3A_1153 : i32 to index
          %swap3A_1219 = arith.constant 112 : index
          %swap3A_1220 = tpu.vector_load %arg14[%swap3A_1217, %swap3A_1218, %swap3A_1219] {strides = array<i32>} : memref<2x64x128xf32, #tpu.memory_space<vmem>>, vector<16xf32>,
          tpu.vector_store %arg14[%swap3A_1217, %swap3A_1218, %swap3A_1219], %add3A_1216 {strides = array<i32>} : memref<2x64x128xf32, #tpu.memory_space<vmem>>, vector<16xf32>,
          %scan3A_1221 = arith.constant 7 : i32
          %scan3A_1222 = arith.addi %scan3A_740, %scan3A_1221 : i32
          %get3A_1223 = arith.index_cast %scan3A_1222 : i32 to index
          %get3A_1224 = arith.constant 0 : index
          %get3A_1225 = tpu.vector_load %arg13[%get3A_1223, %get3A_1224] {strides = array<i32>} : memref<64x16xf32, #tpu.memory_space<vmem>>, vector<16xf32>,
          %add3A_1226 = vector.broadcast %scan3A_1222 : i32 to vector<16xi32>
          %add3A_1227 = arith.addi %get3A_692, %add3A_1226 : vector<16xi32>
          %gather3A_1228 = tpu.vector_load_idx %arg12[%add3A_661, %add3A_1227] : memref<256x129xf32, #tpu.memory_space<vmem>>[vector<16xi32>, vector<16xi32>], vector<16xf32>,
          %add3A_1229 = arith.addf %gather3A_1228, %get3A_1225 : vector<16xf32>
          %swap3A_1230 = arith.index_cast %select_n3A_630 : i32 to index
          %swap3A_1231 = arith.index_cast %scan3A_1222 : i32 to index
          %swap3A_1232 = arith.constant 0 : index
          %swap3A_1233 = tpu.vector_load %arg14[%swap3A_1230, %swap3A_1231, %swap3A_1232] {strides = array<i32>} : memref<2x64x128xf32, #tpu.memory_space<vmem>>, vector<16xf32>,
          tpu.vector_store %arg14[%swap3A_1230, %swap3A_1231, %swap3A_1232], %add3A_1229 {strides = array<i32>} : memref<2x64x128xf32, #tpu.memory_space<vmem>>, vector<16xf32>,
          %add3A_1234 = vector.broadcast %scan3A_1222 : i32 to vector<16xi32>
          %add3A_1235 = arith.addi %get3A_695, %add3A_1234 : vector<16xi32>
          %gather3A_1236 = tpu.vector_load_idx %arg12[%add3A_665, %add3A_1235] : memref<256x129xf32, #tpu.memory_space<vmem>>[vector<16xi32>, vector<16xi32>], vector<16xf32>,
          %add3A_1237 = arith.addf %gather3A_1236, %get3A_1225 : vector<16xf32>
          %swap3A_1238 = arith.index_cast %select_n3A_630 : i32 to index
          %swap3A_1239 = arith.index_cast %scan3A_1222 : i32 to index
          %swap3A_1240 = arith.constant 16 : index
          %swap3A_1241 = tpu.vector_load %arg14[%swap3A_1238, %swap3A_1239, %swap3A_1240] {strides = array<i32>} : memref<2x64x128xf32, #tpu.memory_space<vmem>>, vector<16xf32>,
          tpu.vector_store %arg14[%swap3A_1238, %swap3A_1239, %swap3A_1240], %add3A_1237 {strides = array<i32>} : memref<2x64x128xf32, #tpu.memory_space<vmem>>, vector<16xf32>,
          %add3A_1242 = vector.broadcast %scan3A_1222 : i32 to vector<16xi32>
          %add3A_1243 = arith.addi %get3A_698, %add3A_1242 : vector<16xi32>
          %gather3A_1244 = tpu.vector_load_idx %arg12[%add3A_669, %add3A_1243] : memref<256x129xf32, #tpu.memory_space<vmem>>[vector<16xi32>, vector<16xi32>], vector<16xf32>,
          %add3A_1245 = arith.addf %gather3A_1244, %get3A_1225 : vector<16xf32>
          %swap3A_1246 = arith.index_cast %select_n3A_630 : i32 to index
          %swap3A_1247 = arith.index_cast %scan3A_1222 : i32 to index
          %swap3A_1248 = arith.constant 32 : index
          %swap3A_1249 = tpu.vector_load %arg14[%swap3A_1246, %swap3A_1247, %swap3A_1248] {strides = array<i32>} : memref<2x64x128xf32, #tpu.memory_space<vmem>>, vector<16xf32>,
          tpu.vector_store %arg14[%swap3A_1246, %swap3A_1247, %swap3A_1248], %add3A_1245 {strides = array<i32>} : memref<2x64x128xf32, #tpu.memory_space<vmem>>, vector<16xf32>,
          %add3A_1250 = vector.broadcast %scan3A_1222 : i32 to vector<16xi32>
          %add3A_1251 = arith.addi %get3A_701, %add3A_1250 : vector<16xi32>
          %gather3A_1252 = tpu.vector_load_idx %arg12[%add3A_673, %add3A_1251] : memref<256x129xf32, #tpu.memory_space<vmem>>[vector<16xi32>, vector<16xi32>], vector<16xf32>,
          %add3A_1253 = arith.addf %gather3A_1252, %get3A_1225 : vector<16xf32>
          %swap3A_1254 = arith.index_cast %select_n3A_630 : i32 to index
          %swap3A_1255 = arith.index_cast %scan3A_1222 : i32 to index
          %swap3A_1256 = arith.constant 48 : index
          %swap3A_1257 = tpu.vector_load %arg14[%swap3A_1254, %swap3A_1255, %swap3A_1256] {strides = array<i32>} : memref<2x64x128xf32, #tpu.memory_space<vmem>>, vector<16xf32>,
          tpu.vector_store %arg14[%swap3A_1254, %swap3A_1255, %swap3A_1256], %add3A_1253 {strides = array<i32>} : memref<2x64x128xf32, #tpu.memory_space<vmem>>, vector<16xf32>,
          %add3A_1258 = vector.broadcast %scan3A_1222 : i32 to vector<16xi32>
          %add3A_1259 = arith.addi %get3A_704, %add3A_1258 : vector<16xi32>
          %gather3A_1260 = tpu.vector_load_idx %arg12[%add3A_677, %add3A_1259] : memref<256x129xf32, #tpu.memory_space<vmem>>[vector<16xi32>, vector<16xi32>], vector<16xf32>,
          %add3A_1261 = arith.addf %gather3A_1260, %get3A_1225 : vector<16xf32>
          %swap3A_1262 = arith.index_cast %select_n3A_630 : i32 to index
          %swap3A_1263 = arith.index_cast %scan3A_1222 : i32 to index
          %swap3A_1264 = arith.constant 64 : index
          %swap3A_1265 = tpu.vector_load %arg14[%swap3A_1262, %swap3A_1263, %swap3A_1264] {strides = array<i32>} : memref<2x64x128xf32, #tpu.memory_space<vmem>>, vector<16xf32>,
          tpu.vector_store %arg14[%swap3A_1262, %swap3A_1263, %swap3A_1264], %add3A_1261 {strides = array<i32>} : memref<2x64x128xf32, #tpu.memory_space<vmem>>, vector<16xf32>,
          %add3A_1266 = vector.broadcast %scan3A_1222 : i32 to vector<16xi32>
          %add3A_1267 = arith.addi %get3A_707, %add3A_1266 : vector<16xi32>
          %gather3A_1268 = tpu.vector_load_idx %arg12[%add3A_681, %add3A_1267] : memref<256x129xf32, #tpu.memory_space<vmem>>[vector<16xi32>, vector<16xi32>], vector<16xf32>,
          %add3A_1269 = arith.addf %gather3A_1268, %get3A_1225 : vector<16xf32>
          %swap3A_1270 = arith.index_cast %select_n3A_630 : i32 to index
          %swap3A_1271 = arith.index_cast %scan3A_1222 : i32 to index
          %swap3A_1272 = arith.constant 80 : index
          %swap3A_1273 = tpu.vector_load %arg14[%swap3A_1270, %swap3A_1271, %swap3A_1272] {strides = array<i32>} : memref<2x64x128xf32, #tpu.memory_space<vmem>>, vector<16xf32>,
          tpu.vector_store %arg14[%swap3A_1270, %swap3A_1271, %swap3A_1272], %add3A_1269 {strides = array<i32>} : memref<2x64x128xf32, #tpu.memory_space<vmem>>, vector<16xf32>,
          %add3A_1274 = vector.broadcast %scan3A_1222 : i32 to vector<16xi32>
          %add3A_1275 = arith.addi %get3A_710, %add3A_1274 : vector<16xi32>
          %gather3A_1276 = tpu.vector_load_idx %arg12[%add3A_685, %add3A_1275] : memref<256x129xf32, #tpu.memory_space<vmem>>[vector<16xi32>, vector<16xi32>], vector<16xf32>,
          %add3A_1277 = arith.addf %gather3A_1276, %get3A_1225 : vector<16xf32>
          %swap3A_1278 = arith.index_cast %select_n3A_630 : i32 to index
          %swap3A_1279 = arith.index_cast %scan3A_1222 : i32 to index
          %swap3A_1280 = arith.constant 96 : index
          %swap3A_1281 = tpu.vector_load %arg14[%swap3A_1278, %swap3A_1279, %swap3A_1280] {strides = array<i32>} : memref<2x64x128xf32, #tpu.memory_space<vmem>>, vector<16xf32>,
          tpu.vector_store %arg14[%swap3A_1278, %swap3A_1279, %swap3A_1280], %add3A_1277 {strides = array<i32>} : memref<2x64x128xf32, #tpu.memory_space<vmem>>, vector<16xf32>,
          %add3A_1282 = vector.broadcast %scan3A_1222 : i32 to vector<16xi32>
          %add3A_1283 = arith.addi %get3A_713, %add3A_1282 : vector<16xi32>
          %gather3A_1284 = tpu.vector_load_idx %arg12[%add3A_689, %add3A_1283] : memref<256x129xf32, #tpu.memory_space<vmem>>[vector<16xi32>, vector<16xi32>], vector<16xf32>,
          %add3A_1285 = arith.addf %gather3A_1284, %get3A_1225 : vector<16xf32>
          %swap3A_1286 = arith.index_cast %select_n3A_630 : i32 to index
          %swap3A_1287 = arith.index_cast %scan3A_1222 : i32 to index
          %swap3A_1288 = arith.constant 112 : index
          %swap3A_1289 = tpu.vector_load %arg14[%swap3A_1286, %swap3A_1287, %swap3A_1288] {strides = array<i32>} : memref<2x64x128xf32, #tpu.memory_space<vmem>>, vector<16xf32>,
          tpu.vector_store %arg14[%swap3A_1286, %swap3A_1287, %swap3A_1288], %add3A_1285 {strides = array<i32>} : memref<2x64x128xf32, #tpu.memory_space<vmem>>, vector<16xf32>,
          %scan3A_1290 = arith.constant 8 : i32
          %scan3A_1291 = arith.addi %scan3A_740, %scan3A_1290 : i32
          %get3A_1292 = arith.index_cast %scan3A_1291 : i32 to index
          %get3A_1293 = arith.constant 0 : index
          %get3A_1294 = tpu.vector_load %arg13[%get3A_1292, %get3A_1293] {strides = array<i32>} : memref<64x16xf32, #tpu.memory_space<vmem>>, vector<16xf32>,
          %add3A_1295 = vector.broadcast %scan3A_1291 : i32 to vector<16xi32>
          %add3A_1296 = arith.addi %get3A_692, %add3A_1295 : vector<16xi32>
          %gather3A_1297 = tpu.vector_load_idx %arg12[%add3A_661, %add3A_1296] : memref<256x129xf32, #tpu.memory_space<vmem>>[vector<16xi32>, vector<16xi32>], vector<16xf32>,
          %add3A_1298 = arith.addf %gather3A_1297, %get3A_1294 : vector<16xf32>
          %swap3A_1299 = arith.index_cast %select_n3A_630 : i32 to index
          %swap3A_1300 = arith.index_cast %scan3A_1291 : i32 to index
          %swap3A_1301 = arith.constant 0 : index
          %swap3A_1302 = tpu.vector_load %arg14[%swap3A_1299, %swap3A_1300, %swap3A_1301] {strides = array<i32>} : memref<2x64x128xf32, #tpu.memory_space<vmem>>, vector<16xf32>,
          tpu.vector_store %arg14[%swap3A_1299, %swap3A_1300, %swap3A_1301], %add3A_1298 {strides = array<i32>} : memref<2x64x128xf32, #tpu.memory_space<vmem>>, vector<16xf32>,
          %add3A_1303 = vector.broadcast %scan3A_1291 : i32 to vector<16xi32>
          %add3A_1304 = arith.addi %get3A_695, %add3A_1303 : vector<16xi32>
          %gather3A_1305 = tpu.vector_load_idx %arg12[%add3A_665, %add3A_1304] : memref<256x129xf32, #tpu.memory_space<vmem>>[vector<16xi32>, vector<16xi32>], vector<16xf32>,
          %add3A_1306 = arith.addf %gather3A_1305, %get3A_1294 : vector<16xf32>
          %swap3A_1307 = arith.index_cast %select_n3A_630 : i32 to index
          %swap3A_1308 = arith.index_cast %scan3A_1291 : i32 to index
          %swap3A_1309 = arith.constant 16 : index
          %swap3A_1310 = tpu.vector_load %arg14[%swap3A_1307, %swap3A_1308, %swap3A_1309] {strides = array<i32>} : memref<2x64x128xf32, #tpu.memory_space<vmem>>, vector<16xf32>,
          tpu.vector_store %arg14[%swap3A_1307, %swap3A_1308, %swap3A_1309], %add3A_1306 {strides = array<i32>} : memref<2x64x128xf32, #tpu.memory_space<vmem>>, vector<16xf32>,
          %add3A_1311 = vector.broadcast %scan3A_1291 : i32 to vector<16xi32>
          %add3A_1312 = arith.addi %get3A_698, %add3A_1311 : vector<16xi32>
          %gather3A_1313 = tpu.vector_load_idx %arg12[%add3A_669, %add3A_1312] : memref<256x129xf32, #tpu.memory_space<vmem>>[vector<16xi32>, vector<16xi32>], vector<16xf32>,
          %add3A_1314 = arith.addf %gather3A_1313, %get3A_1294 : vector<16xf32>
          %swap3A_1315 = arith.index_cast %select_n3A_630 : i32 to index
          %swap3A_1316 = arith.index_cast %scan3A_1291 : i32 to index
          %swap3A_1317 = arith.constant 32 : index
          %swap3A_1318 = tpu.vector_load %arg14[%swap3A_1315, %swap3A_1316, %swap3A_1317] {strides = array<i32>} : memref<2x64x128xf32, #tpu.memory_space<vmem>>, vector<16xf32>,
          tpu.vector_store %arg14[%swap3A_1315, %swap3A_1316, %swap3A_1317], %add3A_1314 {strides = array<i32>} : memref<2x64x128xf32, #tpu.memory_space<vmem>>, vector<16xf32>,
          %add3A_1319 = vector.broadcast %scan3A_1291 : i32 to vector<16xi32>
          %add3A_1320 = arith.addi %get3A_701, %add3A_1319 : vector<16xi32>
          %gather3A_1321 = tpu.vector_load_idx %arg12[%add3A_673, %add3A_1320] : memref<256x129xf32, #tpu.memory_space<vmem>>[vector<16xi32>, vector<16xi32>], vector<16xf32>,
          %add3A_1322 = arith.addf %gather3A_1321, %get3A_1294 : vector<16xf32>
          %swap3A_1323 = arith.index_cast %select_n3A_630 : i32 to index
          %swap3A_1324 = arith.index_cast %scan3A_1291 : i32 to index
          %swap3A_1325 = arith.constant 48 : index
          %swap3A_1326 = tpu.vector_load %arg14[%swap3A_1323, %swap3A_1324, %swap3A_1325] {strides = array<i32>} : memref<2x64x128xf32, #tpu.memory_space<vmem>>, vector<16xf32>,
          tpu.vector_store %arg14[%swap3A_1323, %swap3A_1324, %swap3A_1325], %add3A_1322 {strides = array<i32>} : memref<2x64x128xf32, #tpu.memory_space<vmem>>, vector<16xf32>,
          %add3A_1327 = vector.broadcast %scan3A_1291 : i32 to vector<16xi32>
          %add3A_1328 = arith.addi %get3A_704, %add3A_1327 : vector<16xi32>
          %gather3A_1329 = tpu.vector_load_idx %arg12[%add3A_677, %add3A_1328] : memref<256x129xf32, #tpu.memory_space<vmem>>[vector<16xi32>, vector<16xi32>], vector<16xf32>,
          %add3A_1330 = arith.addf %gather3A_1329, %get3A_1294 : vector<16xf32>
          %swap3A_1331 = arith.index_cast %select_n3A_630 : i32 to index
          %swap3A_1332 = arith.index_cast %scan3A_1291 : i32 to index
          %swap3A_1333 = arith.constant 64 : index
          %swap3A_1334 = tpu.vector_load %arg14[%swap3A_1331, %swap3A_1332, %swap3A_1333] {strides = array<i32>} : memref<2x64x128xf32, #tpu.memory_space<vmem>>, vector<16xf32>,
          tpu.vector_store %arg14[%swap3A_1331, %swap3A_1332, %swap3A_1333], %add3A_1330 {strides = array<i32>} : memref<2x64x128xf32, #tpu.memory_space<vmem>>, vector<16xf32>,
          %add3A_1335 = vector.broadcast %scan3A_1291 : i32 to vector<16xi32>
          %add3A_1336 = arith.addi %get3A_707, %add3A_1335 : vector<16xi32>
          %gather3A_1337 = tpu.vector_load_idx %arg12[%add3A_681, %add3A_1336] : memref<256x129xf32, #tpu.memory_space<vmem>>[vector<16xi32>, vector<16xi32>], vector<16xf32>,
          %add3A_1338 = arith.addf %gather3A_1337, %get3A_1294 : vector<16xf32>
          %swap3A_1339 = arith.index_cast %select_n3A_630 : i32 to index
          %swap3A_1340 = arith.index_cast %scan3A_1291 : i32 to index
          %swap3A_1341 = arith.constant 80 : index
          %swap3A_1342 = tpu.vector_load %arg14[%swap3A_1339, %swap3A_1340, %swap3A_1341] {strides = array<i32>} : memref<2x64x128xf32, #tpu.memory_space<vmem>>, vector<16xf32>,
          tpu.vector_store %arg14[%swap3A_1339, %swap3A_1340, %swap3A_1341], %add3A_1338 {strides = array<i32>} : memref<2x64x128xf32, #tpu.memory_space<vmem>>, vector<16xf32>,
          %add3A_1343 = vector.broadcast %scan3A_1291 : i32 to vector<16xi32>
          %add3A_1344 = arith.addi %get3A_710, %add3A_1343 : vector<16xi32>
          %gather3A_1345 = tpu.vector_load_idx %arg12[%add3A_685, %add3A_1344] : memref<256x129xf32, #tpu.memory_space<vmem>>[vector<16xi32>, vector<16xi32>], vector<16xf32>,
          %add3A_1346 = arith.addf %gather3A_1345, %get3A_1294 : vector<16xf32>
          %swap3A_1347 = arith.index_cast %select_n3A_630 : i32 to index
          %swap3A_1348 = arith.index_cast %scan3A_1291 : i32 to index
          %swap3A_1349 = arith.constant 96 : index
          %swap3A_1350 = tpu.vector_load %arg14[%swap3A_1347, %swap3A_1348, %swap3A_1349] {strides = array<i32>} : memref<2x64x128xf32, #tpu.memory_space<vmem>>, vector<16xf32>,
          tpu.vector_store %arg14[%swap3A_1347, %swap3A_1348, %swap3A_1349], %add3A_1346 {strides = array<i32>} : memref<2x64x128xf32, #tpu.memory_space<vmem>>, vector<16xf32>,
          %add3A_1351 = vector.broadcast %scan3A_1291 : i32 to vector<16xi32>
          %add3A_1352 = arith.addi %get3A_713, %add3A_1351 : vector<16xi32>
          %gather3A_1353 = tpu.vector_load_idx %arg12[%add3A_689, %add3A_1352] : memref<256x129xf32, #tpu.memory_space<vmem>>[vector<16xi32>, vector<16xi32>], vector<16xf32>,
          %add3A_1354 = arith.addf %gather3A_1353, %get3A_1294 : vector<16xf32>
          %swap3A_1355 = arith.index_cast %select_n3A_630 : i32 to index
          %swap3A_1356 = arith.index_cast %scan3A_1291 : i32 to index
          %swap3A_1357 = arith.constant 112 : index
          %swap3A_1358 = tpu.vector_load %arg14[%swap3A_1355, %swap3A_1356, %swap3A_1357] {strides = array<i32>} : memref<2x64x128xf32, #tpu.memory_space<vmem>>, vector<16xf32>,
          tpu.vector_store %arg14[%swap3A_1355, %swap3A_1356, %swap3A_1357], %add3A_1354 {strides = array<i32>} : memref<2x64x128xf32, #tpu.memory_space<vmem>>, vector<16xf32>,
          %scan3A_1359 = arith.constant 9 : i32
          %scan3A_1360 = arith.addi %scan3A_740, %scan3A_1359 : i32
          %get3A_1361 = arith.index_cast %scan3A_1360 : i32 to index
          %get3A_1362 = arith.constant 0 : index
          %get3A_1363 = tpu.vector_load %arg13[%get3A_1361, %get3A_1362] {strides = array<i32>} : memref<64x16xf32, #tpu.memory_space<vmem>>, vector<16xf32>,
          %add3A_1364 = vector.broadcast %scan3A_1360 : i32 to vector<16xi32>
          %add3A_1365 = arith.addi %get3A_692, %add3A_1364 : vector<16xi32>
          %gather3A_1366 = tpu.vector_load_idx %arg12[%add3A_661, %add3A_1365] : memref<256x129xf32, #tpu.memory_space<vmem>>[vector<16xi32>, vector<16xi32>], vector<16xf32>,
          %add3A_1367 = arith.addf %gather3A_1366, %get3A_1363 : vector<16xf32>
          %swap3A_1368 = arith.index_cast %select_n3A_630 : i32 to index
          %swap3A_1369 = arith.index_cast %scan3A_1360 : i32 to index
          %swap3A_1370 = arith.constant 0 : index
          %swap3A_1371 = tpu.vector_load %arg14[%swap3A_1368, %swap3A_1369, %swap3A_1370] {strides = array<i32>} : memref<2x64x128xf32, #tpu.memory_space<vmem>>, vector<16xf32>,
          tpu.vector_store %arg14[%swap3A_1368, %swap3A_1369, %swap3A_1370], %add3A_1367 {strides = array<i32>} : memref<2x64x128xf32, #tpu.memory_space<vmem>>, vector<16xf32>,
          %add3A_1372 = vector.broadcast %scan3A_1360 : i32 to vector<16xi32>
          %add3A_1373 = arith.addi %get3A_695, %add3A_1372 : vector<16xi32>
          %gather3A_1374 = tpu.vector_load_idx %arg12[%add3A_665, %add3A_1373] : memref<256x129xf32, #tpu.memory_space<vmem>>[vector<16xi32>, vector<16xi32>], vector<16xf32>,
          %add3A_1375 = arith.addf %gather3A_1374, %get3A_1363 : vector<16xf32>
          %swap3A_1376 = arith.index_cast %select_n3A_630 : i32 to index
          %swap3A_1377 = arith.index_cast %scan3A_1360 : i32 to index
          %swap3A_1378 = arith.constant 16 : index
          %swap3A_1379 = tpu.vector_load %arg14[%swap3A_1376, %swap3A_1377, %swap3A_1378] {strides = array<i32>} : memref<2x64x128xf32, #tpu.memory_space<vmem>>, vector<16xf32>,
          tpu.vector_store %arg14[%swap3A_1376, %swap3A_1377, %swap3A_1378], %add3A_1375 {strides = array<i32>} : memref<2x64x128xf32, #tpu.memory_space<vmem>>, vector<16xf32>,
          %add3A_1380 = vector.broadcast %scan3A_1360 : i32 to vector<16xi32>
          %add3A_1381 = arith.addi %get3A_698, %add3A_1380 : vector<16xi32>
          %gather3A_1382 = tpu.vector_load_idx %arg12[%add3A_669, %add3A_1381] : memref<256x129xf32, #tpu.memory_space<vmem>>[vector<16xi32>, vector<16xi32>], vector<16xf32>,
          %add3A_1383 = arith.addf %gather3A_1382, %get3A_1363 : vector<16xf32>
          %swap3A_1384 = arith.index_cast %select_n3A_630 : i32 to index
          %swap3A_1385 = arith.index_cast %scan3A_1360 : i32 to index
          %swap3A_1386 = arith.constant 32 : index
          %swap3A_1387 = tpu.vector_load %arg14[%swap3A_1384, %swap3A_1385, %swap3A_1386] {strides = array<i32>} : memref<2x64x128xf32, #tpu.memory_space<vmem>>, vector<16xf32>,
          tpu.vector_store %arg14[%swap3A_1384, %swap3A_1385, %swap3A_1386], %add3A_1383 {strides = array<i32>} : memref<2x64x128xf32, #tpu.memory_space<vmem>>, vector<16xf32>,
          %add3A_1388 = vector.broadcast %scan3A_1360 : i32 to vector<16xi32>
          %add3A_1389 = arith.addi %get3A_701, %add3A_1388 : vector<16xi32>
          %gather3A_1390 = tpu.vector_load_idx %arg12[%add3A_673, %add3A_1389] : memref<256x129xf32, #tpu.memory_space<vmem>>[vector<16xi32>, vector<16xi32>], vector<16xf32>,
          %add3A_1391 = arith.addf %gather3A_1390, %get3A_1363 : vector<16xf32>
          %swap3A_1392 = arith.index_cast %select_n3A_630 : i32 to index
          %swap3A_1393 = arith.index_cast %scan3A_1360 : i32 to index
          %swap3A_1394 = arith.constant 48 : index
          %swap3A_1395 = tpu.vector_load %arg14[%swap3A_1392, %swap3A_1393, %swap3A_1394] {strides = array<i32>} : memref<2x64x128xf32, #tpu.memory_space<vmem>>, vector<16xf32>,
          tpu.vector_store %arg14[%swap3A_1392, %swap3A_1393, %swap3A_1394], %add3A_1391 {strides = array<i32>} : memref<2x64x128xf32, #tpu.memory_space<vmem>>, vector<16xf32>,
          %add3A_1396 = vector.broadcast %scan3A_1360 : i32 to vector<16xi32>
          %add3A_1397 = arith.addi %get3A_704, %add3A_1396 : vector<16xi32>
          %gather3A_1398 = tpu.vector_load_idx %arg12[%add3A_677, %add3A_1397] : memref<256x129xf32, #tpu.memory_space<vmem>>[vector<16xi32>, vector<16xi32>], vector<16xf32>,
          %add3A_1399 = arith.addf %gather3A_1398, %get3A_1363 : vector<16xf32>
          %swap3A_1400 = arith.index_cast %select_n3A_630 : i32 to index
          %swap3A_1401 = arith.index_cast %scan3A_1360 : i32 to index
          %swap3A_1402 = arith.constant 64 : index
          %swap3A_1403 = tpu.vector_load %arg14[%swap3A_1400, %swap3A_1401, %swap3A_1402] {strides = array<i32>} : memref<2x64x128xf32, #tpu.memory_space<vmem>>, vector<16xf32>,
          tpu.vector_store %arg14[%swap3A_1400, %swap3A_1401, %swap3A_1402], %add3A_1399 {strides = array<i32>} : memref<2x64x128xf32, #tpu.memory_space<vmem>>, vector<16xf32>,
          %add3A_1404 = vector.broadcast %scan3A_1360 : i32 to vector<16xi32>
          %add3A_1405 = arith.addi %get3A_707, %add3A_1404 : vector<16xi32>
          %gather3A_1406 = tpu.vector_load_idx %arg12[%add3A_681, %add3A_1405] : memref<256x129xf32, #tpu.memory_space<vmem>>[vector<16xi32>, vector<16xi32>], vector<16xf32>,
          %add3A_1407 = arith.addf %gather3A_1406, %get3A_1363 : vector<16xf32>
          %swap3A_1408 = arith.index_cast %select_n3A_630 : i32 to index
          %swap3A_1409 = arith.index_cast %scan3A_1360 : i32 to index
          %swap3A_1410 = arith.constant 80 : index
          %swap3A_1411 = tpu.vector_load %arg14[%swap3A_1408, %swap3A_1409, %swap3A_1410] {strides = array<i32>} : memref<2x64x128xf32, #tpu.memory_space<vmem>>, vector<16xf32>,
          tpu.vector_store %arg14[%swap3A_1408, %swap3A_1409, %swap3A_1410], %add3A_1407 {strides = array<i32>} : memref<2x64x128xf32, #tpu.memory_space<vmem>>, vector<16xf32>,
          %add3A_1412 = vector.broadcast %scan3A_1360 : i32 to vector<16xi32>
          %add3A_1413 = arith.addi %get3A_710, %add3A_1412 : vector<16xi32>
          %gather3A_1414 = tpu.vector_load_idx %arg12[%add3A_685, %add3A_1413] : memref<256x129xf32, #tpu.memory_space<vmem>>[vector<16xi32>, vector<16xi32>], vector<16xf32>,
          %add3A_1415 = arith.addf %gather3A_1414, %get3A_1363 : vector<16xf32>
          %swap3A_1416 = arith.index_cast %select_n3A_630 : i32 to index
          %swap3A_1417 = arith.index_cast %scan3A_1360 : i32 to index
          %swap3A_1418 = arith.constant 96 : index
          %swap3A_1419 = tpu.vector_load %arg14[%swap3A_1416, %swap3A_1417, %swap3A_1418] {strides = array<i32>} : memref<2x64x128xf32, #tpu.memory_space<vmem>>, vector<16xf32>,
          tpu.vector_store %arg14[%swap3A_1416, %swap3A_1417, %swap3A_1418], %add3A_1415 {strides = array<i32>} : memref<2x64x128xf32, #tpu.memory_space<vmem>>, vector<16xf32>,
          %add3A_1420 = vector.broadcast %scan3A_1360 : i32 to vector<16xi32>
          %add3A_1421 = arith.addi %get3A_713, %add3A_1420 : vector<16xi32>
          %gather3A_1422 = tpu.vector_load_idx %arg12[%add3A_689, %add3A_1421] : memref<256x129xf32, #tpu.memory_space<vmem>>[vector<16xi32>, vector<16xi32>], vector<16xf32>,
          %add3A_1423 = arith.addf %gather3A_1422, %get3A_1363 : vector<16xf32>
          %swap3A_1424 = arith.index_cast %select_n3A_630 : i32 to index
          %swap3A_1425 = arith.index_cast %scan3A_1360 : i32 to index
          %swap3A_1426 = arith.constant 112 : index
          %swap3A_1427 = tpu.vector_load %arg14[%swap3A_1424, %swap3A_1425, %swap3A_1426] {strides = array<i32>} : memref<2x64x128xf32, #tpu.memory_space<vmem>>, vector<16xf32>,
          tpu.vector_store %arg14[%swap3A_1424, %swap3A_1425, %swap3A_1426], %add3A_1423 {strides = array<i32>} : memref<2x64x128xf32, #tpu.memory_space<vmem>>, vector<16xf32>,
          %scan3A_1428 = arith.constant 10 : i32
          %scan3A_1429 = arith.addi %scan3A_740, %scan3A_1428 : i32
          %get3A_1430 = arith.index_cast %scan3A_1429 : i32 to index
          %get3A_1431 = arith.constant 0 : index
          %get3A_1432 = tpu.vector_load %arg13[%get3A_1430, %get3A_1431] {strides = array<i32>} : memref<64x16xf32, #tpu.memory_space<vmem>>, vector<16xf32>,
          %add3A_1433 = vector.broadcast %scan3A_1429 : i32 to vector<16xi32>
          %add3A_1434 = arith.addi %get3A_692, %add3A_1433 : vector<16xi32>
          %gather3A_1435 = tpu.vector_load_idx %arg12[%add3A_661, %add3A_1434] : memref<256x129xf32, #tpu.memory_space<vmem>>[vector<16xi32>, vector<16xi32>], vector<16xf32>,
          %add3A_1436 = arith.addf %gather3A_1435, %get3A_1432 : vector<16xf32>
          %swap3A_1437 = arith.index_cast %select_n3A_630 : i32 to index
          %swap3A_1438 = arith.index_cast %scan3A_1429 : i32 to index
          %swap3A_1439 = arith.constant 0 : index
          %swap3A_1440 = tpu.vector_load %arg14[%swap3A_1437, %swap3A_1438, %swap3A_1439] {strides = array<i32>} : memref<2x64x128xf32, #tpu.memory_space<vmem>>, vector<16xf32>,
          tpu.vector_store %arg14[%swap3A_1437, %swap3A_1438, %swap3A_1439], %add3A_1436 {strides = array<i32>} : memref<2x64x128xf32, #tpu.memory_space<vmem>>, vector<16xf32>,
          %add3A_1441 = vector.broadcast %scan3A_1429 : i32 to vector<16xi32>
          %add3A_1442 = arith.addi %get3A_695, %add3A_1441 : vector<16xi32>
          %gather3A_1443 = tpu.vector_load_idx %arg12[%add3A_665, %add3A_1442] : memref<256x129xf32, #tpu.memory_space<vmem>>[vector<16xi32>, vector<16xi32>], vector<16xf32>,
          %add3A_1444 = arith.addf %gather3A_1443, %get3A_1432 : vector<16xf32>
          %swap3A_1445 = arith.index_cast %select_n3A_630 : i32 to index
          %swap3A_1446 = arith.index_cast %scan3A_1429 : i32 to index
          %swap3A_1447 = arith.constant 16 : index
          %swap3A_1448 = tpu.vector_load %arg14[%swap3A_1445, %swap3A_1446, %swap3A_1447] {strides = array<i32>} : memref<2x64x128xf32, #tpu.memory_space<vmem>>, vector<16xf32>,
          tpu.vector_store %arg14[%swap3A_1445, %swap3A_1446, %swap3A_1447], %add3A_1444 {strides = array<i32>} : memref<2x64x128xf32, #tpu.memory_space<vmem>>, vector<16xf32>,
          %add3A_1449 = vector.broadcast %scan3A_1429 : i32 to vector<16xi32>
          %add3A_1450 = arith.addi %get3A_698, %add3A_1449 : vector<16xi32>
          %gather3A_1451 = tpu.vector_load_idx %arg12[%add3A_669, %add3A_1450] : memref<256x129xf32, #tpu.memory_space<vmem>>[vector<16xi32>, vector<16xi32>], vector<16xf32>,
          %add3A_1452 = arith.addf %gather3A_1451, %get3A_1432 : vector<16xf32>
          %swap3A_1453 = arith.index_cast %select_n3A_630 : i32 to index
          %swap3A_1454 = arith.index_cast %scan3A_1429 : i32 to index
          %swap3A_1455 = arith.constant 32 : index
          %swap3A_1456 = tpu.vector_load %arg14[%swap3A_1453, %swap3A_1454, %swap3A_1455] {strides = array<i32>} : memref<2x64x128xf32, #tpu.memory_space<vmem>>, vector<16xf32>,
          tpu.vector_store %arg14[%swap3A_1453, %swap3A_1454, %swap3A_1455], %add3A_1452 {strides = array<i32>} : memref<2x64x128xf32, #tpu.memory_space<vmem>>, vector<16xf32>,
          %add3A_1457 = vector.broadcast %scan3A_1429 : i32 to vector<16xi32>
          %add3A_1458 = arith.addi %get3A_701, %add3A_1457 : vector<16xi32>
          %gather3A_1459 = tpu.vector_load_idx %arg12[%add3A_673, %add3A_1458] : memref<256x129xf32, #tpu.memory_space<vmem>>[vector<16xi32>, vector<16xi32>], vector<16xf32>,
          %add3A_1460 = arith.addf %gather3A_1459, %get3A_1432 : vector<16xf32>
          %swap3A_1461 = arith.index_cast %select_n3A_630 : i32 to index
          %swap3A_1462 = arith.index_cast %scan3A_1429 : i32 to index
          %swap3A_1463 = arith.constant 48 : index
          %swap3A_1464 = tpu.vector_load %arg14[%swap3A_1461, %swap3A_1462, %swap3A_1463] {strides = array<i32>} : memref<2x64x128xf32, #tpu.memory_space<vmem>>, vector<16xf32>,
          tpu.vector_store %arg14[%swap3A_1461, %swap3A_1462, %swap3A_1463], %add3A_1460 {strides = array<i32>} : memref<2x64x128xf32, #tpu.memory_space<vmem>>, vector<16xf32>,
          %add3A_1465 = vector.broadcast %scan3A_1429 : i32 to vector<16xi32>
          %add3A_1466 = arith.addi %get3A_704, %add3A_1465 : vector<16xi32>
          %gather3A_1467 = tpu.vector_load_idx %arg12[%add3A_677, %add3A_1466] : memref<256x129xf32, #tpu.memory_space<vmem>>[vector<16xi32>, vector<16xi32>], vector<16xf32>,
          %add3A_1468 = arith.addf %gather3A_1467, %get3A_1432 : vector<16xf32>
          %swap3A_1469 = arith.index_cast %select_n3A_630 : i32 to index
          %swap3A_1470 = arith.index_cast %scan3A_1429 : i32 to index
          %swap3A_1471 = arith.constant 64 : index
          %swap3A_1472 = tpu.vector_load %arg14[%swap3A_1469, %swap3A_1470, %swap3A_1471] {strides = array<i32>} : memref<2x64x128xf32, #tpu.memory_space<vmem>>, vector<16xf32>,
          tpu.vector_store %arg14[%swap3A_1469, %swap3A_1470, %swap3A_1471], %add3A_1468 {strides = array<i32>} : memref<2x64x128xf32, #tpu.memory_space<vmem>>, vector<16xf32>,
          %add3A_1473 = vector.broadcast %scan3A_1429 : i32 to vector<16xi32>
          %add3A_1474 = arith.addi %get3A_707, %add3A_1473 : vector<16xi32>
          %gather3A_1475 = tpu.vector_load_idx %arg12[%add3A_681, %add3A_1474] : memref<256x129xf32, #tpu.memory_space<vmem>>[vector<16xi32>, vector<16xi32>], vector<16xf32>,
          %add3A_1476 = arith.addf %gather3A_1475, %get3A_1432 : vector<16xf32>
          %swap3A_1477 = arith.index_cast %select_n3A_630 : i32 to index
          %swap3A_1478 = arith.index_cast %scan3A_1429 : i32 to index
          %swap3A_1479 = arith.constant 80 : index
          %swap3A_1480 = tpu.vector_load %arg14[%swap3A_1477, %swap3A_1478, %swap3A_1479] {strides = array<i32>} : memref<2x64x128xf32, #tpu.memory_space<vmem>>, vector<16xf32>,
          tpu.vector_store %arg14[%swap3A_1477, %swap3A_1478, %swap3A_1479], %add3A_1476 {strides = array<i32>} : memref<2x64x128xf32, #tpu.memory_space<vmem>>, vector<16xf32>,
          %add3A_1481 = vector.broadcast %scan3A_1429 : i32 to vector<16xi32>
          %add3A_1482 = arith.addi %get3A_710, %add3A_1481 : vector<16xi32>
          %gather3A_1483 = tpu.vector_load_idx %arg12[%add3A_685, %add3A_1482] : memref<256x129xf32, #tpu.memory_space<vmem>>[vector<16xi32>, vector<16xi32>], vector<16xf32>,
          %add3A_1484 = arith.addf %gather3A_1483, %get3A_1432 : vector<16xf32>
          %swap3A_1485 = arith.index_cast %select_n3A_630 : i32 to index
          %swap3A_1486 = arith.index_cast %scan3A_1429 : i32 to index
          %swap3A_1487 = arith.constant 96 : index
          %swap3A_1488 = tpu.vector_load %arg14[%swap3A_1485, %swap3A_1486, %swap3A_1487] {strides = array<i32>} : memref<2x64x128xf32, #tpu.memory_space<vmem>>, vector<16xf32>,
          tpu.vector_store %arg14[%swap3A_1485, %swap3A_1486, %swap3A_1487], %add3A_1484 {strides = array<i32>} : memref<2x64x128xf32, #tpu.memory_space<vmem>>, vector<16xf32>,
          %add3A_1489 = vector.broadcast %scan3A_1429 : i32 to vector<16xi32>
          %add3A_1490 = arith.addi %get3A_713, %add3A_1489 : vector<16xi32>
          %gather3A_1491 = tpu.vector_load_idx %arg12[%add3A_689, %add3A_1490] : memref<256x129xf32, #tpu.memory_space<vmem>>[vector<16xi32>, vector<16xi32>], vector<16xf32>,
          %add3A_1492 = arith.addf %gather3A_1491, %get3A_1432 : vector<16xf32>
          %swap3A_1493 = arith.index_cast %select_n3A_630 : i32 to index
          %swap3A_1494 = arith.index_cast %scan3A_1429 : i32 to index
          %swap3A_1495 = arith.constant 112 : index
          %swap3A_1496 = tpu.vector_load %arg14[%swap3A_1493, %swap3A_1494, %swap3A_1495] {strides = array<i32>} : memref<2x64x128xf32, #tpu.memory_space<vmem>>, vector<16xf32>,
          tpu.vector_store %arg14[%swap3A_1493, %swap3A_1494, %swap3A_1495], %add3A_1492 {strides = array<i32>} : memref<2x64x128xf32, #tpu.memory_space<vmem>>, vector<16xf32>,
          %scan3A_1497 = arith.constant 11 : i32
          %scan3A_1498 = arith.addi %scan3A_740, %scan3A_1497 : i32
          %get3A_1499 = arith.index_cast %scan3A_1498 : i32 to index
          %get3A_1500 = arith.constant 0 : index
          %get3A_1501 = tpu.vector_load %arg13[%get3A_1499, %get3A_1500] {strides = array<i32>} : memref<64x16xf32, #tpu.memory_space<vmem>>, vector<16xf32>,
          %add3A_1502 = vector.broadcast %scan3A_1498 : i32 to vector<16xi32>
          %add3A_1503 = arith.addi %get3A_692, %add3A_1502 : vector<16xi32>
          %gather3A_1504 = tpu.vector_load_idx %arg12[%add3A_661, %add3A_1503] : memref<256x129xf32, #tpu.memory_space<vmem>>[vector<16xi32>, vector<16xi32>], vector<16xf32>,
          %add3A_1505 = arith.addf %gather3A_1504, %get3A_1501 : vector<16xf32>
          %swap3A_1506 = arith.index_cast %select_n3A_630 : i32 to index
          %swap3A_1507 = arith.index_cast %scan3A_1498 : i32 to index
          %swap3A_1508 = arith.constant 0 : index
          %swap3A_1509 = tpu.vector_load %arg14[%swap3A_1506, %swap3A_1507, %swap3A_1508] {strides = array<i32>} : memref<2x64x128xf32, #tpu.memory_space<vmem>>, vector<16xf32>,
          tpu.vector_store %arg14[%swap3A_1506, %swap3A_1507, %swap3A_1508], %add3A_1505 {strides = array<i32>} : memref<2x64x128xf32, #tpu.memory_space<vmem>>, vector<16xf32>,
          %add3A_1510 = vector.broadcast %scan3A_1498 : i32 to vector<16xi32>
          %add3A_1511 = arith.addi %get3A_695, %add3A_1510 : vector<16xi32>
          %gather3A_1512 = tpu.vector_load_idx %arg12[%add3A_665, %add3A_1511] : memref<256x129xf32, #tpu.memory_space<vmem>>[vector<16xi32>, vector<16xi32>], vector<16xf32>,
          %add3A_1513 = arith.addf %gather3A_1512, %get3A_1501 : vector<16xf32>
          %swap3A_1514 = arith.index_cast %select_n3A_630 : i32 to index
          %swap3A_1515 = arith.index_cast %scan3A_1498 : i32 to index
          %swap3A_1516 = arith.constant 16 : index
          %swap3A_1517 = tpu.vector_load %arg14[%swap3A_1514, %swap3A_1515, %swap3A_1516] {strides = array<i32>} : memref<2x64x128xf32, #tpu.memory_space<vmem>>, vector<16xf32>,
          tpu.vector_store %arg14[%swap3A_1514, %swap3A_1515, %swap3A_1516], %add3A_1513 {strides = array<i32>} : memref<2x64x128xf32, #tpu.memory_space<vmem>>, vector<16xf32>,
          %add3A_1518 = vector.broadcast %scan3A_1498 : i32 to vector<16xi32>
          %add3A_1519 = arith.addi %get3A_698, %add3A_1518 : vector<16xi32>
          %gather3A_1520 = tpu.vector_load_idx %arg12[%add3A_669, %add3A_1519] : memref<256x129xf32, #tpu.memory_space<vmem>>[vector<16xi32>, vector<16xi32>], vector<16xf32>,
          %add3A_1521 = arith.addf %gather3A_1520, %get3A_1501 : vector<16xf32>
          %swap3A_1522 = arith.index_cast %select_n3A_630 : i32 to index
          %swap3A_1523 = arith.index_cast %scan3A_1498 : i32 to index
          %swap3A_1524 = arith.constant 32 : index
          %swap3A_1525 = tpu.vector_load %arg14[%swap3A_1522, %swap3A_1523, %swap3A_1524] {strides = array<i32>} : memref<2x64x128xf32, #tpu.memory_space<vmem>>, vector<16xf32>,
          tpu.vector_store %arg14[%swap3A_1522, %swap3A_1523, %swap3A_1524], %add3A_1521 {strides = array<i32>} : memref<2x64x128xf32, #tpu.memory_space<vmem>>, vector<16xf32>,
          %add3A_1526 = vector.broadcast %scan3A_1498 : i32 to vector<16xi32>
          %add3A_1527 = arith.addi %get3A_701, %add3A_1526 : vector<16xi32>
          %gather3A_1528 = tpu.vector_load_idx %arg12[%add3A_673, %add3A_1527] : memref<256x129xf32, #tpu.memory_space<vmem>>[vector<16xi32>, vector<16xi32>], vector<16xf32>,
          %add3A_1529 = arith.addf %gather3A_1528, %get3A_1501 : vector<16xf32>
          %swap3A_1530 = arith.index_cast %select_n3A_630 : i32 to index
          %swap3A_1531 = arith.index_cast %scan3A_1498 : i32 to index
          %swap3A_1532 = arith.constant 48 : index
          %swap3A_1533 = tpu.vector_load %arg14[%swap3A_1530, %swap3A_1531, %swap3A_1532] {strides = array<i32>} : memref<2x64x128xf32, #tpu.memory_space<vmem>>, vector<16xf32>,
          tpu.vector_store %arg14[%swap3A_1530, %swap3A_1531, %swap3A_1532], %add3A_1529 {strides = array<i32>} : memref<2x64x128xf32, #tpu.memory_space<vmem>>, vector<16xf32>,
          %add3A_1534 = vector.broadcast %scan3A_1498 : i32 to vector<16xi32>
          %add3A_1535 = arith.addi %get3A_704, %add3A_1534 : vector<16xi32>
          %gather3A_1536 = tpu.vector_load_idx %arg12[%add3A_677, %add3A_1535] : memref<256x129xf32, #tpu.memory_space<vmem>>[vector<16xi32>, vector<16xi32>], vector<16xf32>,
          %add3A_1537 = arith.addf %gather3A_1536, %get3A_1501 : vector<16xf32>
          %swap3A_1538 = arith.index_cast %select_n3A_630 : i32 to index
          %swap3A_1539 = arith.index_cast %scan3A_1498 : i32 to index
          %swap3A_1540 = arith.constant 64 : index
          %swap3A_1541 = tpu.vector_load %arg14[%swap3A_1538, %swap3A_1539, %swap3A_1540] {strides = array<i32>} : memref<2x64x128xf32, #tpu.memory_space<vmem>>, vector<16xf32>,
          tpu.vector_store %arg14[%swap3A_1538, %swap3A_1539, %swap3A_1540], %add3A_1537 {strides = array<i32>} : memref<2x64x128xf32, #tpu.memory_space<vmem>>, vector<16xf32>,
          %add3A_1542 = vector.broadcast %scan3A_1498 : i32 to vector<16xi32>
          %add3A_1543 = arith.addi %get3A_707, %add3A_1542 : vector<16xi32>
          %gather3A_1544 = tpu.vector_load_idx %arg12[%add3A_681, %add3A_1543] : memref<256x129xf32, #tpu.memory_space<vmem>>[vector<16xi32>, vector<16xi32>], vector<16xf32>,
          %add3A_1545 = arith.addf %gather3A_1544, %get3A_1501 : vector<16xf32>
          %swap3A_1546 = arith.index_cast %select_n3A_630 : i32 to index
          %swap3A_1547 = arith.index_cast %scan3A_1498 : i32 to index
          %swap3A_1548 = arith.constant 80 : index
          %swap3A_1549 = tpu.vector_load %arg14[%swap3A_1546, %swap3A_1547, %swap3A_1548] {strides = array<i32>} : memref<2x64x128xf32, #tpu.memory_space<vmem>>, vector<16xf32>,
          tpu.vector_store %arg14[%swap3A_1546, %swap3A_1547, %swap3A_1548], %add3A_1545 {strides = array<i32>} : memref<2x64x128xf32, #tpu.memory_space<vmem>>, vector<16xf32>,
          %add3A_1550 = vector.broadcast %scan3A_1498 : i32 to vector<16xi32>
          %add3A_1551 = arith.addi %get3A_710, %add3A_1550 : vector<16xi32>
          %gather3A_1552 = tpu.vector_load_idx %arg12[%add3A_685, %add3A_1551] : memref<256x129xf32, #tpu.memory_space<vmem>>[vector<16xi32>, vector<16xi32>], vector<16xf32>,
          %add3A_1553 = arith.addf %gather3A_1552, %get3A_1501 : vector<16xf32>
          %swap3A_1554 = arith.index_cast %select_n3A_630 : i32 to index
          %swap3A_1555 = arith.index_cast %scan3A_1498 : i32 to index
          %swap3A_1556 = arith.constant 96 : index
          %swap3A_1557 = tpu.vector_load %arg14[%swap3A_1554, %swap3A_1555, %swap3A_1556] {strides = array<i32>} : memref<2x64x128xf32, #tpu.memory_space<vmem>>, vector<16xf32>,
          tpu.vector_store %arg14[%swap3A_1554, %swap3A_1555, %swap3A_1556], %add3A_1553 {strides = array<i32>} : memref<2x64x128xf32, #tpu.memory_space<vmem>>, vector<16xf32>,
          %add3A_1558 = vector.broadcast %scan3A_1498 : i32 to vector<16xi32>
          %add3A_1559 = arith.addi %get3A_713, %add3A_1558 : vector<16xi32>
          %gather3A_1560 = tpu.vector_load_idx %arg12[%add3A_689, %add3A_1559] : memref<256x129xf32, #tpu.memory_space<vmem>>[vector<16xi32>, vector<16xi32>], vector<16xf32>,
          %add3A_1561 = arith.addf %gather3A_1560, %get3A_1501 : vector<16xf32>
          %swap3A_1562 = arith.index_cast %select_n3A_630 : i32 to index
          %swap3A_1563 = arith.index_cast %scan3A_1498 : i32 to index
          %swap3A_1564 = arith.constant 112 : index
          %swap3A_1565 = tpu.vector_load %arg14[%swap3A_1562, %swap3A_1563, %swap3A_1564] {strides = array<i32>} : memref<2x64x128xf32, #tpu.memory_space<vmem>>, vector<16xf32>,
          tpu.vector_store %arg14[%swap3A_1562, %swap3A_1563, %swap3A_1564], %add3A_1561 {strides = array<i32>} : memref<2x64x128xf32, #tpu.memory_space<vmem>>, vector<16xf32>,
          %scan3A_1566 = arith.constant 12 : i32
          %scan3A_1567 = arith.addi %scan3A_740, %scan3A_1566 : i32
          %get3A_1568 = arith.index_cast %scan3A_1567 : i32 to index
          %get3A_1569 = arith.constant 0 : index
          %get3A_1570 = tpu.vector_load %arg13[%get3A_1568, %get3A_1569] {strides = array<i32>} : memref<64x16xf32, #tpu.memory_space<vmem>>, vector<16xf32>,
          %add3A_1571 = vector.broadcast %scan3A_1567 : i32 to vector<16xi32>
          %add3A_1572 = arith.addi %get3A_692, %add3A_1571 : vector<16xi32>
          %gather3A_1573 = tpu.vector_load_idx %arg12[%add3A_661, %add3A_1572] : memref<256x129xf32, #tpu.memory_space<vmem>>[vector<16xi32>, vector<16xi32>], vector<16xf32>,
          %add3A_1574 = arith.addf %gather3A_1573, %get3A_1570 : vector<16xf32>
          %swap3A_1575 = arith.index_cast %select_n3A_630 : i32 to index
          %swap3A_1576 = arith.index_cast %scan3A_1567 : i32 to index
          %swap3A_1577 = arith.constant 0 : index
          %swap3A_1578 = tpu.vector_load %arg14[%swap3A_1575, %swap3A_1576, %swap3A_1577] {strides = array<i32>} : memref<2x64x128xf32, #tpu.memory_space<vmem>>, vector<16xf32>,
          tpu.vector_store %arg14[%swap3A_1575, %swap3A_1576, %swap3A_1577], %add3A_1574 {strides = array<i32>} : memref<2x64x128xf32, #tpu.memory_space<vmem>>, vector<16xf32>,
          %add3A_1579 = vector.broadcast %scan3A_1567 : i32 to vector<16xi32>
          %add3A_1580 = arith.addi %get3A_695, %add3A_1579 : vector<16xi32>
          %gather3A_1581 = tpu.vector_load_idx %arg12[%add3A_665, %add3A_1580] : memref<256x129xf32, #tpu.memory_space<vmem>>[vector<16xi32>, vector<16xi32>], vector<16xf32>,
          %add3A_1582 = arith.addf %gather3A_1581, %get3A_1570 : vector<16xf32>
          %swap3A_1583 = arith.index_cast %select_n3A_630 : i32 to index
          %swap3A_1584 = arith.index_cast %scan3A_1567 : i32 to index
          %swap3A_1585 = arith.constant 16 : index
          %swap3A_1586 = tpu.vector_load %arg14[%swap3A_1583, %swap3A_1584, %swap3A_1585] {strides = array<i32>} : memref<2x64x128xf32, #tpu.memory_space<vmem>>, vector<16xf32>,
          tpu.vector_store %arg14[%swap3A_1583, %swap3A_1584, %swap3A_1585], %add3A_1582 {strides = array<i32>} : memref<2x64x128xf32, #tpu.memory_space<vmem>>, vector<16xf32>,
          %add3A_1587 = vector.broadcast %scan3A_1567 : i32 to vector<16xi32>
          %add3A_1588 = arith.addi %get3A_698, %add3A_1587 : vector<16xi32>
          %gather3A_1589 = tpu.vector_load_idx %arg12[%add3A_669, %add3A_1588] : memref<256x129xf32, #tpu.memory_space<vmem>>[vector<16xi32>, vector<16xi32>], vector<16xf32>,
          %add3A_1590 = arith.addf %gather3A_1589, %get3A_1570 : vector<16xf32>
          %swap3A_1591 = arith.index_cast %select_n3A_630 : i32 to index
          %swap3A_1592 = arith.index_cast %scan3A_1567 : i32 to index
          %swap3A_1593 = arith.constant 32 : index
          %swap3A_1594 = tpu.vector_load %arg14[%swap3A_1591, %swap3A_1592, %swap3A_1593] {strides = array<i32>} : memref<2x64x128xf32, #tpu.memory_space<vmem>>, vector<16xf32>,
          tpu.vector_store %arg14[%swap3A_1591, %swap3A_1592, %swap3A_1593], %add3A_1590 {strides = array<i32>} : memref<2x64x128xf32, #tpu.memory_space<vmem>>, vector<16xf32>,
          %add3A_1595 = vector.broadcast %scan3A_1567 : i32 to vector<16xi32>
          %add3A_1596 = arith.addi %get3A_701, %add3A_1595 : vector<16xi32>
          %gather3A_1597 = tpu.vector_load_idx %arg12[%add3A_673, %add3A_1596] : memref<256x129xf32, #tpu.memory_space<vmem>>[vector<16xi32>, vector<16xi32>], vector<16xf32>,
          %add3A_1598 = arith.addf %gather3A_1597, %get3A_1570 : vector<16xf32>
          %swap3A_1599 = arith.index_cast %select_n3A_630 : i32 to index
          %swap3A_1600 = arith.index_cast %scan3A_1567 : i32 to index
          %swap3A_1601 = arith.constant 48 : index
          %swap3A_1602 = tpu.vector_load %arg14[%swap3A_1599, %swap3A_1600, %swap3A_1601] {strides = array<i32>} : memref<2x64x128xf32, #tpu.memory_space<vmem>>, vector<16xf32>,
          tpu.vector_store %arg14[%swap3A_1599, %swap3A_1600, %swap3A_1601], %add3A_1598 {strides = array<i32>} : memref<2x64x128xf32, #tpu.memory_space<vmem>>, vector<16xf32>,
          %add3A_1603 = vector.broadcast %scan3A_1567 : i32 to vector<16xi32>
          %add3A_1604 = arith.addi %get3A_704, %add3A_1603 : vector<16xi32>
          %gather3A_1605 = tpu.vector_load_idx %arg12[%add3A_677, %add3A_1604] : memref<256x129xf32, #tpu.memory_space<vmem>>[vector<16xi32>, vector<16xi32>], vector<16xf32>,
          %add3A_1606 = arith.addf %gather3A_1605, %get3A_1570 : vector<16xf32>
          %swap3A_1607 = arith.index_cast %select_n3A_630 : i32 to index
          %swap3A_1608 = arith.index_cast %scan3A_1567 : i32 to index
          %swap3A_1609 = arith.constant 64 : index
          %swap3A_1610 = tpu.vector_load %arg14[%swap3A_1607, %swap3A_1608, %swap3A_1609] {strides = array<i32>} : memref<2x64x128xf32, #tpu.memory_space<vmem>>, vector<16xf32>,
          tpu.vector_store %arg14[%swap3A_1607, %swap3A_1608, %swap3A_1609], %add3A_1606 {strides = array<i32>} : memref<2x64x128xf32, #tpu.memory_space<vmem>>, vector<16xf32>,
          %add3A_1611 = vector.broadcast %scan3A_1567 : i32 to vector<16xi32>
          %add3A_1612 = arith.addi %get3A_707, %add3A_1611 : vector<16xi32>
          %gather3A_1613 = tpu.vector_load_idx %arg12[%add3A_681, %add3A_1612] : memref<256x129xf32, #tpu.memory_space<vmem>>[vector<16xi32>, vector<16xi32>], vector<16xf32>,
          %add3A_1614 = arith.addf %gather3A_1613, %get3A_1570 : vector<16xf32>
          %swap3A_1615 = arith.index_cast %select_n3A_630 : i32 to index
          %swap3A_1616 = arith.index_cast %scan3A_1567 : i32 to index
          %swap3A_1617 = arith.constant 80 : index
          %swap3A_1618 = tpu.vector_load %arg14[%swap3A_1615, %swap3A_1616, %swap3A_1617] {strides = array<i32>} : memref<2x64x128xf32, #tpu.memory_space<vmem>>, vector<16xf32>,
          tpu.vector_store %arg14[%swap3A_1615, %swap3A_1616, %swap3A_1617], %add3A_1614 {strides = array<i32>} : memref<2x64x128xf32, #tpu.memory_space<vmem>>, vector<16xf32>,
          %add3A_1619 = vector.broadcast %scan3A_1567 : i32 to vector<16xi32>
          %add3A_1620 = arith.addi %get3A_710, %add3A_1619 : vector<16xi32>
          %gather3A_1621 = tpu.vector_load_idx %arg12[%add3A_685, %add3A_1620] : memref<256x129xf32, #tpu.memory_space<vmem>>[vector<16xi32>, vector<16xi32>], vector<16xf32>,
          %add3A_1622 = arith.addf %gather3A_1621, %get3A_1570 : vector<16xf32>
          %swap3A_1623 = arith.index_cast %select_n3A_630 : i32 to index
          %swap3A_1624 = arith.index_cast %scan3A_1567 : i32 to index
          %swap3A_1625 = arith.constant 96 : index
          %swap3A_1626 = tpu.vector_load %arg14[%swap3A_1623, %swap3A_1624, %swap3A_1625] {strides = array<i32>} : memref<2x64x128xf32, #tpu.memory_space<vmem>>, vector<16xf32>,
          tpu.vector_store %arg14[%swap3A_1623, %swap3A_1624, %swap3A_1625], %add3A_1622 {strides = array<i32>} : memref<2x64x128xf32, #tpu.memory_space<vmem>>, vector<16xf32>,
          %add3A_1627 = vector.broadcast %scan3A_1567 : i32 to vector<16xi32>
          %add3A_1628 = arith.addi %get3A_713, %add3A_1627 : vector<16xi32>
          %gather3A_1629 = tpu.vector_load_idx %arg12[%add3A_689, %add3A_1628] : memref<256x129xf32, #tpu.memory_space<vmem>>[vector<16xi32>, vector<16xi32>], vector<16xf32>,
          %add3A_1630 = arith.addf %gather3A_1629, %get3A_1570 : vector<16xf32>
          %swap3A_1631 = arith.index_cast %select_n3A_630 : i32 to index
          %swap3A_1632 = arith.index_cast %scan3A_1567 : i32 to index
          %swap3A_1633 = arith.constant 112 : index
          %swap3A_1634 = tpu.vector_load %arg14[%swap3A_1631, %swap3A_1632, %swap3A_1633] {strides = array<i32>} : memref<2x64x128xf32, #tpu.memory_space<vmem>>, vector<16xf32>,
          tpu.vector_store %arg14[%swap3A_1631, %swap3A_1632, %swap3A_1633], %add3A_1630 {strides = array<i32>} : memref<2x64x128xf32, #tpu.memory_space<vmem>>, vector<16xf32>,
          %scan3A_1635 = arith.constant 13 : i32
          %scan3A_1636 = arith.addi %scan3A_740, %scan3A_1635 : i32
          %get3A_1637 = arith.index_cast %scan3A_1636 : i32 to index
          %get3A_1638 = arith.constant 0 : index
          %get3A_1639 = tpu.vector_load %arg13[%get3A_1637, %get3A_1638] {strides = array<i32>} : memref<64x16xf32, #tpu.memory_space<vmem>>, vector<16xf32>,
          %add3A_1640 = vector.broadcast %scan3A_1636 : i32 to vector<16xi32>
          %add3A_1641 = arith.addi %get3A_692, %add3A_1640 : vector<16xi32>
          %gather3A_1642 = tpu.vector_load_idx %arg12[%add3A_661, %add3A_1641] : memref<256x129xf32, #tpu.memory_space<vmem>>[vector<16xi32>, vector<16xi32>], vector<16xf32>,
          %add3A_1643 = arith.addf %gather3A_1642, %get3A_1639 : vector<16xf32>
          %swap3A_1644 = arith.index_cast %select_n3A_630 : i32 to index
          %swap3A_1645 = arith.index_cast %scan3A_1636 : i32 to index
          %swap3A_1646 = arith.constant 0 : index
          %swap3A_1647 = tpu.vector_load %arg14[%swap3A_1644, %swap3A_1645, %swap3A_1646] {strides = array<i32>} : memref<2x64x128xf32, #tpu.memory_space<vmem>>, vector<16xf32>,
          tpu.vector_store %arg14[%swap3A_1644, %swap3A_1645, %swap3A_1646], %add3A_1643 {strides = array<i32>} : memref<2x64x128xf32, #tpu.memory_space<vmem>>, vector<16xf32>,
          %add3A_1648 = vector.broadcast %scan3A_1636 : i32 to vector<16xi32>
          %add3A_1649 = arith.addi %get3A_695, %add3A_1648 : vector<16xi32>
          %gather3A_1650 = tpu.vector_load_idx %arg12[%add3A_665, %add3A_1649] : memref<256x129xf32, #tpu.memory_space<vmem>>[vector<16xi32>, vector<16xi32>], vector<16xf32>,
          %add3A_1651 = arith.addf %gather3A_1650, %get3A_1639 : vector<16xf32>
          %swap3A_1652 = arith.index_cast %select_n3A_630 : i32 to index
          %swap3A_1653 = arith.index_cast %scan3A_1636 : i32 to index
          %swap3A_1654 = arith.constant 16 : index
          %swap3A_1655 = tpu.vector_load %arg14[%swap3A_1652, %swap3A_1653, %swap3A_1654] {strides = array<i32>} : memref<2x64x128xf32, #tpu.memory_space<vmem>>, vector<16xf32>,
          tpu.vector_store %arg14[%swap3A_1652, %swap3A_1653, %swap3A_1654], %add3A_1651 {strides = array<i32>} : memref<2x64x128xf32, #tpu.memory_space<vmem>>, vector<16xf32>,
          %add3A_1656 = vector.broadcast %scan3A_1636 : i32 to vector<16xi32>
          %add3A_1657 = arith.addi %get3A_698, %add3A_1656 : vector<16xi32>
          %gather3A_1658 = tpu.vector_load_idx %arg12[%add3A_669, %add3A_1657] : memref<256x129xf32, #tpu.memory_space<vmem>>[vector<16xi32>, vector<16xi32>], vector<16xf32>,
          %add3A_1659 = arith.addf %gather3A_1658, %get3A_1639 : vector<16xf32>
          %swap3A_1660 = arith.index_cast %select_n3A_630 : i32 to index
          %swap3A_1661 = arith.index_cast %scan3A_1636 : i32 to index
          %swap3A_1662 = arith.constant 32 : index
          %swap3A_1663 = tpu.vector_load %arg14[%swap3A_1660, %swap3A_1661, %swap3A_1662] {strides = array<i32>} : memref<2x64x128xf32, #tpu.memory_space<vmem>>, vector<16xf32>,
          tpu.vector_store %arg14[%swap3A_1660, %swap3A_1661, %swap3A_1662], %add3A_1659 {strides = array<i32>} : memref<2x64x128xf32, #tpu.memory_space<vmem>>, vector<16xf32>,
          %add3A_1664 = vector.broadcast %scan3A_1636 : i32 to vector<16xi32>
          %add3A_1665 = arith.addi %get3A_701, %add3A_1664 : vector<16xi32>
          %gather3A_1666 = tpu.vector_load_idx %arg12[%add3A_673, %add3A_1665] : memref<256x129xf32, #tpu.memory_space<vmem>>[vector<16xi32>, vector<16xi32>], vector<16xf32>,
          %add3A_1667 = arith.addf %gather3A_1666, %get3A_1639 : vector<16xf32>
          %swap3A_1668 = arith.index_cast %select_n3A_630 : i32 to index
          %swap3A_1669 = arith.index_cast %scan3A_1636 : i32 to index
          %swap3A_1670 = arith.constant 48 : index
          %swap3A_1671 = tpu.vector_load %arg14[%swap3A_1668, %swap3A_1669, %swap3A_1670] {strides = array<i32>} : memref<2x64x128xf32, #tpu.memory_space<vmem>>, vector<16xf32>,
          tpu.vector_store %arg14[%swap3A_1668, %swap3A_1669, %swap3A_1670], %add3A_1667 {strides = array<i32>} : memref<2x64x128xf32, #tpu.memory_space<vmem>>, vector<16xf32>,
          %add3A_1672 = vector.broadcast %scan3A_1636 : i32 to vector<16xi32>
          %add3A_1673 = arith.addi %get3A_704, %add3A_1672 : vector<16xi32>
          %gather3A_1674 = tpu.vector_load_idx %arg12[%add3A_677, %add3A_1673] : memref<256x129xf32, #tpu.memory_space<vmem>>[vector<16xi32>, vector<16xi32>], vector<16xf32>,
          %add3A_1675 = arith.addf %gather3A_1674, %get3A_1639 : vector<16xf32>
          %swap3A_1676 = arith.index_cast %select_n3A_630 : i32 to index
          %swap3A_1677 = arith.index_cast %scan3A_1636 : i32 to index
          %swap3A_1678 = arith.constant 64 : index
          %swap3A_1679 = tpu.vector_load %arg14[%swap3A_1676, %swap3A_1677, %swap3A_1678] {strides = array<i32>} : memref<2x64x128xf32, #tpu.memory_space<vmem>>, vector<16xf32>,
          tpu.vector_store %arg14[%swap3A_1676, %swap3A_1677, %swap3A_1678], %add3A_1675 {strides = array<i32>} : memref<2x64x128xf32, #tpu.memory_space<vmem>>, vector<16xf32>,
          %add3A_1680 = vector.broadcast %scan3A_1636 : i32 to vector<16xi32>
          %add3A_1681 = arith.addi %get3A_707, %add3A_1680 : vector<16xi32>
          %gather3A_1682 = tpu.vector_load_idx %arg12[%add3A_681, %add3A_1681] : memref<256x129xf32, #tpu.memory_space<vmem>>[vector<16xi32>, vector<16xi32>], vector<16xf32>,
          %add3A_1683 = arith.addf %gather3A_1682, %get3A_1639 : vector<16xf32>
          %swap3A_1684 = arith.index_cast %select_n3A_630 : i32 to index
          %swap3A_1685 = arith.index_cast %scan3A_1636 : i32 to index
          %swap3A_1686 = arith.constant 80 : index
          %swap3A_1687 = tpu.vector_load %arg14[%swap3A_1684, %swap3A_1685, %swap3A_1686] {strides = array<i32>} : memref<2x64x128xf32, #tpu.memory_space<vmem>>, vector<16xf32>,
          tpu.vector_store %arg14[%swap3A_1684, %swap3A_1685, %swap3A_1686], %add3A_1683 {strides = array<i32>} : memref<2x64x128xf32, #tpu.memory_space<vmem>>, vector<16xf32>,
          %add3A_1688 = vector.broadcast %scan3A_1636 : i32 to vector<16xi32>
          %add3A_1689 = arith.addi %get3A_710, %add3A_1688 : vector<16xi32>
          %gather3A_1690 = tpu.vector_load_idx %arg12[%add3A_685, %add3A_1689] : memref<256x129xf32, #tpu.memory_space<vmem>>[vector<16xi32>, vector<16xi32>], vector<16xf32>,
          %add3A_1691 = arith.addf %gather3A_1690, %get3A_1639 : vector<16xf32>
          %swap3A_1692 = arith.index_cast %select_n3A_630 : i32 to index
          %swap3A_1693 = arith.index_cast %scan3A_1636 : i32 to index
          %swap3A_1694 = arith.constant 96 : index
          %swap3A_1695 = tpu.vector_load %arg14[%swap3A_1692, %swap3A_1693, %swap3A_1694] {strides = array<i32>} : memref<2x64x128xf32, #tpu.memory_space<vmem>>, vector<16xf32>,
          tpu.vector_store %arg14[%swap3A_1692, %swap3A_1693, %swap3A_1694], %add3A_1691 {strides = array<i32>} : memref<2x64x128xf32, #tpu.memory_space<vmem>>, vector<16xf32>,
          %add3A_1696 = vector.broadcast %scan3A_1636 : i32 to vector<16xi32>
          %add3A_1697 = arith.addi %get3A_713, %add3A_1696 : vector<16xi32>
          %gather3A_1698 = tpu.vector_load_idx %arg12[%add3A_689, %add3A_1697] : memref<256x129xf32, #tpu.memory_space<vmem>>[vector<16xi32>, vector<16xi32>], vector<16xf32>,
          %add3A_1699 = arith.addf %gather3A_1698, %get3A_1639 : vector<16xf32>
          %swap3A_1700 = arith.index_cast %select_n3A_630 : i32 to index
          %swap3A_1701 = arith.index_cast %scan3A_1636 : i32 to index
          %swap3A_1702 = arith.constant 112 : index
          %swap3A_1703 = tpu.vector_load %arg14[%swap3A_1700, %swap3A_1701, %swap3A_1702] {strides = array<i32>} : memref<2x64x128xf32, #tpu.memory_space<vmem>>, vector<16xf32>,
          tpu.vector_store %arg14[%swap3A_1700, %swap3A_1701, %swap3A_1702], %add3A_1699 {strides = array<i32>} : memref<2x64x128xf32, #tpu.memory_space<vmem>>, vector<16xf32>,
          %scan3A_1704 = arith.constant 14 : i32
          %scan3A_1705 = arith.addi %scan3A_740, %scan3A_1704 : i32
          %get3A_1706 = arith.index_cast %scan3A_1705 : i32 to index
          %get3A_1707 = arith.constant 0 : index
          %get3A_1708 = tpu.vector_load %arg13[%get3A_1706, %get3A_1707] {strides = array<i32>} : memref<64x16xf32, #tpu.memory_space<vmem>>, vector<16xf32>,
          %add3A_1709 = vector.broadcast %scan3A_1705 : i32 to vector<16xi32>
          %add3A_1710 = arith.addi %get3A_692, %add3A_1709 : vector<16xi32>
          %gather3A_1711 = tpu.vector_load_idx %arg12[%add3A_661, %add3A_1710] : memref<256x129xf32, #tpu.memory_space<vmem>>[vector<16xi32>, vector<16xi32>], vector<16xf32>,
          %add3A_1712 = arith.addf %gather3A_1711, %get3A_1708 : vector<16xf32>
          %swap3A_1713 = arith.index_cast %select_n3A_630 : i32 to index
          %swap3A_1714 = arith.index_cast %scan3A_1705 : i32 to index
          %swap3A_1715 = arith.constant 0 : index
          %swap3A_1716 = tpu.vector_load %arg14[%swap3A_1713, %swap3A_1714, %swap3A_1715] {strides = array<i32>} : memref<2x64x128xf32, #tpu.memory_space<vmem>>, vector<16xf32>,
          tpu.vector_store %arg14[%swap3A_1713, %swap3A_1714, %swap3A_1715], %add3A_1712 {strides = array<i32>} : memref<2x64x128xf32, #tpu.memory_space<vmem>>, vector<16xf32>,
          %add3A_1717 = vector.broadcast %scan3A_1705 : i32 to vector<16xi32>
          %add3A_1718 = arith.addi %get3A_695, %add3A_1717 : vector<16xi32>
          %gather3A_1719 = tpu.vector_load_idx %arg12[%add3A_665, %add3A_1718] : memref<256x129xf32, #tpu.memory_space<vmem>>[vector<16xi32>, vector<16xi32>], vector<16xf32>,
          %add3A_1720 = arith.addf %gather3A_1719, %get3A_1708 : vector<16xf32>
          %swap3A_1721 = arith.index_cast %select_n3A_630 : i32 to index
          %swap3A_1722 = arith.index_cast %scan3A_1705 : i32 to index
          %swap3A_1723 = arith.constant 16 : index
          %swap3A_1724 = tpu.vector_load %arg14[%swap3A_1721, %swap3A_1722, %swap3A_1723] {strides = array<i32>} : memref<2x64x128xf32, #tpu.memory_space<vmem>>, vector<16xf32>,
          tpu.vector_store %arg14[%swap3A_1721, %swap3A_1722, %swap3A_1723], %add3A_1720 {strides = array<i32>} : memref<2x64x128xf32, #tpu.memory_space<vmem>>, vector<16xf32>,
          %add3A_1725 = vector.broadcast %scan3A_1705 : i32 to vector<16xi32>
          %add3A_1726 = arith.addi %get3A_698, %add3A_1725 : vector<16xi32>
          %gather3A_1727 = tpu.vector_load_idx %arg12[%add3A_669, %add3A_1726] : memref<256x129xf32, #tpu.memory_space<vmem>>[vector<16xi32>, vector<16xi32>], vector<16xf32>,
          %add3A_1728 = arith.addf %gather3A_1727, %get3A_1708 : vector<16xf32>
          %swap3A_1729 = arith.index_cast %select_n3A_630 : i32 to index
          %swap3A_1730 = arith.index_cast %scan3A_1705 : i32 to index
          %swap3A_1731 = arith.constant 32 : index
          %swap3A_1732 = tpu.vector_load %arg14[%swap3A_1729, %swap3A_1730, %swap3A_1731] {strides = array<i32>} : memref<2x64x128xf32, #tpu.memory_space<vmem>>, vector<16xf32>,
          tpu.vector_store %arg14[%swap3A_1729, %swap3A_1730, %swap3A_1731], %add3A_1728 {strides = array<i32>} : memref<2x64x128xf32, #tpu.memory_space<vmem>>, vector<16xf32>,
          %add3A_1733 = vector.broadcast %scan3A_1705 : i32 to vector<16xi32>
          %add3A_1734 = arith.addi %get3A_701, %add3A_1733 : vector<16xi32>
          %gather3A_1735 = tpu.vector_load_idx %arg12[%add3A_673, %add3A_1734] : memref<256x129xf32, #tpu.memory_space<vmem>>[vector<16xi32>, vector<16xi32>], vector<16xf32>,
          %add3A_1736 = arith.addf %gather3A_1735, %get3A_1708 : vector<16xf32>
          %swap3A_1737 = arith.index_cast %select_n3A_630 : i32 to index
          %swap3A_1738 = arith.index_cast %scan3A_1705 : i32 to index
          %swap3A_1739 = arith.constant 48 : index
          %swap3A_1740 = tpu.vector_load %arg14[%swap3A_1737, %swap3A_1738, %swap3A_1739] {strides = array<i32>} : memref<2x64x128xf32, #tpu.memory_space<vmem>>, vector<16xf32>,
          tpu.vector_store %arg14[%swap3A_1737, %swap3A_1738, %swap3A_1739], %add3A_1736 {strides = array<i32>} : memref<2x64x128xf32, #tpu.memory_space<vmem>>, vector<16xf32>,
          %add3A_1741 = vector.broadcast %scan3A_1705 : i32 to vector<16xi32>
          %add3A_1742 = arith.addi %get3A_704, %add3A_1741 : vector<16xi32>
          %gather3A_1743 = tpu.vector_load_idx %arg12[%add3A_677, %add3A_1742] : memref<256x129xf32, #tpu.memory_space<vmem>>[vector<16xi32>, vector<16xi32>], vector<16xf32>,
          %add3A_1744 = arith.addf %gather3A_1743, %get3A_1708 : vector<16xf32>
          %swap3A_1745 = arith.index_cast %select_n3A_630 : i32 to index
          %swap3A_1746 = arith.index_cast %scan3A_1705 : i32 to index
          %swap3A_1747 = arith.constant 64 : index
          %swap3A_1748 = tpu.vector_load %arg14[%swap3A_1745, %swap3A_1746, %swap3A_1747] {strides = array<i32>} : memref<2x64x128xf32, #tpu.memory_space<vmem>>, vector<16xf32>,
          tpu.vector_store %arg14[%swap3A_1745, %swap3A_1746, %swap3A_1747], %add3A_1744 {strides = array<i32>} : memref<2x64x128xf32, #tpu.memory_space<vmem>>, vector<16xf32>,
          %add3A_1749 = vector.broadcast %scan3A_1705 : i32 to vector<16xi32>
          %add3A_1750 = arith.addi %get3A_707, %add3A_1749 : vector<16xi32>
          %gather3A_1751 = tpu.vector_load_idx %arg12[%add3A_681, %add3A_1750] : memref<256x129xf32, #tpu.memory_space<vmem>>[vector<16xi32>, vector<16xi32>], vector<16xf32>,
          %add3A_1752 = arith.addf %gather3A_1751, %get3A_1708 : vector<16xf32>
          %swap3A_1753 = arith.index_cast %select_n3A_630 : i32 to index
          %swap3A_1754 = arith.index_cast %scan3A_1705 : i32 to index
          %swap3A_1755 = arith.constant 80 : index
          %swap3A_1756 = tpu.vector_load %arg14[%swap3A_1753, %swap3A_1754, %swap3A_1755] {strides = array<i32>} : memref<2x64x128xf32, #tpu.memory_space<vmem>>, vector<16xf32>,
          tpu.vector_store %arg14[%swap3A_1753, %swap3A_1754, %swap3A_1755], %add3A_1752 {strides = array<i32>} : memref<2x64x128xf32, #tpu.memory_space<vmem>>, vector<16xf32>,
          %add3A_1757 = vector.broadcast %scan3A_1705 : i32 to vector<16xi32>
          %add3A_1758 = arith.addi %get3A_710, %add3A_1757 : vector<16xi32>
          %gather3A_1759 = tpu.vector_load_idx %arg12[%add3A_685, %add3A_1758] : memref<256x129xf32, #tpu.memory_space<vmem>>[vector<16xi32>, vector<16xi32>], vector<16xf32>,
          %add3A_1760 = arith.addf %gather3A_1759, %get3A_1708 : vector<16xf32>
          %swap3A_1761 = arith.index_cast %select_n3A_630 : i32 to index
          %swap3A_1762 = arith.index_cast %scan3A_1705 : i32 to index
          %swap3A_1763 = arith.constant 96 : index
          %swap3A_1764 = tpu.vector_load %arg14[%swap3A_1761, %swap3A_1762, %swap3A_1763] {strides = array<i32>} : memref<2x64x128xf32, #tpu.memory_space<vmem>>, vector<16xf32>,
          tpu.vector_store %arg14[%swap3A_1761, %swap3A_1762, %swap3A_1763], %add3A_1760 {strides = array<i32>} : memref<2x64x128xf32, #tpu.memory_space<vmem>>, vector<16xf32>,
          %add3A_1765 = vector.broadcast %scan3A_1705 : i32 to vector<16xi32>
          %add3A_1766 = arith.addi %get3A_713, %add3A_1765 : vector<16xi32>
          %gather3A_1767 = tpu.vector_load_idx %arg12[%add3A_689, %add3A_1766] : memref<256x129xf32, #tpu.memory_space<vmem>>[vector<16xi32>, vector<16xi32>], vector<16xf32>,
          %add3A_1768 = arith.addf %gather3A_1767, %get3A_1708 : vector<16xf32>
          %swap3A_1769 = arith.index_cast %select_n3A_630 : i32 to index
          %swap3A_1770 = arith.index_cast %scan3A_1705 : i32 to index
          %swap3A_1771 = arith.constant 112 : index
          %swap3A_1772 = tpu.vector_load %arg14[%swap3A_1769, %swap3A_1770, %swap3A_1771] {strides = array<i32>} : memref<2x64x128xf32, #tpu.memory_space<vmem>>, vector<16xf32>,
          tpu.vector_store %arg14[%swap3A_1769, %swap3A_1770, %swap3A_1771], %add3A_1768 {strides = array<i32>} : memref<2x64x128xf32, #tpu.memory_space<vmem>>, vector<16xf32>,
          %scan3A_1773 = arith.constant 15 : i32
          %scan3A_1774 = arith.addi %scan3A_740, %scan3A_1773 : i32
          %get3A_1775 = arith.index_cast %scan3A_1774 : i32 to index
          %get3A_1776 = arith.constant 0 : index
          %get3A_1777 = tpu.vector_load %arg13[%get3A_1775, %get3A_1776] {strides = array<i32>} : memref<64x16xf32, #tpu.memory_space<vmem>>, vector<16xf32>,
          %add3A_1778 = vector.broadcast %scan3A_1774 : i32 to vector<16xi32>
          %add3A_1779 = arith.addi %get3A_692, %add3A_1778 : vector<16xi32>
          %gather3A_1780 = tpu.vector_load_idx %arg12[%add3A_661, %add3A_1779] : memref<256x129xf32, #tpu.memory_space<vmem>>[vector<16xi32>, vector<16xi32>], vector<16xf32>,
          %add3A_1781 = arith.addf %gather3A_1780, %get3A_1777 : vector<16xf32>
          %swap3A_1782 = arith.index_cast %select_n3A_630 : i32 to index
          %swap3A_1783 = arith.index_cast %scan3A_1774 : i32 to index
          %swap3A_1784 = arith.constant 0 : index
          %swap3A_1785 = tpu.vector_load %arg14[%swap3A_1782, %swap3A_1783, %swap3A_1784] {strides = array<i32>} : memref<2x64x128xf32, #tpu.memory_space<vmem>>, vector<16xf32>,
          tpu.vector_store %arg14[%swap3A_1782, %swap3A_1783, %swap3A_1784], %add3A_1781 {strides = array<i32>} : memref<2x64x128xf32, #tpu.memory_space<vmem>>, vector<16xf32>,
          %add3A_1786 = vector.broadcast %scan3A_1774 : i32 to vector<16xi32>
          %add3A_1787 = arith.addi %get3A_695, %add3A_1786 : vector<16xi32>
          %gather3A_1788 = tpu.vector_load_idx %arg12[%add3A_665, %add3A_1787] : memref<256x129xf32, #tpu.memory_space<vmem>>[vector<16xi32>, vector<16xi32>], vector<16xf32>,
          %add3A_1789 = arith.addf %gather3A_1788, %get3A_1777 : vector<16xf32>
          %swap3A_1790 = arith.index_cast %select_n3A_630 : i32 to index
          %swap3A_1791 = arith.index_cast %scan3A_1774 : i32 to index
          %swap3A_1792 = arith.constant 16 : index
          %swap3A_1793 = tpu.vector_load %arg14[%swap3A_1790, %swap3A_1791, %swap3A_1792] {strides = array<i32>} : memref<2x64x128xf32, #tpu.memory_space<vmem>>, vector<16xf32>,
          tpu.vector_store %arg14[%swap3A_1790, %swap3A_1791, %swap3A_1792], %add3A_1789 {strides = array<i32>} : memref<2x64x128xf32, #tpu.memory_space<vmem>>, vector<16xf32>,
          %add3A_1794 = vector.broadcast %scan3A_1774 : i32 to vector<16xi32>
          %add3A_1795 = arith.addi %get3A_698, %add3A_1794 : vector<16xi32>
          %gather3A_1796 = tpu.vector_load_idx %arg12[%add3A_669, %add3A_1795] : memref<256x129xf32, #tpu.memory_space<vmem>>[vector<16xi32>, vector<16xi32>], vector<16xf32>,
          %add3A_1797 = arith.addf %gather3A_1796, %get3A_1777 : vector<16xf32>
          %swap3A_1798 = arith.index_cast %select_n3A_630 : i32 to index
          %swap3A_1799 = arith.index_cast %scan3A_1774 : i32 to index
          %swap3A_1800 = arith.constant 32 : index
          %swap3A_1801 = tpu.vector_load %arg14[%swap3A_1798, %swap3A_1799, %swap3A_1800] {strides = array<i32>} : memref<2x64x128xf32, #tpu.memory_space<vmem>>, vector<16xf32>,
          tpu.vector_store %arg14[%swap3A_1798, %swap3A_1799, %swap3A_1800], %add3A_1797 {strides = array<i32>} : memref<2x64x128xf32, #tpu.memory_space<vmem>>, vector<16xf32>,
          %add3A_1802 = vector.broadcast %scan3A_1774 : i32 to vector<16xi32>
          %add3A_1803 = arith.addi %get3A_701, %add3A_1802 : vector<16xi32>
          %gather3A_1804 = tpu.vector_load_idx %arg12[%add3A_673, %add3A_1803] : memref<256x129xf32, #tpu.memory_space<vmem>>[vector<16xi32>, vector<16xi32>], vector<16xf32>,
          %add3A_1805 = arith.addf %gather3A_1804, %get3A_1777 : vector<16xf32>
          %swap3A_1806 = arith.index_cast %select_n3A_630 : i32 to index
          %swap3A_1807 = arith.index_cast %scan3A_1774 : i32 to index
          %swap3A_1808 = arith.constant 48 : index
          %swap3A_1809 = tpu.vector_load %arg14[%swap3A_1806, %swap3A_1807, %swap3A_1808] {strides = array<i32>} : memref<2x64x128xf32, #tpu.memory_space<vmem>>, vector<16xf32>,
          tpu.vector_store %arg14[%swap3A_1806, %swap3A_1807, %swap3A_1808], %add3A_1805 {strides = array<i32>} : memref<2x64x128xf32, #tpu.memory_space<vmem>>, vector<16xf32>,
          %add3A_1810 = vector.broadcast %scan3A_1774 : i32 to vector<16xi32>
          %add3A_1811 = arith.addi %get3A_704, %add3A_1810 : vector<16xi32>
          %gather3A_1812 = tpu.vector_load_idx %arg12[%add3A_677, %add3A_1811] : memref<256x129xf32, #tpu.memory_space<vmem>>[vector<16xi32>, vector<16xi32>], vector<16xf32>,
          %add3A_1813 = arith.addf %gather3A_1812, %get3A_1777 : vector<16xf32>
          %swap3A_1814 = arith.index_cast %select_n3A_630 : i32 to index
          %swap3A_1815 = arith.index_cast %scan3A_1774 : i32 to index
          %swap3A_1816 = arith.constant 64 : index
          %swap3A_1817 = tpu.vector_load %arg14[%swap3A_1814, %swap3A_1815, %swap3A_1816] {strides = array<i32>} : memref<2x64x128xf32, #tpu.memory_space<vmem>>, vector<16xf32>,
          tpu.vector_store %arg14[%swap3A_1814, %swap3A_1815, %swap3A_1816], %add3A_1813 {strides = array<i32>} : memref<2x64x128xf32, #tpu.memory_space<vmem>>, vector<16xf32>,
          %add3A_1818 = vector.broadcast %scan3A_1774 : i32 to vector<16xi32>
          %add3A_1819 = arith.addi %get3A_707, %add3A_1818 : vector<16xi32>
          %gather3A_1820 = tpu.vector_load_idx %arg12[%add3A_681, %add3A_1819] : memref<256x129xf32, #tpu.memory_space<vmem>>[vector<16xi32>, vector<16xi32>], vector<16xf32>,
          %add3A_1821 = arith.addf %gather3A_1820, %get3A_1777 : vector<16xf32>
          %swap3A_1822 = arith.index_cast %select_n3A_630 : i32 to index
          %swap3A_1823 = arith.index_cast %scan3A_1774 : i32 to index
          %swap3A_1824 = arith.constant 80 : index
          %swap3A_1825 = tpu.vector_load %arg14[%swap3A_1822, %swap3A_1823, %swap3A_1824] {strides = array<i32>} : memref<2x64x128xf32, #tpu.memory_space<vmem>>, vector<16xf32>,
          tpu.vector_store %arg14[%swap3A_1822, %swap3A_1823, %swap3A_1824], %add3A_1821 {strides = array<i32>} : memref<2x64x128xf32, #tpu.memory_space<vmem>>, vector<16xf32>,
          %add3A_1826 = vector.broadcast %scan3A_1774 : i32 to vector<16xi32>
          %add3A_1827 = arith.addi %get3A_710, %add3A_1826 : vector<16xi32>
          %gather3A_1828 = tpu.vector_load_idx %arg12[%add3A_685, %add3A_1827] : memref<256x129xf32, #tpu.memory_space<vmem>>[vector<16xi32>, vector<16xi32>], vector<16xf32>,
          %add3A_1829 = arith.addf %gather3A_1828, %get3A_1777 : vector<16xf32>
          %swap3A_1830 = arith.index_cast %select_n3A_630 : i32 to index
          %swap3A_1831 = arith.index_cast %scan3A_1774 : i32 to index
          %swap3A_1832 = arith.constant 96 : index
          %swap3A_1833 = tpu.vector_load %arg14[%swap3A_1830, %swap3A_1831, %swap3A_1832] {strides = array<i32>} : memref<2x64x128xf32, #tpu.memory_space<vmem>>, vector<16xf32>,
          tpu.vector_store %arg14[%swap3A_1830, %swap3A_1831, %swap3A_1832], %add3A_1829 {strides = array<i32>} : memref<2x64x128xf32, #tpu.memory_space<vmem>>, vector<16xf32>,
          %add3A_1834 = vector.broadcast %scan3A_1774 : i32 to vector<16xi32>
          %add3A_1835 = arith.addi %get3A_713, %add3A_1834 : vector<16xi32>
          %gather3A_1836 = tpu.vector_load_idx %arg12[%add3A_689, %add3A_1835] : memref<256x129xf32, #tpu.memory_space<vmem>>[vector<16xi32>, vector<16xi32>], vector<16xf32>,
          %add3A_1837 = arith.addf %gather3A_1836, %get3A_1777 : vector<16xf32>
          %swap3A_1838 = arith.index_cast %select_n3A_630 : i32 to index
          %swap3A_1839 = arith.index_cast %scan3A_1774 : i32 to index
          %swap3A_1840 = arith.constant 112 : index
          %swap3A_1841 = tpu.vector_load %arg14[%swap3A_1838, %swap3A_1839, %swap3A_1840] {strides = array<i32>} : memref<2x64x128xf32, #tpu.memory_space<vmem>>, vector<16xf32>,
          tpu.vector_store %arg14[%swap3A_1838, %swap3A_1839, %swap3A_1840], %add3A_1837 {strides = array<i32>} : memref<2x64x128xf32, #tpu.memory_space<vmem>>, vector<16xf32>,
        }
        %scan3A_718 = arith.constant 64 : i32
        "tpu.trace_stop"() : () -> ()
        %dma_start3A_719 = arith.constant 0 : i32
        %dma_start3A_720 = arith.constant 0 : i32
        %dma_start3A_721 = tpu.memref_slice %arg14[%select_n3A_630, %dma_start3A_719, %dma_start3A_720] : memref<2x64x128xf32, #tpu.memory_space<vmem>> -> memref<1x64x128xf32, #tpu.memory_space<vmem>>
        %dma_start3A_722 = tpu.memref_squeeze %dma_start3A_721 : memref<1x64x128xf32, #tpu.memory_space<vmem>> -> memref<64x128xf32, #tpu.memory_space<vmem>>
        %dma_start3A_723 = arith.constant 0 : i32
        %dma_start3A_724 = tpu.memref_slice %arg8[%add3A_654, %dma_start3A_723, %mul3A_2] : memref<641x64x4096xf32, #tpu.memory_space<hbm>> -> memref<1x64x128xf32, #tpu.memory_space<hbm>>
        %dma_start3A_725 = tpu.memref_squeeze %dma_start3A_724 : memref<1x64x128xf32, #tpu.memory_space<hbm>> -> memref<64x128xf32, #tpu.memory_space<hbm>>
        %dma_start3A_726 = tpu.memref_slice %arg20[%select_n3A_630] : memref<2x!tpu.dma_semaphore, #tpu.memory_space<semaphore_mem>> -> memref<1x!tpu.dma_semaphore, #tpu.memory_space<semaphore_mem>>
        %dma_start3A_727 = tpu.memref_squeeze %dma_start3A_726 : memref<1x!tpu.dma_semaphore, #tpu.memory_space<semaphore_mem>> -> memref<!tpu.dma_semaphore, #tpu.memory_space<semaphore_mem>>
        %dma_start3A_728 = arith.constant 0 : i32
        %dma_start3A_729 = tpu.memref_slice %arg8[%add3A_654, %dma_start3A_728, %mul3A_2] : memref<641x64x4096xf32, #tpu.memory_space<hbm>> -> memref<1x64x128xf32, #tpu.memory_space<hbm>>
        %dma_start3A_730 = tpu.memref_squeeze %dma_start3A_729 : memref<1x64x128xf32, #tpu.memory_space<hbm>> -> memref<64x128xf32, #tpu.memory_space<hbm>>
        %dma_start3A_731 = arith.constant 0 : i32
        %dma_start3A_732 = arith.constant 0 : i32
        %dma_start3A_733 = tpu.memref_slice %arg14[%select_n3A_630, %dma_start3A_731, %dma_start3A_732] : memref<2x64x128xf32, #tpu.memory_space<vmem>> -> memref<1x64x128xf32, #tpu.memory_space<vmem>>
        %dma_start3A_734 = tpu.memref_squeeze %dma_start3A_733 : memref<1x64x128xf32, #tpu.memory_space<vmem>> -> memref<64x128xf32, #tpu.memory_space<vmem>>
        tpu.enqueue_dma source(%dma_start3A_734 : memref<64x128xf32, #tpu.memory_space<vmem>>) target(%dma_start3A_730 : memref<64x128xf32, #tpu.memory_space<hbm>>) target_semaphore(%dma_start3A_727 : memref<!tpu.dma_semaphore, #tpu.memory_space<semaphore_mem>>)
        %lt3A_735 = arith.constant 24 : i32
        "tpu.trace_start"() <{level = 10 : i32, message = "fire"}> : () -> ()
        %lt3A_736 = arith.cmpi slt, %scan3A_603, %lt3A_735 : i32
        %convert_element_type3A_737 = arith.extui %lt3A_736 : i1 to i32
        %cond3A_738 = arith.constant 0 : i32
        %cond3A_739 = arith.cmpi ne, %convert_element_type3A_737, %cond3A_738 : i32
        scf.if %cond3A_739 {
          %add3A_740 = arith.constant 2 : i32
          %add3A_741 = arith.addi %scan3A_603, %add3A_740 : i32
          %add3A_742 = arith.constant 2 : i32
          %add3A_743 = arith.addi %scan3A_603, %add3A_742 : i32
          %jit3A_744 = arith.constant 2 : i32
          %eq3A_745 = arith.constant 0 : i32
          %eq3A_746 = arith.cmpi eq, %jit3A_744, %eq3A_745 : i32
          %jit3A_747 = arith.constant 1 : i32
          %select_n3A_748 = arith.select %eq3A_746, %jit3A_747, %jit3A_744 : i32
          %rem3A_749 = arith.remsi %add3A_743, %select_n3A_748 : i32
          %ne3A_750 = arith.constant 0 : i32
          %ne3A_751 = arith.cmpi ne, %rem3A_749, %ne3A_750 : i32
          %lt3A_752 = arith.constant 0 : i32
          %lt3A_753 = arith.cmpi slt, %rem3A_749, %lt3A_752 : i32
          %lt3A_754 = arith.constant 0 : i32
          %lt3A_755 = arith.cmpi slt, %select_n3A_748, %lt3A_754 : i32
          %ne3A_756 = arith.xori %lt3A_753, %lt3A_755 : i1
          %and3A_757 = arith.andi %ne3A_756, %ne3A_751 : i1
          %add3A_758 = arith.addi %rem3A_749, %select_n3A_748 : i32
          %select_n3A_759 = arith.select %and3A_757, %add3A_758, %rem3A_749 : i32
          %add3A_760 = arith.constant 6 : i32
          %add3A_761 = arith.addi %add3A_760, %add3A_741 : i32
          %get3A_762 = arith.index_cast %add3A_761 : i32 to index
          %get3A_763 = arith.constant 0 : index
          %get3A_764 = tpu.vector_load %arg9[%get3A_762, %get3A_763] {strides = array<i32>} : memref<32x128xf32, #tpu.memory_space<vmem>>, vector<16xf32>,
          %convert_element_type3A_765 = arith.fptosi %get3A_764 : vector<16xf32> to vector<16xi32>
          %jit3A_766 = arith.constant 0 : i32
          %jit3A_767 = arith.constant 99999 : i32
          %max3A_768 = vector.broadcast %jit3A_766 : i32 to vector<16xi32>
          %max3A_769 = arith.maxsi %max3A_768, %convert_element_type3A_765 : vector<16xi32>
          %min3A_770 = vector.broadcast %jit3A_767 : i32 to vector<16xi32>
          %min3A_771 = arith.minsi %min3A_770, %max3A_769 : vector<16xi32>
          %mul3A_772 = arith.constant 50000 : i32
          %mul3A_773 = arith.muli %add3A_741, %mul3A_772 : i32
          %shift_right_logical3A_774 = arith.constant 1 : i32
          %shift_right_logical3A_775 = vector.broadcast %shift_right_logical3A_774 : i32 to vector<16xi32>
          %shift_right_logical3A_776 = arith.shrui %min3A_771, %shift_right_logical3A_775 : vector<16xi32>
          %add3A_777 = vector.broadcast %mul3A_773 : i32 to vector<16xi32>
          %add3A_778 = arith.addi %add3A_777, %shift_right_logical3A_776 : vector<16xi32>
          %swap3A_779 = arith.index_cast %select_n3A_759 : i32 to index
          %swap3A_780 = arith.constant 0 : index
          %swap3A_781 = tpu.vector_load %arg10[%swap3A_779, %swap3A_780] {strides = array<i32>} : memref<2x128xi32, #tpu.memory_space<vmem>>, vector<16xi32>,
          tpu.vector_store %arg10[%swap3A_779, %swap3A_780], %add3A_778 {strides = array<i32>} : memref<2x128xi32, #tpu.memory_space<vmem>>, vector<16xi32>,
          %and3A_782 = arith.constant 1 : i32
          %and3A_783 = vector.broadcast %and3A_782 : i32 to vector<16xi32>
          %and3A_784 = arith.andi %min3A_771, %and3A_783 : vector<16xi32>
          %mul3A_785 = arith.constant 64 : i32
          %mul3A_786 = vector.broadcast %mul3A_785 : i32 to vector<16xi32>
          %mul3A_787 = arith.muli %and3A_784, %mul3A_786 : vector<16xi32>
          %swap3A_788 = arith.index_cast %select_n3A_759 : i32 to index
          %swap3A_789 = arith.constant 0 : index
          %swap3A_790 = tpu.vector_load %arg11[%swap3A_788, %swap3A_789] {strides = array<i32>} : memref<2x128xi32, #tpu.memory_space<vmem>>, vector<16xi32>,
          tpu.vector_store %arg11[%swap3A_788, %swap3A_789], %mul3A_787 {strides = array<i32>} : memref<2x128xi32, #tpu.memory_space<vmem>>, vector<16xi32>,
          %add3A_791 = arith.constant 6 : i32
          %add3A_792 = arith.addi %add3A_791, %add3A_741 : i32
          %get3A_793 = arith.index_cast %add3A_792 : i32 to index
          %get3A_794 = arith.constant 16 : index
          %get3A_795 = tpu.vector_load %arg9[%get3A_793, %get3A_794] {strides = array<i32>} : memref<32x128xf32, #tpu.memory_space<vmem>>, vector<16xf32>,
          %convert_element_type3A_796 = arith.fptosi %get3A_795 : vector<16xf32> to vector<16xi32>
          %jit3A_797 = arith.constant 0 : i32
          %jit3A_798 = arith.constant 99999 : i32
          %max3A_799 = vector.broadcast %jit3A_797 : i32 to vector<16xi32>
          %max3A_800 = arith.maxsi %max3A_799, %convert_element_type3A_796 : vector<16xi32>
          %min3A_801 = vector.broadcast %jit3A_798 : i32 to vector<16xi32>
          %min3A_802 = arith.minsi %min3A_801, %max3A_800 : vector<16xi32>
          %mul3A_803 = arith.constant 50000 : i32
          %mul3A_804 = arith.muli %add3A_741, %mul3A_803 : i32
          %shift_right_logical3A_805 = arith.constant 1 : i32
          %shift_right_logical3A_806 = vector.broadcast %shift_right_logical3A_805 : i32 to vector<16xi32>
          %shift_right_logical3A_807 = arith.shrui %min3A_802, %shift_right_logical3A_806 : vector<16xi32>
          %add3A_808 = vector.broadcast %mul3A_804 : i32 to vector<16xi32>
          %add3A_809 = arith.addi %add3A_808, %shift_right_logical3A_807 : vector<16xi32>
          %swap3A_810 = arith.index_cast %select_n3A_759 : i32 to index
          %swap3A_811 = arith.constant 16 : index
          %swap3A_812 = tpu.vector_load %arg10[%swap3A_810, %swap3A_811] {strides = array<i32>} : memref<2x128xi32, #tpu.memory_space<vmem>>, vector<16xi32>,
          tpu.vector_store %arg10[%swap3A_810, %swap3A_811], %add3A_809 {strides = array<i32>} : memref<2x128xi32, #tpu.memory_space<vmem>>, vector<16xi32>,
          %and3A_813 = arith.constant 1 : i32
          %and3A_814 = vector.broadcast %and3A_813 : i32 to vector<16xi32>
          %and3A_815 = arith.andi %min3A_802, %and3A_814 : vector<16xi32>
          %mul3A_816 = arith.constant 64 : i32
          %mul3A_817 = vector.broadcast %mul3A_816 : i32 to vector<16xi32>
          %mul3A_818 = arith.muli %and3A_815, %mul3A_817 : vector<16xi32>
          %swap3A_819 = arith.index_cast %select_n3A_759 : i32 to index
          %swap3A_820 = arith.constant 16 : index
          %swap3A_821 = tpu.vector_load %arg11[%swap3A_819, %swap3A_820] {strides = array<i32>} : memref<2x128xi32, #tpu.memory_space<vmem>>, vector<16xi32>,
          tpu.vector_store %arg11[%swap3A_819, %swap3A_820], %mul3A_818 {strides = array<i32>} : memref<2x128xi32, #tpu.memory_space<vmem>>, vector<16xi32>,
          %add3A_822 = arith.constant 6 : i32
          %add3A_823 = arith.addi %add3A_822, %add3A_741 : i32
          %get3A_824 = arith.index_cast %add3A_823 : i32 to index
          %get3A_825 = arith.constant 32 : index
          %get3A_826 = tpu.vector_load %arg9[%get3A_824, %get3A_825] {strides = array<i32>} : memref<32x128xf32, #tpu.memory_space<vmem>>, vector<16xf32>,
          %convert_element_type3A_827 = arith.fptosi %get3A_826 : vector<16xf32> to vector<16xi32>
          %jit3A_828 = arith.constant 0 : i32
          %jit3A_829 = arith.constant 99999 : i32
          %max3A_830 = vector.broadcast %jit3A_828 : i32 to vector<16xi32>
          %max3A_831 = arith.maxsi %max3A_830, %convert_element_type3A_827 : vector<16xi32>
          %min3A_832 = vector.broadcast %jit3A_829 : i32 to vector<16xi32>
          %min3A_833 = arith.minsi %min3A_832, %max3A_831 : vector<16xi32>
          %mul3A_834 = arith.constant 50000 : i32
          %mul3A_835 = arith.muli %add3A_741, %mul3A_834 : i32
          %shift_right_logical3A_836 = arith.constant 1 : i32
          %shift_right_logical3A_837 = vector.broadcast %shift_right_logical3A_836 : i32 to vector<16xi32>
          %shift_right_logical3A_838 = arith.shrui %min3A_833, %shift_right_logical3A_837 : vector<16xi32>
          %add3A_839 = vector.broadcast %mul3A_835 : i32 to vector<16xi32>
          %add3A_840 = arith.addi %add3A_839, %shift_right_logical3A_838 : vector<16xi32>
          %swap3A_841 = arith.index_cast %select_n3A_759 : i32 to index
          %swap3A_842 = arith.constant 32 : index
          %swap3A_843 = tpu.vector_load %arg10[%swap3A_841, %swap3A_842] {strides = array<i32>} : memref<2x128xi32, #tpu.memory_space<vmem>>, vector<16xi32>,
          tpu.vector_store %arg10[%swap3A_841, %swap3A_842], %add3A_840 {strides = array<i32>} : memref<2x128xi32, #tpu.memory_space<vmem>>, vector<16xi32>,
          %and3A_844 = arith.constant 1 : i32
          %and3A_845 = vector.broadcast %and3A_844 : i32 to vector<16xi32>
          %and3A_846 = arith.andi %min3A_833, %and3A_845 : vector<16xi32>
          %mul3A_847 = arith.constant 64 : i32
          %mul3A_848 = vector.broadcast %mul3A_847 : i32 to vector<16xi32>
          %mul3A_849 = arith.muli %and3A_846, %mul3A_848 : vector<16xi32>
          %swap3A_850 = arith.index_cast %select_n3A_759 : i32 to index
          %swap3A_851 = arith.constant 32 : index
          %swap3A_852 = tpu.vector_load %arg11[%swap3A_850, %swap3A_851] {strides = array<i32>} : memref<2x128xi32, #tpu.memory_space<vmem>>, vector<16xi32>,
          tpu.vector_store %arg11[%swap3A_850, %swap3A_851], %mul3A_849 {strides = array<i32>} : memref<2x128xi32, #tpu.memory_space<vmem>>, vector<16xi32>,
          %add3A_853 = arith.constant 6 : i32
          %add3A_854 = arith.addi %add3A_853, %add3A_741 : i32
          %get3A_855 = arith.index_cast %add3A_854 : i32 to index
          %get3A_856 = arith.constant 48 : index
          %get3A_857 = tpu.vector_load %arg9[%get3A_855, %get3A_856] {strides = array<i32>} : memref<32x128xf32, #tpu.memory_space<vmem>>, vector<16xf32>,
          %convert_element_type3A_858 = arith.fptosi %get3A_857 : vector<16xf32> to vector<16xi32>
          %jit3A_859 = arith.constant 0 : i32
          %jit3A_860 = arith.constant 99999 : i32
          %max3A_861 = vector.broadcast %jit3A_859 : i32 to vector<16xi32>
          %max3A_862 = arith.maxsi %max3A_861, %convert_element_type3A_858 : vector<16xi32>
          %min3A_863 = vector.broadcast %jit3A_860 : i32 to vector<16xi32>
          %min3A_864 = arith.minsi %min3A_863, %max3A_862 : vector<16xi32>
          %mul3A_865 = arith.constant 50000 : i32
          %mul3A_866 = arith.muli %add3A_741, %mul3A_865 : i32
          %shift_right_logical3A_867 = arith.constant 1 : i32
          %shift_right_logical3A_868 = vector.broadcast %shift_right_logical3A_867 : i32 to vector<16xi32>
          %shift_right_logical3A_869 = arith.shrui %min3A_864, %shift_right_logical3A_868 : vector<16xi32>
          %add3A_870 = vector.broadcast %mul3A_866 : i32 to vector<16xi32>
          %add3A_871 = arith.addi %add3A_870, %shift_right_logical3A_869 : vector<16xi32>
          %swap3A_872 = arith.index_cast %select_n3A_759 : i32 to index
          %swap3A_873 = arith.constant 48 : index
          %swap3A_874 = tpu.vector_load %arg10[%swap3A_872, %swap3A_873] {strides = array<i32>} : memref<2x128xi32, #tpu.memory_space<vmem>>, vector<16xi32>,
          tpu.vector_store %arg10[%swap3A_872, %swap3A_873], %add3A_871 {strides = array<i32>} : memref<2x128xi32, #tpu.memory_space<vmem>>, vector<16xi32>,
          %and3A_875 = arith.constant 1 : i32
          %and3A_876 = vector.broadcast %and3A_875 : i32 to vector<16xi32>
          %and3A_877 = arith.andi %min3A_864, %and3A_876 : vector<16xi32>
          %mul3A_878 = arith.constant 64 : i32
          %mul3A_879 = vector.broadcast %mul3A_878 : i32 to vector<16xi32>
          %mul3A_880 = arith.muli %and3A_877, %mul3A_879 : vector<16xi32>
          %swap3A_881 = arith.index_cast %select_n3A_759 : i32 to index
          %swap3A_882 = arith.constant 48 : index
          %swap3A_883 = tpu.vector_load %arg11[%swap3A_881, %swap3A_882] {strides = array<i32>} : memref<2x128xi32, #tpu.memory_space<vmem>>, vector<16xi32>,
          tpu.vector_store %arg11[%swap3A_881, %swap3A_882], %mul3A_880 {strides = array<i32>} : memref<2x128xi32, #tpu.memory_space<vmem>>, vector<16xi32>,
          %add3A_884 = arith.constant 6 : i32
          %add3A_885 = arith.addi %add3A_884, %add3A_741 : i32
          %get3A_886 = arith.index_cast %add3A_885 : i32 to index
          %get3A_887 = arith.constant 64 : index
          %get3A_888 = tpu.vector_load %arg9[%get3A_886, %get3A_887] {strides = array<i32>} : memref<32x128xf32, #tpu.memory_space<vmem>>, vector<16xf32>,
          %convert_element_type3A_889 = arith.fptosi %get3A_888 : vector<16xf32> to vector<16xi32>
          %jit3A_890 = arith.constant 0 : i32
          %jit3A_891 = arith.constant 99999 : i32
          %max3A_892 = vector.broadcast %jit3A_890 : i32 to vector<16xi32>
          %max3A_893 = arith.maxsi %max3A_892, %convert_element_type3A_889 : vector<16xi32>
          %min3A_894 = vector.broadcast %jit3A_891 : i32 to vector<16xi32>
          %min3A_895 = arith.minsi %min3A_894, %max3A_893 : vector<16xi32>
          %mul3A_896 = arith.constant 50000 : i32
          %mul3A_897 = arith.muli %add3A_741, %mul3A_896 : i32
          %shift_right_logical3A_898 = arith.constant 1 : i32
          %shift_right_logical3A_899 = vector.broadcast %shift_right_logical3A_898 : i32 to vector<16xi32>
          %shift_right_logical3A_900 = arith.shrui %min3A_895, %shift_right_logical3A_899 : vector<16xi32>
          %add3A_901 = vector.broadcast %mul3A_897 : i32 to vector<16xi32>
          %add3A_902 = arith.addi %add3A_901, %shift_right_logical3A_900 : vector<16xi32>
          %swap3A_903 = arith.index_cast %select_n3A_759 : i32 to index
          %swap3A_904 = arith.constant 64 : index
          %swap3A_905 = tpu.vector_load %arg10[%swap3A_903, %swap3A_904] {strides = array<i32>} : memref<2x128xi32, #tpu.memory_space<vmem>>, vector<16xi32>,
          tpu.vector_store %arg10[%swap3A_903, %swap3A_904], %add3A_902 {strides = array<i32>} : memref<2x128xi32, #tpu.memory_space<vmem>>, vector<16xi32>,
          %and3A_906 = arith.constant 1 : i32
          %and3A_907 = vector.broadcast %and3A_906 : i32 to vector<16xi32>
          %and3A_908 = arith.andi %min3A_895, %and3A_907 : vector<16xi32>
          %mul3A_909 = arith.constant 64 : i32
          %mul3A_910 = vector.broadcast %mul3A_909 : i32 to vector<16xi32>
          %mul3A_911 = arith.muli %and3A_908, %mul3A_910 : vector<16xi32>
          %swap3A_912 = arith.index_cast %select_n3A_759 : i32 to index
          %swap3A_913 = arith.constant 64 : index
          %swap3A_914 = tpu.vector_load %arg11[%swap3A_912, %swap3A_913] {strides = array<i32>} : memref<2x128xi32, #tpu.memory_space<vmem>>, vector<16xi32>,
          tpu.vector_store %arg11[%swap3A_912, %swap3A_913], %mul3A_911 {strides = array<i32>} : memref<2x128xi32, #tpu.memory_space<vmem>>, vector<16xi32>,
          %add3A_915 = arith.constant 6 : i32
          %add3A_916 = arith.addi %add3A_915, %add3A_741 : i32
          %get3A_917 = arith.index_cast %add3A_916 : i32 to index
          %get3A_918 = arith.constant 80 : index
          %get3A_919 = tpu.vector_load %arg9[%get3A_917, %get3A_918] {strides = array<i32>} : memref<32x128xf32, #tpu.memory_space<vmem>>, vector<16xf32>,
          %convert_element_type3A_920 = arith.fptosi %get3A_919 : vector<16xf32> to vector<16xi32>
          %jit3A_921 = arith.constant 0 : i32
          %jit3A_922 = arith.constant 99999 : i32
          %max3A_923 = vector.broadcast %jit3A_921 : i32 to vector<16xi32>
          %max3A_924 = arith.maxsi %max3A_923, %convert_element_type3A_920 : vector<16xi32>
          %min3A_925 = vector.broadcast %jit3A_922 : i32 to vector<16xi32>
          %min3A_926 = arith.minsi %min3A_925, %max3A_924 : vector<16xi32>
          %mul3A_927 = arith.constant 50000 : i32
          %mul3A_928 = arith.muli %add3A_741, %mul3A_927 : i32
          %shift_right_logical3A_929 = arith.constant 1 : i32
          %shift_right_logical3A_930 = vector.broadcast %shift_right_logical3A_929 : i32 to vector<16xi32>
          %shift_right_logical3A_931 = arith.shrui %min3A_926, %shift_right_logical3A_930 : vector<16xi32>
          %add3A_932 = vector.broadcast %mul3A_928 : i32 to vector<16xi32>
          %add3A_933 = arith.addi %add3A_932, %shift_right_logical3A_931 : vector<16xi32>
          %swap3A_934 = arith.index_cast %select_n3A_759 : i32 to index
          %swap3A_935 = arith.constant 80 : index
          %swap3A_936 = tpu.vector_load %arg10[%swap3A_934, %swap3A_935] {strides = array<i32>} : memref<2x128xi32, #tpu.memory_space<vmem>>, vector<16xi32>,
          tpu.vector_store %arg10[%swap3A_934, %swap3A_935], %add3A_933 {strides = array<i32>} : memref<2x128xi32, #tpu.memory_space<vmem>>, vector<16xi32>,
          %and3A_937 = arith.constant 1 : i32
          %and3A_938 = vector.broadcast %and3A_937 : i32 to vector<16xi32>
          %and3A_939 = arith.andi %min3A_926, %and3A_938 : vector<16xi32>
          %mul3A_940 = arith.constant 64 : i32
          %mul3A_941 = vector.broadcast %mul3A_940 : i32 to vector<16xi32>
          %mul3A_942 = arith.muli %and3A_939, %mul3A_941 : vector<16xi32>
          %swap3A_943 = arith.index_cast %select_n3A_759 : i32 to index
          %swap3A_944 = arith.constant 80 : index
          %swap3A_945 = tpu.vector_load %arg11[%swap3A_943, %swap3A_944] {strides = array<i32>} : memref<2x128xi32, #tpu.memory_space<vmem>>, vector<16xi32>,
          tpu.vector_store %arg11[%swap3A_943, %swap3A_944], %mul3A_942 {strides = array<i32>} : memref<2x128xi32, #tpu.memory_space<vmem>>, vector<16xi32>,
          %add3A_946 = arith.constant 6 : i32
          %add3A_947 = arith.addi %add3A_946, %add3A_741 : i32
          %get3A_948 = arith.index_cast %add3A_947 : i32 to index
          %get3A_949 = arith.constant 96 : index
          %get3A_950 = tpu.vector_load %arg9[%get3A_948, %get3A_949] {strides = array<i32>} : memref<32x128xf32, #tpu.memory_space<vmem>>, vector<16xf32>,
          %convert_element_type3A_951 = arith.fptosi %get3A_950 : vector<16xf32> to vector<16xi32>
          %jit3A_952 = arith.constant 0 : i32
          %jit3A_953 = arith.constant 99999 : i32
          %max3A_954 = vector.broadcast %jit3A_952 : i32 to vector<16xi32>
          %max3A_955 = arith.maxsi %max3A_954, %convert_element_type3A_951 : vector<16xi32>
          %min3A_956 = vector.broadcast %jit3A_953 : i32 to vector<16xi32>
          %min3A_957 = arith.minsi %min3A_956, %max3A_955 : vector<16xi32>
          %mul3A_958 = arith.constant 50000 : i32
          %mul3A_959 = arith.muli %add3A_741, %mul3A_958 : i32
          %shift_right_logical3A_960 = arith.constant 1 : i32
          %shift_right_logical3A_961 = vector.broadcast %shift_right_logical3A_960 : i32 to vector<16xi32>
          %shift_right_logical3A_962 = arith.shrui %min3A_957, %shift_right_logical3A_961 : vector<16xi32>
          %add3A_963 = vector.broadcast %mul3A_959 : i32 to vector<16xi32>
          %add3A_964 = arith.addi %add3A_963, %shift_right_logical3A_962 : vector<16xi32>
          %swap3A_965 = arith.index_cast %select_n3A_759 : i32 to index
          %swap3A_966 = arith.constant 96 : index
          %swap3A_967 = tpu.vector_load %arg10[%swap3A_965, %swap3A_966] {strides = array<i32>} : memref<2x128xi32, #tpu.memory_space<vmem>>, vector<16xi32>,
          tpu.vector_store %arg10[%swap3A_965, %swap3A_966], %add3A_964 {strides = array<i32>} : memref<2x128xi32, #tpu.memory_space<vmem>>, vector<16xi32>,
          %and3A_968 = arith.constant 1 : i32
          %and3A_969 = vector.broadcast %and3A_968 : i32 to vector<16xi32>
          %and3A_970 = arith.andi %min3A_957, %and3A_969 : vector<16xi32>
          %mul3A_971 = arith.constant 64 : i32
          %mul3A_972 = vector.broadcast %mul3A_971 : i32 to vector<16xi32>
          %mul3A_973 = arith.muli %and3A_970, %mul3A_972 : vector<16xi32>
          %swap3A_974 = arith.index_cast %select_n3A_759 : i32 to index
          %swap3A_975 = arith.constant 96 : index
          %swap3A_976 = tpu.vector_load %arg11[%swap3A_974, %swap3A_975] {strides = array<i32>} : memref<2x128xi32, #tpu.memory_space<vmem>>, vector<16xi32>,
          tpu.vector_store %arg11[%swap3A_974, %swap3A_975], %mul3A_973 {strides = array<i32>} : memref<2x128xi32, #tpu.memory_space<vmem>>, vector<16xi32>,
          %add3A_977 = arith.constant 6 : i32
          %add3A_978 = arith.addi %add3A_977, %add3A_741 : i32
          %get3A_979 = arith.index_cast %add3A_978 : i32 to index
          %get3A_980 = arith.constant 112 : index
          %get3A_981 = tpu.vector_load %arg9[%get3A_979, %get3A_980] {strides = array<i32>} : memref<32x128xf32, #tpu.memory_space<vmem>>, vector<16xf32>,
          %convert_element_type3A_982 = arith.fptosi %get3A_981 : vector<16xf32> to vector<16xi32>
          %jit3A_983 = arith.constant 0 : i32
          %jit3A_984 = arith.constant 99999 : i32
          %max3A_985 = vector.broadcast %jit3A_983 : i32 to vector<16xi32>
          %max3A_986 = arith.maxsi %max3A_985, %convert_element_type3A_982 : vector<16xi32>
          %min3A_987 = vector.broadcast %jit3A_984 : i32 to vector<16xi32>
          %min3A_988 = arith.minsi %min3A_987, %max3A_986 : vector<16xi32>
          %mul3A_989 = arith.constant 50000 : i32
          %mul3A_990 = arith.muli %add3A_741, %mul3A_989 : i32
          %shift_right_logical3A_991 = arith.constant 1 : i32
          %shift_right_logical3A_992 = vector.broadcast %shift_right_logical3A_991 : i32 to vector<16xi32>
          %shift_right_logical3A_993 = arith.shrui %min3A_988, %shift_right_logical3A_992 : vector<16xi32>
          %add3A_994 = vector.broadcast %mul3A_990 : i32 to vector<16xi32>
          %add3A_995 = arith.addi %add3A_994, %shift_right_logical3A_993 : vector<16xi32>
          %swap3A_996 = arith.index_cast %select_n3A_759 : i32 to index
          %swap3A_997 = arith.constant 112 : index
          %swap3A_998 = tpu.vector_load %arg10[%swap3A_996, %swap3A_997] {strides = array<i32>} : memref<2x128xi32, #tpu.memory_space<vmem>>, vector<16xi32>,
          tpu.vector_store %arg10[%swap3A_996, %swap3A_997], %add3A_995 {strides = array<i32>} : memref<2x128xi32, #tpu.memory_space<vmem>>, vector<16xi32>,
          %and3A_999 = arith.constant 1 : i32
          %and3A_1000 = vector.broadcast %and3A_999 : i32 to vector<16xi32>
          %and3A_1001 = arith.andi %min3A_988, %and3A_1000 : vector<16xi32>
          %mul3A_1002 = arith.constant 64 : i32
          %mul3A_1003 = vector.broadcast %mul3A_1002 : i32 to vector<16xi32>
          %mul3A_1004 = arith.muli %and3A_1001, %mul3A_1003 : vector<16xi32>
          %swap3A_1005 = arith.index_cast %select_n3A_759 : i32 to index
          %swap3A_1006 = arith.constant 112 : index
          %swap3A_1007 = tpu.vector_load %arg11[%swap3A_1005, %swap3A_1006] {strides = array<i32>} : memref<2x128xi32, #tpu.memory_space<vmem>>, vector<16xi32>,
          tpu.vector_store %arg11[%swap3A_1005, %swap3A_1006], %mul3A_1004 {strides = array<i32>} : memref<2x128xi32, #tpu.memory_space<vmem>>, vector<16xi32>,
          %mul3A_1008 = arith.constant 128 : i32
          %mul3A_1009 = arith.muli %select_n3A_759, %mul3A_1008 : i32
          %dma_start3A_1010 = arith.constant 0 : i32
          %dma_start3A_1011 = tpu.memref_slice %arg12[%mul3A_1009, %dma_start3A_1010] : memref<256x129xf32, #tpu.memory_space<vmem>> -> memref<128x128xf32, #tpu.memory_space<vmem>>
          %dma_start3A_1012 = arith.constant 0 : i32
          %dma_start3A_1013 = tpu.memref_slice %arg10[%select_n3A_759, %dma_start3A_1012] : memref<2x128xi32, #tpu.memory_space<vmem>> -> memref<1x128xi32, #tpu.memory_space<vmem>>
          %dma_start3A_1014 = tpu.memref_squeeze %dma_start3A_1013 : memref<1x128xi32, #tpu.memory_space<vmem>> -> memref<128xi32, #tpu.memory_space<vmem>>
          %dma_start3A_1015 = arith.constant 0 : i32
          %dma_start3A_1016 = arith.constant 0 : i32
          %dma_start3A_1017 = tpu.memref_slice %arg6[%dma_start3A_1015, %dma_start3A_1016] : memref<1300000x128xf32, #tpu.memory_space<hbm>> -> memref<1300000x128xf32, #tpu.memory_space<hbm>>
          %dma_start3A_1018 = tpu.memref_slice %arg19[%select_n3A_759] : memref<2x!tpu.dma_semaphore, #tpu.memory_space<semaphore_mem>> -> memref<1x!tpu.dma_semaphore, #tpu.memory_space<semaphore_mem>>
          %dma_start3A_1019 = tpu.memref_squeeze %dma_start3A_1018 : memref<1x!tpu.dma_semaphore, #tpu.memory_space<semaphore_mem>> -> memref<!tpu.dma_semaphore, #tpu.memory_space<semaphore_mem>>
          tpu.enqueue_indirect_dma source(%dma_start3A_1017 : memref<1300000x128xf32, #tpu.memory_space<hbm>>) target(%dma_start3A_1011 : memref<128x128xf32, #tpu.memory_space<vmem>>) offsets(%dma_start3A_1014 : memref<128xi32, #tpu.memory_space<vmem>>) semaphore(%dma_start3A_1019 : memref<!tpu.dma_semaphore, #tpu.memory_space<semaphore_mem>>)
        } else {
        }
        "tpu.trace_stop"() : () -> ()
      }
      %scan3A_597 = arith.constant 26 : i32
      %scan3A_598 = arith.constant 0 : i32
      %scan3A_599 = arith.constant 6 : i32
      %scan3A_600 = arith.addi %scan3A_598, %scan3A_599 : i32
      %scan3A_601 = arith.constant 1 : i32
      scf.for %scan3A_603 = %scan3A_598 to %scan3A_600 step %scan3A_601  : i32 {
        %add3A_604 = arith.constant 26 : i32
        %add3A_605 = arith.addi %add3A_604, %scan3A_603 : i32
        %jit3A_606 = arith.constant 2 : i32
        %eq3A = arith.constant 0 : i32
        %eq3A_607 = arith.cmpi eq, %jit3A_606, %eq3A : i32
        %jit3A_608 = arith.constant 1 : i32
        %select_n3A = arith.select %eq3A_607, %jit3A_608, %jit3A_606 : i32
        %rem3A = arith.remsi %add3A_605, %select_n3A : i32
        %ne3A = arith.constant 0 : i32
        %ne3A_609 = arith.cmpi ne, %rem3A, %ne3A : i32
        %lt3A = arith.constant 0 : i32
        %lt3A_610 = arith.cmpi slt, %rem3A, %lt3A : i32
        %lt3A_611 = arith.constant 0 : i32
        %lt3A_612 = arith.cmpi slt, %select_n3A, %lt3A_611 : i32
        %ne3A_613 = arith.xori %lt3A_610, %lt3A_612 : i1
        %and3A_614 = arith.andi %ne3A_613, %ne3A_609 : i1
        %add3A_615 = arith.addi %rem3A, %select_n3A : i32
        %select_n3A_616 = arith.select %and3A_614, %add3A_615, %rem3A : i32
        %mul3A_617 = arith.constant 32 : i32
        %mul3A_618 = arith.muli %scan3A_74, %mul3A_617 : i32
        %add3A_619 = arith.constant 1 : i32
        %add3A_620 = arith.addi %add3A_619, %mul3A_618 : i32
        %add3A_621 = arith.addi %add3A_620, %scan3A_603 : i32
        %not3A = arith.constant false
        %not3A_622 = arith.constant true
        %not3A_623 = arith.xori %not3A, %not3A_622 : i1
        %convert_element_type3A_624 = arith.extui %not3A_623 : i1 to i32
        %cond3A = arith.constant 0 : i32
        %cond3A_625 = arith.cmpi ne, %convert_element_type3A_624, %cond3A : i32
        scf.if %cond3A_625 {
          %dma_wait3A_671 = arith.constant 0 : i32
          %dma_wait3A_672 = arith.constant 0 : i32
          %dma_wait3A_673 = tpu.memref_slice %arg14[%select_n3A_616, %dma_wait3A_671, %dma_wait3A_672] : memref<2x64x128xf32, #tpu.memory_space<vmem>> -> memref<1x64x128xf32, #tpu.memory_space<vmem>>
          %dma_wait3A_674 = tpu.memref_squeeze %dma_wait3A_673 : memref<1x64x128xf32, #tpu.memory_space<vmem>> -> memref<64x128xf32, #tpu.memory_space<vmem>>
          %dma_wait3A_675 = arith.constant 0 : i32
          %dma_wait3A_676 = tpu.memref_slice %arg8[%add3A_621, %dma_wait3A_675, %mul3A_2] : memref<641x64x4096xf32, #tpu.memory_space<hbm>> -> memref<1x64x128xf32, #tpu.memory_space<hbm>>
          %dma_wait3A_677 = tpu.memref_squeeze %dma_wait3A_676 : memref<1x64x128xf32, #tpu.memory_space<hbm>> -> memref<64x128xf32, #tpu.memory_space<hbm>>
          %dma_wait3A_678 = tpu.memref_slice %arg20[%select_n3A_616] : memref<2x!tpu.dma_semaphore, #tpu.memory_space<semaphore_mem>> -> memref<1x!tpu.dma_semaphore, #tpu.memory_space<semaphore_mem>>
          %dma_wait3A_679 = tpu.memref_squeeze %dma_wait3A_678 : memref<1x!tpu.dma_semaphore, #tpu.memory_space<semaphore_mem>> -> memref<!tpu.dma_semaphore, #tpu.memory_space<semaphore_mem>>
          %dma_wait3A_680 = arith.constant 0 : i32
          %dma_wait3A_681 = tpu.memref_slice %arg8[%add3A_621, %dma_wait3A_680, %mul3A_2] : memref<641x64x4096xf32, #tpu.memory_space<hbm>> -> memref<1x64x128xf32, #tpu.memory_space<hbm>>
          %dma_wait3A_682 = tpu.memref_squeeze %dma_wait3A_681 : memref<1x64x128xf32, #tpu.memory_space<hbm>> -> memref<64x128xf32, #tpu.memory_space<hbm>>
          %dma_wait3A_683 = arith.constant 0 : i32
          %dma_wait3A_684 = arith.constant 0 : i32
          %dma_wait3A_685 = tpu.memref_slice %arg14[%select_n3A_616, %dma_wait3A_683, %dma_wait3A_684] : memref<2x64x128xf32, #tpu.memory_space<vmem>> -> memref<1x64x128xf32, #tpu.memory_space<vmem>>
          %dma_wait3A_686 = tpu.memref_squeeze %dma_wait3A_685 : memref<1x64x128xf32, #tpu.memory_space<vmem>> -> memref<64x128xf32, #tpu.memory_space<vmem>>
          tpu.wait_dma2 semaphore(%dma_wait3A_679 : memref<!tpu.dma_semaphore, #tpu.memory_space<semaphore_mem>>) src(%dma_wait3A_686 : memref<64x128xf32, #tpu.memory_space<vmem>>) dst(%dma_wait3A_682 : memref<64x128xf32, #tpu.memory_space<hbm>>)
        } else {
        }
        %get3A_626 = arith.index_cast %scan3A_603 : i32 to index
        %get3A_627 = arith.constant 0 : index
        %get3A_628 = tpu.vector_load %arg9[%get3A_626, %get3A_627] {strides = array<i32>} : memref<32x128xf32, #tpu.memory_space<vmem>>, vector<16xf32>,
        %get3A_629 = arith.index_cast %scan3A_603 : i32 to index
        %get3A_630 = arith.constant 16 : index
        %get3A_631 = tpu.vector_load %arg9[%get3A_629, %get3A_630] {strides = array<i32>} : memref<32x128xf32, #tpu.memory_space<vmem>>, vector<16xf32>,
        %get3A_632 = arith.index_cast %scan3A_603 : i32 to index
        %get3A_633 = arith.constant 32 : index
        %get3A_634 = tpu.vector_load %arg9[%get3A_632, %get3A_633] {strides = array<i32>} : memref<32x128xf32, #tpu.memory_space<vmem>>, vector<16xf32>,
        %get3A_635 = arith.index_cast %scan3A_603 : i32 to index
        %get3A_636 = arith.constant 48 : index
        %get3A_637 = tpu.vector_load %arg9[%get3A_635, %get3A_636] {strides = array<i32>} : memref<32x128xf32, #tpu.memory_space<vmem>>, vector<16xf32>,
        %get3A_638 = arith.index_cast %scan3A_603 : i32 to index
        %get3A_639 = arith.constant 64 : index
        %get3A_640 = tpu.vector_load %arg9[%get3A_638, %get3A_639] {strides = array<i32>} : memref<32x128xf32, #tpu.memory_space<vmem>>, vector<16xf32>,
        %get3A_641 = arith.index_cast %scan3A_603 : i32 to index
        %get3A_642 = arith.constant 80 : index
        %get3A_643 = tpu.vector_load %arg9[%get3A_641, %get3A_642] {strides = array<i32>} : memref<32x128xf32, #tpu.memory_space<vmem>>, vector<16xf32>,
        %get3A_644 = arith.index_cast %scan3A_603 : i32 to index
        %get3A_645 = arith.constant 96 : index
        %get3A_646 = tpu.vector_load %arg9[%get3A_644, %get3A_645] {strides = array<i32>} : memref<32x128xf32, #tpu.memory_space<vmem>>, vector<16xf32>,
        %get3A_647 = arith.index_cast %scan3A_603 : i32 to index
        %get3A_648 = arith.constant 112 : index
        %get3A_649 = tpu.vector_load %arg9[%get3A_647, %get3A_648] {strides = array<i32>} : memref<32x128xf32, #tpu.memory_space<vmem>>, vector<16xf32>,
        %scan3A_650 = arith.constant 0 : i32
        %scan3A_651 = arith.constant 64 : i32
        %scan3A_652 = arith.addi %scan3A_650, %scan3A_651 : i32
        %scan3A_653 = arith.constant 8 : i32
        scf.for %scan3A_671 = %scan3A_650 to %scan3A_652 step %scan3A_653  : i32 {
          %broadcast_in_dim3A = vector.broadcast %scan3A_603 : i32 to vector<16xi32>
          %broadcast_in_dim3A_672 = vector.broadcast %scan3A_671 : i32 to vector<16xi32>
          %gather3A = tpu.vector_load_idx %arg16[%broadcast_in_dim3A, %broadcast_in_dim3A_672] : memref<6x64xf32, #tpu.memory_space<vmem>>[vector<16xi32>, vector<16xi32>], vector<16xf32>,
          %broadcast_in_dim3A_673 = vector.broadcast %scan3A_603 : i32 to vector<16xi32>
          %broadcast_in_dim3A_674 = vector.broadcast %scan3A_671 : i32 to vector<16xi32>
          %gather3A_675 = tpu.vector_load_idx %arg17[%broadcast_in_dim3A_673, %broadcast_in_dim3A_674] : memref<6x64xf32, #tpu.memory_space<vmem>>[vector<16xi32>, vector<16xi32>], vector<16xf32>,
          %get3A_676 = arith.index_cast %scan3A_671 : i32 to index
          %get3A_677 = arith.constant 0 : index
          %get3A_678 = tpu.vector_load %arg13[%get3A_676, %get3A_677] {strides = array<i32>} : memref<64x16xf32, #tpu.memory_space<vmem>>, vector<16xf32>,
          %add3A_679 = arith.addf %gather3A_675, %get3A_678 : vector<16xf32>
          %mul3A_680 = arith.mulf %get3A_628, %gather3A : vector<16xf32>
          %add3A_681 = arith.addf %mul3A_680, %add3A_679 : vector<16xf32>
          %swap3A_682 = arith.index_cast %select_n3A_616 : i32 to index
          %swap3A_683 = arith.index_cast %scan3A_671 : i32 to index
          %swap3A_684 = arith.constant 0 : index
          %swap3A_685 = tpu.vector_load %arg14[%swap3A_682, %swap3A_683, %swap3A_684] {strides = array<i32>} : memref<2x64x128xf32, #tpu.memory_space<vmem>>, vector<16xf32>,
          tpu.vector_store %arg14[%swap3A_682, %swap3A_683, %swap3A_684], %add3A_681 {strides = array<i32>} : memref<2x64x128xf32, #tpu.memory_space<vmem>>, vector<16xf32>,
          %mul3A_686 = arith.mulf %get3A_631, %gather3A : vector<16xf32>
          %add3A_687 = arith.addf %mul3A_686, %add3A_679 : vector<16xf32>
          %swap3A_688 = arith.index_cast %select_n3A_616 : i32 to index
          %swap3A_689 = arith.index_cast %scan3A_671 : i32 to index
          %swap3A_690 = arith.constant 16 : index
          %swap3A_691 = tpu.vector_load %arg14[%swap3A_688, %swap3A_689, %swap3A_690] {strides = array<i32>} : memref<2x64x128xf32, #tpu.memory_space<vmem>>, vector<16xf32>,
          tpu.vector_store %arg14[%swap3A_688, %swap3A_689, %swap3A_690], %add3A_687 {strides = array<i32>} : memref<2x64x128xf32, #tpu.memory_space<vmem>>, vector<16xf32>,
          %mul3A_692 = arith.mulf %get3A_634, %gather3A : vector<16xf32>
          %add3A_693 = arith.addf %mul3A_692, %add3A_679 : vector<16xf32>
          %swap3A_694 = arith.index_cast %select_n3A_616 : i32 to index
          %swap3A_695 = arith.index_cast %scan3A_671 : i32 to index
          %swap3A_696 = arith.constant 32 : index
          %swap3A_697 = tpu.vector_load %arg14[%swap3A_694, %swap3A_695, %swap3A_696] {strides = array<i32>} : memref<2x64x128xf32, #tpu.memory_space<vmem>>, vector<16xf32>,
          tpu.vector_store %arg14[%swap3A_694, %swap3A_695, %swap3A_696], %add3A_693 {strides = array<i32>} : memref<2x64x128xf32, #tpu.memory_space<vmem>>, vector<16xf32>,
          %mul3A_698 = arith.mulf %get3A_637, %gather3A : vector<16xf32>
          %add3A_699 = arith.addf %mul3A_698, %add3A_679 : vector<16xf32>
          %swap3A_700 = arith.index_cast %select_n3A_616 : i32 to index
          %swap3A_701 = arith.index_cast %scan3A_671 : i32 to index
          %swap3A_702 = arith.constant 48 : index
          %swap3A_703 = tpu.vector_load %arg14[%swap3A_700, %swap3A_701, %swap3A_702] {strides = array<i32>} : memref<2x64x128xf32, #tpu.memory_space<vmem>>, vector<16xf32>,
          tpu.vector_store %arg14[%swap3A_700, %swap3A_701, %swap3A_702], %add3A_699 {strides = array<i32>} : memref<2x64x128xf32, #tpu.memory_space<vmem>>, vector<16xf32>,
          %mul3A_704 = arith.mulf %get3A_640, %gather3A : vector<16xf32>
          %add3A_705 = arith.addf %mul3A_704, %add3A_679 : vector<16xf32>
          %swap3A_706 = arith.index_cast %select_n3A_616 : i32 to index
          %swap3A_707 = arith.index_cast %scan3A_671 : i32 to index
          %swap3A_708 = arith.constant 64 : index
          %swap3A_709 = tpu.vector_load %arg14[%swap3A_706, %swap3A_707, %swap3A_708] {strides = array<i32>} : memref<2x64x128xf32, #tpu.memory_space<vmem>>, vector<16xf32>,
          tpu.vector_store %arg14[%swap3A_706, %swap3A_707, %swap3A_708], %add3A_705 {strides = array<i32>} : memref<2x64x128xf32, #tpu.memory_space<vmem>>, vector<16xf32>,
          %mul3A_710 = arith.mulf %get3A_643, %gather3A : vector<16xf32>
          %add3A_711 = arith.addf %mul3A_710, %add3A_679 : vector<16xf32>
          %swap3A_712 = arith.index_cast %select_n3A_616 : i32 to index
          %swap3A_713 = arith.index_cast %scan3A_671 : i32 to index
          %swap3A_714 = arith.constant 80 : index
          %swap3A_715 = tpu.vector_load %arg14[%swap3A_712, %swap3A_713, %swap3A_714] {strides = array<i32>} : memref<2x64x128xf32, #tpu.memory_space<vmem>>, vector<16xf32>,
          tpu.vector_store %arg14[%swap3A_712, %swap3A_713, %swap3A_714], %add3A_711 {strides = array<i32>} : memref<2x64x128xf32, #tpu.memory_space<vmem>>, vector<16xf32>,
          %mul3A_716 = arith.mulf %get3A_646, %gather3A : vector<16xf32>
          %add3A_717 = arith.addf %mul3A_716, %add3A_679 : vector<16xf32>
          %swap3A_718 = arith.index_cast %select_n3A_616 : i32 to index
          %swap3A_719 = arith.index_cast %scan3A_671 : i32 to index
          %swap3A_720 = arith.constant 96 : index
          %swap3A_721 = tpu.vector_load %arg14[%swap3A_718, %swap3A_719, %swap3A_720] {strides = array<i32>} : memref<2x64x128xf32, #tpu.memory_space<vmem>>, vector<16xf32>,
          tpu.vector_store %arg14[%swap3A_718, %swap3A_719, %swap3A_720], %add3A_717 {strides = array<i32>} : memref<2x64x128xf32, #tpu.memory_space<vmem>>, vector<16xf32>,
          %mul3A_722 = arith.mulf %get3A_649, %gather3A : vector<16xf32>
          %add3A_723 = arith.addf %mul3A_722, %add3A_679 : vector<16xf32>
          %swap3A_724 = arith.index_cast %select_n3A_616 : i32 to index
          %swap3A_725 = arith.index_cast %scan3A_671 : i32 to index
          %swap3A_726 = arith.constant 112 : index
          %swap3A_727 = tpu.vector_load %arg14[%swap3A_724, %swap3A_725, %swap3A_726] {strides = array<i32>} : memref<2x64x128xf32, #tpu.memory_space<vmem>>, vector<16xf32>,
          tpu.vector_store %arg14[%swap3A_724, %swap3A_725, %swap3A_726], %add3A_723 {strides = array<i32>} : memref<2x64x128xf32, #tpu.memory_space<vmem>>, vector<16xf32>,
          %scan3A_728 = arith.constant 1 : i32
          %scan3A_729 = arith.addi %scan3A_671, %scan3A_728 : i32
          %broadcast_in_dim3A_730 = vector.broadcast %scan3A_603 : i32 to vector<16xi32>
          %broadcast_in_dim3A_731 = vector.broadcast %scan3A_729 : i32 to vector<16xi32>
          %gather3A_732 = tpu.vector_load_idx %arg16[%broadcast_in_dim3A_730, %broadcast_in_dim3A_731] : memref<6x64xf32, #tpu.memory_space<vmem>>[vector<16xi32>, vector<16xi32>], vector<16xf32>,
          %broadcast_in_dim3A_733 = vector.broadcast %scan3A_603 : i32 to vector<16xi32>
          %broadcast_in_dim3A_734 = vector.broadcast %scan3A_729 : i32 to vector<16xi32>
          %gather3A_735 = tpu.vector_load_idx %arg17[%broadcast_in_dim3A_733, %broadcast_in_dim3A_734] : memref<6x64xf32, #tpu.memory_space<vmem>>[vector<16xi32>, vector<16xi32>], vector<16xf32>,
          %get3A_736 = arith.index_cast %scan3A_729 : i32 to index
          %get3A_737 = arith.constant 0 : index
          %get3A_738 = tpu.vector_load %arg13[%get3A_736, %get3A_737] {strides = array<i32>} : memref<64x16xf32, #tpu.memory_space<vmem>>, vector<16xf32>,
          %add3A_739 = arith.addf %gather3A_735, %get3A_738 : vector<16xf32>
          %mul3A_740 = arith.mulf %get3A_628, %gather3A_732 : vector<16xf32>
          %add3A_741 = arith.addf %mul3A_740, %add3A_739 : vector<16xf32>
          %swap3A_742 = arith.index_cast %select_n3A_616 : i32 to index
          %swap3A_743 = arith.index_cast %scan3A_729 : i32 to index
          %swap3A_744 = arith.constant 0 : index
          %swap3A_745 = tpu.vector_load %arg14[%swap3A_742, %swap3A_743, %swap3A_744] {strides = array<i32>} : memref<2x64x128xf32, #tpu.memory_space<vmem>>, vector<16xf32>,
          tpu.vector_store %arg14[%swap3A_742, %swap3A_743, %swap3A_744], %add3A_741 {strides = array<i32>} : memref<2x64x128xf32, #tpu.memory_space<vmem>>, vector<16xf32>,
          %mul3A_746 = arith.mulf %get3A_631, %gather3A_732 : vector<16xf32>
          %add3A_747 = arith.addf %mul3A_746, %add3A_739 : vector<16xf32>
          %swap3A_748 = arith.index_cast %select_n3A_616 : i32 to index
          %swap3A_749 = arith.index_cast %scan3A_729 : i32 to index
          %swap3A_750 = arith.constant 16 : index
          %swap3A_751 = tpu.vector_load %arg14[%swap3A_748, %swap3A_749, %swap3A_750] {strides = array<i32>} : memref<2x64x128xf32, #tpu.memory_space<vmem>>, vector<16xf32>,
          tpu.vector_store %arg14[%swap3A_748, %swap3A_749, %swap3A_750], %add3A_747 {strides = array<i32>} : memref<2x64x128xf32, #tpu.memory_space<vmem>>, vector<16xf32>,
          %mul3A_752 = arith.mulf %get3A_634, %gather3A_732 : vector<16xf32>
          %add3A_753 = arith.addf %mul3A_752, %add3A_739 : vector<16xf32>
          %swap3A_754 = arith.index_cast %select_n3A_616 : i32 to index
          %swap3A_755 = arith.index_cast %scan3A_729 : i32 to index
          %swap3A_756 = arith.constant 32 : index
          %swap3A_757 = tpu.vector_load %arg14[%swap3A_754, %swap3A_755, %swap3A_756] {strides = array<i32>} : memref<2x64x128xf32, #tpu.memory_space<vmem>>, vector<16xf32>,
          tpu.vector_store %arg14[%swap3A_754, %swap3A_755, %swap3A_756], %add3A_753 {strides = array<i32>} : memref<2x64x128xf32, #tpu.memory_space<vmem>>, vector<16xf32>,
          %mul3A_758 = arith.mulf %get3A_637, %gather3A_732 : vector<16xf32>
          %add3A_759 = arith.addf %mul3A_758, %add3A_739 : vector<16xf32>
          %swap3A_760 = arith.index_cast %select_n3A_616 : i32 to index
          %swap3A_761 = arith.index_cast %scan3A_729 : i32 to index
          %swap3A_762 = arith.constant 48 : index
          %swap3A_763 = tpu.vector_load %arg14[%swap3A_760, %swap3A_761, %swap3A_762] {strides = array<i32>} : memref<2x64x128xf32, #tpu.memory_space<vmem>>, vector<16xf32>,
          tpu.vector_store %arg14[%swap3A_760, %swap3A_761, %swap3A_762], %add3A_759 {strides = array<i32>} : memref<2x64x128xf32, #tpu.memory_space<vmem>>, vector<16xf32>,
          %mul3A_764 = arith.mulf %get3A_640, %gather3A_732 : vector<16xf32>
          %add3A_765 = arith.addf %mul3A_764, %add3A_739 : vector<16xf32>
          %swap3A_766 = arith.index_cast %select_n3A_616 : i32 to index
          %swap3A_767 = arith.index_cast %scan3A_729 : i32 to index
          %swap3A_768 = arith.constant 64 : index
          %swap3A_769 = tpu.vector_load %arg14[%swap3A_766, %swap3A_767, %swap3A_768] {strides = array<i32>} : memref<2x64x128xf32, #tpu.memory_space<vmem>>, vector<16xf32>,
          tpu.vector_store %arg14[%swap3A_766, %swap3A_767, %swap3A_768], %add3A_765 {strides = array<i32>} : memref<2x64x128xf32, #tpu.memory_space<vmem>>, vector<16xf32>,
          %mul3A_770 = arith.mulf %get3A_643, %gather3A_732 : vector<16xf32>
          %add3A_771 = arith.addf %mul3A_770, %add3A_739 : vector<16xf32>
          %swap3A_772 = arith.index_cast %select_n3A_616 : i32 to index
          %swap3A_773 = arith.index_cast %scan3A_729 : i32 to index
          %swap3A_774 = arith.constant 80 : index
          %swap3A_775 = tpu.vector_load %arg14[%swap3A_772, %swap3A_773, %swap3A_774] {strides = array<i32>} : memref<2x64x128xf32, #tpu.memory_space<vmem>>, vector<16xf32>,
          tpu.vector_store %arg14[%swap3A_772, %swap3A_773, %swap3A_774], %add3A_771 {strides = array<i32>} : memref<2x64x128xf32, #tpu.memory_space<vmem>>, vector<16xf32>,
          %mul3A_776 = arith.mulf %get3A_646, %gather3A_732 : vector<16xf32>
          %add3A_777 = arith.addf %mul3A_776, %add3A_739 : vector<16xf32>
          %swap3A_778 = arith.index_cast %select_n3A_616 : i32 to index
          %swap3A_779 = arith.index_cast %scan3A_729 : i32 to index
          %swap3A_780 = arith.constant 96 : index
          %swap3A_781 = tpu.vector_load %arg14[%swap3A_778, %swap3A_779, %swap3A_780] {strides = array<i32>} : memref<2x64x128xf32, #tpu.memory_space<vmem>>, vector<16xf32>,
          tpu.vector_store %arg14[%swap3A_778, %swap3A_779, %swap3A_780], %add3A_777 {strides = array<i32>} : memref<2x64x128xf32, #tpu.memory_space<vmem>>, vector<16xf32>,
          %mul3A_782 = arith.mulf %get3A_649, %gather3A_732 : vector<16xf32>
          %add3A_783 = arith.addf %mul3A_782, %add3A_739 : vector<16xf32>
          %swap3A_784 = arith.index_cast %select_n3A_616 : i32 to index
          %swap3A_785 = arith.index_cast %scan3A_729 : i32 to index
          %swap3A_786 = arith.constant 112 : index
          %swap3A_787 = tpu.vector_load %arg14[%swap3A_784, %swap3A_785, %swap3A_786] {strides = array<i32>} : memref<2x64x128xf32, #tpu.memory_space<vmem>>, vector<16xf32>,
          tpu.vector_store %arg14[%swap3A_784, %swap3A_785, %swap3A_786], %add3A_783 {strides = array<i32>} : memref<2x64x128xf32, #tpu.memory_space<vmem>>, vector<16xf32>,
          %scan3A_788 = arith.constant 2 : i32
          %scan3A_789 = arith.addi %scan3A_671, %scan3A_788 : i32
          %broadcast_in_dim3A_790 = vector.broadcast %scan3A_603 : i32 to vector<16xi32>
          %broadcast_in_dim3A_791 = vector.broadcast %scan3A_789 : i32 to vector<16xi32>
          %gather3A_792 = tpu.vector_load_idx %arg16[%broadcast_in_dim3A_790, %broadcast_in_dim3A_791] : memref<6x64xf32, #tpu.memory_space<vmem>>[vector<16xi32>, vector<16xi32>], vector<16xf32>,
          %broadcast_in_dim3A_793 = vector.broadcast %scan3A_603 : i32 to vector<16xi32>
          %broadcast_in_dim3A_794 = vector.broadcast %scan3A_789 : i32 to vector<16xi32>
          %gather3A_795 = tpu.vector_load_idx %arg17[%broadcast_in_dim3A_793, %broadcast_in_dim3A_794] : memref<6x64xf32, #tpu.memory_space<vmem>>[vector<16xi32>, vector<16xi32>], vector<16xf32>,
          %get3A_796 = arith.index_cast %scan3A_789 : i32 to index
          %get3A_797 = arith.constant 0 : index
          %get3A_798 = tpu.vector_load %arg13[%get3A_796, %get3A_797] {strides = array<i32>} : memref<64x16xf32, #tpu.memory_space<vmem>>, vector<16xf32>,
          %add3A_799 = arith.addf %gather3A_795, %get3A_798 : vector<16xf32>
          %mul3A_800 = arith.mulf %get3A_628, %gather3A_792 : vector<16xf32>
          %add3A_801 = arith.addf %mul3A_800, %add3A_799 : vector<16xf32>
          %swap3A_802 = arith.index_cast %select_n3A_616 : i32 to index
          %swap3A_803 = arith.index_cast %scan3A_789 : i32 to index
          %swap3A_804 = arith.constant 0 : index
          %swap3A_805 = tpu.vector_load %arg14[%swap3A_802, %swap3A_803, %swap3A_804] {strides = array<i32>} : memref<2x64x128xf32, #tpu.memory_space<vmem>>, vector<16xf32>,
          tpu.vector_store %arg14[%swap3A_802, %swap3A_803, %swap3A_804], %add3A_801 {strides = array<i32>} : memref<2x64x128xf32, #tpu.memory_space<vmem>>, vector<16xf32>,
          %mul3A_806 = arith.mulf %get3A_631, %gather3A_792 : vector<16xf32>
          %add3A_807 = arith.addf %mul3A_806, %add3A_799 : vector<16xf32>
          %swap3A_808 = arith.index_cast %select_n3A_616 : i32 to index
          %swap3A_809 = arith.index_cast %scan3A_789 : i32 to index
          %swap3A_810 = arith.constant 16 : index
          %swap3A_811 = tpu.vector_load %arg14[%swap3A_808, %swap3A_809, %swap3A_810] {strides = array<i32>} : memref<2x64x128xf32, #tpu.memory_space<vmem>>, vector<16xf32>,
          tpu.vector_store %arg14[%swap3A_808, %swap3A_809, %swap3A_810], %add3A_807 {strides = array<i32>} : memref<2x64x128xf32, #tpu.memory_space<vmem>>, vector<16xf32>,
          %mul3A_812 = arith.mulf %get3A_634, %gather3A_792 : vector<16xf32>
          %add3A_813 = arith.addf %mul3A_812, %add3A_799 : vector<16xf32>
          %swap3A_814 = arith.index_cast %select_n3A_616 : i32 to index
          %swap3A_815 = arith.index_cast %scan3A_789 : i32 to index
          %swap3A_816 = arith.constant 32 : index
          %swap3A_817 = tpu.vector_load %arg14[%swap3A_814, %swap3A_815, %swap3A_816] {strides = array<i32>} : memref<2x64x128xf32, #tpu.memory_space<vmem>>, vector<16xf32>,
          tpu.vector_store %arg14[%swap3A_814, %swap3A_815, %swap3A_816], %add3A_813 {strides = array<i32>} : memref<2x64x128xf32, #tpu.memory_space<vmem>>, vector<16xf32>,
          %mul3A_818 = arith.mulf %get3A_637, %gather3A_792 : vector<16xf32>
          %add3A_819 = arith.addf %mul3A_818, %add3A_799 : vector<16xf32>
          %swap3A_820 = arith.index_cast %select_n3A_616 : i32 to index
          %swap3A_821 = arith.index_cast %scan3A_789 : i32 to index
          %swap3A_822 = arith.constant 48 : index
          %swap3A_823 = tpu.vector_load %arg14[%swap3A_820, %swap3A_821, %swap3A_822] {strides = array<i32>} : memref<2x64x128xf32, #tpu.memory_space<vmem>>, vector<16xf32>,
          tpu.vector_store %arg14[%swap3A_820, %swap3A_821, %swap3A_822], %add3A_819 {strides = array<i32>} : memref<2x64x128xf32, #tpu.memory_space<vmem>>, vector<16xf32>,
          %mul3A_824 = arith.mulf %get3A_640, %gather3A_792 : vector<16xf32>
          %add3A_825 = arith.addf %mul3A_824, %add3A_799 : vector<16xf32>
          %swap3A_826 = arith.index_cast %select_n3A_616 : i32 to index
          %swap3A_827 = arith.index_cast %scan3A_789 : i32 to index
          %swap3A_828 = arith.constant 64 : index
          %swap3A_829 = tpu.vector_load %arg14[%swap3A_826, %swap3A_827, %swap3A_828] {strides = array<i32>} : memref<2x64x128xf32, #tpu.memory_space<vmem>>, vector<16xf32>,
          tpu.vector_store %arg14[%swap3A_826, %swap3A_827, %swap3A_828], %add3A_825 {strides = array<i32>} : memref<2x64x128xf32, #tpu.memory_space<vmem>>, vector<16xf32>,
          %mul3A_830 = arith.mulf %get3A_643, %gather3A_792 : vector<16xf32>
          %add3A_831 = arith.addf %mul3A_830, %add3A_799 : vector<16xf32>
          %swap3A_832 = arith.index_cast %select_n3A_616 : i32 to index
          %swap3A_833 = arith.index_cast %scan3A_789 : i32 to index
          %swap3A_834 = arith.constant 80 : index
          %swap3A_835 = tpu.vector_load %arg14[%swap3A_832, %swap3A_833, %swap3A_834] {strides = array<i32>} : memref<2x64x128xf32, #tpu.memory_space<vmem>>, vector<16xf32>,
          tpu.vector_store %arg14[%swap3A_832, %swap3A_833, %swap3A_834], %add3A_831 {strides = array<i32>} : memref<2x64x128xf32, #tpu.memory_space<vmem>>, vector<16xf32>,
          %mul3A_836 = arith.mulf %get3A_646, %gather3A_792 : vector<16xf32>
          %add3A_837 = arith.addf %mul3A_836, %add3A_799 : vector<16xf32>
          %swap3A_838 = arith.index_cast %select_n3A_616 : i32 to index
          %swap3A_839 = arith.index_cast %scan3A_789 : i32 to index
          %swap3A_840 = arith.constant 96 : index
          %swap3A_841 = tpu.vector_load %arg14[%swap3A_838, %swap3A_839, %swap3A_840] {strides = array<i32>} : memref<2x64x128xf32, #tpu.memory_space<vmem>>, vector<16xf32>,
          tpu.vector_store %arg14[%swap3A_838, %swap3A_839, %swap3A_840], %add3A_837 {strides = array<i32>} : memref<2x64x128xf32, #tpu.memory_space<vmem>>, vector<16xf32>,
          %mul3A_842 = arith.mulf %get3A_649, %gather3A_792 : vector<16xf32>
          %add3A_843 = arith.addf %mul3A_842, %add3A_799 : vector<16xf32>
          %swap3A_844 = arith.index_cast %select_n3A_616 : i32 to index
          %swap3A_845 = arith.index_cast %scan3A_789 : i32 to index
          %swap3A_846 = arith.constant 112 : index
          %swap3A_847 = tpu.vector_load %arg14[%swap3A_844, %swap3A_845, %swap3A_846] {strides = array<i32>} : memref<2x64x128xf32, #tpu.memory_space<vmem>>, vector<16xf32>,
          tpu.vector_store %arg14[%swap3A_844, %swap3A_845, %swap3A_846], %add3A_843 {strides = array<i32>} : memref<2x64x128xf32, #tpu.memory_space<vmem>>, vector<16xf32>,
          %scan3A_848 = arith.constant 3 : i32
          %scan3A_849 = arith.addi %scan3A_671, %scan3A_848 : i32
          %broadcast_in_dim3A_850 = vector.broadcast %scan3A_603 : i32 to vector<16xi32>
          %broadcast_in_dim3A_851 = vector.broadcast %scan3A_849 : i32 to vector<16xi32>
          %gather3A_852 = tpu.vector_load_idx %arg16[%broadcast_in_dim3A_850, %broadcast_in_dim3A_851] : memref<6x64xf32, #tpu.memory_space<vmem>>[vector<16xi32>, vector<16xi32>], vector<16xf32>,
          %broadcast_in_dim3A_853 = vector.broadcast %scan3A_603 : i32 to vector<16xi32>
          %broadcast_in_dim3A_854 = vector.broadcast %scan3A_849 : i32 to vector<16xi32>
          %gather3A_855 = tpu.vector_load_idx %arg17[%broadcast_in_dim3A_853, %broadcast_in_dim3A_854] : memref<6x64xf32, #tpu.memory_space<vmem>>[vector<16xi32>, vector<16xi32>], vector<16xf32>,
          %get3A_856 = arith.index_cast %scan3A_849 : i32 to index
          %get3A_857 = arith.constant 0 : index
          %get3A_858 = tpu.vector_load %arg13[%get3A_856, %get3A_857] {strides = array<i32>} : memref<64x16xf32, #tpu.memory_space<vmem>>, vector<16xf32>,
          %add3A_859 = arith.addf %gather3A_855, %get3A_858 : vector<16xf32>
          %mul3A_860 = arith.mulf %get3A_628, %gather3A_852 : vector<16xf32>
          %add3A_861 = arith.addf %mul3A_860, %add3A_859 : vector<16xf32>
          %swap3A_862 = arith.index_cast %select_n3A_616 : i32 to index
          %swap3A_863 = arith.index_cast %scan3A_849 : i32 to index
          %swap3A_864 = arith.constant 0 : index
          %swap3A_865 = tpu.vector_load %arg14[%swap3A_862, %swap3A_863, %swap3A_864] {strides = array<i32>} : memref<2x64x128xf32, #tpu.memory_space<vmem>>, vector<16xf32>,
          tpu.vector_store %arg14[%swap3A_862, %swap3A_863, %swap3A_864], %add3A_861 {strides = array<i32>} : memref<2x64x128xf32, #tpu.memory_space<vmem>>, vector<16xf32>,
          %mul3A_866 = arith.mulf %get3A_631, %gather3A_852 : vector<16xf32>
          %add3A_867 = arith.addf %mul3A_866, %add3A_859 : vector<16xf32>
          %swap3A_868 = arith.index_cast %select_n3A_616 : i32 to index
          %swap3A_869 = arith.index_cast %scan3A_849 : i32 to index
          %swap3A_870 = arith.constant 16 : index
          %swap3A_871 = tpu.vector_load %arg14[%swap3A_868, %swap3A_869, %swap3A_870] {strides = array<i32>} : memref<2x64x128xf32, #tpu.memory_space<vmem>>, vector<16xf32>,
          tpu.vector_store %arg14[%swap3A_868, %swap3A_869, %swap3A_870], %add3A_867 {strides = array<i32>} : memref<2x64x128xf32, #tpu.memory_space<vmem>>, vector<16xf32>,
          %mul3A_872 = arith.mulf %get3A_634, %gather3A_852 : vector<16xf32>
          %add3A_873 = arith.addf %mul3A_872, %add3A_859 : vector<16xf32>
          %swap3A_874 = arith.index_cast %select_n3A_616 : i32 to index
          %swap3A_875 = arith.index_cast %scan3A_849 : i32 to index
          %swap3A_876 = arith.constant 32 : index
          %swap3A_877 = tpu.vector_load %arg14[%swap3A_874, %swap3A_875, %swap3A_876] {strides = array<i32>} : memref<2x64x128xf32, #tpu.memory_space<vmem>>, vector<16xf32>,
          tpu.vector_store %arg14[%swap3A_874, %swap3A_875, %swap3A_876], %add3A_873 {strides = array<i32>} : memref<2x64x128xf32, #tpu.memory_space<vmem>>, vector<16xf32>,
          %mul3A_878 = arith.mulf %get3A_637, %gather3A_852 : vector<16xf32>
          %add3A_879 = arith.addf %mul3A_878, %add3A_859 : vector<16xf32>
          %swap3A_880 = arith.index_cast %select_n3A_616 : i32 to index
          %swap3A_881 = arith.index_cast %scan3A_849 : i32 to index
          %swap3A_882 = arith.constant 48 : index
          %swap3A_883 = tpu.vector_load %arg14[%swap3A_880, %swap3A_881, %swap3A_882] {strides = array<i32>} : memref<2x64x128xf32, #tpu.memory_space<vmem>>, vector<16xf32>,
          tpu.vector_store %arg14[%swap3A_880, %swap3A_881, %swap3A_882], %add3A_879 {strides = array<i32>} : memref<2x64x128xf32, #tpu.memory_space<vmem>>, vector<16xf32>,
          %mul3A_884 = arith.mulf %get3A_640, %gather3A_852 : vector<16xf32>
          %add3A_885 = arith.addf %mul3A_884, %add3A_859 : vector<16xf32>
          %swap3A_886 = arith.index_cast %select_n3A_616 : i32 to index
          %swap3A_887 = arith.index_cast %scan3A_849 : i32 to index
          %swap3A_888 = arith.constant 64 : index
          %swap3A_889 = tpu.vector_load %arg14[%swap3A_886, %swap3A_887, %swap3A_888] {strides = array<i32>} : memref<2x64x128xf32, #tpu.memory_space<vmem>>, vector<16xf32>,
          tpu.vector_store %arg14[%swap3A_886, %swap3A_887, %swap3A_888], %add3A_885 {strides = array<i32>} : memref<2x64x128xf32, #tpu.memory_space<vmem>>, vector<16xf32>,
          %mul3A_890 = arith.mulf %get3A_643, %gather3A_852 : vector<16xf32>
          %add3A_891 = arith.addf %mul3A_890, %add3A_859 : vector<16xf32>
          %swap3A_892 = arith.index_cast %select_n3A_616 : i32 to index
          %swap3A_893 = arith.index_cast %scan3A_849 : i32 to index
          %swap3A_894 = arith.constant 80 : index
          %swap3A_895 = tpu.vector_load %arg14[%swap3A_892, %swap3A_893, %swap3A_894] {strides = array<i32>} : memref<2x64x128xf32, #tpu.memory_space<vmem>>, vector<16xf32>,
          tpu.vector_store %arg14[%swap3A_892, %swap3A_893, %swap3A_894], %add3A_891 {strides = array<i32>} : memref<2x64x128xf32, #tpu.memory_space<vmem>>, vector<16xf32>,
          %mul3A_896 = arith.mulf %get3A_646, %gather3A_852 : vector<16xf32>
          %add3A_897 = arith.addf %mul3A_896, %add3A_859 : vector<16xf32>
          %swap3A_898 = arith.index_cast %select_n3A_616 : i32 to index
          %swap3A_899 = arith.index_cast %scan3A_849 : i32 to index
          %swap3A_900 = arith.constant 96 : index
          %swap3A_901 = tpu.vector_load %arg14[%swap3A_898, %swap3A_899, %swap3A_900] {strides = array<i32>} : memref<2x64x128xf32, #tpu.memory_space<vmem>>, vector<16xf32>,
          tpu.vector_store %arg14[%swap3A_898, %swap3A_899, %swap3A_900], %add3A_897 {strides = array<i32>} : memref<2x64x128xf32, #tpu.memory_space<vmem>>, vector<16xf32>,
          %mul3A_902 = arith.mulf %get3A_649, %gather3A_852 : vector<16xf32>
          %add3A_903 = arith.addf %mul3A_902, %add3A_859 : vector<16xf32>
          %swap3A_904 = arith.index_cast %select_n3A_616 : i32 to index
          %swap3A_905 = arith.index_cast %scan3A_849 : i32 to index
          %swap3A_906 = arith.constant 112 : index
          %swap3A_907 = tpu.vector_load %arg14[%swap3A_904, %swap3A_905, %swap3A_906] {strides = array<i32>} : memref<2x64x128xf32, #tpu.memory_space<vmem>>, vector<16xf32>,
          tpu.vector_store %arg14[%swap3A_904, %swap3A_905, %swap3A_906], %add3A_903 {strides = array<i32>} : memref<2x64x128xf32, #tpu.memory_space<vmem>>, vector<16xf32>,
          %scan3A_908 = arith.constant 4 : i32
          %scan3A_909 = arith.addi %scan3A_671, %scan3A_908 : i32
          %broadcast_in_dim3A_910 = vector.broadcast %scan3A_603 : i32 to vector<16xi32>
          %broadcast_in_dim3A_911 = vector.broadcast %scan3A_909 : i32 to vector<16xi32>
          %gather3A_912 = tpu.vector_load_idx %arg16[%broadcast_in_dim3A_910, %broadcast_in_dim3A_911] : memref<6x64xf32, #tpu.memory_space<vmem>>[vector<16xi32>, vector<16xi32>], vector<16xf32>,
          %broadcast_in_dim3A_913 = vector.broadcast %scan3A_603 : i32 to vector<16xi32>
          %broadcast_in_dim3A_914 = vector.broadcast %scan3A_909 : i32 to vector<16xi32>
          %gather3A_915 = tpu.vector_load_idx %arg17[%broadcast_in_dim3A_913, %broadcast_in_dim3A_914] : memref<6x64xf32, #tpu.memory_space<vmem>>[vector<16xi32>, vector<16xi32>], vector<16xf32>,
          %get3A_916 = arith.index_cast %scan3A_909 : i32 to index
          %get3A_917 = arith.constant 0 : index
          %get3A_918 = tpu.vector_load %arg13[%get3A_916, %get3A_917] {strides = array<i32>} : memref<64x16xf32, #tpu.memory_space<vmem>>, vector<16xf32>,
          %add3A_919 = arith.addf %gather3A_915, %get3A_918 : vector<16xf32>
          %mul3A_920 = arith.mulf %get3A_628, %gather3A_912 : vector<16xf32>
          %add3A_921 = arith.addf %mul3A_920, %add3A_919 : vector<16xf32>
          %swap3A_922 = arith.index_cast %select_n3A_616 : i32 to index
          %swap3A_923 = arith.index_cast %scan3A_909 : i32 to index
          %swap3A_924 = arith.constant 0 : index
          %swap3A_925 = tpu.vector_load %arg14[%swap3A_922, %swap3A_923, %swap3A_924] {strides = array<i32>} : memref<2x64x128xf32, #tpu.memory_space<vmem>>, vector<16xf32>,
          tpu.vector_store %arg14[%swap3A_922, %swap3A_923, %swap3A_924], %add3A_921 {strides = array<i32>} : memref<2x64x128xf32, #tpu.memory_space<vmem>>, vector<16xf32>,
          %mul3A_926 = arith.mulf %get3A_631, %gather3A_912 : vector<16xf32>
          %add3A_927 = arith.addf %mul3A_926, %add3A_919 : vector<16xf32>
          %swap3A_928 = arith.index_cast %select_n3A_616 : i32 to index
          %swap3A_929 = arith.index_cast %scan3A_909 : i32 to index
          %swap3A_930 = arith.constant 16 : index
          %swap3A_931 = tpu.vector_load %arg14[%swap3A_928, %swap3A_929, %swap3A_930] {strides = array<i32>} : memref<2x64x128xf32, #tpu.memory_space<vmem>>, vector<16xf32>,
          tpu.vector_store %arg14[%swap3A_928, %swap3A_929, %swap3A_930], %add3A_927 {strides = array<i32>} : memref<2x64x128xf32, #tpu.memory_space<vmem>>, vector<16xf32>,
          %mul3A_932 = arith.mulf %get3A_634, %gather3A_912 : vector<16xf32>
          %add3A_933 = arith.addf %mul3A_932, %add3A_919 : vector<16xf32>
          %swap3A_934 = arith.index_cast %select_n3A_616 : i32 to index
          %swap3A_935 = arith.index_cast %scan3A_909 : i32 to index
          %swap3A_936 = arith.constant 32 : index
          %swap3A_937 = tpu.vector_load %arg14[%swap3A_934, %swap3A_935, %swap3A_936] {strides = array<i32>} : memref<2x64x128xf32, #tpu.memory_space<vmem>>, vector<16xf32>,
          tpu.vector_store %arg14[%swap3A_934, %swap3A_935, %swap3A_936], %add3A_933 {strides = array<i32>} : memref<2x64x128xf32, #tpu.memory_space<vmem>>, vector<16xf32>,
          %mul3A_938 = arith.mulf %get3A_637, %gather3A_912 : vector<16xf32>
          %add3A_939 = arith.addf %mul3A_938, %add3A_919 : vector<16xf32>
          %swap3A_940 = arith.index_cast %select_n3A_616 : i32 to index
          %swap3A_941 = arith.index_cast %scan3A_909 : i32 to index
          %swap3A_942 = arith.constant 48 : index
          %swap3A_943 = tpu.vector_load %arg14[%swap3A_940, %swap3A_941, %swap3A_942] {strides = array<i32>} : memref<2x64x128xf32, #tpu.memory_space<vmem>>, vector<16xf32>,
          tpu.vector_store %arg14[%swap3A_940, %swap3A_941, %swap3A_942], %add3A_939 {strides = array<i32>} : memref<2x64x128xf32, #tpu.memory_space<vmem>>, vector<16xf32>,
          %mul3A_944 = arith.mulf %get3A_640, %gather3A_912 : vector<16xf32>
          %add3A_945 = arith.addf %mul3A_944, %add3A_919 : vector<16xf32>
          %swap3A_946 = arith.index_cast %select_n3A_616 : i32 to index
          %swap3A_947 = arith.index_cast %scan3A_909 : i32 to index
          %swap3A_948 = arith.constant 64 : index
          %swap3A_949 = tpu.vector_load %arg14[%swap3A_946, %swap3A_947, %swap3A_948] {strides = array<i32>} : memref<2x64x128xf32, #tpu.memory_space<vmem>>, vector<16xf32>,
          tpu.vector_store %arg14[%swap3A_946, %swap3A_947, %swap3A_948], %add3A_945 {strides = array<i32>} : memref<2x64x128xf32, #tpu.memory_space<vmem>>, vector<16xf32>,
          %mul3A_950 = arith.mulf %get3A_643, %gather3A_912 : vector<16xf32>
          %add3A_951 = arith.addf %mul3A_950, %add3A_919 : vector<16xf32>
          %swap3A_952 = arith.index_cast %select_n3A_616 : i32 to index
          %swap3A_953 = arith.index_cast %scan3A_909 : i32 to index
          %swap3A_954 = arith.constant 80 : index
          %swap3A_955 = tpu.vector_load %arg14[%swap3A_952, %swap3A_953, %swap3A_954] {strides = array<i32>} : memref<2x64x128xf32, #tpu.memory_space<vmem>>, vector<16xf32>,
          tpu.vector_store %arg14[%swap3A_952, %swap3A_953, %swap3A_954], %add3A_951 {strides = array<i32>} : memref<2x64x128xf32, #tpu.memory_space<vmem>>, vector<16xf32>,
          %mul3A_956 = arith.mulf %get3A_646, %gather3A_912 : vector<16xf32>
          %add3A_957 = arith.addf %mul3A_956, %add3A_919 : vector<16xf32>
          %swap3A_958 = arith.index_cast %select_n3A_616 : i32 to index
          %swap3A_959 = arith.index_cast %scan3A_909 : i32 to index
          %swap3A_960 = arith.constant 96 : index
          %swap3A_961 = tpu.vector_load %arg14[%swap3A_958, %swap3A_959, %swap3A_960] {strides = array<i32>} : memref<2x64x128xf32, #tpu.memory_space<vmem>>, vector<16xf32>,
          tpu.vector_store %arg14[%swap3A_958, %swap3A_959, %swap3A_960], %add3A_957 {strides = array<i32>} : memref<2x64x128xf32, #tpu.memory_space<vmem>>, vector<16xf32>,
          %mul3A_962 = arith.mulf %get3A_649, %gather3A_912 : vector<16xf32>
          %add3A_963 = arith.addf %mul3A_962, %add3A_919 : vector<16xf32>
          %swap3A_964 = arith.index_cast %select_n3A_616 : i32 to index
          %swap3A_965 = arith.index_cast %scan3A_909 : i32 to index
          %swap3A_966 = arith.constant 112 : index
          %swap3A_967 = tpu.vector_load %arg14[%swap3A_964, %swap3A_965, %swap3A_966] {strides = array<i32>} : memref<2x64x128xf32, #tpu.memory_space<vmem>>, vector<16xf32>,
          tpu.vector_store %arg14[%swap3A_964, %swap3A_965, %swap3A_966], %add3A_963 {strides = array<i32>} : memref<2x64x128xf32, #tpu.memory_space<vmem>>, vector<16xf32>,
          %scan3A_968 = arith.constant 5 : i32
          %scan3A_969 = arith.addi %scan3A_671, %scan3A_968 : i32
          %broadcast_in_dim3A_970 = vector.broadcast %scan3A_603 : i32 to vector<16xi32>
          %broadcast_in_dim3A_971 = vector.broadcast %scan3A_969 : i32 to vector<16xi32>
          %gather3A_972 = tpu.vector_load_idx %arg16[%broadcast_in_dim3A_970, %broadcast_in_dim3A_971] : memref<6x64xf32, #tpu.memory_space<vmem>>[vector<16xi32>, vector<16xi32>], vector<16xf32>,
          %broadcast_in_dim3A_973 = vector.broadcast %scan3A_603 : i32 to vector<16xi32>
          %broadcast_in_dim3A_974 = vector.broadcast %scan3A_969 : i32 to vector<16xi32>
          %gather3A_975 = tpu.vector_load_idx %arg17[%broadcast_in_dim3A_973, %broadcast_in_dim3A_974] : memref<6x64xf32, #tpu.memory_space<vmem>>[vector<16xi32>, vector<16xi32>], vector<16xf32>,
          %get3A_976 = arith.index_cast %scan3A_969 : i32 to index
          %get3A_977 = arith.constant 0 : index
          %get3A_978 = tpu.vector_load %arg13[%get3A_976, %get3A_977] {strides = array<i32>} : memref<64x16xf32, #tpu.memory_space<vmem>>, vector<16xf32>,
          %add3A_979 = arith.addf %gather3A_975, %get3A_978 : vector<16xf32>
          %mul3A_980 = arith.mulf %get3A_628, %gather3A_972 : vector<16xf32>
          %add3A_981 = arith.addf %mul3A_980, %add3A_979 : vector<16xf32>
          %swap3A_982 = arith.index_cast %select_n3A_616 : i32 to index
          %swap3A_983 = arith.index_cast %scan3A_969 : i32 to index
          %swap3A_984 = arith.constant 0 : index
          %swap3A_985 = tpu.vector_load %arg14[%swap3A_982, %swap3A_983, %swap3A_984] {strides = array<i32>} : memref<2x64x128xf32, #tpu.memory_space<vmem>>, vector<16xf32>,
          tpu.vector_store %arg14[%swap3A_982, %swap3A_983, %swap3A_984], %add3A_981 {strides = array<i32>} : memref<2x64x128xf32, #tpu.memory_space<vmem>>, vector<16xf32>,
          %mul3A_986 = arith.mulf %get3A_631, %gather3A_972 : vector<16xf32>
          %add3A_987 = arith.addf %mul3A_986, %add3A_979 : vector<16xf32>
          %swap3A_988 = arith.index_cast %select_n3A_616 : i32 to index
          %swap3A_989 = arith.index_cast %scan3A_969 : i32 to index
          %swap3A_990 = arith.constant 16 : index
          %swap3A_991 = tpu.vector_load %arg14[%swap3A_988, %swap3A_989, %swap3A_990] {strides = array<i32>} : memref<2x64x128xf32, #tpu.memory_space<vmem>>, vector<16xf32>,
          tpu.vector_store %arg14[%swap3A_988, %swap3A_989, %swap3A_990], %add3A_987 {strides = array<i32>} : memref<2x64x128xf32, #tpu.memory_space<vmem>>, vector<16xf32>,
          %mul3A_992 = arith.mulf %get3A_634, %gather3A_972 : vector<16xf32>
          %add3A_993 = arith.addf %mul3A_992, %add3A_979 : vector<16xf32>
          %swap3A_994 = arith.index_cast %select_n3A_616 : i32 to index
          %swap3A_995 = arith.index_cast %scan3A_969 : i32 to index
          %swap3A_996 = arith.constant 32 : index
          %swap3A_997 = tpu.vector_load %arg14[%swap3A_994, %swap3A_995, %swap3A_996] {strides = array<i32>} : memref<2x64x128xf32, #tpu.memory_space<vmem>>, vector<16xf32>,
          tpu.vector_store %arg14[%swap3A_994, %swap3A_995, %swap3A_996], %add3A_993 {strides = array<i32>} : memref<2x64x128xf32, #tpu.memory_space<vmem>>, vector<16xf32>,
          %mul3A_998 = arith.mulf %get3A_637, %gather3A_972 : vector<16xf32>
          %add3A_999 = arith.addf %mul3A_998, %add3A_979 : vector<16xf32>
          %swap3A_1000 = arith.index_cast %select_n3A_616 : i32 to index
          %swap3A_1001 = arith.index_cast %scan3A_969 : i32 to index
          %swap3A_1002 = arith.constant 48 : index
          %swap3A_1003 = tpu.vector_load %arg14[%swap3A_1000, %swap3A_1001, %swap3A_1002] {strides = array<i32>} : memref<2x64x128xf32, #tpu.memory_space<vmem>>, vector<16xf32>,
          tpu.vector_store %arg14[%swap3A_1000, %swap3A_1001, %swap3A_1002], %add3A_999 {strides = array<i32>} : memref<2x64x128xf32, #tpu.memory_space<vmem>>, vector<16xf32>,
          %mul3A_1004 = arith.mulf %get3A_640, %gather3A_972 : vector<16xf32>
          %add3A_1005 = arith.addf %mul3A_1004, %add3A_979 : vector<16xf32>
          %swap3A_1006 = arith.index_cast %select_n3A_616 : i32 to index
          %swap3A_1007 = arith.index_cast %scan3A_969 : i32 to index
          %swap3A_1008 = arith.constant 64 : index
          %swap3A_1009 = tpu.vector_load %arg14[%swap3A_1006, %swap3A_1007, %swap3A_1008] {strides = array<i32>} : memref<2x64x128xf32, #tpu.memory_space<vmem>>, vector<16xf32>,
          tpu.vector_store %arg14[%swap3A_1006, %swap3A_1007, %swap3A_1008], %add3A_1005 {strides = array<i32>} : memref<2x64x128xf32, #tpu.memory_space<vmem>>, vector<16xf32>,
          %mul3A_1010 = arith.mulf %get3A_643, %gather3A_972 : vector<16xf32>
          %add3A_1011 = arith.addf %mul3A_1010, %add3A_979 : vector<16xf32>
          %swap3A_1012 = arith.index_cast %select_n3A_616 : i32 to index
          %swap3A_1013 = arith.index_cast %scan3A_969 : i32 to index
          %swap3A_1014 = arith.constant 80 : index
          %swap3A_1015 = tpu.vector_load %arg14[%swap3A_1012, %swap3A_1013, %swap3A_1014] {strides = array<i32>} : memref<2x64x128xf32, #tpu.memory_space<vmem>>, vector<16xf32>,
          tpu.vector_store %arg14[%swap3A_1012, %swap3A_1013, %swap3A_1014], %add3A_1011 {strides = array<i32>} : memref<2x64x128xf32, #tpu.memory_space<vmem>>, vector<16xf32>,
          %mul3A_1016 = arith.mulf %get3A_646, %gather3A_972 : vector<16xf32>
          %add3A_1017 = arith.addf %mul3A_1016, %add3A_979 : vector<16xf32>
          %swap3A_1018 = arith.index_cast %select_n3A_616 : i32 to index
          %swap3A_1019 = arith.index_cast %scan3A_969 : i32 to index
          %swap3A_1020 = arith.constant 96 : index
          %swap3A_1021 = tpu.vector_load %arg14[%swap3A_1018, %swap3A_1019, %swap3A_1020] {strides = array<i32>} : memref<2x64x128xf32, #tpu.memory_space<vmem>>, vector<16xf32>,
          tpu.vector_store %arg14[%swap3A_1018, %swap3A_1019, %swap3A_1020], %add3A_1017 {strides = array<i32>} : memref<2x64x128xf32, #tpu.memory_space<vmem>>, vector<16xf32>,
          %mul3A_1022 = arith.mulf %get3A_649, %gather3A_972 : vector<16xf32>
          %add3A_1023 = arith.addf %mul3A_1022, %add3A_979 : vector<16xf32>
          %swap3A_1024 = arith.index_cast %select_n3A_616 : i32 to index
          %swap3A_1025 = arith.index_cast %scan3A_969 : i32 to index
          %swap3A_1026 = arith.constant 112 : index
          %swap3A_1027 = tpu.vector_load %arg14[%swap3A_1024, %swap3A_1025, %swap3A_1026] {strides = array<i32>} : memref<2x64x128xf32, #tpu.memory_space<vmem>>, vector<16xf32>,
          tpu.vector_store %arg14[%swap3A_1024, %swap3A_1025, %swap3A_1026], %add3A_1023 {strides = array<i32>} : memref<2x64x128xf32, #tpu.memory_space<vmem>>, vector<16xf32>,
          %scan3A_1028 = arith.constant 6 : i32
          %scan3A_1029 = arith.addi %scan3A_671, %scan3A_1028 : i32
          %broadcast_in_dim3A_1030 = vector.broadcast %scan3A_603 : i32 to vector<16xi32>
          %broadcast_in_dim3A_1031 = vector.broadcast %scan3A_1029 : i32 to vector<16xi32>
          %gather3A_1032 = tpu.vector_load_idx %arg16[%broadcast_in_dim3A_1030, %broadcast_in_dim3A_1031] : memref<6x64xf32, #tpu.memory_space<vmem>>[vector<16xi32>, vector<16xi32>], vector<16xf32>,
          %broadcast_in_dim3A_1033 = vector.broadcast %scan3A_603 : i32 to vector<16xi32>
          %broadcast_in_dim3A_1034 = vector.broadcast %scan3A_1029 : i32 to vector<16xi32>
          %gather3A_1035 = tpu.vector_load_idx %arg17[%broadcast_in_dim3A_1033, %broadcast_in_dim3A_1034] : memref<6x64xf32, #tpu.memory_space<vmem>>[vector<16xi32>, vector<16xi32>], vector<16xf32>,
          %get3A_1036 = arith.index_cast %scan3A_1029 : i32 to index
          %get3A_1037 = arith.constant 0 : index
          %get3A_1038 = tpu.vector_load %arg13[%get3A_1036, %get3A_1037] {strides = array<i32>} : memref<64x16xf32, #tpu.memory_space<vmem>>, vector<16xf32>,
          %add3A_1039 = arith.addf %gather3A_1035, %get3A_1038 : vector<16xf32>
          %mul3A_1040 = arith.mulf %get3A_628, %gather3A_1032 : vector<16xf32>
          %add3A_1041 = arith.addf %mul3A_1040, %add3A_1039 : vector<16xf32>
          %swap3A_1042 = arith.index_cast %select_n3A_616 : i32 to index
          %swap3A_1043 = arith.index_cast %scan3A_1029 : i32 to index
          %swap3A_1044 = arith.constant 0 : index
          %swap3A_1045 = tpu.vector_load %arg14[%swap3A_1042, %swap3A_1043, %swap3A_1044] {strides = array<i32>} : memref<2x64x128xf32, #tpu.memory_space<vmem>>, vector<16xf32>,
          tpu.vector_store %arg14[%swap3A_1042, %swap3A_1043, %swap3A_1044], %add3A_1041 {strides = array<i32>} : memref<2x64x128xf32, #tpu.memory_space<vmem>>, vector<16xf32>,
          %mul3A_1046 = arith.mulf %get3A_631, %gather3A_1032 : vector<16xf32>
          %add3A_1047 = arith.addf %mul3A_1046, %add3A_1039 : vector<16xf32>
          %swap3A_1048 = arith.index_cast %select_n3A_616 : i32 to index
          %swap3A_1049 = arith.index_cast %scan3A_1029 : i32 to index
          %swap3A_1050 = arith.constant 16 : index
          %swap3A_1051 = tpu.vector_load %arg14[%swap3A_1048, %swap3A_1049, %swap3A_1050] {strides = array<i32>} : memref<2x64x128xf32, #tpu.memory_space<vmem>>, vector<16xf32>,
          tpu.vector_store %arg14[%swap3A_1048, %swap3A_1049, %swap3A_1050], %add3A_1047 {strides = array<i32>} : memref<2x64x128xf32, #tpu.memory_space<vmem>>, vector<16xf32>,
          %mul3A_1052 = arith.mulf %get3A_634, %gather3A_1032 : vector<16xf32>
          %add3A_1053 = arith.addf %mul3A_1052, %add3A_1039 : vector<16xf32>
          %swap3A_1054 = arith.index_cast %select_n3A_616 : i32 to index
          %swap3A_1055 = arith.index_cast %scan3A_1029 : i32 to index
          %swap3A_1056 = arith.constant 32 : index
          %swap3A_1057 = tpu.vector_load %arg14[%swap3A_1054, %swap3A_1055, %swap3A_1056] {strides = array<i32>} : memref<2x64x128xf32, #tpu.memory_space<vmem>>, vector<16xf32>,
          tpu.vector_store %arg14[%swap3A_1054, %swap3A_1055, %swap3A_1056], %add3A_1053 {strides = array<i32>} : memref<2x64x128xf32, #tpu.memory_space<vmem>>, vector<16xf32>,
          %mul3A_1058 = arith.mulf %get3A_637, %gather3A_1032 : vector<16xf32>
          %add3A_1059 = arith.addf %mul3A_1058, %add3A_1039 : vector<16xf32>
          %swap3A_1060 = arith.index_cast %select_n3A_616 : i32 to index
          %swap3A_1061 = arith.index_cast %scan3A_1029 : i32 to index
          %swap3A_1062 = arith.constant 48 : index
          %swap3A_1063 = tpu.vector_load %arg14[%swap3A_1060, %swap3A_1061, %swap3A_1062] {strides = array<i32>} : memref<2x64x128xf32, #tpu.memory_space<vmem>>, vector<16xf32>,
          tpu.vector_store %arg14[%swap3A_1060, %swap3A_1061, %swap3A_1062], %add3A_1059 {strides = array<i32>} : memref<2x64x128xf32, #tpu.memory_space<vmem>>, vector<16xf32>,
          %mul3A_1064 = arith.mulf %get3A_640, %gather3A_1032 : vector<16xf32>
          %add3A_1065 = arith.addf %mul3A_1064, %add3A_1039 : vector<16xf32>
          %swap3A_1066 = arith.index_cast %select_n3A_616 : i32 to index
          %swap3A_1067 = arith.index_cast %scan3A_1029 : i32 to index
          %swap3A_1068 = arith.constant 64 : index
          %swap3A_1069 = tpu.vector_load %arg14[%swap3A_1066, %swap3A_1067, %swap3A_1068] {strides = array<i32>} : memref<2x64x128xf32, #tpu.memory_space<vmem>>, vector<16xf32>,
          tpu.vector_store %arg14[%swap3A_1066, %swap3A_1067, %swap3A_1068], %add3A_1065 {strides = array<i32>} : memref<2x64x128xf32, #tpu.memory_space<vmem>>, vector<16xf32>,
          %mul3A_1070 = arith.mulf %get3A_643, %gather3A_1032 : vector<16xf32>
          %add3A_1071 = arith.addf %mul3A_1070, %add3A_1039 : vector<16xf32>
          %swap3A_1072 = arith.index_cast %select_n3A_616 : i32 to index
          %swap3A_1073 = arith.index_cast %scan3A_1029 : i32 to index
          %swap3A_1074 = arith.constant 80 : index
          %swap3A_1075 = tpu.vector_load %arg14[%swap3A_1072, %swap3A_1073, %swap3A_1074] {strides = array<i32>} : memref<2x64x128xf32, #tpu.memory_space<vmem>>, vector<16xf32>,
          tpu.vector_store %arg14[%swap3A_1072, %swap3A_1073, %swap3A_1074], %add3A_1071 {strides = array<i32>} : memref<2x64x128xf32, #tpu.memory_space<vmem>>, vector<16xf32>,
          %mul3A_1076 = arith.mulf %get3A_646, %gather3A_1032 : vector<16xf32>
          %add3A_1077 = arith.addf %mul3A_1076, %add3A_1039 : vector<16xf32>
          %swap3A_1078 = arith.index_cast %select_n3A_616 : i32 to index
          %swap3A_1079 = arith.index_cast %scan3A_1029 : i32 to index
          %swap3A_1080 = arith.constant 96 : index
          %swap3A_1081 = tpu.vector_load %arg14[%swap3A_1078, %swap3A_1079, %swap3A_1080] {strides = array<i32>} : memref<2x64x128xf32, #tpu.memory_space<vmem>>, vector<16xf32>,
          tpu.vector_store %arg14[%swap3A_1078, %swap3A_1079, %swap3A_1080], %add3A_1077 {strides = array<i32>} : memref<2x64x128xf32, #tpu.memory_space<vmem>>, vector<16xf32>,
          %mul3A_1082 = arith.mulf %get3A_649, %gather3A_1032 : vector<16xf32>
          %add3A_1083 = arith.addf %mul3A_1082, %add3A_1039 : vector<16xf32>
          %swap3A_1084 = arith.index_cast %select_n3A_616 : i32 to index
          %swap3A_1085 = arith.index_cast %scan3A_1029 : i32 to index
          %swap3A_1086 = arith.constant 112 : index
          %swap3A_1087 = tpu.vector_load %arg14[%swap3A_1084, %swap3A_1085, %swap3A_1086] {strides = array<i32>} : memref<2x64x128xf32, #tpu.memory_space<vmem>>, vector<16xf32>,
          tpu.vector_store %arg14[%swap3A_1084, %swap3A_1085, %swap3A_1086], %add3A_1083 {strides = array<i32>} : memref<2x64x128xf32, #tpu.memory_space<vmem>>, vector<16xf32>,
          %scan3A_1088 = arith.constant 7 : i32
          %scan3A_1089 = arith.addi %scan3A_671, %scan3A_1088 : i32
          %broadcast_in_dim3A_1090 = vector.broadcast %scan3A_603 : i32 to vector<16xi32>
          %broadcast_in_dim3A_1091 = vector.broadcast %scan3A_1089 : i32 to vector<16xi32>
          %gather3A_1092 = tpu.vector_load_idx %arg16[%broadcast_in_dim3A_1090, %broadcast_in_dim3A_1091] : memref<6x64xf32, #tpu.memory_space<vmem>>[vector<16xi32>, vector<16xi32>], vector<16xf32>,
          %broadcast_in_dim3A_1093 = vector.broadcast %scan3A_603 : i32 to vector<16xi32>
          %broadcast_in_dim3A_1094 = vector.broadcast %scan3A_1089 : i32 to vector<16xi32>
          %gather3A_1095 = tpu.vector_load_idx %arg17[%broadcast_in_dim3A_1093, %broadcast_in_dim3A_1094] : memref<6x64xf32, #tpu.memory_space<vmem>>[vector<16xi32>, vector<16xi32>], vector<16xf32>,
          %get3A_1096 = arith.index_cast %scan3A_1089 : i32 to index
          %get3A_1097 = arith.constant 0 : index
          %get3A_1098 = tpu.vector_load %arg13[%get3A_1096, %get3A_1097] {strides = array<i32>} : memref<64x16xf32, #tpu.memory_space<vmem>>, vector<16xf32>,
          %add3A_1099 = arith.addf %gather3A_1095, %get3A_1098 : vector<16xf32>
          %mul3A_1100 = arith.mulf %get3A_628, %gather3A_1092 : vector<16xf32>
          %add3A_1101 = arith.addf %mul3A_1100, %add3A_1099 : vector<16xf32>
          %swap3A_1102 = arith.index_cast %select_n3A_616 : i32 to index
          %swap3A_1103 = arith.index_cast %scan3A_1089 : i32 to index
          %swap3A_1104 = arith.constant 0 : index
          %swap3A_1105 = tpu.vector_load %arg14[%swap3A_1102, %swap3A_1103, %swap3A_1104] {strides = array<i32>} : memref<2x64x128xf32, #tpu.memory_space<vmem>>, vector<16xf32>,
          tpu.vector_store %arg14[%swap3A_1102, %swap3A_1103, %swap3A_1104], %add3A_1101 {strides = array<i32>} : memref<2x64x128xf32, #tpu.memory_space<vmem>>, vector<16xf32>,
          %mul3A_1106 = arith.mulf %get3A_631, %gather3A_1092 : vector<16xf32>
          %add3A_1107 = arith.addf %mul3A_1106, %add3A_1099 : vector<16xf32>
          %swap3A_1108 = arith.index_cast %select_n3A_616 : i32 to index
          %swap3A_1109 = arith.index_cast %scan3A_1089 : i32 to index
          %swap3A_1110 = arith.constant 16 : index
          %swap3A_1111 = tpu.vector_load %arg14[%swap3A_1108, %swap3A_1109, %swap3A_1110] {strides = array<i32>} : memref<2x64x128xf32, #tpu.memory_space<vmem>>, vector<16xf32>,
          tpu.vector_store %arg14[%swap3A_1108, %swap3A_1109, %swap3A_1110], %add3A_1107 {strides = array<i32>} : memref<2x64x128xf32, #tpu.memory_space<vmem>>, vector<16xf32>,
          %mul3A_1112 = arith.mulf %get3A_634, %gather3A_1092 : vector<16xf32>
          %add3A_1113 = arith.addf %mul3A_1112, %add3A_1099 : vector<16xf32>
          %swap3A_1114 = arith.index_cast %select_n3A_616 : i32 to index
          %swap3A_1115 = arith.index_cast %scan3A_1089 : i32 to index
          %swap3A_1116 = arith.constant 32 : index
          %swap3A_1117 = tpu.vector_load %arg14[%swap3A_1114, %swap3A_1115, %swap3A_1116] {strides = array<i32>} : memref<2x64x128xf32, #tpu.memory_space<vmem>>, vector<16xf32>,
          tpu.vector_store %arg14[%swap3A_1114, %swap3A_1115, %swap3A_1116], %add3A_1113 {strides = array<i32>} : memref<2x64x128xf32, #tpu.memory_space<vmem>>, vector<16xf32>,
          %mul3A_1118 = arith.mulf %get3A_637, %gather3A_1092 : vector<16xf32>
          %add3A_1119 = arith.addf %mul3A_1118, %add3A_1099 : vector<16xf32>
          %swap3A_1120 = arith.index_cast %select_n3A_616 : i32 to index
          %swap3A_1121 = arith.index_cast %scan3A_1089 : i32 to index
          %swap3A_1122 = arith.constant 48 : index
          %swap3A_1123 = tpu.vector_load %arg14[%swap3A_1120, %swap3A_1121, %swap3A_1122] {strides = array<i32>} : memref<2x64x128xf32, #tpu.memory_space<vmem>>, vector<16xf32>,
          tpu.vector_store %arg14[%swap3A_1120, %swap3A_1121, %swap3A_1122], %add3A_1119 {strides = array<i32>} : memref<2x64x128xf32, #tpu.memory_space<vmem>>, vector<16xf32>,
          %mul3A_1124 = arith.mulf %get3A_640, %gather3A_1092 : vector<16xf32>
          %add3A_1125 = arith.addf %mul3A_1124, %add3A_1099 : vector<16xf32>
          %swap3A_1126 = arith.index_cast %select_n3A_616 : i32 to index
          %swap3A_1127 = arith.index_cast %scan3A_1089 : i32 to index
          %swap3A_1128 = arith.constant 64 : index
          %swap3A_1129 = tpu.vector_load %arg14[%swap3A_1126, %swap3A_1127, %swap3A_1128] {strides = array<i32>} : memref<2x64x128xf32, #tpu.memory_space<vmem>>, vector<16xf32>,
          tpu.vector_store %arg14[%swap3A_1126, %swap3A_1127, %swap3A_1128], %add3A_1125 {strides = array<i32>} : memref<2x64x128xf32, #tpu.memory_space<vmem>>, vector<16xf32>,
          %mul3A_1130 = arith.mulf %get3A_643, %gather3A_1092 : vector<16xf32>
          %add3A_1131 = arith.addf %mul3A_1130, %add3A_1099 : vector<16xf32>
          %swap3A_1132 = arith.index_cast %select_n3A_616 : i32 to index
          %swap3A_1133 = arith.index_cast %scan3A_1089 : i32 to index
          %swap3A_1134 = arith.constant 80 : index
          %swap3A_1135 = tpu.vector_load %arg14[%swap3A_1132, %swap3A_1133, %swap3A_1134] {strides = array<i32>} : memref<2x64x128xf32, #tpu.memory_space<vmem>>, vector<16xf32>,
          tpu.vector_store %arg14[%swap3A_1132, %swap3A_1133, %swap3A_1134], %add3A_1131 {strides = array<i32>} : memref<2x64x128xf32, #tpu.memory_space<vmem>>, vector<16xf32>,
          %mul3A_1136 = arith.mulf %get3A_646, %gather3A_1092 : vector<16xf32>
          %add3A_1137 = arith.addf %mul3A_1136, %add3A_1099 : vector<16xf32>
          %swap3A_1138 = arith.index_cast %select_n3A_616 : i32 to index
          %swap3A_1139 = arith.index_cast %scan3A_1089 : i32 to index
          %swap3A_1140 = arith.constant 96 : index
          %swap3A_1141 = tpu.vector_load %arg14[%swap3A_1138, %swap3A_1139, %swap3A_1140] {strides = array<i32>} : memref<2x64x128xf32, #tpu.memory_space<vmem>>, vector<16xf32>,
          tpu.vector_store %arg14[%swap3A_1138, %swap3A_1139, %swap3A_1140], %add3A_1137 {strides = array<i32>} : memref<2x64x128xf32, #tpu.memory_space<vmem>>, vector<16xf32>,
          %mul3A_1142 = arith.mulf %get3A_649, %gather3A_1092 : vector<16xf32>
          %add3A_1143 = arith.addf %mul3A_1142, %add3A_1099 : vector<16xf32>
          %swap3A_1144 = arith.index_cast %select_n3A_616 : i32 to index
          %swap3A_1145 = arith.index_cast %scan3A_1089 : i32 to index
          %swap3A_1146 = arith.constant 112 : index
          %swap3A_1147 = tpu.vector_load %arg14[%swap3A_1144, %swap3A_1145, %swap3A_1146] {strides = array<i32>} : memref<2x64x128xf32, #tpu.memory_space<vmem>>, vector<16xf32>,
          tpu.vector_store %arg14[%swap3A_1144, %swap3A_1145, %swap3A_1146], %add3A_1143 {strides = array<i32>} : memref<2x64x128xf32, #tpu.memory_space<vmem>>, vector<16xf32>,
        }
        %scan3A_654 = arith.constant 64 : i32
        %dma_start3A_655 = arith.constant 0 : i32
        %dma_start3A_656 = arith.constant 0 : i32
        %dma_start3A_657 = tpu.memref_slice %arg14[%select_n3A_616, %dma_start3A_655, %dma_start3A_656] : memref<2x64x128xf32, #tpu.memory_space<vmem>> -> memref<1x64x128xf32, #tpu.memory_space<vmem>>
        %dma_start3A_658 = tpu.memref_squeeze %dma_start3A_657 : memref<1x64x128xf32, #tpu.memory_space<vmem>> -> memref<64x128xf32, #tpu.memory_space<vmem>>
        %dma_start3A_659 = arith.constant 0 : i32
        %dma_start3A_660 = tpu.memref_slice %arg8[%add3A_621, %dma_start3A_659, %mul3A_2] : memref<641x64x4096xf32, #tpu.memory_space<hbm>> -> memref<1x64x128xf32, #tpu.memory_space<hbm>>
        %dma_start3A_661 = tpu.memref_squeeze %dma_start3A_660 : memref<1x64x128xf32, #tpu.memory_space<hbm>> -> memref<64x128xf32, #tpu.memory_space<hbm>>
        %dma_start3A_662 = tpu.memref_slice %arg20[%select_n3A_616] : memref<2x!tpu.dma_semaphore, #tpu.memory_space<semaphore_mem>> -> memref<1x!tpu.dma_semaphore, #tpu.memory_space<semaphore_mem>>
        %dma_start3A_663 = tpu.memref_squeeze %dma_start3A_662 : memref<1x!tpu.dma_semaphore, #tpu.memory_space<semaphore_mem>> -> memref<!tpu.dma_semaphore, #tpu.memory_space<semaphore_mem>>
        %dma_start3A_664 = arith.constant 0 : i32
        %dma_start3A_665 = tpu.memref_slice %arg8[%add3A_621, %dma_start3A_664, %mul3A_2] : memref<641x64x4096xf32, #tpu.memory_space<hbm>> -> memref<1x64x128xf32, #tpu.memory_space<hbm>>
        %dma_start3A_666 = tpu.memref_squeeze %dma_start3A_665 : memref<1x64x128xf32, #tpu.memory_space<hbm>> -> memref<64x128xf32, #tpu.memory_space<hbm>>
        %dma_start3A_667 = arith.constant 0 : i32
        %dma_start3A_668 = arith.constant 0 : i32
        %dma_start3A_669 = tpu.memref_slice %arg14[%select_n3A_616, %dma_start3A_667, %dma_start3A_668] : memref<2x64x128xf32, #tpu.memory_space<vmem>> -> memref<1x64x128xf32, #tpu.memory_space<vmem>>
        %dma_start3A_670 = tpu.memref_squeeze %dma_start3A_669 : memref<1x64x128xf32, #tpu.memory_space<vmem>> -> memref<64x128xf32, #tpu.memory_space<vmem>>
        tpu.enqueue_dma source(%dma_start3A_670 : memref<64x128xf32, #tpu.memory_space<vmem>>) target(%dma_start3A_666 : memref<64x128xf32, #tpu.memory_space<hbm>>) target_semaphore(%dma_start3A_663 : memref<!tpu.dma_semaphore, #tpu.memory_space<semaphore_mem>>)
      }
      %scan3A_602 = arith.constant 6 : i32
    }
    %scan3A_36 = arith.constant 20 : i32
    %dma_wait3A = arith.constant 0 : i32
    %dma_wait3A_37 = arith.constant 0 : i32
    %dma_wait3A_38 = arith.constant 0 : i32
    %dma_wait3A_39 = arith.constant 0 : i32
    %dma_wait3A_40 = arith.constant 0 : i32
    %dma_wait3A_41 = tpu.memref_slice %arg14[%dma_wait3A, %dma_wait3A_39, %dma_wait3A_40] : memref<2x64x128xf32, #tpu.memory_space<vmem>> -> memref<1x64x128xf32, #tpu.memory_space<vmem>>
    %dma_wait3A_42 = tpu.memref_squeeze %dma_wait3A_41 : memref<1x64x128xf32, #tpu.memory_space<vmem>> -> memref<64x128xf32, #tpu.memory_space<vmem>>
    %dma_wait3A_43 = arith.constant 0 : i32
    %dma_wait3A_44 = tpu.memref_slice %arg8[%dma_wait3A_37, %dma_wait3A_43, %mul3A_2] : memref<641x64x4096xf32, #tpu.memory_space<hbm>> -> memref<1x64x128xf32, #tpu.memory_space<hbm>>
    %dma_wait3A_45 = tpu.memref_squeeze %dma_wait3A_44 : memref<1x64x128xf32, #tpu.memory_space<hbm>> -> memref<64x128xf32, #tpu.memory_space<hbm>>
    %dma_wait3A_46 = tpu.memref_slice %arg20[%dma_wait3A_38] : memref<2x!tpu.dma_semaphore, #tpu.memory_space<semaphore_mem>> -> memref<1x!tpu.dma_semaphore, #tpu.memory_space<semaphore_mem>>
    %dma_wait3A_47 = tpu.memref_squeeze %dma_wait3A_46 : memref<1x!tpu.dma_semaphore, #tpu.memory_space<semaphore_mem>> -> memref<!tpu.dma_semaphore, #tpu.memory_space<semaphore_mem>>
    %dma_wait3A_48 = arith.constant 0 : i32
    %dma_wait3A_49 = tpu.memref_slice %arg8[%dma_wait3A_37, %dma_wait3A_48, %mul3A_2] : memref<641x64x4096xf32, #tpu.memory_space<hbm>> -> memref<1x64x128xf32, #tpu.memory_space<hbm>>
    %dma_wait3A_50 = tpu.memref_squeeze %dma_wait3A_49 : memref<1x64x128xf32, #tpu.memory_space<hbm>> -> memref<64x128xf32, #tpu.memory_space<hbm>>
    %dma_wait3A_51 = arith.constant 0 : i32
    %dma_wait3A_52 = arith.constant 0 : i32
    %dma_wait3A_53 = tpu.memref_slice %arg14[%dma_wait3A, %dma_wait3A_51, %dma_wait3A_52] : memref<2x64x128xf32, #tpu.memory_space<vmem>> -> memref<1x64x128xf32, #tpu.memory_space<vmem>>
    %dma_wait3A_54 = tpu.memref_squeeze %dma_wait3A_53 : memref<1x64x128xf32, #tpu.memory_space<vmem>> -> memref<64x128xf32, #tpu.memory_space<vmem>>
    tpu.wait_dma2 semaphore(%dma_wait3A_47 : memref<!tpu.dma_semaphore, #tpu.memory_space<semaphore_mem>>) src(%dma_wait3A_54 : memref<64x128xf32, #tpu.memory_space<vmem>>) dst(%dma_wait3A_50 : memref<64x128xf32, #tpu.memory_space<hbm>>)
    %dma_wait3A_55 = arith.constant 1 : i32
    %dma_wait3A_56 = arith.constant 0 : i32
    %dma_wait3A_57 = arith.constant 1 : i32
    %dma_wait3A_58 = arith.constant 0 : i32
    %dma_wait3A_59 = arith.constant 0 : i32
    %dma_wait3A_60 = tpu.memref_slice %arg14[%dma_wait3A_55, %dma_wait3A_58, %dma_wait3A_59] : memref<2x64x128xf32, #tpu.memory_space<vmem>> -> memref<1x64x128xf32, #tpu.memory_space<vmem>>
    %dma_wait3A_61 = tpu.memref_squeeze %dma_wait3A_60 : memref<1x64x128xf32, #tpu.memory_space<vmem>> -> memref<64x128xf32, #tpu.memory_space<vmem>>
    %dma_wait3A_62 = arith.constant 0 : i32
    %dma_wait3A_63 = tpu.memref_slice %arg8[%dma_wait3A_56, %dma_wait3A_62, %mul3A_2] : memref<641x64x4096xf32, #tpu.memory_space<hbm>> -> memref<1x64x128xf32, #tpu.memory_space<hbm>>
    %dma_wait3A_64 = tpu.memref_squeeze %dma_wait3A_63 : memref<1x64x128xf32, #tpu.memory_space<hbm>> -> memref<64x128xf32, #tpu.memory_space<hbm>>
    %dma_wait3A_65 = tpu.memref_slice %arg20[%dma_wait3A_57] : memref<2x!tpu.dma_semaphore, #tpu.memory_space<semaphore_mem>> -> memref<1x!tpu.dma_semaphore, #tpu.memory_space<semaphore_mem>>
    %dma_wait3A_66 = tpu.memref_squeeze %dma_wait3A_65 : memref<1x!tpu.dma_semaphore, #tpu.memory_space<semaphore_mem>> -> memref<!tpu.dma_semaphore, #tpu.memory_space<semaphore_mem>>
    %dma_wait3A_67 = arith.constant 0 : i32
    %dma_wait3A_68 = tpu.memref_slice %arg8[%dma_wait3A_56, %dma_wait3A_67, %mul3A_2] : memref<641x64x4096xf32, #tpu.memory_space<hbm>> -> memref<1x64x128xf32, #tpu.memory_space<hbm>>
    %dma_wait3A_69 = tpu.memref_squeeze %dma_wait3A_68 : memref<1x64x128xf32, #tpu.memory_space<hbm>> -> memref<64x128xf32, #tpu.memory_space<hbm>>
    %dma_wait3A_70 = arith.constant 0 : i32
    %dma_wait3A_71 = arith.constant 0 : i32
    %dma_wait3A_72 = tpu.memref_slice %arg14[%dma_wait3A_55, %dma_wait3A_70, %dma_wait3A_71] : memref<2x64x128xf32, #tpu.memory_space<vmem>> -> memref<1x64x128xf32, #tpu.memory_space<vmem>>
    %dma_wait3A_73 = tpu.memref_squeeze %dma_wait3A_72 : memref<1x64x128xf32, #tpu.memory_space<vmem>> -> memref<64x128xf32, #tpu.memory_space<vmem>>
    tpu.wait_dma2 semaphore(%dma_wait3A_66 : memref<!tpu.dma_semaphore, #tpu.memory_space<semaphore_mem>>) src(%dma_wait3A_73 : memref<64x128xf32, #tpu.memory_space<vmem>>) dst(%dma_wait3A_69 : memref<64x128xf32, #tpu.memory_space<hbm>>)
    return
  }
}

</mosaic_0001>

<sc_bundles>
// kernel: kernel.3.cloned.1.call-start
scs
__scs_entry_jumppad:
0x0: {  	(pc) =	sbr.rel $0x88, $3  }
0x1: {  	(tag) =	ssettag $0x0;
	lr =	simm.s32 $0x1  }
0x2: {  	[smem:$0x3F9B] =	sst lr;
	_ =	strace $0xD0000000  }
0x3: {  	_ = 	snop  }
0x4: {  	_ = 	snop  }
0x5: {  	_ = 	snop  }
0x6: {  	_ = 	snop  }
0x7: {  	_ = 	snop  }
__scs_overlays_trampoline_lowered:
0x8: {  	[smem:$0x3FAA] =	sst s0  }
0x9: {  	[smem:$0x3FAB] =	sst s1  }
0xa: {  	[smem:$0x3FAC] =	sst s2  }
0xb: {  	[smem:$0x3FAD] =	sst s3  }
0xc: {  	[smem:$0x3FAE] =	sst s4  }
0xd: {  	[smem:$0x3FAF] =	sst s5  }
0xe: {  	[smem:$0x3FB0] =	sst s6  }
0xf: {  	[smem:$0x3FB1] =	sst s7  }
0x10: {  	[smem:$0x3FB2] =	sst s8  }
0x11: {  	[smem:$0x3FB3] =	sst s9;
	s0 =	simm.s32 @!p0 $0x0  }
0x12: {  	s1 =	sld [smem:$0x3F99];
	s0 =	simm.s32 @p0 $0x1  }
0x13: {  	[smem:$0x3FB4] =	sst s0;
	s0 =	simm.s32 @!p1 $0x0  }
0x14: {  	s2 =	sld [smem:$0x3F98];
	s0 =	simm.s32 @p1 $0x1  }
0x15: {  	[smem:$0x3FB5] =	sst s0;
	s0 =	simm.s32 @!p2 $0x0  }
0x16: {  	s3 =	sld [smem:$0x3FDB];
	s0 =	simm.s32 @p2 $0x1  }
0x17: {  	s4 =	simm.s32 $0x1BF5;
	[smem:$0x3FB7] =	sst s0  }
0x18: {  	s0 =	sld [smem:$0x3F9A];
	_ =	swait.ge [sflag:s4], $0x0  }
0x19: {  	s7 =	sld [smem:$0x3F9B]  }
0x1a: {  	s8 =	sadd.s32 $0xFFFFE003, lr  }
0x1b: {  	s9 =	sadd.s32 $0xFFFFFEF7, lr;
	s5 =	simm.s32 $0xFFFFFFFF;
	p2 =	slt.u32 s8, $0xFFFFF086  }
0x1c: {  	p1 =	slt.u32 s9, $0xF7A;
	s5 =	simm.s32 @!p2 $0x0  }
0x1d: {  	s5 =	simm.s32 @p1 $0x1;
	p0 =	seq.s32 s7, s2  }
0x1e: {  	s7 =	smul.u32 @!p0 $0xF7A, s2;
	p2 =	seq.s32 @!p0 s5, $0x0  }
0x1f: {  	s9 =	smul.u32 $0xF7A, s1;
	s8 =	simm.s32 @!p0 $0x1BF5;
	p2 =	por !p2, p0  }
0x20: {  	[sflag:s8] =	ssyncset.s32 @!p0 $0xFFFFF086;
	s6 =	sadd.s32 @!p0 s3, s7;
	s7 =	simm.s32 @!p0 $0x108  }
0x21: {  	s3 =	sadd.s32 s3, s9;
	s6 =	sadd.s32 @!p0 $0x88, s6;
	s7 =	simm.s32 @p2 $0x1082  }
0x22: {  	[simem:s7], [sflag:s8] =	dma.local @!p0 [hbm:s6], $0xF7A  }
0x23: {  	s9 =	sor.u32 $0xD0000000, s2;
	s6 =	simm.s32 $0x108;
	_ =	swait.ge @!p0 [sflag:s8], $0x0  }
0x24: {  	s3 =	sadd.s32 $0x88, s3;
	s6 =	simm.s32 @!p1 $0x1082;
	[sflag:s4] =	ssyncset.s32 $0xFFFFF086  }
0x25: {  	[simem:s6], [sflag:s4] =	dma.local [hbm:s3], $0xF7A  }
0x26: {  	[smem:$0x3F9B] =	sst s1;
	(tag) =	ssettag s2;
	_ =	strace s9  }
0x27: {  	s1 =	sld [smem:$0x3FAB]  }
0x28: {  	s2 =	sld [smem:$0x3FAC]  }
0x29: {  	s4 =	sld [smem:$0x3FAE]  }
0x2a: {  	p0 =	seq.s32 s5, $0x0;
	s5 =	sld [smem:$0x3FAF]  }
0x2b: {  	s6 =	sld [smem:$0x3FB0]  }
0x2c: {  	s7 =	sld [smem:$0x3FB1]  }
0x2d: {  	s3 =	simm.s32 $0x108;
	s8 =	sld [smem:$0x3FB2]  }
0x2e: {  	s3 =	simm.s32 @!p0 $0x1082;
	s9 =	sld [smem:$0x3FB3]  }
0x2f: {  	lr =	sadd.s32 s0, s3;
	s0 =	sld [smem:$0x3FAA]  }
0x30: {  	s3 =	sld [smem:$0x3FAD]  }
0x31: {  	[smem:$0x3FB6] =	sst s10  }
0x32: {  	s10 =	sld [smem:$0x3FB4];
	_ =	sdelay $0x3  }
0x33: {  	p0 =	seq.s32 s10, $0x1;
	s10 =	sld [smem:$0x3FB6];
	_ =	sdelay $0x3  }
0x34: {  	[smem:$0x3FB6] =	sst s10  }
0x35: {  	s10 =	sld [smem:$0x3FB5];
	_ =	sdelay $0x3  }
0x36: {  	p1 =	seq.s32 s10, $0x1;
	s10 =	sld [smem:$0x3FB6];
	_ =	sdelay $0x3  }
0x37: {  	[smem:$0x3FB6] =	sst s10  }
0x38: {  	s10 =	sld [smem:$0x3FB7]  }
0x39: {  	_ = 	snop;
	(pc) =	sbr.ind lr, $3  }
0x3a: {  	_ = 	snop  }
0x3b: {  	_ = 	snop  }
0x3c: {  	p2 =	seq.s32 s10, $0x1;
	s10 =	sld [smem:$0x3FB6]  }
0x3d: {  	_ =	shalt  }
0x3e: {  	_ =	shalt  }
0x3f: {  	_ =	shalt  }
0x40: {  	_ =	shalt  }
0x41: {  	_ =	shalt  }
0x42: {  	_ =	shalt  }
0x43: {  	_ =	shalt  }
0x44: {  	_ =	shalt  }
0x45: {  	_ =	shalt  }
0x46: {  	_ =	shalt  }
0x47: {  	_ =	shalt  }
0x48: {  	_ =	shalt  }
0x49: {  	_ =	shalt  }
0x4a: {  	_ =	shalt  }
0x4b: {  	_ =	shalt  }
0x4c: {  	_ =	shalt  }
0x4d: {  	_ =	shalt  }
0x4e: {  	_ =	shalt  }
0x4f: {  	_ =	shalt  }
0x50: {  	_ =	shalt  }
0x51: {  	_ =	shalt  }
0x52: {  	_ =	shalt  }
0x53: {  	_ =	shalt  }
0x54: {  	_ =	shalt  }
0x55: {  	_ =	shalt  }
0x56: {  	_ =	shalt  }
0x57: {  	_ =	shalt  }
0x58: {  	_ =	shalt  }
0x59: {  	_ =	shalt  }
0x5a: {  	_ =	shalt  }
0x5b: {  	_ =	shalt  }
0x5c: {  	_ =	shalt  }
0x5d: {  	_ =	shalt  }
0x5e: {  	_ =	shalt  }
0x5f: {  	_ =	shalt  }
0x60: {  	_ =	shalt  }
0x61: {  	_ =	shalt  }
0x62: {  	_ =	shalt  }
0x63: {  	_ =	shalt  }
0x64: {  	_ =	shalt  }
0x65: {  	_ =	shalt  }
0x66: {  	_ =	shalt  }
0x67: {  	_ =	shalt  }
0x68: {  	_ =	shalt  }
0x69: {  	_ =	shalt  }
0x6a: {  	_ =	shalt  }
0x6b: {  	_ =	shalt  }
0x6c: {  	_ =	shalt  }
0x6d: {  	_ =	shalt  }
0x6e: {  	_ =	shalt  }
0x6f: {  	_ =	shalt  }
0x70: {  	_ =	shalt  }
0x71: {  	_ =	shalt  }
0x72: {  	_ =	shalt  }
0x73: {  	_ =	shalt  }
0x74: {  	_ =	shalt  }
0x75: {  	_ =	shalt  }
0x76: {  	_ =	shalt  }
0x77: {  	_ =	shalt  }
0x78: {  	_ =	shalt  }
0x79: {  	_ =	shalt  }
0x7a: {  	_ =	shalt  }
0x7b: {  	_ =	shalt  }
0x7c: {  	_ =	shalt  }
0x7d: {  	_ =	shalt  }
0x7e: {  	_ =	shalt  }
0x7f: {  	_ =	shalt  }
0x80: {  	_ =	shalt  }
0x81: {  	_ =	shalt  }
0x82: {  	_ =	shalt  }
0x83: {  	_ =	shalt  }
0x84: {  	_ =	shalt  }
0x85: {  	_ =	shalt  }
0x86: {  	_ =	shalt  }
0x87: {  	_ =	shalt  }
.Lfunc_end0:
.L_simem_size_0:
called_computation_lowered:
.L_overlay_start_0:
0x88: {  	s2 =	sld [smem:$0x3FD9]  }
0x89: {  	s3 =	sld [smem:$0x3FFE];
	_ =	sdelay $0x1  }
0x8a: {  	s1 =	srdreg.scid  }
0x8b: {  	s0 =	sand.u32 $0x1, s1  }
0x8c: {  	s17 =	sshll.u32 s0, $0xA;
	s2 =	sadd.s32 s3, s2  }
0x8d: {  	s2 =	sadd.s32 s2, s17  }
0x8e: {  	[smem:$0x3FC2] =	sst s2  }
0x8f: {  	_ = 	snop  }
0x90: {  	s2 =	sld [smem:$0x3FC9]  }
0x91: {  	s18 =	sld [smem:$0x3FC8]  }
0x92: {  	s4 =	sld [smem:$0x3FC7]  }
0x93: {  	s5 =	sld [smem:$0x3FC6]  }
0x94: {  	s6 =	sld [smem:$0x3FC4]  }
0x95: {  	s7 =	sld [smem:$0x3FD0];
	(tm) =	ssettm $0x1  }
0x96: {  	s8 =	sld [smem:$0x3FFB];
	_ =	sdelay $0x3  }
0x97: {  	_ =	strace s8  }
0x98: {  	s8 =	sld [smem:$0x3FFC];
	_ =	sdelay $0x3  }
0x99: {  	_ =	strace s8  }
0x9a: {  	s8 =	sld [smem:$0x3FFD];
	_ =	sdelay $0x3  }
0x9b: {  	_ =	strace s8  }
0x9c: {  	_ =	strace $0x8FFFFFFF  }
0x9d: {  	s19 =	sld [smem:$0x3FDB];
	_ =	sdelay $0x1  }
0x9e: {  	s9 =	simm.s32 $_scs_section_size  }
0x9f: {  	s10 =	simm.s32 $_size__tile_overlayer_lowered;
	s11 =	simm.s32 $_tile_overlayer_lowered  }
0xa0: {  	s22 =	simm.s32 $0x1BFF;
	s21 =	sshll.u32 s11, $0x1;
	s8 =	sadd.s32 s9, s19  }
0xa1: {  	s12 =	simm.s32 $0x0;
	s20 =	sshll.u32 s10, $0x1;
	s10 =	sadd.s32 s21, s8  }
0xa2: {  	[timem:s12], [sflag:s22] =	dma.local [hbm:s10], s20  }
0xa3: {  	_ =	swait.ge [sflag:s22], s20  }
0xa4: {  	s9 =	ssub.s32 $0x0, s20;
	[sflag:s22] =	ssyncset.done $0x0  }
0xa5: {  	[sflag:s22] =	ssyncadd.s32 s9;
	_ =	sdelay $0x1  }
0xa6: {  	s23 =	simm.s32 $0x1B8B  }
0xa7: {  	_ =	swait.ge [sflag:s23], $0x1  }
0xa8: {  	[sflag:s23] =	ssyncset.done $0x0  }
0xa9: {  	s25 =	simm.s32 $0x1B8E;
	s24 =	sld [smem:$0x3FFE];
	[sflag:s23] =	ssyncadd.s32 $0xFFFFFFFF  }
0xaa: {  	s26 =	simm.s32 $execute0_lowered;
	[smem:$0x3FD2] =	sst s25  }
0xab: {  	s10 =	sshll.u32 s26, $0x1;
	_ =	strace $0x80000046;
	[dreg:$0x1] =	wrdreg $0xFFFFFFFF  }
0xac: {  	s28 =	simm.s32 $_size_execute0_lowered;
	s8 =	sadd.s32 s8, s10;
	[dreg:$0x0] =	wrdreg $0x0  }
0xad: {  	s10 =	sshll.u32 s28, $0x1;
	[dreg:$0x2] =	wrdreg s8  }
0xae: {  	[dreg:$0x3] =	wrdreg s10  }
0xaf: {  	[dreg:$0x4] =	wrdreg $0xC0  }
0xb0: {  	_ =	task [dreg:s12], $0x5FFFF  }
0xb1: {  	[dreg:$0x1] =	wrdreg $0xFFFFFFFF  }
0xb2: {  	[dreg:$0x0] =	wrdreg $0x60  }
0xb3: {  	[dreg:$0x2] =	wrdreg s2  }
0xb4: {  	[dreg:$0x3] =	wrdreg s18  }
0xb5: {  	[dreg:$0x4] =	wrdreg s4  }
0xb6: {  	[dreg:$0x5] =	wrdreg s5  }
0xb7: {  	[dreg:$0x6] =	wrdreg s24  }
0xb8: {  	[dreg:$0x7] =	wrdreg s6  }
0xb9: {  	[dreg:$0x8] =	wrdreg s7  }
0xba: {  	[dreg:$0x9] =	wrdreg $0x9  }
0xbb: {  	_ =	task.clear_ibuf [dreg:s12], $0xAFFFF;
	_ =	strace $0x90000046  }
0xbc: {  	s29 =	simm.s32 $0x9;
	_ =	strace $0x8000004C  }
0xbd: {  	_ =	swait.ge [sflag:s29], $0x1  }
0xbe: {  	[sflag:s29] =	ssyncadd.s32 $0xFFFFFFFF  }
0xbf: {  	_ =	strace $0x9000004C  }
0xc0: {  	_ =	sfence  }
0xc1: {  	s30 =	sld [smem:$0x0];
	_ =	sdelay $0x2  }
0xc2: {  	s31 =	sshll.u32 s1, $0xD;
	s1 =	sshrl.u32 s1, $0x2  }
0xc3: {  	s3 =	sand.u32 $0x4000, s31;
	s1 =	sadd.s32 s1, s30  }
0xc4: {  	s0 =	sor.u32 s3, s0;
	s1 =	sshll.u32 s1, $0x11  }
0xc5: {  	s0 =	sor.u32 s1, s0  }
0xc6: {  	s0 =	sadd.s32 $0x8F2B, s0  }
0xc7: {  	[sflag:s0] =	ssyncadd.remote.s32 $0x1  }
0xc8: {  	_ =	sfence.sel $0xFFFF  }
0xc9: {  	[dreg:$0x0] =	wrdreg $0xFFFFFFFF;
	(pc) =	sbr.abs _section_cstart, $3  }
0xca: {  	[dreg:$0x1] =	wrdreg $0xFFFFFFFF  }
0xcb: {  	_ =	task.clear_ibuf [dreg:s12], $0x2FFFF;
	_ =	strace $0x9FFFFFFF  }
0xcc: {  	(tm) =	ssettm $0x7FFFFFFF  }
0xcd: {  	_ =	shalt  }
tec
execute0_lowered:
.L_overlay_start_1:
0x0: {  	(tag) =	ssettag $0x1  }
0x1: {  	s0 =	rddreg [dreg:$0x4]  }
0x2: {  	s6 =	rddreg [dreg:$0x6];
	s8 =	simm.s32 $0x0  }
0x3: {  	s1 =	srdreg.scid;
	s3 =	stileid.u32;
	s13 =	simm.s32 $0x17200  }
0x4: {  	s14 =	simm.s32 $0x5;
	s15 =	simm.s32 $0x17E00;
	s16 =	simm.s32 $0x18200  }
0x5: {  	s17 =	simm.s32 $0x18600;
	s18 =	simm.s32 $0x400;
	s19 =	simm.s32 $0x8000  }
0x6: {  	s21 =	simm.s32 $0x1200;
	s31 =	simm.s32 $0xF200;
	s1 =	sand.u32 $0x1, s1  }
0x7: {  	v3 =	vlaneseq.u32;
	s3 =	sshll.u32 s3, $0xB;
	s2 =	ssub.s32 $0x2, s1;
	s1 =	sshll.u32 s1, $0xA  }
0x8: {  	vm0 =	vmmov $0xff;
	s7 =	simm.s32 $0x10200;
	[smem:$0x7FF] =	sst s8;
	v0 =	vmul.u32 $0x100, v3;
	s9 =	sor.u32 s1, s3  }
0x9: {  	s10 =	sadd.s32 $0x27AC800, s0;
	v2 =	vshrl.u32 v3, $0x3;
	v1 =	vand.u32 $0x7, v3;
	v3 =	vor.u32 $0x8, v3;
	s4 =	sshrl.u32 s2, $0x1;
	s1 =	sshrl.u32 s9, $0x3  }
0xa: {  	_ =	strace $0x80000047;
	v2 =	vmul.u32 $0x8, v2;
	v11 =	vmul.u32 $0x80, v1;
	v4 =	vor.u32 $0x7000, v0;
	s30 =	ssub.s32 s2, s4;
	s1 =	sadd.s32 s6, s1  }
0xb: {  	v5 =	vor.u32 $0x6000, v0;
	v6 =	vor.u32 $0x5000, v0;
	v7 =	vor.u32 $0x4000, v0;
	s2 =	simm.s32 $0x10A00;
	s0 =	smax.u32 s30, $0x1;
	[dreg:$0x8] =	wrdreg s1  }
0xc: {  	v8 =	vor.u32 $0x3000, v0;
	v9 =	vor.u32 $0x2000, v0;
	v10 =	vor.u32 $0x1000, v0;
	s4 =	simm.s32 $0x0;
	[dreg:$0x9] =	wrdreg s0;
	s1 =	simm.s32 $0xFA00  }
.LBB2_1:
0xd: {  	[dreg:$0xa] =	wrdreg s4  }
0xe: {  	s0 =	rddreg [dreg:$0x5]  }
0xf: {  	[tilespmem:s13], [sflag:$0x5] =	stream.linear.gather [hbm4b:s0+s8], $0xA00, $0x38;
	[tilespmem:$0x18680] =	vst v63  }
0x10: {  	_ =	swait.ge [sflag:s14], $0xA00  }
0x11: {  	[sflag:s14] =	ssyncset.done $0x0  }
0x12: {  	[sflag:s14] =	ssyncadd.s32 $0xFFFFF600  }
0x13: {  	s28 =	rddreg [dreg:$0x2]  }
0x14: {  	[tilespmem:s15], [sflag:$0x5] =	stream.linear.gather [hbm4b:s28+s8], $0x300, $0x38;
	[tilespmem:$0x18680] =	vst v63  }
0x15: {  	_ =	swait.ge [sflag:s14], $0x300  }
0x16: {  	[sflag:s14] =	ssyncset.done $0x0  }
0x17: {  	[sflag:s14] =	ssyncadd.s32 $0xFFFFFD00  }
0x18: {  	s29 =	rddreg [dreg:$0x3]  }
0x19: {  	[tilespmem:s16], [sflag:$0x5] =	stream.linear.gather [hbm4b:s29+s8], $0x300, $0x38;
	[tilespmem:$0x18680] =	vst v63  }
0x1a: {  	_ =	swait.ge [sflag:s14], $0x300  }
0x1b: {  	[sflag:s14] =	ssyncset.done $0x0  }
0x1c: {  	[sflag:s14] =	ssyncadd.s32 $0xFFFFFD00  }
0x1d: {  	v12 =	vmov s8;
	s30 =	rddreg [dreg:$0x1]  }
0x1e: {  	[tilespmem:s17], [sflag:$0x5] =	stream.linear.gather [hbm4b:s30+s8], $0x80, $0x38;
	[tilespmem:$0x18680] =	vst v63  }
0x1f: {  	_ =	swait.ge [sflag:s14], $0x80  }
0x20: {  	[sflag:s14] =	ssyncset.done $0x0  }
0x21: {  	[sflag:s14] =	ssyncadd.s32 $0xFFFFFF80  }
0x22: {  	v12 =	vld.idx.msk [tilespmem:v12+s17+$0x0], $0xffff;
	_ =	sdelay $0x3  }
0x23: {  	s0 =	simm.s32 $0x13240  }
0x24: {  	[tilespmem:s0+$0xFFFFFFC0] =	vst v12  }
0x25: {  	[tilespmem:s0+$0xFFFFFFD0] =	vst v12  }
0x26: {  	s3 =	simm.s32 $0x1;
	[tilespmem:s0+$0xFFFFFFE0] =	vst v12  }
0x27: {  	v13 =	vmov s3;
	s3 =	simm.s32 $0x2;
	[tilespmem:s0+$0xFFFFFFF0] =	vst v12  }
.LBB2_2:
0x28: {  	p0 =	sne.s32 s3, $0x3F;
	[tilespmem:s0+$0x0] =	vst v12  }
0x29: {  	[tilespmem:s0+$0x10] =	vst v12  }
0x2a: {  	[tilespmem:s0+$0x20] =	vst v12  }
0x2b: {  	[tilespmem:s0+$0x30] =	vst v12  }
0x2c: {  	v12 =	vld.idx.msk [tilespmem:v13+s17+$0x0], $0xffff;
	_ =	sdelay $0x4  }
.Ltmp0:
0x2d: {  	s0 =	sadd.s32 $0x80, s0;
	(pc) =	sbr.rel @p0 .LBB2_2-.Ltmp0, $4  }
0x2e: {  	[tilespmem:s0+$0xFFFFFFC0] =	vst v12  }
0x2f: {  	[tilespmem:s0+$0xFFFFFFD0] =	vst v12  }
0x30: {  	[tilespmem:s0+$0xFFFFFFE0] =	vst v12  }
0x31: {  	v13 =	vmov s3;
	s3 =	sadd.s32 $0x1, s3;
	[tilespmem:s0+$0xFFFFFFF0] =	vst v12  }
0x32: {  	[tilespmem:s0+$0x0] =	vst v12  }
0x33: {  	[tilespmem:s0+$0x10] =	vst v12  }
0x34: {  	[tilespmem:s0+$0x20] =	vst v12  }
0x35: {  	[tilespmem:s0+$0x30] =	vst v12  }
0x36: {  	v12 =	vld.idx.msk [tilespmem:v13+s17+$0x0], $0xffff;
	_ =	sdelay $0x3  }
0x37: {  	s29 =	sadd.s32 $0x80, s0  }
0x38: {  	[tilespmem:s29+$0xFFFFFFC0] =	vst v12  }
0x39: {  	[tilespmem:s29+$0xFFFFFFD0] =	vst v12  }
0x3a: {  	[tilespmem:s29+$0xFFFFFFE0] =	vst v12  }
0x3b: {  	[tilespmem:s29+$0xFFFFFFF0] =	vst v12  }
0x3c: {  	[tilespmem:s29+$0x0] =	vst v12  }
0x3d: {  	[tilespmem:s29+$0x10] =	vst v12  }
0x3e: {  	[tilespmem:s29+$0x20] =	vst v12  }
0x3f: {  	s30 =	rddreg [dreg:$0x8];
	s3 =	simm.s32 $0x13200;
	[tilespmem:s29+$0x30] =	vst v12  }
0x40: {  	[hbm4b:s30+s18] =	stream.strided.scatter [tilespmem:s3], [sflag:$0x5], $0x2000, s19, s18, $0x38;
	[tilespmem:$0x18680] =	vst v63  }
0x41: {  	_ =	swait.ge [sflag:s14], $0x2000  }
0x42: {  	[sflag:s14] =	ssyncset.done $0x0  }
0x43: {  	s4 =	simm.s32 $0x0;
	s3 =	simm.s32 $0x0;
	[sflag:s14] =	ssyncadd.s32 $0xFFFFE000  }
.LBB2_4:
0x44: {  	s5 =	sshll.u32 s4, $0x7;
	v13 =	vmov s3  }
0x45: {  	s0 =	sshll.u32 s4, $0x11;
	v12 =	vmov s5;
	v13 =	vand.u32 $0x78, v13  }
0x46: {  	s0 =	sor.u32 s9, s0;
	v13 =	vor.u32 v12, v13  }
0x47: {  	s22 =	rddreg [dreg:$0x0];
	s0 =	sshrl.u32 s0, $0x3;
	v13 =	vbroadcast v13, $0x0  }
0x48: {  	s23 =	simm.s32 $0x1;
	s0 =	sadd.s32 s22, s0  }
0x49: {  	[tilespmem:s3], [sflag:$0x5] =	stream.strided.gather [hbm4b:s0+s18], $0x1000, s19, s18, $0x38;
	[tilespmem:$0x18680] =	vst v63  }
0x4a: {  	v14 =	vmov s23;
	_ =	swait.ge [sflag:s14], $0x1000  }
0x4b: {  	v14 =	vand.u32 $0x79, v14;
	[sflag:s14] =	ssyncset.done $0x0  }
0x4c: {  	v14 =	vor.u32 v12, v14;
	[sflag:s14] =	ssyncadd.s32 $0xFFFFF000  }
0x4d: {  	v14 =	vbroadcast v14, $0x0;
	v13 =	vld.idx.msk [tilespmem:v13+s13+$0x0], $0xffff;
	_ =	sdelay $0x1  }
0x4e: {  	s24 =	simm.s32 $0x2  }
0x4f: {  	v15 =	vmov s24  }
0x50: {  	v15 =	vand.u32 $0x7A, v15;
	s0 =	simm.s32 $0x11400  }
0x51: {  	[tilespmem:s0+$0xFFFFFE00] =	vst v13;
	v13 =	vor.u32 v12, v15  }
0x52: {  	v14 =	vld.idx.msk [tilespmem:v14+s13+$0x0], $0xffff;
	v13 =	vbroadcast v13, $0x0;
	_ =	sdelay $0x1  }
0x53: {  	s25 =	simm.s32 $0x3  }
0x54: {  	v15 =	vmov s25  }
0x55: {  	v15 =	vand.u32 $0x7B, v15  }
0x56: {  	[tilespmem:s0+$0xFFFFFE80] =	vst v14;
	v14 =	vor.u32 v12, v15  }
0x57: {  	v13 =	vld.idx.msk [tilespmem:v13+s13+$0x0], $0xffff;
	v14 =	vbroadcast v14, $0x0;
	_ =	sdelay $0x1  }
0x58: {  	s26 =	simm.s32 $0x4  }
0x59: {  	v15 =	vmov s26  }
0x5a: {  	v15 =	vand.u32 $0x7C, v15  }
0x5b: {  	[tilespmem:s0+$0xFFFFFF00] =	vst v13;
	v13 =	vor.u32 v12, v15  }
0x5c: {  	v14 =	vld.idx.msk [tilespmem:v14+s13+$0x0], $0xffff;
	v13 =	vbroadcast v13, $0x0;
	_ =	sdelay $0x1  }
0x5d: {  	s28 =	simm.s32 $0x5  }
0x5e: {  	v15 =	vmov s28  }
0x5f: {  	v15 =	vand.u32 $0x7D, v15  }
0x60: {  	[tilespmem:s0+$0xFFFFFF80] =	vst v14;
	v14 =	vor.u32 v12, v15  }
0x61: {  	v13 =	vld.idx.msk [tilespmem:v13+s13+$0x0], $0xffff;
	v14 =	vbroadcast v14, $0x0;
	_ =	sdelay $0x1  }
0x62: {  	s29 =	simm.s32 $0x6  }
0x63: {  	v15 =	vmov s29  }
0x64: {  	v15 =	vand.u32 $0x7E, v15  }
0x65: {  	[tilespmem:s0+$0x0] =	vst v13;
	v13 =	vor.u32 v12, v15  }
0x66: {  	v14 =	vld.idx.msk [tilespmem:v14+s13+$0x0], $0xffff;
	v13 =	vbroadcast v13, $0x0;
	_ =	sdelay $0x1  }
0x67: {  	s30 =	simm.s32 $0x7  }
0x68: {  	v15 =	vmov s30  }
0x69: {  	v15 =	vand.u32 $0x7F, v15  }
0x6a: {  	v15 =	vor.u32 v12, v15;
	[tilespmem:s0+$0x80] =	vst v14  }
0x6b: {  	v14 =	vld.idx.msk [tilespmem:v13+s13+$0x0], $0xffff;
	v13 =	vbroadcast v15, $0x0;
	_ =	sdelay $0x2  }
0x6c: {  	s5 =	simm.s32 $0x8  }
0x6d: {  	s11 =	simm.s32 $0x10;
	v15 =	vmov s5  }
.LBB2_5:
0x6e: {  	p0 =	slt.u32 s11, $0x38;
	v15 =	vand.u32 $0x78, v15;
	[tilespmem:s0+$0x100] =	vst v14  }
0x6f: {  	v14 =	vor.u32 v12, v15;
	v13 =	vld.idx.msk [tilespmem:v13+s13+$0x0], $0xffff  }
0x70: {  	v14 =	vbroadcast v14, $0x0;
	_ =	sdelay $0x2  }
0x71: {  	s12 =	sadd.s32 $0x1, s5  }
0x72: {  	v15 =	vmov s12  }
0x73: {  	v15 =	vand.u32 $0x79, v15;
	[tilespmem:s0+$0x180] =	vst v13  }
0x74: {  	v13 =	vld.idx.msk [tilespmem:v14+s13+$0x0], $0xffff;
	v14 =	vor.u32 v12, v15  }
0x75: {  	v14 =	vbroadcast v14, $0x0;
	_ =	sdelay $0x2  }
0x76: {  	s12 =	sadd.s32 $0x2, s5  }
0x77: {  	s0 =	sadd.s32 $0x400, s0;
	v15 =	vmov s12  }
0x78: {  	[tilespmem:s0+$0xFFFFFE00] =	vst v13;
	v13 =	vand.u32 $0x7A, v15  }
0x79: {  	v14 =	vld.idx.msk [tilespmem:v14+s13+$0x0], $0xffff;
	v13 =	vor.u32 v12, v13  }
0x7a: {  	v13 =	vbroadcast v13, $0x0;
	_ =	sdelay $0x2  }
0x7b: {  	s12 =	sadd.s32 $0x3, s5  }
0x7c: {  	v15 =	vmov s12  }
0x7d: {  	[tilespmem:s0+$0xFFFFFE80] =	vst v14;
	v14 =	vand.u32 $0x7B, v15  }
0x7e: {  	v13 =	vld.idx.msk [tilespmem:v13+s13+$0x0], $0xffff;
	v14 =	vor.u32 v12, v14  }
0x7f: {  	v14 =	vbroadcast v14, $0x0;
	_ =	sdelay $0x2  }
0x80: {  	s12 =	sadd.s32 $0x4, s5  }
0x81: {  	v15 =	vmov s12  }
0x82: {  	[tilespmem:s0+$0xFFFFFF00] =	vst v13;
	v13 =	vand.u32 $0x7C, v15  }
0x83: {  	v14 =	vld.idx.msk [tilespmem:v14+s13+$0x0], $0xffff;
	v13 =	vor.u32 v12, v13  }
0x84: {  	v13 =	vbroadcast v13, $0x0;
	_ =	sdelay $0x2  }
0x85: {  	s12 =	sadd.s32 $0x5, s5  }
0x86: {  	v15 =	vmov s12  }
0x87: {  	[tilespmem:s0+$0xFFFFFF80] =	vst v14;
	v14 =	vand.u32 $0x7D, v15  }
0x88: {  	v13 =	vld.idx.msk [tilespmem:v13+s13+$0x0], $0xffff;
	v14 =	vor.u32 v12, v14  }
0x89: {  	v14 =	vbroadcast v14, $0x0;
	_ =	sdelay $0x2  }
0x8a: {  	s12 =	sadd.s32 $0x6, s5  }
0x8b: {  	v15 =	vmov s12  }
0x8c: {  	[tilespmem:s0+$0x0] =	vst v13;
	v13 =	vand.u32 $0x7E, v15  }
0x8d: {  	v14 =	vld.idx.msk [tilespmem:v14+s13+$0x0], $0xffff;
	v13 =	vor.u32 v12, v13  }
0x8e: {  	v13 =	vbroadcast v13, $0x0;
	_ =	sdelay $0x2  }
0x8f: {  	s12 =	sadd.s32 $0x7, s5;
	s5 =	smov.u32 s11  }
0x90: {  	v15 =	vmov s12  }
0x91: {  	v15 =	vand.u32 $0x7F, v15;
	[tilespmem:s0+$0x80] =	vst v14  }
0x92: {  	v14 =	vld.idx.msk [tilespmem:v13+s13+$0x0], $0xffff;
	v13 =	vor.u32 v12, v15  }
.Ltmp1:
0x93: {  	v13 =	vbroadcast v13, $0x0;
	(pc) =	sbr.rel @p0 .LBB2_5-.Ltmp1, $2  }
0x94: {  	_ =	sdelay $0x2  }
0x95: {  	s11 =	sadd.s32 $0x8, s11;
	v15 =	vmov s5  }
0x96: {  	_ =	sdelay $0x1  }
0x97: {  	v15 =	vand.u32 $0x78, v15  }
0x98: {  	[tilespmem:s0+$0x100] =	vst v14;
	v24 =	vor.u32 v12, v15  }
0x99: {  	v13 =	vld.idx.msk [tilespmem:v13+s13+$0x0], $0xffff;
	v14 =	vbroadcast v24, $0x0;
	_ =	sdelay $0x1  }
0x9a: {  	s11 =	sadd.s32 $0x1, s5  }
0x9b: {  	v25 =	vmov s11  }
0x9c: {  	v15 =	vand.u32 $0x79, v25  }
0x9d: {  	v26 =	vor.u32 v12, v15;
	[tilespmem:s0+$0x180] =	vst v13  }
0x9e: {  	v13 =	vbroadcast v26, $0x0;
	v14 =	vld.idx.msk [tilespmem:v14+s13+$0x0], $0xffff;
	_ =	sdelay $0x1  }
0x9f: {  	s29 =	sadd.s32 $0x2, s5  }
0xa0: {  	v27 =	vmov s29  }
0xa1: {  	s30 =	sadd.s32 $0x400, s0;
	v15 =	vand.u32 $0x7A, v27  }
0xa2: {  	v28 =	vor.u32 v12, v15;
	[tilespmem:s30+$0xFFFFFE00] =	vst v14  }
0xa3: {  	v14 =	vbroadcast v28, $0x0;
	v13 =	vld.idx.msk [tilespmem:v13+s13+$0x0], $0xffff;
	_ =	sdelay $0x1  }
0xa4: {  	s12 =	sadd.s32 $0x3, s5  }
0xa5: {  	v29 =	vmov s12  }
0xa6: {  	v15 =	vand.u32 $0x7B, v29  }
0xa7: {  	v30 =	vor.u32 v12, v15;
	[tilespmem:s30+$0xFFFFFE80] =	vst v13  }
0xa8: {  	v13 =	vbroadcast v30, $0x0;
	v14 =	vld.idx.msk [tilespmem:v14+s13+$0x0], $0xffff;
	_ =	sdelay $0x1  }
0xa9: {  	s20 =	sadd.s32 $0x4, s5  }
0xaa: {  	v31 =	vmov s20  }
0xab: {  	v15 =	vand.u32 $0x7C, v31  }
0xac: {  	v32 =	vor.u32 v12, v15;
	[tilespmem:s30+$0xFFFFFF00] =	vst v14  }
0xad: {  	v14 =	vbroadcast v32, $0x0;
	v13 =	vld.idx.msk [tilespmem:v13+s13+$0x0], $0xffff;
	_ =	sdelay $0x1  }
0xae: {  	s22 =	sadd.s32 $0x5, s5  }
0xaf: {  	v33 =	vmov s22  }
0xb0: {  	v15 =	vand.u32 $0x7D, v33  }
0xb1: {  	v34 =	vor.u32 v12, v15;
	[tilespmem:s30+$0xFFFFFF80] =	vst v13  }
0xb2: {  	v13 =	vbroadcast v34, $0x0;
	v14 =	vld.idx.msk [tilespmem:v14+s13+$0x0], $0xffff;
	_ =	sdelay $0x1  }
0xb3: {  	s23 =	sadd.s32 $0x6, s5  }
0xb4: {  	v35 =	vmov s23  }
0xb5: {  	v15 =	vand.u32 $0x7E, v35  }
0xb6: {  	v36 =	vor.u32 v12, v15;
	[tilespmem:s30+$0x0] =	vst v14  }
0xb7: {  	v14 =	vbroadcast v36, $0x0;
	v13 =	vld.idx.msk [tilespmem:v13+s13+$0x0], $0xffff;
	_ =	sdelay $0x1  }
0xb8: {  	s24 =	sadd.s32 $0x7, s5  }
0xb9: {  	v37 =	vmov s24  }
0xba: {  	v15 =	vand.u32 $0x7F, v37  }
0xbb: {  	v38 =	vor.u32 v12, v15;
	[tilespmem:s30+$0x80] =	vst v13  }
0xbc: {  	v12 =	vbroadcast v38, $0x0;
	v13 =	vld.idx.msk [tilespmem:v14+s13+$0x0], $0xffff;
	_ =	sdelay $0x4  }
0xbd: {  	[tilespmem:s30+$0x100] =	vst v13  }
0xbe: {  	v12 =	vld.idx.msk [tilespmem:v12+s13+$0x0], $0xffff;
	_ =	sdelay $0x4  }
0xbf: {  	[tilespmem:s30+$0x180] =	vst v12  }
0xc0: {  	v12 =	vld [tilespmem:$0x300]  }
0xc1: {  	v13 =	vld [tilespmem:$0x310]  }
0xc2: {  	v39 =	vld [tilespmem:$0x320]  }
0xc3: {  	v40 =	vld [tilespmem:$0x330]  }
0xc4: {  	v17 =	vld [tilespmem:$0x340]  }
0xc5: {  	v18 =	vld [tilespmem:$0x350]  }
0xc6: {  	v21 =	vld [tilespmem:$0x360]  }
0xc7: {  	v46 =	vld [tilespmem:$0x370]  }
0xc8: {  	v12 =	vtrunc.f32 v12  }
0xc9: {  	v13 =	vtrunc.f32 v13;
	v14 =	vtrunc.f32 v39  }
0xca: {  	v15 =	vtrunc.f32 v40;
	v17 =	vtrunc.f32 v17  }
0xcb: {  	v44 =	vtrunc.f32 v18;
	v47 =	vtrunc.f32 v21  }
0xcc: {  	v53 =	vtrunc.f32 v46;
	v12 =	vcvt.f32.s32 v12  }
0xcd: {  	v13 =	vcvt.f32.s32 v13;
	v14 =	vcvt.f32.s32 v14  }
0xce: {  	v15 =	vcvt.f32.s32 v15;
	v43 =	vcvt.f32.s32 v17;
	vm1 =	vgt.s32 v12, $0x0  }
0xcf: {  	v18 =	vcvt.f32.s32 v47;
	v12 =	vnsel vm1, $0x0, v12;
	vm1 =	vgt.s32 v13, $0x0  }
0xd0: {  	v12 =	vmin.u32 v12, $0x1869F;
	v13 =	vnsel vm1, $0x0, v13;
	vm1 =	vgt.s32 v14, $0x0  }
0xd1: {  	v16 =	vshll.u32 v12, $0x6;
	v12 =	vshrl.u32 v12, $0x1;
	v13 =	vmin.u32 v13, $0x1869F  }
0xd2: {  	v14 =	vnsel vm1, $0x0, v14;
	vm1 =	vgt.s32 v15, $0x0;
	v16 =	vand.u32 $0x40, v16  }
0xd3: {  	v19 =	vshll.u32 v13, $0x6;
	v13 =	vshrl.u32 v13, $0x1;
	v14 =	vmin.u32 v14, $0x1869F;
	[tilespmem:$0x1000] =	vst v12  }
0xd4: {  	v42 =	vnsel vm1, $0x0, v15;
	vm1 =	vgt.s32 v43, $0x0;
	v19 =	vand.u32 $0x40, v19;
	[tilespmem:$0x1100] =	vst v16  }
0xd5: {  	v20 =	vshrl.u32 v14, $0x1;
	v41 =	vshll.u32 v14, $0x6;
	v14 =	vmin.u32 v42, $0x1869F;
	[tilespmem:$0x1010] =	vst v13  }
0xd6: {  	v16 =	vcvt.f32.s32 v44;
	v15 =	vnsel vm1, $0x0, v43;
	v12 =	vand.u32 $0x40, v41;
	[tilespmem:$0x1110] =	vst v19  }
0xd7: {  	v48 =	vld [tilespmem:$0x1000];
	v45 =	vshll.u32 v14, $0x6;
	v14 =	vshrl.u32 v14, $0x1;
	[tilespmem:$0x1020] =	vst v20;
	v15 =	vmin.u32 v15, $0x1869F  }
0xd8: {  	v13 =	vand.u32 $0x40, v45;
	vm1 =	vgt.s32 v16, $0x0;
	[tilespmem:$0x1120] =	vst v12;
	v49 =	vshll.u32 v15, $0x6  }
0xd9: {  	[tilespmem:$0x1030] =	vst v14;
	v50 =	vshrl.u32 v15, $0x1;
	v16 =	vnsel vm1, $0x0, v16;
	vm1 =	vgt.s32 v18, $0x0  }
0xda: {  	v12 =	vand.u32 $0x40, v49;
	[tilespmem:$0x1130] =	vst v13;
	v51 =	vmin.u32 v16, $0x1869F;
	v55 =	vnsel vm1, $0x0, v18  }
0xdb: {  	[tilespmem:$0x1040] =	vst v50;
	v16 =	vcvt.f32.s32 v53;
	v52 =	vshrl.u32 v51, $0x1;
	v54 =	vshll.u32 v51, $0x6  }
0xdc: {  	[tilespmem:$0x1140] =	vst v12;
	v57 =	vmin.u32 v55, $0x1869F;
	v58 =	vperm.xlane v48, v1;
	v61 =	vperm.xlane v48, v3  }
0xdd: {  	v56 =	vand.u32 $0x40, v54;
	[tilespmem:$0x1050] =	vst v52;
	v59 =	vshrl.u32 v57, $0x1;
	vm1 =	vgt.s32 v16, $0x0  }
0xde: {  	v14 =	vshll.u32 v57, $0x6;
	[tilespmem:$0x1150] =	vst v56;
	v60 =	vnsel vm1, $0x0, v16;
	v15 =	vadd.s32 v2, v58  }
0xdf: {  	[tilespmem:$0x1060] =	vst v59;
	v62 =	vand.u32 $0x40, v14;
	v12 =	vmin.u32 v60, $0x1869F  }
0xe0: {  	v17 =	vadd.s32 v2, v61;
	[tilespmem:$0x1160] =	vst v62;
	v63 =	vshrl.u32 v12, $0x1;
	v12 =	vshll.u32 v12, $0x6  }
0xe1: {  	[tilespmem:$0x1070] =	vst v63;
	v12 =	vand.u32 $0x40, v12  }
0xe2: {  	s5 =	simm.s32 $0x0;
	[tilespmem:$0x1170] =	vst v12  }
0xe3: {  	[tilespmem:s21], [sflag:$0x1] =	stream.indirect_vreg.gather [hbm4b:s10+s5], $0x80, v15, vm0, $0xb8;
	[tilespmem:$0x18680] =	vst v63  }
0xe4: {  	s25 =	simm.s32 $0x1A00  }
0xe5: {  	[tilespmem:s25], [sflag:$0x1] =	stream.indirect_vreg.gather [hbm4b:s10+s5], $0x80, v17, vm0, $0xb8;
	[tilespmem:$0x18680] =	vst v63  }
0xe6: {  	v18 =	vld [tilespmem:$0x1010];
	_ =	sdelay $0x4  }
0xe7: {  	v19 =	vperm.xlane v18, v1;
	_ =	sdelay $0x1  }
0xe8: {  	v12 =	vperm.xlane v18, v3;
	v13 =	vadd.s32 v2, v19;
	_ =	sdelay $0x1  }
0xe9: {  	v12 =	vadd.s32 v2, v12;
	_ =	sdelay $0x1  }
0xea: {  	s26 =	simm.s32 $0x2200  }
0xeb: {  	[tilespmem:s26], [sflag:$0x1] =	stream.indirect_vreg.gather [hbm4b:s10+s5], $0x80, v13, vm0, $0xb8;
	[tilespmem:$0x18680] =	vst v63  }
0xec: {  	s28 =	simm.s32 $0x2A00  }
0xed: {  	[tilespmem:s28], [sflag:$0x1] =	stream.indirect_vreg.gather [hbm4b:s10+s5], $0x80, v12, vm0, $0xb8;
	[tilespmem:$0x18680] =	vst v63  }
0xee: {  	v12 =	vld [tilespmem:$0x1020];
	_ =	sdelay $0x4  }
0xef: {  	v20 =	vperm.xlane v12, v1;
	_ =	sdelay $0x1  }
0xf0: {  	v12 =	vperm.xlane v12, v3;
	v13 =	vadd.s32 v2, v20;
	_ =	sdelay $0x1  }
0xf1: {  	v12 =	vadd.s32 v2, v12;
	_ =	sdelay $0x1  }
0xf2: {  	s29 =	simm.s32 $0x3200  }
0xf3: {  	[tilespmem:s29], [sflag:$0x1] =	stream.indirect_vreg.gather [hbm4b:s10+s5], $0x80, v13, vm0, $0xb8;
	[tilespmem:$0x18680] =	vst v63  }
0xf4: {  	s30 =	simm.s32 $0x3A00  }
0xf5: {  	[tilespmem:s30], [sflag:$0x1] =	stream.indirect_vreg.gather [hbm4b:s10+s5], $0x80, v12, vm0, $0xb8;
	[tilespmem:$0x18680] =	vst v63  }
0xf6: {  	v12 =	vld [tilespmem:$0x1030];
	_ =	sdelay $0x4  }
0xf7: {  	v21 =	vperm.xlane v12, v1;
	_ =	sdelay $0x1  }
0xf8: {  	v12 =	vperm.xlane v12, v3;
	v13 =	vadd.s32 v2, v21;
	_ =	sdelay $0x1  }
0xf9: {  	v12 =	vadd.s32 v2, v12;
	_ =	sdelay $0x1  }
0xfa: {  	s11 =	simm.s32 $0x4200  }
0xfb: {  	[tilespmem:s11], [sflag:$0x1] =	stream.indirect_vreg.gather [hbm4b:s10+s5], $0x80, v13, vm0, $0xb8;
	[tilespmem:$0x18680] =	vst v63  }
0xfc: {  	s12 =	simm.s32 $0x4A00  }
0xfd: {  	[tilespmem:s12], [sflag:$0x1] =	stream.indirect_vreg.gather [hbm4b:s10+s5], $0x80, v12, vm0, $0xb8;
	[tilespmem:$0x18680] =	vst v63  }
0xfe: {  	v12 =	vld [tilespmem:$0x1040];
	_ =	sdelay $0x4  }
0xff: {  	v22 =	vperm.xlane v12, v1;
	_ =	sdelay $0x1  }
0x100: {  	v12 =	vperm.xlane v12, v3;
	v13 =	vadd.s32 v2, v22;
	_ =	sdelay $0x1  }
0x101: {  	v12 =	vadd.s32 v2, v12;
	_ =	sdelay $0x1  }
0x102: {  	s20 =	simm.s32 $0x5200  }
0x103: {  	[tilespmem:s20], [sflag:$0x1] =	stream.indirect_vreg.gather [hbm4b:s10+s5], $0x80, v13, vm0, $0xb8;
	[tilespmem:$0x18680] =	vst v63  }
0x104: {  	s22 =	simm.s32 $0x5A00  }
0x105: {  	[tilespmem:s22], [sflag:$0x1] =	stream.indirect_vreg.gather [hbm4b:s10+s5], $0x80, v12, vm0, $0xb8;
	[tilespmem:$0x18680] =	vst v63  }
0x106: {  	v12 =	vld [tilespmem:$0x1050];
	_ =	sdelay $0x4  }
0x107: {  	v23 =	vperm.xlane v12, v1;
	_ =	sdelay $0x1  }
0x108: {  	v12 =	vperm.xlane v12, v3;
	v13 =	vadd.s32 v2, v23;
	_ =	sdelay $0x1  }
0x109: {  	v12 =	vadd.s32 v2, v12;
	_ =	sdelay $0x1  }
0x10a: {  	s23 =	simm.s32 $0x6200  }
0x10b: {  	[tilespmem:s23], [sflag:$0x1] =	stream.indirect_vreg.gather [hbm4b:s10+s5], $0x80, v13, vm0, $0xb8;
	[tilespmem:$0x18680] =	vst v63  }
0x10c: {  	s24 =	simm.s32 $0x6A00  }
0x10d: {  	[tilespmem:s24], [sflag:$0x1] =	stream.indirect_vreg.gather [hbm4b:s10+s5], $0x80, v12, vm0, $0xb8;
	[tilespmem:$0x18680] =	vst v63  }
0x10e: {  	v12 =	vld [tilespmem:$0x1060];
	_ =	sdelay $0x4  }
0x10f: {  	v24 =	vperm.xlane v12, v1;
	_ =	sdelay $0x1  }
0x110: {  	v12 =	vperm.xlane v12, v3;
	v13 =	vadd.s32 v2, v24;
	_ =	sdelay $0x1  }
0x111: {  	v12 =	vadd.s32 v2, v12;
	_ =	sdelay $0x1  }
0x112: {  	s25 =	simm.s32 $0x7200  }
0x113: {  	[tilespmem:s25], [sflag:$0x1] =	stream.indirect_vreg.gather [hbm4b:s10+s5], $0x80, v13, vm0, $0xb8;
	[tilespmem:$0x18680] =	vst v63  }
0x114: {  	s26 =	simm.s32 $0x7A00  }
0x115: {  	[tilespmem:s26], [sflag:$0x1] =	stream.indirect_vreg.gather [hbm4b:s10+s5], $0x80, v12, vm0, $0xb8;
	[tilespmem:$0x18680] =	vst v63  }
0x116: {  	v12 =	vld [tilespmem:$0x1070];
	_ =	sdelay $0x4  }
0x117: {  	v25 =	vperm.xlane v12, v1;
	_ =	sdelay $0x1  }
0x118: {  	v12 =	vperm.xlane v12, v3;
	v13 =	vadd.s32 v2, v25;
	_ =	sdelay $0x1  }
0x119: {  	v12 =	vadd.s32 v2, v12;
	_ =	sdelay $0x1  }
0x11a: {  	s28 =	simm.s32 $0x8200  }
0x11b: {  	[tilespmem:s28], [sflag:$0x1] =	stream.indirect_vreg.gather [hbm4b:s10+s5], $0x80, v13, vm0, $0xb8;
	[tilespmem:$0x18680] =	vst v63  }
0x11c: {  	s29 =	simm.s32 $0x8A00  }
0x11d: {  	[tilespmem:s29], [sflag:$0x1] =	stream.indirect_vreg.gather [hbm4b:s10+s5], $0x80, v12, vm0, $0xb8;
	[tilespmem:$0x18680] =	vst v63  }
0x11e: {  	v12 =	vld [tilespmem:$0x380]  }
0x11f: {  	v13 =	vld [tilespmem:$0x390]  }
0x120: {  	v14 =	vld [tilespmem:$0x3A0]  }
0x121: {  	v15 =	vld [tilespmem:$0x3B0]  }
0x122: {  	v26 =	vld [tilespmem:$0x3C0]  }
0x123: {  	v29 =	vld [tilespmem:$0x3D0]  }
0x124: {  	v31 =	vld [tilespmem:$0x3E0]  }
0x125: {  	v33 =	vld [tilespmem:$0x3F0]  }
0x126: {  	v12 =	vtrunc.f32 v12;
	v13 =	vtrunc.f32 v13  }
0x127: {  	v14 =	vtrunc.f32 v14;
	v15 =	vtrunc.f32 v15  }
0x128: {  	v16 =	vtrunc.f32 v26;
	v32 =	vtrunc.f32 v29  }
0x129: {  	v35 =	vtrunc.f32 v31;
	v12 =	vcvt.f32.s32 v12  }
0x12a: {  	v41 =	vtrunc.f32 v33;
	v13 =	vcvt.f32.s32 v13  }
0x12b: {  	v14 =	vcvt.f32.s32 v14;
	v15 =	vcvt.f32.s32 v15;
	vm1 =	vgt.s32 v12, $0x0  }
0x12c: {  	v16 =	vcvt.f32.s32 v16;
	v12 =	vnsel vm1, $0x0, v12;
	vm1 =	vgt.s32 v13, $0x0  }
0x12d: {  	v37 =	vcvt.f32.s32 v35;
	v12 =	vmin.u32 v12, $0x1869F;
	v13 =	vnsel vm1, $0x0, v13  }
0x12e: {  	vm1 =	vgt.s32 v14, $0x0;
	v27 =	vshrl.u32 v12, $0x1;
	v13 =	vmin.u32 v13, $0x1869F  }
0x12f: {  	v12 =	vshll.u32 v12, $0x6;
	v14 =	vnsel vm1, $0x0, v14;
	vm1 =	vgt.s32 v15, $0x0  }
0x130: {  	v17 =	vadd.s32 $0xC350, v27;
	v28 =	vshrl.u32 v13, $0x1;
	v12 =	vand.u32 $0x40, v12  }
0x131: {  	v13 =	vshll.u32 v13, $0x6;
	v14 =	vmin.u32 v14, $0x1869F;
	v15 =	vnsel vm1, $0x0, v15  }
0x132: {  	vm1 =	vgt.s32 v16, $0x0;
	v18 =	vadd.s32 $0xC350, v28;
	v13 =	vand.u32 $0x40, v13  }
0x133: {  	v30 =	vshrl.u32 v14, $0x1;
	v14 =	vshll.u32 v14, $0x6;
	[tilespmem:$0x1080] =	vst v17;
	v15 =	vmin.u32 v15, $0x1869F  }
0x134: {  	v16 =	vnsel vm1, $0x0, v16;
	[tilespmem:$0x1180] =	vst v12;
	v17 =	vcvt.f32.s32 v32;
	v20 =	vadd.s32 $0xC350, v30  }
0x135: {  	v14 =	vand.u32 $0x40, v14;
	v34 =	vshrl.u32 v15, $0x1;
	v15 =	vshll.u32 v15, $0x6;
	[tilespmem:$0x1090] =	vst v18  }
0x136: {  	[tilespmem:$0x1190] =	vst v13;
	v36 =	vmin.u32 v16, $0x1869F;
	v12 =	vadd.s32 $0xC350, v34;
	v15 =	vand.u32 $0x40, v15  }
0x137: {  	v39 =	vld [tilespmem:$0x1080];
	vm1 =	vgt.s32 v17, $0x0;
	[tilespmem:$0x10A0] =	vst v20;
	v38 =	vshrl.u32 v36, $0x1;
	v13 =	vshll.u32 v36, $0x6  }
0x138: {  	[tilespmem:$0x11A0] =	vst v14;
	v17 =	vnsel vm1, $0x0, v17;
	vm1 =	vgt.s32 v37, $0x0;
	v44 =	vadd.s32 $0xC350, v38  }
0x139: {  	[tilespmem:$0x10B0] =	vst v12;
	v13 =	vand.u32 $0x40, v13;
	v40 =	vmin.u32 v17, $0x1869F;
	v17 =	vcvt.f32.s32 v41  }
0x13a: {  	[tilespmem:$0x11B0] =	vst v15;
	v42 =	vnsel vm1, $0x0, v37;
	v43 =	vshrl.u32 v40, $0x1;
	v14 =	vshll.u32 v40, $0x6  }
0x13b: {  	[tilespmem:$0x10C0] =	vst v44;
	v12 =	vmin.u32 v42, $0x1869F;
	v16 =	vadd.s32 $0xC350, v43;
	vm1 =	vgt.s32 v17, $0x0  }
0x13c: {  	[tilespmem:$0x11C0] =	vst v13;
	v45 =	vshrl.u32 v12, $0x1;
	v47 =	vperm.xlane v39, v1;
	v14 =	vand.u32 $0x40, v14  }
0x13d: {  	v12 =	vshll.u32 v12, $0x6;
	v50 =	vperm.xlane v39, v3;
	v46 =	vnsel vm1, $0x0, v17;
	[tilespmem:$0x10D0] =	vst v16  }
0x13e: {  	v13 =	vadd.s32 $0xC350, v45;
	[tilespmem:$0x11D0] =	vst v14;
	v48 =	vmin.u32 v46, $0x1869F;
	v49 =	vadd.s32 v2, v47  }
0x13f: {  	v12 =	vand.u32 $0x40, v12;
	[tilespmem:$0x10E0] =	vst v13;
	v51 =	vshrl.u32 v48, $0x1  }
0x140: {  	[tilespmem:$0x11E0] =	vst v12;
	v54 =	vadd.s32 v2, v50;
	v53 =	vshll.u32 v48, $0x6;
	v52 =	vadd.s32 $0xC350, v51  }
0x141: {  	v55 =	vand.u32 $0x40, v53;
	[tilespmem:$0x10F0] =	vst v52  }
0x142: {  	s30 =	simm.s32 $0x9200;
	[tilespmem:$0x11F0] =	vst v55  }
0x143: {  	[tilespmem:s30], [sflag:$0x2] =	stream.indirect_vreg.gather [hbm4b:s10+s5], $0x80, v49, vm0, $0xb8;
	[tilespmem:$0x18680] =	vst v63  }
0x144: {  	s11 =	simm.s32 $0x9A00  }
0x145: {  	[tilespmem:s11], [sflag:$0x2] =	stream.indirect_vreg.gather [hbm4b:s10+s5], $0x80, v54, vm0, $0xb8;
	[tilespmem:$0x18680] =	vst v63  }
0x146: {  	v56 =	vld [tilespmem:$0x1090];
	_ =	sdelay $0x4  }
0x147: {  	v57 =	vperm.xlane v56, v1;
	_ =	sdelay $0x1  }
0x148: {  	v12 =	vperm.xlane v56, v3;
	v13 =	vadd.s32 v2, v57;
	_ =	sdelay $0x1  }
0x149: {  	v12 =	vadd.s32 v2, v12;
	_ =	sdelay $0x1  }
0x14a: {  	s12 =	simm.s32 $0xA200  }
0x14b: {  	[tilespmem:s12], [sflag:$0x2] =	stream.indirect_vreg.gather [hbm4b:s10+s5], $0x80, v13, vm0, $0xb8;
	[tilespmem:$0x18680] =	vst v63  }
0x14c: {  	s20 =	simm.s32 $0xAA00  }
0x14d: {  	[tilespmem:s20], [sflag:$0x2] =	stream.indirect_vreg.gather [hbm4b:s10+s5], $0x80, v12, vm0, $0xb8;
	[tilespmem:$0x18680] =	vst v63  }
0x14e: {  	v12 =	vld [tilespmem:$0x10A0];
	_ =	sdelay $0x4  }
0x14f: {  	v58 =	vperm.xlane v12, v1;
	_ =	sdelay $0x1  }
0x150: {  	v12 =	vperm.xlane v12, v3;
	v13 =	vadd.s32 v2, v58;
	_ =	sdelay $0x1  }
0x151: {  	v12 =	vadd.s32 v2, v12;
	_ =	sdelay $0x1  }
0x152: {  	s22 =	simm.s32 $0xB200  }
0x153: {  	[tilespmem:s22], [sflag:$0x2] =	stream.indirect_vreg.gather [hbm4b:s10+s5], $0x80, v13, vm0, $0xb8;
	[tilespmem:$0x18680] =	vst v63  }
0x154: {  	s23 =	simm.s32 $0xBA00  }
0x155: {  	[tilespmem:s23], [sflag:$0x2] =	stream.indirect_vreg.gather [hbm4b:s10+s5], $0x80, v12, vm0, $0xb8;
	[tilespmem:$0x18680] =	vst v63  }
0x156: {  	v12 =	vld [tilespmem:$0x10B0];
	_ =	sdelay $0x4  }
0x157: {  	v59 =	vperm.xlane v12, v1;
	_ =	sdelay $0x1  }
0x158: {  	v12 =	vperm.xlane v12, v3;
	v13 =	vadd.s32 v2, v59;
	_ =	sdelay $0x1  }
0x159: {  	v12 =	vadd.s32 v2, v12;
	_ =	sdelay $0x1  }
0x15a: {  	s24 =	simm.s32 $0xC200  }
0x15b: {  	[tilespmem:s24], [sflag:$0x2] =	stream.indirect_vreg.gather [hbm4b:s10+s5], $0x80, v13, vm0, $0xb8;
	[tilespmem:$0x18680] =	vst v63  }
0x15c: {  	s25 =	simm.s32 $0xCA00  }
0x15d: {  	[tilespmem:s25], [sflag:$0x2] =	stream.indirect_vreg.gather [hbm4b:s10+s5], $0x80, v12, vm0, $0xb8;
	[tilespmem:$0x18680] =	vst v63  }
0x15e: {  	v12 =	vld [tilespmem:$0x10C0];
	_ =	sdelay $0x4  }
0x15f: {  	v60 =	vperm.xlane v12, v1;
	_ =	sdelay $0x1  }
0x160: {  	v12 =	vperm.xlane v12, v3;
	v13 =	vadd.s32 v2, v60;
	_ =	sdelay $0x1  }
0x161: {  	v12 =	vadd.s32 v2, v12;
	_ =	sdelay $0x1  }
0x162: {  	s26 =	simm.s32 $0xD200  }
0x163: {  	[tilespmem:s26], [sflag:$0x2] =	stream.indirect_vreg.gather [hbm4b:s10+s5], $0x80, v13, vm0, $0xb8;
	[tilespmem:$0x18680] =	vst v63  }
0x164: {  	s28 =	simm.s32 $0xDA00  }
0x165: {  	[tilespmem:s28], [sflag:$0x2] =	stream.indirect_vreg.gather [hbm4b:s10+s5], $0x80, v12, vm0, $0xb8;
	[tilespmem:$0x18680] =	vst v63  }
0x166: {  	v12 =	vld [tilespmem:$0x10D0];
	_ =	sdelay $0x4  }
0x167: {  	v61 =	vperm.xlane v12, v1;
	_ =	sdelay $0x1  }
0x168: {  	v12 =	vperm.xlane v12, v3;
	v13 =	vadd.s32 v2, v61;
	_ =	sdelay $0x1  }
0x169: {  	v12 =	vadd.s32 v2, v12;
	_ =	sdelay $0x1  }
0x16a: {  	s29 =	simm.s32 $0xE200  }
0x16b: {  	[tilespmem:s29], [sflag:$0x2] =	stream.indirect_vreg.gather [hbm4b:s10+s5], $0x80, v13, vm0, $0xb8;
	[tilespmem:$0x18680] =	vst v63  }
0x16c: {  	s30 =	simm.s32 $0xEA00  }
0x16d: {  	[tilespmem:s30], [sflag:$0x2] =	stream.indirect_vreg.gather [hbm4b:s10+s5], $0x80, v12, vm0, $0xb8;
	[tilespmem:$0x18680] =	vst v63  }
0x16e: {  	v12 =	vld [tilespmem:$0x10E0];
	_ =	sdelay $0x4  }
0x16f: {  	v62 =	vperm.xlane v12, v1;
	_ =	sdelay $0x1  }
0x170: {  	v12 =	vperm.xlane v12, v3;
	v13 =	vadd.s32 v2, v62;
	_ =	sdelay $0x1  }
0x171: {  	v12 =	vadd.s32 v2, v12;
	_ =	sdelay $0x2  }
0x172: {  	[tilespmem:s31], [sflag:$0x2] =	stream.indirect_vreg.gather [hbm4b:s10+s5], $0x80, v13, vm0, $0xb8;
	[tilespmem:$0x18680] =	vst v63  }
0x173: {  	_ = 	snop  }
0x174: {  	[tilespmem:s1], [sflag:$0x2] =	stream.indirect_vreg.gather [hbm4b:s10+s5], $0x80, v12, vm0, $0xb8;
	[tilespmem:$0x18680] =	vst v63  }
0x175: {  	v12 =	vld [tilespmem:$0x10F0];
	_ =	sdelay $0x4  }
0x176: {  	v63 =	vperm.xlane v12, v1;
	_ =	sdelay $0x1  }
0x177: {  	v12 =	vperm.xlane v12, v3;
	v13 =	vadd.s32 v2, v63;
	_ =	sdelay $0x1  }
0x178: {  	v12 =	vadd.s32 v2, v12  }
.Ltmp2:
0x179: {  	_ = 	snop;
	(pc) =	sbr.rel .LBB2_7-.Ltmp2, $4  }
0x17a: {  	s20 =	sshll.u32 s4, $0x5  }
0x17b: {  	[tilespmem:s7], [sflag:$0x2] =	stream.indirect_vreg.gather [hbm4b:s10+s5], $0x80, v13, vm0, $0xb8;
	[tilespmem:$0x18680] =	vst v63  }
0x17c: {  	p0 =	por $0x0, $0x0;
	p1 =	sne.s32 s4, $0x0;
	s11 =	sor.u32 $0x7, s20  }
0x17d: {  	[tilespmem:s2], [sflag:$0x2] =	stream.indirect_vreg.gather [hbm4b:s10+s5], $0x80, v12, vm0, $0xb8;
	[tilespmem:$0x18680] =	vst v63  }
.LBB2_11:
0x17e: {  	s5 =	sadd.s32 $0x1, s5  }
0x17f: {  	p2 =	seq.s32 s5, $0x1A  }
.Ltmp3:
0x180: {  	_ = 	snop;
	(pc) =	sbr.rel @p2 .LBB2_12-.Ltmp3, $2  }
0x181: {  	_ =	sdelay $0x2  }
0x182: {  	_ =	strace $0x9000004B;
	p0 =	por !p0, !p0  }
.LBB2_7:
0x183: {  	s22 =	sand.u32 $0x1, s5  }
0x184: {  	_ =	strace $0x80000048;
	s12 =	sadd.s32 $0x1, s22  }
0x185: {  	_ =	swait.ge [sflag:s12], $0x4000  }
0x186: {  	[sflag:s12] =	ssyncset.done $0x0  }
0x187: {  	[sflag:s12] =	ssyncadd.s32 $0xFFFFC000  }
0x188: {  	p2 =	slt.u32 @!p1 s5, $0x2;
	_ =	strace $0x90000048  }
0x189: {  	p2 =	por p1, !p2;
	s23 =	sadd.s32 $0x3, s22;
	_ =	strace $0x80000049  }
0x18a: {  	_ =	swait.ge @p2 [sflag:s23], $0x2000  }
0x18b: {  	s0 =	sshll.u32 s22, $0x7;
	[sflag:s23] =	ssyncset.done @p2 $0x0  }
0x18c: {  	v12 =	vmov s0;
	[sflag:s23] =	ssyncadd.s32 @p2 $0xFFFFE000  }
0x18d: {  	v25 =	vshll.u32 v12, $0x8;
	_ =	strace $0x90000049  }
0x18e: {  	v15 =	vor.u32 v0, v25;
	v16 =	vor.u32 v10, v25;
	v20 =	vor.u32 v9, v25;
	v12 =	vld [tilespmem:s0+$0x1100]  }
0x18f: {  	v21 =	vor.u32 v8, v25;
	v22 =	vor.u32 v7, v25;
	v27 =	vor.u32 v5, v25;
	v13 =	vld [tilespmem:s0+$0x1110]  }
0x190: {  	v17 =	vand.u32 $0x8800, v15;
	v18 =	vand.u32 $0x9800, v16;
	v23 =	vand.u32 $0xA800, v20;
	v14 =	vld [tilespmem:s0+$0x1120]  }
0x191: {  	v24 =	vand.u32 $0xB800, v21;
	v26 =	vand.u32 $0xC800, v22;
	v27 =	vand.u32 $0xE800, v27;
	v15 =	vld [tilespmem:s0+$0x1130]  }
0x192: {  	s24 =	simm.s32 $0x1;
	v16 =	vor.u32 v11, v17;
	v17 =	vor.u32 v11, v18;
	v21 =	vor.u32 v11, v23;
	v18 =	vld [tilespmem:s0+$0x1140]  }
0x193: {  	s25 =	sadd.s32 s5, s11;
	s28 =	simm.s32 $0x0;
	s24 =	simm.s32 @!p0 $0x0;
	v23 =	vor.u32 v11, v26;
	v26 =	vor.u32 v6, v25;
	v25 =	vor.u32 v4, v25;
	v19 =	vld [tilespmem:s0+$0x1150]  }
0x194: {  	s29 =	simm.s32 $0x11600;
	s26 =	sshll.u32 s22, $0xD;
	s24 =	sshll.u32 s24, $0xD;
	v22 =	vor.u32 v11, v24;
	v26 =	vand.u32 $0xD800, v26;
	v28 =	vand.u32 $0xF800, v25;
	v20 =	vld [tilespmem:s0+$0x1160]  }
0x195: {  	s26 =	sadd.s32 $0x13200, s26;
	s24 =	sadd.s32 $0x13600, s24;
	v25 =	vor.u32 v11, v26;
	v26 =	vor.u32 v11, v27;
	v27 =	vor.u32 v11, v28;
	v24 =	vld [tilespmem:s0+$0x1170];
	_ =	strace $0x8000004A  }
.LBB2_8:
0x196: {  	v28 =	vadd.s32 s28, v12  }
0x197: {  	v29 =	vshll.u32 v28, $0x3  }
0x198: {  	v29 =	vand.u32 $0xFFFFFC00, v29  }
0x199: {  	v28 =	vand.u32 $0x7F, v28;
	v29 =	vadd.s32 v16, v29  }
0x19a: {  	v28 =	vor.u32 v28, v29;
	_ =	sdelay $0x3  }
0x19b: {  	v30 =	vadd.s32 s28, v13;
	v29 =	vld [tilespmem:s29+$0xFFFFFC00]  }
0x19c: {  	v31 =	vshll.u32 v30, $0x3;
	v28 =	vld.idx.msk [tilespmem:v28+s21+$0x0], $0xffff  }
0x19d: {  	v31 =	vand.u32 $0xFFFFFC00, v31  }
0x19e: {  	v30 =	vand.u32 $0x7F, v30;
	v31 =	vadd.s32 v17, v31  }
0x19f: {  	v30 =	vor.u32 v30, v31;
	_ =	sdelay $0x1  }
0x1a0: {  	v28 =	vadd.f32 v28, v29;
	_ =	sdelay $0x1  }
0x1a1: {  	[tilespmem:s24+$0xFFFFFC00] =	vst v28;
	v28 =	vadd.s32 s28, v14  }
0x1a2: {  	v30 =	vld.idx.msk [tilespmem:v30+s21+$0x0], $0xffff;
	v61 =	vshll.u32 v28, $0x3  }
0x1a3: {  	v31 =	vand.u32 $0xFFFFFC00, v61  }
0x1a4: {  	v28 =	vand.u32 $0x7F, v28;
	v31 =	vadd.s32 v21, v31  }
0x1a5: {  	v28 =	vor.u32 v28, v31;
	_ =	sdelay $0x1  }
0x1a6: {  	v30 =	vadd.f32 v30, v29;
	_ =	sdelay $0x1  }
0x1a7: {  	v62 =	vadd.s32 s28, v15;
	[tilespmem:s24+$0xFFFFFC10] =	vst v30  }
0x1a8: {  	v63 =	vshll.u32 v62, $0x3;
	v28 =	vld.idx.msk [tilespmem:v28+s21+$0x0], $0xffff  }
0x1a9: {  	v31 =	vand.u32 $0xFFFFFC00, v63  }
0x1aa: {  	v31 =	vadd.s32 v22, v31;
	v30 =	vand.u32 $0x7F, v62  }
0x1ab: {  	v30 =	vor.u32 v30, v31;
	_ =	sdelay $0x1  }
0x1ac: {  	v28 =	vadd.f32 v28, v29;
	_ =	sdelay $0x1  }
0x1ad: {  	[tilespmem:s24+$0xFFFFFC20] =	vst v28;
	v28 =	vadd.s32 s28, v18  }
0x1ae: {  	v30 =	vld.idx.msk [tilespmem:v30+s21+$0x0], $0xffff;
	v33 =	vshll.u32 v28, $0x3  }
0x1af: {  	v31 =	vand.u32 $0xFFFFFC00, v33  }
0x1b0: {  	v28 =	vand.u32 $0x7F, v28;
	v31 =	vadd.s32 v23, v31  }
0x1b1: {  	v28 =	vor.u32 v28, v31;
	_ =	sdelay $0x1  }
0x1b2: {  	v30 =	vadd.f32 v30, v29;
	_ =	sdelay $0x1  }
0x1b3: {  	v34 =	vadd.s32 s28, v19;
	[tilespmem:s24+$0xFFFFFC30] =	vst v30  }
0x1b4: {  	v35 =	vshll.u32 v34, $0x3;
	v28 =	vld.idx.msk [tilespmem:v28+s21+$0x0], $0xffff  }
0x1b5: {  	v31 =	vand.u32 $0xFFFFFC00, v35  }
0x1b6: {  	v31 =	vadd.s32 v25, v31;
	v30 =	vand.u32 $0x7F, v34  }
0x1b7: {  	v30 =	vor.u32 v30, v31;
	_ =	sdelay $0x1  }
0x1b8: {  	v28 =	vadd.f32 v28, v29;
	_ =	sdelay $0x1  }
0x1b9: {  	[tilespmem:s24+$0xFFFFFC40] =	vst v28;
	v28 =	vadd.s32 s28, v20  }
0x1ba: {  	v30 =	vld.idx.msk [tilespmem:v30+s21+$0x0], $0xffff;
	v36 =	vshll.u32 v28, $0x3  }
0x1bb: {  	v31 =	vand.u32 $0xFFFFFC00, v36  }
0x1bc: {  	v28 =	vand.u32 $0x7F, v28;
	v31 =	vadd.s32 v26, v31  }
0x1bd: {  	v28 =	vor.u32 v28, v31;
	_ =	sdelay $0x1  }
0x1be: {  	v30 =	vadd.f32 v30, v29;
	_ =	sdelay $0x1  }
0x1bf: {  	v37 =	vadd.s32 s28, v24;
	[tilespmem:s24+$0xFFFFFC50] =	vst v30  }
0x1c0: {  	v38 =	vshll.u32 v37, $0x3;
	v28 =	vld.idx.msk [tilespmem:v28+s21+$0x0], $0xffff  }
0x1c1: {  	v31 =	vand.u32 $0xFFFFFC00, v38  }
0x1c2: {  	v31 =	vadd.s32 v27, v31;
	v30 =	vand.u32 $0x7F, v37  }
0x1c3: {  	v30 =	vor.u32 v30, v31;
	_ =	sdelay $0x1  }
0x1c4: {  	v28 =	vadd.f32 v28, v29;
	_ =	sdelay $0x1  }
0x1c5: {  	s30 =	sadd.s32 $0x1, s28;
	[tilespmem:s24+$0xFFFFFC60] =	vst v28  }
0x1c6: {  	v39 =	vadd.s32 s30, v12;
	v28 =	vld.idx.msk [tilespmem:v30+s21+$0x0], $0xffff  }
0x1c7: {  	v40 =	vshll.u32 v39, $0x3  }
0x1c8: {  	v31 =	vand.u32 $0xFFFFFC00, v40  }
0x1c9: {  	v31 =	vadd.s32 v16, v31;
	v30 =	vand.u32 $0x7F, v39  }
0x1ca: {  	v30 =	vor.u32 v30, v31  }
0x1cb: {  	v28 =	vadd.f32 v28, v29;
	_ =	sdelay $0x1  }
0x1cc: {  	[tilespmem:s24+$0xFFFFFC70] =	vst v28  }
0x1cd: {  	v29 =	vadd.s32 s30, v13;
	v28 =	vld [tilespmem:s29+$0xFFFFFC80]  }
0x1ce: {  	v41 =	vshll.u32 v29, $0x3;
	v30 =	vld.idx.msk [tilespmem:v30+s21+$0x0], $0xffff  }
0x1cf: {  	v31 =	vand.u32 $0xFFFFFC00, v41  }
0x1d0: {  	v29 =	vand.u32 $0x7F, v29;
	v31 =	vadd.s32 v17, v31  }
0x1d1: {  	v29 =	vor.u32 v29, v31;
	_ =	sdelay $0x1  }
0x1d2: {  	v30 =	vadd.f32 v30, v28;
	_ =	sdelay $0x1  }
0x1d3: {  	v42 =	vadd.s32 s30, v14;
	[tilespmem:s24+$0xFFFFFC80] =	vst v30  }
0x1d4: {  	v43 =	vshll.u32 v42, $0x3;
	v29 =	vld.idx.msk [tilespmem:v29+s21+$0x0], $0xffff  }
0x1d5: {  	v31 =	vand.u32 $0xFFFFFC00, v43  }
0x1d6: {  	v31 =	vadd.s32 v21, v31;
	v30 =	vand.u32 $0x7F, v42  }
0x1d7: {  	v30 =	vor.u32 v30, v31;
	_ =	sdelay $0x1  }
0x1d8: {  	v29 =	vadd.f32 v29, v28;
	_ =	sdelay $0x1  }
0x1d9: {  	[tilespmem:s24+$0xFFFFFC90] =	vst v29;
	v29 =	vadd.s32 s30, v15  }
0x1da: {  	v30 =	vld.idx.msk [tilespmem:v30+s21+$0x0], $0xffff;
	v44 =	vshll.u32 v29, $0x3  }
0x1db: {  	v31 =	vand.u32 $0xFFFFFC00, v44  }
0x1dc: {  	v29 =	vand.u32 $0x7F, v29;
	v31 =	vadd.s32 v22, v31  }
0x1dd: {  	v29 =	vor.u32 v29, v31;
	_ =	sdelay $0x1  }
0x1de: {  	v30 =	vadd.f32 v30, v28;
	_ =	sdelay $0x1  }
0x1df: {  	v45 =	vadd.s32 s30, v18;
	[tilespmem:s24+$0xFFFFFCA0] =	vst v30  }
0x1e0: {  	v46 =	vshll.u32 v45, $0x3;
	v29 =	vld.idx.msk [tilespmem:v29+s21+$0x0], $0xffff  }
0x1e1: {  	v31 =	vand.u32 $0xFFFFFC00, v46  }
0x1e2: {  	v31 =	vadd.s32 v23, v31;
	v30 =	vand.u32 $0x7F, v45  }
0x1e3: {  	v30 =	vor.u32 v30, v31;
	_ =	sdelay $0x1  }
0x1e4: {  	v29 =	vadd.f32 v29, v28;
	_ =	sdelay $0x1  }
0x1e5: {  	[tilespmem:s24+$0xFFFFFCB0] =	vst v29;
	v29 =	vadd.s32 s30, v19  }
0x1e6: {  	v30 =	vld.idx.msk [tilespmem:v30+s21+$0x0], $0xffff;
	v47 =	vshll.u32 v29, $0x3  }
0x1e7: {  	v31 =	vand.u32 $0xFFFFFC00, v47  }
0x1e8: {  	v29 =	vand.u32 $0x7F, v29;
	v31 =	vadd.s32 v25, v31  }
0x1e9: {  	v29 =	vor.u32 v29, v31;
	_ =	sdelay $0x1  }
0x1ea: {  	v30 =	vadd.f32 v30, v28;
	_ =	sdelay $0x1  }
0x1eb: {  	v48 =	vadd.s32 s30, v20;
	[tilespmem:s24+$0xFFFFFCC0] =	vst v30  }
0x1ec: {  	v49 =	vshll.u32 v48, $0x3;
	v29 =	vld.idx.msk [tilespmem:v29+s21+$0x0], $0xffff  }
0x1ed: {  	v31 =	vand.u32 $0xFFFFFC00, v49  }
0x1ee: {  	v31 =	vadd.s32 v26, v31;
	v30 =	vand.u32 $0x7F, v48  }
0x1ef: {  	v30 =	vor.u32 v30, v31;
	_ =	sdelay $0x1  }
0x1f0: {  	v29 =	vadd.f32 v29, v28;
	_ =	sdelay $0x1  }
0x1f1: {  	[tilespmem:s24+$0xFFFFFCD0] =	vst v29;
	v29 =	vadd.s32 s30, v24  }
0x1f2: {  	v30 =	vld.idx.msk [tilespmem:v30+s21+$0x0], $0xffff;
	v50 =	vshll.u32 v29, $0x3  }
0x1f3: {  	v31 =	vand.u32 $0xFFFFFC00, v50  }
0x1f4: {  	v29 =	vand.u32 $0x7F, v29;
	v31 =	vadd.s32 v27, v31  }
0x1f5: {  	v29 =	vor.u32 v29, v31;
	_ =	sdelay $0x1  }
0x1f6: {  	v30 =	vadd.f32 v30, v28;
	_ =	sdelay $0x1  }
0x1f7: {  	s30 =	sadd.s32 $0x2, s28;
	[tilespmem:s24+$0xFFFFFCE0] =	vst v30  }
0x1f8: {  	v51 =	vadd.s32 s30, v12;
	v29 =	vld.idx.msk [tilespmem:v29+s21+$0x0], $0xffff  }
0x1f9: {  	v52 =	vshll.u32 v51, $0x3  }
0x1fa: {  	v31 =	vand.u32 $0xFFFFFC00, v52  }
0x1fb: {  	v31 =	vadd.s32 v16, v31;
	v30 =	vand.u32 $0x7F, v51  }
0x1fc: {  	v30 =	vor.u32 v30, v31  }
0x1fd: {  	v28 =	vadd.f32 v29, v28;
	_ =	sdelay $0x1  }
0x1fe: {  	[tilespmem:s24+$0xFFFFFCF0] =	vst v28  }
0x1ff: {  	v29 =	vadd.s32 s30, v13;
	v28 =	vld [tilespmem:s29+$0xFFFFFD00]  }
0x200: {  	v53 =	vshll.u32 v29, $0x3;
	v30 =	vld.idx.msk [tilespmem:v30+s21+$0x0], $0xffff  }
0x201: {  	v31 =	vand.u32 $0xFFFFFC00, v53  }
0x202: {  	v29 =	vand.u32 $0x7F, v29;
	v31 =	vadd.s32 v17, v31  }
0x203: {  	v29 =	vor.u32 v29, v31;
	_ =	sdelay $0x1  }
0x204: {  	v30 =	vadd.f32 v30, v28;
	_ =	sdelay $0x1  }
0x205: {  	v54 =	vadd.s32 s30, v14;
	[tilespmem:s24+$0xFFFFFD00] =	vst v30  }
0x206: {  	v55 =	vshll.u32 v54, $0x3;
	v29 =	vld.idx.msk [tilespmem:v29+s21+$0x0], $0xffff  }
0x207: {  	v31 =	vand.u32 $0xFFFFFC00, v55  }
0x208: {  	v31 =	vadd.s32 v21, v31;
	v30 =	vand.u32 $0x7F, v54  }
0x209: {  	v30 =	vor.u32 v30, v31;
	_ =	sdelay $0x1  }
0x20a: {  	v29 =	vadd.f32 v29, v28;
	_ =	sdelay $0x1  }
0x20b: {  	[tilespmem:s24+$0xFFFFFD10] =	vst v29;
	v29 =	vadd.s32 s30, v15  }
0x20c: {  	v30 =	vld.idx.msk [tilespmem:v30+s21+$0x0], $0xffff;
	v56 =	vshll.u32 v29, $0x3  }
0x20d: {  	v31 =	vand.u32 $0xFFFFFC00, v56  }
0x20e: {  	v29 =	vand.u32 $0x7F, v29;
	v31 =	vadd.s32 v22, v31  }
0x20f: {  	v29 =	vor.u32 v29, v31;
	_ =	sdelay $0x1  }
0x210: {  	v30 =	vadd.f32 v30, v28;
	_ =	sdelay $0x1  }
0x211: {  	v57 =	vadd.s32 s30, v18;
	[tilespmem:s24+$0xFFFFFD20] =	vst v30  }
0x212: {  	v58 =	vshll.u32 v57, $0x3;
	v29 =	vld.idx.msk [tilespmem:v29+s21+$0x0], $0xffff  }
0x213: {  	v31 =	vand.u32 $0xFFFFFC00, v58  }
0x214: {  	v31 =	vadd.s32 v23, v31;
	v30 =	vand.u32 $0x7F, v57  }
0x215: {  	v30 =	vor.u32 v30, v31;
	_ =	sdelay $0x1  }
0x216: {  	v29 =	vadd.f32 v29, v28;
	_ =	sdelay $0x1  }
0x217: {  	[tilespmem:s24+$0xFFFFFD30] =	vst v29;
	v29 =	vadd.s32 s30, v19  }
0x218: {  	v30 =	vld.idx.msk [tilespmem:v30+s21+$0x0], $0xffff;
	v59 =	vshll.u32 v29, $0x3  }
0x219: {  	v31 =	vand.u32 $0xFFFFFC00, v59  }
0x21a: {  	v29 =	vand.u32 $0x7F, v29;
	v31 =	vadd.s32 v25, v31  }
0x21b: {  	v29 =	vor.u32 v29, v31;
	_ =	sdelay $0x1  }
0x21c: {  	v30 =	vadd.f32 v30, v28;
	_ =	sdelay $0x1  }
0x21d: {  	v60 =	vadd.s32 s30, v20;
	[tilespmem:s24+$0xFFFFFD40] =	vst v30  }
0x21e: {  	v61 =	vshll.u32 v60, $0x3;
	v29 =	vld.idx.msk [tilespmem:v29+s21+$0x0], $0xffff  }
0x21f: {  	v31 =	vand.u32 $0xFFFFFC00, v61  }
0x220: {  	v31 =	vadd.s32 v26, v31;
	v30 =	vand.u32 $0x7F, v60  }
0x221: {  	v30 =	vor.u32 v30, v31;
	_ =	sdelay $0x1  }
0x222: {  	v29 =	vadd.f32 v29, v28;
	_ =	sdelay $0x1  }
0x223: {  	[tilespmem:s24+$0xFFFFFD50] =	vst v29;
	v29 =	vadd.s32 s30, v24  }
0x224: {  	v30 =	vld.idx.msk [tilespmem:v30+s21+$0x0], $0xffff;
	v62 =	vshll.u32 v29, $0x3  }
0x225: {  	v31 =	vand.u32 $0xFFFFFC00, v62  }
0x226: {  	v29 =	vand.u32 $0x7F, v29;
	v31 =	vadd.s32 v27, v31  }
0x227: {  	v29 =	vor.u32 v29, v31;
	_ =	sdelay $0x1  }
0x228: {  	v30 =	vadd.f32 v30, v28;
	_ =	sdelay $0x1  }
0x229: {  	s30 =	sadd.s32 $0x3, s28;
	[tilespmem:s24+$0xFFFFFD60] =	vst v30  }
0x22a: {  	v63 =	vadd.s32 s30, v12;
	v29 =	vld.idx.msk [tilespmem:v29+s21+$0x0], $0xffff  }
0x22b: {  	v33 =	vshll.u32 v63, $0x3  }
0x22c: {  	v31 =	vand.u32 $0xFFFFFC00, v33  }
0x22d: {  	v31 =	vadd.s32 v16, v31;
	v30 =	vand.u32 $0x7F, v63  }
0x22e: {  	v30 =	vor.u32 v30, v31  }
0x22f: {  	v28 =	vadd.f32 v29, v28;
	_ =	sdelay $0x1  }
0x230: {  	[tilespmem:s24+$0xFFFFFD70] =	vst v28  }
0x231: {  	v29 =	vadd.s32 s30, v13;
	v28 =	vld [tilespmem:s29+$0xFFFFFD80]  }
0x232: {  	v34 =	vshll.u32 v29, $0x3;
	v30 =	vld.idx.msk [tilespmem:v30+s21+$0x0], $0xffff  }
0x233: {  	v31 =	vand.u32 $0xFFFFFC00, v34  }
0x234: {  	v29 =	vand.u32 $0x7F, v29;
	v31 =	vadd.s32 v17, v31  }
0x235: {  	v29 =	vor.u32 v29, v31;
	_ =	sdelay $0x1  }
0x236: {  	v30 =	vadd.f32 v30, v28;
	_ =	sdelay $0x1  }
0x237: {  	v35 =	vadd.s32 s30, v14;
	[tilespmem:s24+$0xFFFFFD80] =	vst v30  }
0x238: {  	v36 =	vshll.u32 v35, $0x3;
	v29 =	vld.idx.msk [tilespmem:v29+s21+$0x0], $0xffff  }
0x239: {  	v31 =	vand.u32 $0xFFFFFC00, v36  }
0x23a: {  	v31 =	vadd.s32 v21, v31;
	v30 =	vand.u32 $0x7F, v35  }
0x23b: {  	v30 =	vor.u32 v30, v31;
	_ =	sdelay $0x1  }
0x23c: {  	v29 =	vadd.f32 v29, v28;
	_ =	sdelay $0x1  }
0x23d: {  	[tilespmem:s24+$0xFFFFFD90] =	vst v29;
	v29 =	vadd.s32 s30, v15  }
0x23e: {  	v30 =	vld.idx.msk [tilespmem:v30+s21+$0x0], $0xffff;
	v37 =	vshll.u32 v29, $0x3  }
0x23f: {  	v31 =	vand.u32 $0xFFFFFC00, v37  }
0x240: {  	v29 =	vand.u32 $0x7F, v29;
	v31 =	vadd.s32 v22, v31  }
0x241: {  	v29 =	vor.u32 v29, v31;
	_ =	sdelay $0x1  }
0x242: {  	v30 =	vadd.f32 v30, v28;
	_ =	sdelay $0x1  }
0x243: {  	v38 =	vadd.s32 s30, v18;
	[tilespmem:s24+$0xFFFFFDA0] =	vst v30  }
0x244: {  	v39 =	vshll.u32 v38, $0x3;
	v29 =	vld.idx.msk [tilespmem:v29+s21+$0x0], $0xffff  }
0x245: {  	v31 =	vand.u32 $0xFFFFFC00, v39  }
0x246: {  	v31 =	vadd.s32 v23, v31;
	v30 =	vand.u32 $0x7F, v38  }
0x247: {  	v30 =	vor.u32 v30, v31;
	_ =	sdelay $0x1  }
0x248: {  	v29 =	vadd.f32 v29, v28;
	_ =	sdelay $0x1  }
0x249: {  	[tilespmem:s24+$0xFFFFFDB0] =	vst v29;
	v29 =	vadd.s32 s30, v19  }
0x24a: {  	v30 =	vld.idx.msk [tilespmem:v30+s21+$0x0], $0xffff;
	v40 =	vshll.u32 v29, $0x3  }
0x24b: {  	v31 =	vand.u32 $0xFFFFFC00, v40  }
0x24c: {  	v29 =	vand.u32 $0x7F, v29;
	v31 =	vadd.s32 v25, v31  }
0x24d: {  	v29 =	vor.u32 v29, v31;
	_ =	sdelay $0x1  }
0x24e: {  	v30 =	vadd.f32 v30, v28;
	_ =	sdelay $0x1  }
0x24f: {  	v41 =	vadd.s32 s30, v20;
	[tilespmem:s24+$0xFFFFFDC0] =	vst v30  }
0x250: {  	v42 =	vshll.u32 v41, $0x3;
	v29 =	vld.idx.msk [tilespmem:v29+s21+$0x0], $0xffff  }
0x251: {  	v31 =	vand.u32 $0xFFFFFC00, v42  }
0x252: {  	v31 =	vadd.s32 v26, v31;
	v30 =	vand.u32 $0x7F, v41  }
0x253: {  	v30 =	vor.u32 v30, v31;
	_ =	sdelay $0x1  }
0x254: {  	v29 =	vadd.f32 v29, v28;
	_ =	sdelay $0x1  }
0x255: {  	[tilespmem:s24+$0xFFFFFDD0] =	vst v29;
	v29 =	vadd.s32 s30, v24  }
0x256: {  	v30 =	vld.idx.msk [tilespmem:v30+s21+$0x0], $0xffff;
	v43 =	vshll.u32 v29, $0x3  }
0x257: {  	v31 =	vand.u32 $0xFFFFFC00, v43  }
0x258: {  	v29 =	vand.u32 $0x7F, v29;
	v31 =	vadd.s32 v27, v31  }
0x259: {  	v29 =	vor.u32 v29, v31;
	_ =	sdelay $0x1  }
0x25a: {  	v30 =	vadd.f32 v30, v28;
	_ =	sdelay $0x1  }
0x25b: {  	s30 =	sadd.s32 $0x4, s28;
	[tilespmem:s24+$0xFFFFFDE0] =	vst v30  }
0x25c: {  	v44 =	vadd.s32 s30, v12;
	v29 =	vld.idx.msk [tilespmem:v29+s21+$0x0], $0xffff  }
0x25d: {  	v45 =	vshll.u32 v44, $0x3  }
0x25e: {  	v31 =	vand.u32 $0xFFFFFC00, v45  }
0x25f: {  	v31 =	vadd.s32 v16, v31;
	v30 =	vand.u32 $0x7F, v44  }
0x260: {  	v30 =	vor.u32 v30, v31  }
0x261: {  	v28 =	vadd.f32 v29, v28;
	_ =	sdelay $0x1  }
0x262: {  	[tilespmem:s24+$0xFFFFFDF0] =	vst v28  }
0x263: {  	v29 =	vadd.s32 s30, v13;
	v28 =	vld [tilespmem:s29+$0xFFFFFE00]  }
0x264: {  	v46 =	vshll.u32 v29, $0x3;
	v30 =	vld.idx.msk [tilespmem:v30+s21+$0x0], $0xffff  }
0x265: {  	v31 =	vand.u32 $0xFFFFFC00, v46  }
0x266: {  	v29 =	vand.u32 $0x7F, v29;
	v31 =	vadd.s32 v17, v31  }
0x267: {  	v29 =	vor.u32 v29, v31;
	_ =	sdelay $0x1  }
0x268: {  	v30 =	vadd.f32 v30, v28;
	_ =	sdelay $0x1  }
0x269: {  	v47 =	vadd.s32 s30, v14;
	[tilespmem:s24+$0xFFFFFE00] =	vst v30  }
0x26a: {  	v48 =	vshll.u32 v47, $0x3;
	v29 =	vld.idx.msk [tilespmem:v29+s21+$0x0], $0xffff  }
0x26b: {  	v31 =	vand.u32 $0xFFFFFC00, v48  }
0x26c: {  	v31 =	vadd.s32 v21, v31;
	v30 =	vand.u32 $0x7F, v47  }
0x26d: {  	v30 =	vor.u32 v30, v31;
	_ =	sdelay $0x1  }
0x26e: {  	v29 =	vadd.f32 v29, v28;
	_ =	sdelay $0x1  }
0x26f: {  	[tilespmem:s24+$0xFFFFFE10] =	vst v29;
	v29 =	vadd.s32 s30, v15  }
0x270: {  	v30 =	vld.idx.msk [tilespmem:v30+s21+$0x0], $0xffff;
	v49 =	vshll.u32 v29, $0x3  }
0x271: {  	v31 =	vand.u32 $0xFFFFFC00, v49  }
0x272: {  	v29 =	vand.u32 $0x7F, v29;
	v31 =	vadd.s32 v22, v31  }
0x273: {  	v29 =	vor.u32 v29, v31;
	_ =	sdelay $0x1  }
0x274: {  	v30 =	vadd.f32 v30, v28;
	_ =	sdelay $0x1  }
0x275: {  	v50 =	vadd.s32 s30, v18;
	[tilespmem:s24+$0xFFFFFE20] =	vst v30  }
0x276: {  	v51 =	vshll.u32 v50, $0x3;
	v29 =	vld.idx.msk [tilespmem:v29+s21+$0x0], $0xffff  }
0x277: {  	v31 =	vand.u32 $0xFFFFFC00, v51  }
0x278: {  	v31 =	vadd.s32 v23, v31;
	v30 =	vand.u32 $0x7F, v50  }
0x279: {  	v30 =	vor.u32 v30, v31;
	_ =	sdelay $0x1  }
0x27a: {  	v29 =	vadd.f32 v29, v28;
	_ =	sdelay $0x1  }
0x27b: {  	[tilespmem:s24+$0xFFFFFE30] =	vst v29;
	v29 =	vadd.s32 s30, v19  }
0x27c: {  	v30 =	vld.idx.msk [tilespmem:v30+s21+$0x0], $0xffff;
	v52 =	vshll.u32 v29, $0x3  }
0x27d: {  	v31 =	vand.u32 $0xFFFFFC00, v52  }
0x27e: {  	v29 =	vand.u32 $0x7F, v29;
	v31 =	vadd.s32 v25, v31  }
0x27f: {  	v29 =	vor.u32 v29, v31;
	_ =	sdelay $0x1  }
0x280: {  	v30 =	vadd.f32 v30, v28;
	_ =	sdelay $0x1  }
0x281: {  	v53 =	vadd.s32 s30, v20;
	[tilespmem:s24+$0xFFFFFE40] =	vst v30  }
0x282: {  	v54 =	vshll.u32 v53, $0x3;
	v29 =	vld.idx.msk [tilespmem:v29+s21+$0x0], $0xffff  }
0x283: {  	v31 =	vand.u32 $0xFFFFFC00, v54  }
0x284: {  	v31 =	vadd.s32 v26, v31;
	v30 =	vand.u32 $0x7F, v53  }
0x285: {  	v30 =	vor.u32 v30, v31;
	_ =	sdelay $0x1  }
0x286: {  	v29 =	vadd.f32 v29, v28;
	_ =	sdelay $0x1  }
0x287: {  	[tilespmem:s24+$0xFFFFFE50] =	vst v29;
	v29 =	vadd.s32 s30, v24  }
0x288: {  	v30 =	vld.idx.msk [tilespmem:v30+s21+$0x0], $0xffff;
	v55 =	vshll.u32 v29, $0x3  }
0x289: {  	v31 =	vand.u32 $0xFFFFFC00, v55  }
0x28a: {  	v29 =	vand.u32 $0x7F, v29;
	v31 =	vadd.s32 v27, v31  }
0x28b: {  	v29 =	vor.u32 v29, v31;
	_ =	sdelay $0x1  }
0x28c: {  	v30 =	vadd.f32 v30, v28;
	_ =	sdelay $0x1  }
0x28d: {  	s30 =	sadd.s32 $0x5, s28;
	[tilespmem:s24+$0xFFFFFE60] =	vst v30  }
0x28e: {  	v56 =	vadd.s32 s30, v12;
	v29 =	vld.idx.msk [tilespmem:v29+s21+$0x0], $0xffff  }
0x28f: {  	v57 =	vshll.u32 v56, $0x3  }
0x290: {  	v31 =	vand.u32 $0xFFFFFC00, v57  }
0x291: {  	v31 =	vadd.s32 v16, v31;
	v30 =	vand.u32 $0x7F, v56  }
0x292: {  	v30 =	vor.u32 v30, v31  }
0x293: {  	v28 =	vadd.f32 v29, v28;
	_ =	sdelay $0x1  }
0x294: {  	[tilespmem:s24+$0xFFFFFE70] =	vst v28  }
0x295: {  	v29 =	vadd.s32 s30, v13;
	v28 =	vld [tilespmem:s29+$0xFFFFFE80]  }
0x296: {  	v58 =	vshll.u32 v29, $0x3;
	v30 =	vld.idx.msk [tilespmem:v30+s21+$0x0], $0xffff  }
0x297: {  	v31 =	vand.u32 $0xFFFFFC00, v58  }
0x298: {  	v29 =	vand.u32 $0x7F, v29;
	v31 =	vadd.s32 v17, v31  }
0x299: {  	v29 =	vor.u32 v29, v31;
	_ =	sdelay $0x1  }
0x29a: {  	v30 =	vadd.f32 v30, v28;
	_ =	sdelay $0x1  }
0x29b: {  	v59 =	vadd.s32 s30, v14;
	[tilespmem:s24+$0xFFFFFE80] =	vst v30  }
0x29c: {  	v60 =	vshll.u32 v59, $0x3;
	v29 =	vld.idx.msk [tilespmem:v29+s21+$0x0], $0xffff  }
0x29d: {  	v31 =	vand.u32 $0xFFFFFC00, v60  }
0x29e: {  	v31 =	vadd.s32 v21, v31;
	v30 =	vand.u32 $0x7F, v59  }
0x29f: {  	v30 =	vor.u32 v30, v31;
	_ =	sdelay $0x1  }
0x2a0: {  	v29 =	vadd.f32 v29, v28;
	_ =	sdelay $0x1  }
0x2a1: {  	[tilespmem:s24+$0xFFFFFE90] =	vst v29;
	v29 =	vadd.s32 s30, v15  }
0x2a2: {  	v30 =	vld.idx.msk [tilespmem:v30+s21+$0x0], $0xffff;
	v61 =	vshll.u32 v29, $0x3  }
0x2a3: {  	v31 =	vand.u32 $0xFFFFFC00, v61  }
0x2a4: {  	v29 =	vand.u32 $0x7F, v29;
	v31 =	vadd.s32 v22, v31  }
0x2a5: {  	v29 =	vor.u32 v29, v31;
	_ =	sdelay $0x1  }
0x2a6: {  	v30 =	vadd.f32 v30, v28;
	_ =	sdelay $0x1  }
0x2a7: {  	v62 =	vadd.s32 s30, v18;
	[tilespmem:s24+$0xFFFFFEA0] =	vst v30  }
0x2a8: {  	v63 =	vshll.u32 v62, $0x3;
	v29 =	vld.idx.msk [tilespmem:v29+s21+$0x0], $0xffff  }
0x2a9: {  	v31 =	vand.u32 $0xFFFFFC00, v63  }
0x2aa: {  	v31 =	vadd.s32 v23, v31;
	v30 =	vand.u32 $0x7F, v62  }
0x2ab: {  	v30 =	vor.u32 v30, v31;
	_ =	sdelay $0x1  }
0x2ac: {  	v29 =	vadd.f32 v29, v28;
	_ =	sdelay $0x1  }
0x2ad: {  	[tilespmem:s24+$0xFFFFFEB0] =	vst v29;
	v29 =	vadd.s32 s30, v19  }
0x2ae: {  	v30 =	vld.idx.msk [tilespmem:v30+s21+$0x0], $0xffff;
	v33 =	vshll.u32 v29, $0x3  }
0x2af: {  	v31 =	vand.u32 $0xFFFFFC00, v33  }
0x2b0: {  	v29 =	vand.u32 $0x7F, v29;
	v31 =	vadd.s32 v25, v31  }
0x2b1: {  	v29 =	vor.u32 v29, v31;
	_ =	sdelay $0x1  }
0x2b2: {  	v30 =	vadd.f32 v30, v28;
	_ =	sdelay $0x1  }
0x2b3: {  	v34 =	vadd.s32 s30, v20;
	[tilespmem:s24+$0xFFFFFEC0] =	vst v30  }
0x2b4: {  	v35 =	vshll.u32 v34, $0x3;
	v29 =	vld.idx.msk [tilespmem:v29+s21+$0x0], $0xffff  }
0x2b5: {  	v31 =	vand.u32 $0xFFFFFC00, v35  }
0x2b6: {  	v31 =	vadd.s32 v26, v31;
	v30 =	vand.u32 $0x7F, v34  }
0x2b7: {  	v30 =	vor.u32 v30, v31;
	_ =	sdelay $0x1  }
0x2b8: {  	v29 =	vadd.f32 v29, v28;
	_ =	sdelay $0x1  }
0x2b9: {  	[tilespmem:s24+$0xFFFFFED0] =	vst v29;
	v29 =	vadd.s32 s30, v24  }
0x2ba: {  	v30 =	vld.idx.msk [tilespmem:v30+s21+$0x0], $0xffff;
	v36 =	vshll.u32 v29, $0x3  }
0x2bb: {  	v31 =	vand.u32 $0xFFFFFC00, v36  }
0x2bc: {  	v29 =	vand.u32 $0x7F, v29;
	v31 =	vadd.s32 v27, v31  }
0x2bd: {  	v29 =	vor.u32 v29, v31;
	_ =	sdelay $0x1  }
0x2be: {  	v30 =	vadd.f32 v30, v28;
	_ =	sdelay $0x1  }
0x2bf: {  	s30 =	sadd.s32 $0x6, s28;
	[tilespmem:s24+$0xFFFFFEE0] =	vst v30  }
0x2c0: {  	v37 =	vadd.s32 s30, v12;
	v29 =	vld.idx.msk [tilespmem:v29+s21+$0x0], $0xffff  }
0x2c1: {  	v38 =	vshll.u32 v37, $0x3  }
0x2c2: {  	v31 =	vand.u32 $0xFFFFFC00, v38  }
0x2c3: {  	v31 =	vadd.s32 v16, v31;
	v30 =	vand.u32 $0x7F, v37  }
0x2c4: {  	v30 =	vor.u32 v30, v31  }
0x2c5: {  	v28 =	vadd.f32 v29, v28;
	_ =	sdelay $0x1  }
0x2c6: {  	[tilespmem:s24+$0xFFFFFEF0] =	vst v28  }
0x2c7: {  	v29 =	vadd.s32 s30, v13;
	v28 =	vld [tilespmem:s29+$0xFFFFFF00]  }
0x2c8: {  	v39 =	vshll.u32 v29, $0x3;
	v30 =	vld.idx.msk [tilespmem:v30+s21+$0x0], $0xffff  }
0x2c9: {  	v31 =	vand.u32 $0xFFFFFC00, v39  }
0x2ca: {  	v29 =	vand.u32 $0x7F, v29;
	v31 =	vadd.s32 v17, v31  }
0x2cb: {  	v29 =	vor.u32 v29, v31;
	_ =	sdelay $0x1  }
0x2cc: {  	v30 =	vadd.f32 v30, v28;
	_ =	sdelay $0x1  }
0x2cd: {  	v40 =	vadd.s32 s30, v14;
	[tilespmem:s24+$0xFFFFFF00] =	vst v30  }
0x2ce: {  	v41 =	vshll.u32 v40, $0x3;
	v29 =	vld.idx.msk [tilespmem:v29+s21+$0x0], $0xffff  }
0x2cf: {  	v31 =	vand.u32 $0xFFFFFC00, v41  }
0x2d0: {  	v31 =	vadd.s32 v21, v31;
	v30 =	vand.u32 $0x7F, v40  }
0x2d1: {  	v30 =	vor.u32 v30, v31;
	_ =	sdelay $0x1  }
0x2d2: {  	v29 =	vadd.f32 v29, v28;
	_ =	sdelay $0x1  }
0x2d3: {  	[tilespmem:s24+$0xFFFFFF10] =	vst v29;
	v29 =	vadd.s32 s30, v15  }
0x2d4: {  	v30 =	vld.idx.msk [tilespmem:v30+s21+$0x0], $0xffff;
	v42 =	vshll.u32 v29, $0x3  }
0x2d5: {  	v31 =	vand.u32 $0xFFFFFC00, v42  }
0x2d6: {  	v29 =	vand.u32 $0x7F, v29;
	v31 =	vadd.s32 v22, v31  }
0x2d7: {  	v29 =	vor.u32 v29, v31;
	_ =	sdelay $0x1  }
0x2d8: {  	v30 =	vadd.f32 v30, v28;
	_ =	sdelay $0x1  }
0x2d9: {  	v43 =	vadd.s32 s30, v18;
	[tilespmem:s24+$0xFFFFFF20] =	vst v30  }
0x2da: {  	v44 =	vshll.u32 v43, $0x3;
	v29 =	vld.idx.msk [tilespmem:v29+s21+$0x0], $0xffff  }
0x2db: {  	v31 =	vand.u32 $0xFFFFFC00, v44  }
0x2dc: {  	v31 =	vadd.s32 v23, v31;
	v30 =	vand.u32 $0x7F, v43  }
0x2dd: {  	v30 =	vor.u32 v30, v31;
	_ =	sdelay $0x1  }
0x2de: {  	v29 =	vadd.f32 v29, v28;
	_ =	sdelay $0x1  }
0x2df: {  	[tilespmem:s24+$0xFFFFFF30] =	vst v29;
	v29 =	vadd.s32 s30, v19  }
0x2e0: {  	v30 =	vld.idx.msk [tilespmem:v30+s21+$0x0], $0xffff;
	v45 =	vshll.u32 v29, $0x3  }
0x2e1: {  	v31 =	vand.u32 $0xFFFFFC00, v45  }
0x2e2: {  	v29 =	vand.u32 $0x7F, v29;
	v31 =	vadd.s32 v25, v31  }
0x2e3: {  	v29 =	vor.u32 v29, v31;
	_ =	sdelay $0x1  }
0x2e4: {  	v30 =	vadd.f32 v30, v28;
	_ =	sdelay $0x1  }
0x2e5: {  	v46 =	vadd.s32 s30, v20;
	[tilespmem:s24+$0xFFFFFF40] =	vst v30  }
0x2e6: {  	v47 =	vshll.u32 v46, $0x3;
	v29 =	vld.idx.msk [tilespmem:v29+s21+$0x0], $0xffff  }
0x2e7: {  	v31 =	vand.u32 $0xFFFFFC00, v47  }
0x2e8: {  	v31 =	vadd.s32 v26, v31;
	v30 =	vand.u32 $0x7F, v46  }
0x2e9: {  	v30 =	vor.u32 v30, v31;
	_ =	sdelay $0x1  }
0x2ea: {  	v29 =	vadd.f32 v29, v28;
	_ =	sdelay $0x1  }
0x2eb: {  	[tilespmem:s24+$0xFFFFFF50] =	vst v29;
	v29 =	vadd.s32 s30, v24  }
0x2ec: {  	v30 =	vld.idx.msk [tilespmem:v30+s21+$0x0], $0xffff;
	v48 =	vshll.u32 v29, $0x3  }
0x2ed: {  	v31 =	vand.u32 $0xFFFFFC00, v48  }
0x2ee: {  	v29 =	vand.u32 $0x7F, v29;
	v31 =	vadd.s32 v27, v31  }
0x2ef: {  	v29 =	vor.u32 v29, v31;
	_ =	sdelay $0x1  }
0x2f0: {  	v30 =	vadd.f32 v30, v28;
	_ =	sdelay $0x1  }
0x2f1: {  	s30 =	sadd.s32 $0x7, s28;
	[tilespmem:s24+$0xFFFFFF60] =	vst v30  }
0x2f2: {  	v49 =	vadd.s32 s30, v12;
	v29 =	vld.idx.msk [tilespmem:v29+s21+$0x0], $0xffff  }
0x2f3: {  	v50 =	vshll.u32 v49, $0x3  }
0x2f4: {  	v31 =	vand.u32 $0xFFFFFC00, v50  }
0x2f5: {  	v31 =	vadd.s32 v16, v31;
	v30 =	vand.u32 $0x7F, v49  }
0x2f6: {  	v30 =	vor.u32 v30, v31  }
0x2f7: {  	v28 =	vadd.f32 v29, v28;
	_ =	sdelay $0x1  }
0x2f8: {  	[tilespmem:s24+$0xFFFFFF70] =	vst v28  }
0x2f9: {  	v29 =	vadd.s32 s30, v13;
	v28 =	vld [tilespmem:s29+$0xFFFFFF80]  }
0x2fa: {  	v51 =	vshll.u32 v29, $0x3;
	v30 =	vld.idx.msk [tilespmem:v30+s21+$0x0], $0xffff  }
0x2fb: {  	v31 =	vand.u32 $0xFFFFFC00, v51  }
0x2fc: {  	v29 =	vand.u32 $0x7F, v29;
	v31 =	vadd.s32 v17, v31  }
0x2fd: {  	v29 =	vor.u32 v29, v31;
	_ =	sdelay $0x1  }
0x2fe: {  	v30 =	vadd.f32 v30, v28;
	_ =	sdelay $0x1  }
0x2ff: {  	v52 =	vadd.s32 s30, v14;
	[tilespmem:s24+$0xFFFFFF80] =	vst v30  }
0x300: {  	v53 =	vshll.u32 v52, $0x3;
	v29 =	vld.idx.msk [tilespmem:v29+s21+$0x0], $0xffff  }
0x301: {  	v31 =	vand.u32 $0xFFFFFC00, v53  }
0x302: {  	v31 =	vadd.s32 v21, v31;
	v30 =	vand.u32 $0x7F, v52  }
0x303: {  	v30 =	vor.u32 v30, v31;
	_ =	sdelay $0x1  }
0x304: {  	v29 =	vadd.f32 v29, v28;
	_ =	sdelay $0x1  }
0x305: {  	[tilespmem:s24+$0xFFFFFF90] =	vst v29;
	v29 =	vadd.s32 s30, v15  }
0x306: {  	v30 =	vld.idx.msk [tilespmem:v30+s21+$0x0], $0xffff;
	v54 =	vshll.u32 v29, $0x3  }
0x307: {  	v31 =	vand.u32 $0xFFFFFC00, v54  }
0x308: {  	v29 =	vand.u32 $0x7F, v29;
	v31 =	vadd.s32 v22, v31  }
0x309: {  	v29 =	vor.u32 v29, v31;
	_ =	sdelay $0x1  }
0x30a: {  	v30 =	vadd.f32 v30, v28;
	_ =	sdelay $0x1  }
0x30b: {  	v55 =	vadd.s32 s30, v18;
	[tilespmem:s24+$0xFFFFFFA0] =	vst v30  }
0x30c: {  	v56 =	vshll.u32 v55, $0x3;
	v29 =	vld.idx.msk [tilespmem:v29+s21+$0x0], $0xffff  }
0x30d: {  	v31 =	vand.u32 $0xFFFFFC00, v56  }
0x30e: {  	v31 =	vadd.s32 v23, v31;
	v30 =	vand.u32 $0x7F, v55  }
0x30f: {  	v30 =	vor.u32 v30, v31;
	_ =	sdelay $0x1  }
0x310: {  	v29 =	vadd.f32 v29, v28;
	_ =	sdelay $0x1  }
0x311: {  	[tilespmem:s24+$0xFFFFFFB0] =	vst v29;
	v29 =	vadd.s32 s30, v19  }
0x312: {  	v30 =	vld.idx.msk [tilespmem:v30+s21+$0x0], $0xffff;
	v57 =	vshll.u32 v29, $0x3  }
0x313: {  	v31 =	vand.u32 $0xFFFFFC00, v57  }
0x314: {  	v29 =	vand.u32 $0x7F, v29;
	v31 =	vadd.s32 v25, v31  }
0x315: {  	v29 =	vor.u32 v29, v31;
	_ =	sdelay $0x1  }
0x316: {  	v30 =	vadd.f32 v30, v28;
	_ =	sdelay $0x1  }
0x317: {  	v58 =	vadd.s32 s30, v20;
	[tilespmem:s24+$0xFFFFFFC0] =	vst v30  }
0x318: {  	v59 =	vshll.u32 v58, $0x3;
	v29 =	vld.idx.msk [tilespmem:v29+s21+$0x0], $0xffff  }
0x319: {  	v31 =	vand.u32 $0xFFFFFC00, v59  }
0x31a: {  	v31 =	vadd.s32 v26, v31;
	v30 =	vand.u32 $0x7F, v58  }
0x31b: {  	v30 =	vor.u32 v30, v31;
	_ =	sdelay $0x1  }
0x31c: {  	v29 =	vadd.f32 v29, v28;
	_ =	sdelay $0x1  }
0x31d: {  	[tilespmem:s24+$0xFFFFFFD0] =	vst v29;
	v29 =	vadd.s32 s30, v24  }
0x31e: {  	v30 =	vld.idx.msk [tilespmem:v30+s21+$0x0], $0xffff;
	v60 =	vshll.u32 v29, $0x3  }
0x31f: {  	v31 =	vand.u32 $0xFFFFFC00, v60  }
0x320: {  	v29 =	vand.u32 $0x7F, v29;
	v31 =	vadd.s32 v27, v31  }
0x321: {  	v29 =	vor.u32 v29, v31;
	_ =	sdelay $0x1  }
0x322: {  	v30 =	vadd.f32 v30, v28;
	_ =	sdelay $0x1  }
0x323: {  	s30 =	sadd.s32 $0x8, s28;
	[tilespmem:s24+$0xFFFFFFE0] =	vst v30  }
0x324: {  	v61 =	vadd.s32 s30, v12;
	v29 =	vld.idx.msk [tilespmem:v29+s21+$0x0], $0xffff  }
0x325: {  	v62 =	vshll.u32 v61, $0x3  }
0x326: {  	v31 =	vand.u32 $0xFFFFFC00, v62  }
0x327: {  	v31 =	vadd.s32 v16, v31;
	v30 =	vand.u32 $0x7F, v61  }
0x328: {  	v30 =	vor.u32 v30, v31  }
0x329: {  	v28 =	vadd.f32 v29, v28;
	_ =	sdelay $0x1  }
0x32a: {  	[tilespmem:s24+$0xFFFFFFF0] =	vst v28  }
0x32b: {  	v29 =	vadd.s32 s30, v13;
	v28 =	vld [tilespmem:s29+$0x0]  }
0x32c: {  	v63 =	vshll.u32 v29, $0x3;
	v30 =	vld.idx.msk [tilespmem:v30+s21+$0x0], $0xffff  }
0x32d: {  	v31 =	vand.u32 $0xFFFFFC00, v63  }
0x32e: {  	v29 =	vand.u32 $0x7F, v29;
	v31 =	vadd.s32 v17, v31  }
0x32f: {  	v29 =	vor.u32 v29, v31;
	_ =	sdelay $0x1  }
0x330: {  	v30 =	vadd.f32 v30, v28;
	_ =	sdelay $0x1  }
0x331: {  	v33 =	vadd.s32 s30, v14;
	[tilespmem:s24+$0x0] =	vst v30  }
0x332: {  	v34 =	vshll.u32 v33, $0x3;
	v29 =	vld.idx.msk [tilespmem:v29+s21+$0x0], $0xffff  }
0x333: {  	v31 =	vand.u32 $0xFFFFFC00, v34  }
0x334: {  	v31 =	vadd.s32 v21, v31;
	v30 =	vand.u32 $0x7F, v33  }
0x335: {  	v30 =	vor.u32 v30, v31;
	_ =	sdelay $0x1  }
0x336: {  	v29 =	vadd.f32 v29, v28;
	_ =	sdelay $0x1  }
0x337: {  	[tilespmem:s24+$0x10] =	vst v29;
	v29 =	vadd.s32 s30, v15  }
0x338: {  	v30 =	vld.idx.msk [tilespmem:v30+s21+$0x0], $0xffff;
	v35 =	vshll.u32 v29, $0x3  }
0x339: {  	v31 =	vand.u32 $0xFFFFFC00, v35  }
0x33a: {  	v29 =	vand.u32 $0x7F, v29;
	v31 =	vadd.s32 v22, v31  }
0x33b: {  	v29 =	vor.u32 v29, v31;
	_ =	sdelay $0x1  }
0x33c: {  	v30 =	vadd.f32 v30, v28;
	_ =	sdelay $0x1  }
0x33d: {  	v36 =	vadd.s32 s30, v18;
	[tilespmem:s24+$0x20] =	vst v30  }
0x33e: {  	v37 =	vshll.u32 v36, $0x3;
	v29 =	vld.idx.msk [tilespmem:v29+s21+$0x0], $0xffff  }
0x33f: {  	v31 =	vand.u32 $0xFFFFFC00, v37  }
0x340: {  	v31 =	vadd.s32 v23, v31;
	v30 =	vand.u32 $0x7F, v36  }
0x341: {  	v30 =	vor.u32 v30, v31;
	_ =	sdelay $0x1  }
0x342: {  	v29 =	vadd.f32 v29, v28;
	_ =	sdelay $0x1  }
0x343: {  	[tilespmem:s24+$0x30] =	vst v29;
	v29 =	vadd.s32 s30, v19  }
0x344: {  	v30 =	vld.idx.msk [tilespmem:v30+s21+$0x0], $0xffff;
	v38 =	vshll.u32 v29, $0x3  }
0x345: {  	v31 =	vand.u32 $0xFFFFFC00, v38  }
0x346: {  	v29 =	vand.u32 $0x7F, v29;
	v31 =	vadd.s32 v25, v31  }
0x347: {  	v29 =	vor.u32 v29, v31;
	_ =	sdelay $0x1  }
0x348: {  	v30 =	vadd.f32 v30, v28;
	_ =	sdelay $0x1  }
0x349: {  	v39 =	vadd.s32 s30, v20;
	[tilespmem:s24+$0x40] =	vst v30  }
0x34a: {  	v40 =	vshll.u32 v39, $0x3;
	v29 =	vld.idx.msk [tilespmem:v29+s21+$0x0], $0xffff  }
0x34b: {  	v31 =	vand.u32 $0xFFFFFC00, v40  }
0x34c: {  	v31 =	vadd.s32 v26, v31;
	v30 =	vand.u32 $0x7F, v39  }
0x34d: {  	v30 =	vor.u32 v30, v31;
	_ =	sdelay $0x1  }
0x34e: {  	v29 =	vadd.f32 v29, v28;
	_ =	sdelay $0x1  }
0x34f: {  	[tilespmem:s24+$0x50] =	vst v29;
	v29 =	vadd.s32 s30, v24  }
0x350: {  	v30 =	vld.idx.msk [tilespmem:v30+s21+$0x0], $0xffff;
	v41 =	vshll.u32 v29, $0x3  }
0x351: {  	v31 =	vand.u32 $0xFFFFFC00, v41  }
0x352: {  	v29 =	vand.u32 $0x7F, v29;
	v31 =	vadd.s32 v27, v31  }
0x353: {  	v29 =	vor.u32 v29, v31;
	_ =	sdelay $0x1  }
0x354: {  	v30 =	vadd.f32 v30, v28;
	_ =	sdelay $0x1  }
0x355: {  	s30 =	sadd.s32 $0x9, s28;
	[tilespmem:s24+$0x60] =	vst v30  }
0x356: {  	v42 =	vadd.s32 s30, v12;
	v29 =	vld.idx.msk [tilespmem:v29+s21+$0x0], $0xffff  }
0x357: {  	v43 =	vshll.u32 v42, $0x3  }
0x358: {  	v31 =	vand.u32 $0xFFFFFC00, v43  }
0x359: {  	v31 =	vadd.s32 v16, v31;
	v30 =	vand.u32 $0x7F, v42  }
0x35a: {  	v30 =	vor.u32 v30, v31  }
0x35b: {  	v28 =	vadd.f32 v29, v28;
	_ =	sdelay $0x1  }
0x35c: {  	[tilespmem:s24+$0x70] =	vst v28  }
0x35d: {  	v29 =	vadd.s32 s30, v13;
	v28 =	vld [tilespmem:s29+$0x80]  }
0x35e: {  	v44 =	vshll.u32 v29, $0x3;
	v30 =	vld.idx.msk [tilespmem:v30+s21+$0x0], $0xffff  }
0x35f: {  	v31 =	vand.u32 $0xFFFFFC00, v44  }
0x360: {  	v29 =	vand.u32 $0x7F, v29;
	v31 =	vadd.s32 v17, v31  }
0x361: {  	v29 =	vor.u32 v29, v31;
	_ =	sdelay $0x1  }
0x362: {  	v30 =	vadd.f32 v30, v28;
	_ =	sdelay $0x1  }
0x363: {  	v45 =	vadd.s32 s30, v14;
	[tilespmem:s24+$0x80] =	vst v30  }
0x364: {  	v46 =	vshll.u32 v45, $0x3;
	v29 =	vld.idx.msk [tilespmem:v29+s21+$0x0], $0xffff  }
0x365: {  	v31 =	vand.u32 $0xFFFFFC00, v46  }
0x366: {  	v31 =	vadd.s32 v21, v31;
	v30 =	vand.u32 $0x7F, v45  }
0x367: {  	v30 =	vor.u32 v30, v31;
	_ =	sdelay $0x1  }
0x368: {  	v29 =	vadd.f32 v29, v28;
	_ =	sdelay $0x1  }
0x369: {  	[tilespmem:s24+$0x90] =	vst v29;
	v29 =	vadd.s32 s30, v15  }
0x36a: {  	v30 =	vld.idx.msk [tilespmem:v30+s21+$0x0], $0xffff;
	v47 =	vshll.u32 v29, $0x3  }
0x36b: {  	v31 =	vand.u32 $0xFFFFFC00, v47  }
0x36c: {  	v29 =	vand.u32 $0x7F, v29;
	v31 =	vadd.s32 v22, v31  }
0x36d: {  	v29 =	vor.u32 v29, v31;
	_ =	sdelay $0x1  }
0x36e: {  	v30 =	vadd.f32 v30, v28;
	_ =	sdelay $0x1  }
0x36f: {  	v48 =	vadd.s32 s30, v18;
	[tilespmem:s24+$0xA0] =	vst v30  }
0x370: {  	v49 =	vshll.u32 v48, $0x3;
	v29 =	vld.idx.msk [tilespmem:v29+s21+$0x0], $0xffff  }
0x371: {  	v31 =	vand.u32 $0xFFFFFC00, v49  }
0x372: {  	v31 =	vadd.s32 v23, v31;
	v30 =	vand.u32 $0x7F, v48  }
0x373: {  	v30 =	vor.u32 v30, v31;
	_ =	sdelay $0x1  }
0x374: {  	v29 =	vadd.f32 v29, v28;
	_ =	sdelay $0x1  }
0x375: {  	[tilespmem:s24+$0xB0] =	vst v29;
	v29 =	vadd.s32 s30, v19  }
0x376: {  	v30 =	vld.idx.msk [tilespmem:v30+s21+$0x0], $0xffff;
	v50 =	vshll.u32 v29, $0x3  }
0x377: {  	v31 =	vand.u32 $0xFFFFFC00, v50  }
0x378: {  	v29 =	vand.u32 $0x7F, v29;
	v31 =	vadd.s32 v25, v31  }
0x379: {  	v29 =	vor.u32 v29, v31;
	_ =	sdelay $0x1  }
0x37a: {  	v30 =	vadd.f32 v30, v28;
	_ =	sdelay $0x1  }
0x37b: {  	v51 =	vadd.s32 s30, v20;
	[tilespmem:s24+$0xC0] =	vst v30  }
0x37c: {  	v52 =	vshll.u32 v51, $0x3;
	v29 =	vld.idx.msk [tilespmem:v29+s21+$0x0], $0xffff  }
0x37d: {  	v31 =	vand.u32 $0xFFFFFC00, v52  }
0x37e: {  	v31 =	vadd.s32 v26, v31;
	v30 =	vand.u32 $0x7F, v51  }
0x37f: {  	v30 =	vor.u32 v30, v31;
	_ =	sdelay $0x1  }
0x380: {  	v29 =	vadd.f32 v29, v28;
	_ =	sdelay $0x1  }
0x381: {  	[tilespmem:s24+$0xD0] =	vst v29;
	v29 =	vadd.s32 s30, v24  }
0x382: {  	v30 =	vld.idx.msk [tilespmem:v30+s21+$0x0], $0xffff;
	v53 =	vshll.u32 v29, $0x3  }
0x383: {  	v31 =	vand.u32 $0xFFFFFC00, v53  }
0x384: {  	v29 =	vand.u32 $0x7F, v29;
	v31 =	vadd.s32 v27, v31  }
0x385: {  	v29 =	vor.u32 v29, v31;
	_ =	sdelay $0x1  }
0x386: {  	v30 =	vadd.f32 v30, v28;
	_ =	sdelay $0x1  }
0x387: {  	s30 =	sadd.s32 $0xA, s28;
	[tilespmem:s24+$0xE0] =	vst v30  }
0x388: {  	v54 =	vadd.s32 s30, v12;
	v29 =	vld.idx.msk [tilespmem:v29+s21+$0x0], $0xffff  }
0x389: {  	v55 =	vshll.u32 v54, $0x3  }
0x38a: {  	v31 =	vand.u32 $0xFFFFFC00, v55  }
0x38b: {  	v31 =	vadd.s32 v16, v31;
	v30 =	vand.u32 $0x7F, v54  }
0x38c: {  	v30 =	vor.u32 v30, v31  }
0x38d: {  	v28 =	vadd.f32 v29, v28;
	_ =	sdelay $0x1  }
0x38e: {  	[tilespmem:s24+$0xF0] =	vst v28  }
0x38f: {  	v29 =	vadd.s32 s30, v13;
	v28 =	vld [tilespmem:s29+$0x100]  }
0x390: {  	v56 =	vshll.u32 v29, $0x3;
	v30 =	vld.idx.msk [tilespmem:v30+s21+$0x0], $0xffff  }
0x391: {  	v31 =	vand.u32 $0xFFFFFC00, v56  }
0x392: {  	v29 =	vand.u32 $0x7F, v29;
	v31 =	vadd.s32 v17, v31  }
0x393: {  	v29 =	vor.u32 v29, v31;
	_ =	sdelay $0x1  }
0x394: {  	v30 =	vadd.f32 v30, v28;
	_ =	sdelay $0x1  }
0x395: {  	v57 =	vadd.s32 s30, v14;
	[tilespmem:s24+$0x100] =	vst v30  }
0x396: {  	v58 =	vshll.u32 v57, $0x3;
	v29 =	vld.idx.msk [tilespmem:v29+s21+$0x0], $0xffff  }
0x397: {  	v31 =	vand.u32 $0xFFFFFC00, v58  }
0x398: {  	v31 =	vadd.s32 v21, v31;
	v30 =	vand.u32 $0x7F, v57  }
0x399: {  	v30 =	vor.u32 v30, v31;
	_ =	sdelay $0x1  }
0x39a: {  	v29 =	vadd.f32 v29, v28;
	_ =	sdelay $0x1  }
0x39b: {  	[tilespmem:s24+$0x110] =	vst v29;
	v29 =	vadd.s32 s30, v15  }
0x39c: {  	v30 =	vld.idx.msk [tilespmem:v30+s21+$0x0], $0xffff;
	v59 =	vshll.u32 v29, $0x3  }
0x39d: {  	v31 =	vand.u32 $0xFFFFFC00, v59  }
0x39e: {  	v29 =	vand.u32 $0x7F, v29;
	v31 =	vadd.s32 v22, v31  }
0x39f: {  	v29 =	vor.u32 v29, v31;
	_ =	sdelay $0x1  }
0x3a0: {  	v30 =	vadd.f32 v30, v28;
	_ =	sdelay $0x1  }
0x3a1: {  	v60 =	vadd.s32 s30, v18;
	[tilespmem:s24+$0x120] =	vst v30  }
0x3a2: {  	v61 =	vshll.u32 v60, $0x3;
	v29 =	vld.idx.msk [tilespmem:v29+s21+$0x0], $0xffff  }
0x3a3: {  	v31 =	vand.u32 $0xFFFFFC00, v61  }
0x3a4: {  	v31 =	vadd.s32 v23, v31;
	v30 =	vand.u32 $0x7F, v60  }
0x3a5: {  	v30 =	vor.u32 v30, v31;
	_ =	sdelay $0x1  }
0x3a6: {  	v29 =	vadd.f32 v29, v28;
	_ =	sdelay $0x1  }
0x3a7: {  	[tilespmem:s24+$0x130] =	vst v29;
	v29 =	vadd.s32 s30, v19  }
0x3a8: {  	v30 =	vld.idx.msk [tilespmem:v30+s21+$0x0], $0xffff;
	v62 =	vshll.u32 v29, $0x3  }
0x3a9: {  	v31 =	vand.u32 $0xFFFFFC00, v62  }
0x3aa: {  	v29 =	vand.u32 $0x7F, v29;
	v31 =	vadd.s32 v25, v31  }
0x3ab: {  	v29 =	vor.u32 v29, v31;
	_ =	sdelay $0x1  }
0x3ac: {  	v30 =	vadd.f32 v30, v28;
	_ =	sdelay $0x1  }
0x3ad: {  	v63 =	vadd.s32 s30, v20;
	[tilespmem:s24+$0x140] =	vst v30  }
0x3ae: {  	v33 =	vshll.u32 v63, $0x3;
	v29 =	vld.idx.msk [tilespmem:v29+s21+$0x0], $0xffff  }
0x3af: {  	v31 =	vand.u32 $0xFFFFFC00, v33  }
0x3b0: {  	v31 =	vadd.s32 v26, v31;
	v30 =	vand.u32 $0x7F, v63  }
0x3b1: {  	v30 =	vor.u32 v30, v31;
	_ =	sdelay $0x1  }
0x3b2: {  	v29 =	vadd.f32 v29, v28;
	_ =	sdelay $0x1  }
0x3b3: {  	[tilespmem:s24+$0x150] =	vst v29;
	v29 =	vadd.s32 s30, v24  }
0x3b4: {  	v30 =	vld.idx.msk [tilespmem:v30+s21+$0x0], $0xffff;
	v34 =	vshll.u32 v29, $0x3  }
0x3b5: {  	v31 =	vand.u32 $0xFFFFFC00, v34  }
0x3b6: {  	v29 =	vand.u32 $0x7F, v29;
	v31 =	vadd.s32 v27, v31  }
0x3b7: {  	v29 =	vor.u32 v29, v31;
	_ =	sdelay $0x1  }
0x3b8: {  	v30 =	vadd.f32 v30, v28;
	_ =	sdelay $0x1  }
0x3b9: {  	s30 =	sadd.s32 $0xB, s28;
	[tilespmem:s24+$0x160] =	vst v30  }
0x3ba: {  	v35 =	vadd.s32 s30, v12;
	v29 =	vld.idx.msk [tilespmem:v29+s21+$0x0], $0xffff  }
0x3bb: {  	v36 =	vshll.u32 v35, $0x3  }
0x3bc: {  	v31 =	vand.u32 $0xFFFFFC00, v36  }
0x3bd: {  	v31 =	vadd.s32 v16, v31;
	v30 =	vand.u32 $0x7F, v35  }
0x3be: {  	v30 =	vor.u32 v30, v31  }
0x3bf: {  	v28 =	vadd.f32 v29, v28;
	_ =	sdelay $0x1  }
0x3c0: {  	[tilespmem:s24+$0x170] =	vst v28  }
0x3c1: {  	v29 =	vadd.s32 s30, v13;
	v28 =	vld [tilespmem:s29+$0x180]  }
0x3c2: {  	v37 =	vshll.u32 v29, $0x3;
	v30 =	vld.idx.msk [tilespmem:v30+s21+$0x0], $0xffff  }
0x3c3: {  	v31 =	vand.u32 $0xFFFFFC00, v37  }
0x3c4: {  	v29 =	vand.u32 $0x7F, v29;
	v31 =	vadd.s32 v17, v31  }
0x3c5: {  	v29 =	vor.u32 v29, v31;
	_ =	sdelay $0x1  }
0x3c6: {  	v30 =	vadd.f32 v30, v28;
	_ =	sdelay $0x1  }
0x3c7: {  	v38 =	vadd.s32 s30, v14;
	[tilespmem:s24+$0x180] =	vst v30  }
0x3c8: {  	v39 =	vshll.u32 v38, $0x3;
	v29 =	vld.idx.msk [tilespmem:v29+s21+$0x0], $0xffff  }
0x3c9: {  	v31 =	vand.u32 $0xFFFFFC00, v39  }
0x3ca: {  	v31 =	vadd.s32 v21, v31;
	v30 =	vand.u32 $0x7F, v38  }
0x3cb: {  	v30 =	vor.u32 v30, v31;
	_ =	sdelay $0x1  }
0x3cc: {  	v29 =	vadd.f32 v29, v28;
	_ =	sdelay $0x1  }
0x3cd: {  	[tilespmem:s24+$0x190] =	vst v29;
	v29 =	vadd.s32 s30, v15  }
0x3ce: {  	v30 =	vld.idx.msk [tilespmem:v30+s21+$0x0], $0xffff;
	v40 =	vshll.u32 v29, $0x3  }
0x3cf: {  	v31 =	vand.u32 $0xFFFFFC00, v40  }
0x3d0: {  	v29 =	vand.u32 $0x7F, v29;
	v31 =	vadd.s32 v22, v31  }
0x3d1: {  	v29 =	vor.u32 v29, v31;
	_ =	sdelay $0x1  }
0x3d2: {  	v30 =	vadd.f32 v30, v28;
	_ =	sdelay $0x1  }
0x3d3: {  	v41 =	vadd.s32 s30, v18;
	[tilespmem:s24+$0x1A0] =	vst v30  }
0x3d4: {  	v42 =	vshll.u32 v41, $0x3;
	v29 =	vld.idx.msk [tilespmem:v29+s21+$0x0], $0xffff  }
0x3d5: {  	v31 =	vand.u32 $0xFFFFFC00, v42  }
0x3d6: {  	v31 =	vadd.s32 v23, v31;
	v30 =	vand.u32 $0x7F, v41  }
0x3d7: {  	v30 =	vor.u32 v30, v31;
	_ =	sdelay $0x1  }
0x3d8: {  	v29 =	vadd.f32 v29, v28;
	_ =	sdelay $0x1  }
0x3d9: {  	[tilespmem:s24+$0x1B0] =	vst v29;
	v29 =	vadd.s32 s30, v19  }
0x3da: {  	v30 =	vld.idx.msk [tilespmem:v30+s21+$0x0], $0xffff;
	v43 =	vshll.u32 v29, $0x3  }
0x3db: {  	v31 =	vand.u32 $0xFFFFFC00, v43  }
0x3dc: {  	v29 =	vand.u32 $0x7F, v29;
	v31 =	vadd.s32 v25, v31  }
0x3dd: {  	v29 =	vor.u32 v29, v31;
	_ =	sdelay $0x1  }
0x3de: {  	v30 =	vadd.f32 v30, v28;
	_ =	sdelay $0x1  }
0x3df: {  	v44 =	vadd.s32 s30, v20;
	[tilespmem:s24+$0x1C0] =	vst v30  }
0x3e0: {  	v45 =	vshll.u32 v44, $0x3;
	v29 =	vld.idx.msk [tilespmem:v29+s21+$0x0], $0xffff  }
0x3e1: {  	v31 =	vand.u32 $0xFFFFFC00, v45  }
0x3e2: {  	v31 =	vadd.s32 v26, v31;
	v30 =	vand.u32 $0x7F, v44  }
0x3e3: {  	v30 =	vor.u32 v30, v31;
	_ =	sdelay $0x1  }
0x3e4: {  	v29 =	vadd.f32 v29, v28;
	_ =	sdelay $0x1  }
0x3e5: {  	[tilespmem:s24+$0x1D0] =	vst v29;
	v29 =	vadd.s32 s30, v24  }
0x3e6: {  	v30 =	vld.idx.msk [tilespmem:v30+s21+$0x0], $0xffff;
	v46 =	vshll.u32 v29, $0x3  }
0x3e7: {  	v31 =	vand.u32 $0xFFFFFC00, v46  }
0x3e8: {  	v29 =	vand.u32 $0x7F, v29;
	v31 =	vadd.s32 v27, v31  }
0x3e9: {  	v29 =	vor.u32 v29, v31;
	_ =	sdelay $0x1  }
0x3ea: {  	v30 =	vadd.f32 v30, v28;
	_ =	sdelay $0x1  }
0x3eb: {  	s30 =	sadd.s32 $0xC, s28;
	[tilespmem:s24+$0x1E0] =	vst v30  }
0x3ec: {  	v47 =	vadd.s32 s30, v12;
	v29 =	vld.idx.msk [tilespmem:v29+s21+$0x0], $0xffff  }
0x3ed: {  	v48 =	vshll.u32 v47, $0x3  }
0x3ee: {  	v31 =	vand.u32 $0xFFFFFC00, v48  }
0x3ef: {  	v31 =	vadd.s32 v16, v31;
	v30 =	vand.u32 $0x7F, v47  }
0x3f0: {  	v30 =	vor.u32 v30, v31  }
0x3f1: {  	v28 =	vadd.f32 v29, v28;
	_ =	sdelay $0x1  }
0x3f2: {  	[tilespmem:s24+$0x1F0] =	vst v28  }
0x3f3: {  	v29 =	vadd.s32 s30, v13;
	v28 =	vld [tilespmem:s29+$0x200]  }
0x3f4: {  	v49 =	vshll.u32 v29, $0x3;
	v30 =	vld.idx.msk [tilespmem:v30+s21+$0x0], $0xffff  }
0x3f5: {  	v31 =	vand.u32 $0xFFFFFC00, v49  }
0x3f6: {  	v29 =	vand.u32 $0x7F, v29;
	v31 =	vadd.s32 v17, v31  }
0x3f7: {  	v29 =	vor.u32 v29, v31;
	_ =	sdelay $0x1  }
0x3f8: {  	v30 =	vadd.f32 v30, v28;
	_ =	sdelay $0x1  }
0x3f9: {  	v50 =	vadd.s32 s30, v14;
	[tilespmem:s24+$0x200] =	vst v30  }
0x3fa: {  	v51 =	vshll.u32 v50, $0x3;
	v29 =	vld.idx.msk [tilespmem:v29+s21+$0x0], $0xffff  }
0x3fb: {  	v31 =	vand.u32 $0xFFFFFC00, v51  }
0x3fc: {  	v31 =	vadd.s32 v21, v31;
	v30 =	vand.u32 $0x7F, v50  }
0x3fd: {  	v30 =	vor.u32 v30, v31;
	_ =	sdelay $0x1  }
0x3fe: {  	v29 =	vadd.f32 v29, v28;
	_ =	sdelay $0x1  }
0x3ff: {  	[tilespmem:s24+$0x210] =	vst v29;
	v29 =	vadd.s32 s30, v15  }
0x400: {  	v30 =	vld.idx.msk [tilespmem:v30+s21+$0x0], $0xffff;
	v52 =	vshll.u32 v29, $0x3  }
0x401: {  	v31 =	vand.u32 $0xFFFFFC00, v52  }
0x402: {  	v29 =	vand.u32 $0x7F, v29;
	v31 =	vadd.s32 v22, v31  }
0x403: {  	v29 =	vor.u32 v29, v31;
	_ =	sdelay $0x1  }
0x404: {  	v30 =	vadd.f32 v30, v28;
	_ =	sdelay $0x1  }
0x405: {  	v53 =	vadd.s32 s30, v18;
	[tilespmem:s24+$0x220] =	vst v30  }
0x406: {  	v54 =	vshll.u32 v53, $0x3;
	v29 =	vld.idx.msk [tilespmem:v29+s21+$0x0], $0xffff  }
0x407: {  	v31 =	vand.u32 $0xFFFFFC00, v54  }
0x408: {  	v31 =	vadd.s32 v23, v31;
	v30 =	vand.u32 $0x7F, v53  }
0x409: {  	v30 =	vor.u32 v30, v31;
	_ =	sdelay $0x1  }
0x40a: {  	v29 =	vadd.f32 v29, v28;
	_ =	sdelay $0x1  }
0x40b: {  	[tilespmem:s24+$0x230] =	vst v29;
	v29 =	vadd.s32 s30, v19  }
0x40c: {  	v30 =	vld.idx.msk [tilespmem:v30+s21+$0x0], $0xffff;
	v55 =	vshll.u32 v29, $0x3  }
0x40d: {  	v31 =	vand.u32 $0xFFFFFC00, v55  }
0x40e: {  	v29 =	vand.u32 $0x7F, v29;
	v31 =	vadd.s32 v25, v31  }
0x40f: {  	v29 =	vor.u32 v29, v31;
	_ =	sdelay $0x1  }
0x410: {  	v30 =	vadd.f32 v30, v28;
	_ =	sdelay $0x1  }
0x411: {  	v56 =	vadd.s32 s30, v20;
	[tilespmem:s24+$0x240] =	vst v30  }
0x412: {  	v57 =	vshll.u32 v56, $0x3;
	v29 =	vld.idx.msk [tilespmem:v29+s21+$0x0], $0xffff  }
0x413: {  	v31 =	vand.u32 $0xFFFFFC00, v57  }
0x414: {  	v31 =	vadd.s32 v26, v31;
	v30 =	vand.u32 $0x7F, v56  }
0x415: {  	v30 =	vor.u32 v30, v31;
	_ =	sdelay $0x1  }
0x416: {  	v29 =	vadd.f32 v29, v28;
	_ =	sdelay $0x1  }
0x417: {  	[tilespmem:s24+$0x250] =	vst v29;
	v29 =	vadd.s32 s30, v24  }
0x418: {  	v30 =	vld.idx.msk [tilespmem:v30+s21+$0x0], $0xffff;
	v58 =	vshll.u32 v29, $0x3  }
0x419: {  	v31 =	vand.u32 $0xFFFFFC00, v58  }
0x41a: {  	v29 =	vand.u32 $0x7F, v29;
	v31 =	vadd.s32 v27, v31  }
0x41b: {  	v29 =	vor.u32 v29, v31;
	_ =	sdelay $0x1  }
0x41c: {  	v30 =	vadd.f32 v30, v28;
	_ =	sdelay $0x1  }
0x41d: {  	s30 =	sadd.s32 $0xD, s28;
	[tilespmem:s24+$0x260] =	vst v30  }
0x41e: {  	v59 =	vadd.s32 s30, v12;
	v29 =	vld.idx.msk [tilespmem:v29+s21+$0x0], $0xffff  }
0x41f: {  	v60 =	vshll.u32 v59, $0x3  }
0x420: {  	v31 =	vand.u32 $0xFFFFFC00, v60  }
0x421: {  	v31 =	vadd.s32 v16, v31;
	v30 =	vand.u32 $0x7F, v59  }
0x422: {  	v30 =	vor.u32 v30, v31  }
0x423: {  	v28 =	vadd.f32 v29, v28;
	_ =	sdelay $0x1  }
0x424: {  	[tilespmem:s24+$0x270] =	vst v28  }
0x425: {  	v29 =	vadd.s32 s30, v13;
	v28 =	vld [tilespmem:s29+$0x280]  }
0x426: {  	v61 =	vshll.u32 v29, $0x3;
	v30 =	vld.idx.msk [tilespmem:v30+s21+$0x0], $0xffff  }
0x427: {  	v31 =	vand.u32 $0xFFFFFC00, v61  }
0x428: {  	v29 =	vand.u32 $0x7F, v29;
	v31 =	vadd.s32 v17, v31  }
0x429: {  	v29 =	vor.u32 v29, v31;
	_ =	sdelay $0x1  }
0x42a: {  	v30 =	vadd.f32 v30, v28;
	_ =	sdelay $0x1  }
0x42b: {  	v62 =	vadd.s32 s30, v14;
	[tilespmem:s24+$0x280] =	vst v30  }
0x42c: {  	v63 =	vshll.u32 v62, $0x3;
	v29 =	vld.idx.msk [tilespmem:v29+s21+$0x0], $0xffff  }
0x42d: {  	v31 =	vand.u32 $0xFFFFFC00, v63  }
0x42e: {  	v31 =	vadd.s32 v21, v31;
	v30 =	vand.u32 $0x7F, v62  }
0x42f: {  	v30 =	vor.u32 v30, v31;
	_ =	sdelay $0x1  }
0x430: {  	v29 =	vadd.f32 v29, v28;
	_ =	sdelay $0x1  }
0x431: {  	[tilespmem:s24+$0x290] =	vst v29;
	v29 =	vadd.s32 s30, v15  }
0x432: {  	v30 =	vld.idx.msk [tilespmem:v30+s21+$0x0], $0xffff;
	v33 =	vshll.u32 v29, $0x3  }
0x433: {  	v31 =	vand.u32 $0xFFFFFC00, v33  }
0x434: {  	v29 =	vand.u32 $0x7F, v29;
	v31 =	vadd.s32 v22, v31  }
0x435: {  	v29 =	vor.u32 v29, v31;
	_ =	sdelay $0x1  }
0x436: {  	v30 =	vadd.f32 v30, v28;
	_ =	sdelay $0x1  }
0x437: {  	v34 =	vadd.s32 s30, v18;
	[tilespmem:s24+$0x2A0] =	vst v30  }
0x438: {  	v35 =	vshll.u32 v34, $0x3;
	v29 =	vld.idx.msk [tilespmem:v29+s21+$0x0], $0xffff  }
0x439: {  	v31 =	vand.u32 $0xFFFFFC00, v35  }
0x43a: {  	v31 =	vadd.s32 v23, v31;
	v30 =	vand.u32 $0x7F, v34  }
0x43b: {  	v30 =	vor.u32 v30, v31;
	_ =	sdelay $0x1  }
0x43c: {  	v29 =	vadd.f32 v29, v28;
	_ =	sdelay $0x1  }
0x43d: {  	[tilespmem:s24+$0x2B0] =	vst v29;
	v29 =	vadd.s32 s30, v19  }
0x43e: {  	v30 =	vld.idx.msk [tilespmem:v30+s21+$0x0], $0xffff;
	v36 =	vshll.u32 v29, $0x3  }
0x43f: {  	v31 =	vand.u32 $0xFFFFFC00, v36  }
0x440: {  	v29 =	vand.u32 $0x7F, v29;
	v31 =	vadd.s32 v25, v31  }
0x441: {  	v29 =	vor.u32 v29, v31;
	_ =	sdelay $0x1  }
0x442: {  	v30 =	vadd.f32 v30, v28;
	_ =	sdelay $0x1  }
0x443: {  	v37 =	vadd.s32 s30, v20;
	[tilespmem:s24+$0x2C0] =	vst v30  }
0x444: {  	v38 =	vshll.u32 v37, $0x3;
	v29 =	vld.idx.msk [tilespmem:v29+s21+$0x0], $0xffff  }
0x445: {  	v31 =	vand.u32 $0xFFFFFC00, v38  }
0x446: {  	v31 =	vadd.s32 v26, v31;
	v30 =	vand.u32 $0x7F, v37  }
0x447: {  	v30 =	vor.u32 v30, v31;
	_ =	sdelay $0x1  }
0x448: {  	v29 =	vadd.f32 v29, v28;
	_ =	sdelay $0x1  }
0x449: {  	[tilespmem:s24+$0x2D0] =	vst v29;
	v29 =	vadd.s32 s30, v24  }
0x44a: {  	v30 =	vld.idx.msk [tilespmem:v30+s21+$0x0], $0xffff;
	v39 =	vshll.u32 v29, $0x3  }
0x44b: {  	v31 =	vand.u32 $0xFFFFFC00, v39  }
0x44c: {  	v29 =	vand.u32 $0x7F, v29;
	v31 =	vadd.s32 v27, v31  }
0x44d: {  	v29 =	vor.u32 v29, v31;
	_ =	sdelay $0x1  }
0x44e: {  	v30 =	vadd.f32 v30, v28;
	_ =	sdelay $0x1  }
0x44f: {  	s30 =	sadd.s32 $0xE, s28;
	[tilespmem:s24+$0x2E0] =	vst v30  }
0x450: {  	v40 =	vadd.s32 s30, v12;
	v29 =	vld.idx.msk [tilespmem:v29+s21+$0x0], $0xffff  }
0x451: {  	v41 =	vshll.u32 v40, $0x3  }
0x452: {  	v31 =	vand.u32 $0xFFFFFC00, v41  }
0x453: {  	v31 =	vadd.s32 v16, v31;
	v30 =	vand.u32 $0x7F, v40  }
0x454: {  	v30 =	vor.u32 v30, v31  }
0x455: {  	v28 =	vadd.f32 v29, v28;
	_ =	sdelay $0x1  }
0x456: {  	[tilespmem:s24+$0x2F0] =	vst v28  }
0x457: {  	v29 =	vadd.s32 s30, v13;
	v28 =	vld [tilespmem:s29+$0x300]  }
0x458: {  	v42 =	vshll.u32 v29, $0x3;
	v30 =	vld.idx.msk [tilespmem:v30+s21+$0x0], $0xffff  }
0x459: {  	v31 =	vand.u32 $0xFFFFFC00, v42  }
0x45a: {  	v29 =	vand.u32 $0x7F, v29;
	v31 =	vadd.s32 v17, v31  }
0x45b: {  	v29 =	vor.u32 v29, v31;
	_ =	sdelay $0x1  }
0x45c: {  	v30 =	vadd.f32 v30, v28;
	_ =	sdelay $0x1  }
0x45d: {  	v43 =	vadd.s32 s30, v14;
	[tilespmem:s24+$0x300] =	vst v30  }
0x45e: {  	v44 =	vshll.u32 v43, $0x3;
	v29 =	vld.idx.msk [tilespmem:v29+s21+$0x0], $0xffff  }
0x45f: {  	v31 =	vand.u32 $0xFFFFFC00, v44  }
0x460: {  	v31 =	vadd.s32 v21, v31;
	v30 =	vand.u32 $0x7F, v43  }
0x461: {  	v30 =	vor.u32 v30, v31;
	_ =	sdelay $0x1  }
0x462: {  	v29 =	vadd.f32 v29, v28;
	_ =	sdelay $0x1  }
0x463: {  	[tilespmem:s24+$0x310] =	vst v29;
	v29 =	vadd.s32 s30, v15  }
0x464: {  	v30 =	vld.idx.msk [tilespmem:v30+s21+$0x0], $0xffff;
	v45 =	vshll.u32 v29, $0x3  }
0x465: {  	v31 =	vand.u32 $0xFFFFFC00, v45  }
0x466: {  	v29 =	vand.u32 $0x7F, v29;
	v31 =	vadd.s32 v22, v31  }
0x467: {  	v29 =	vor.u32 v29, v31;
	_ =	sdelay $0x1  }
0x468: {  	v30 =	vadd.f32 v30, v28;
	_ =	sdelay $0x1  }
0x469: {  	v46 =	vadd.s32 s30, v18;
	[tilespmem:s24+$0x320] =	vst v30  }
0x46a: {  	v47 =	vshll.u32 v46, $0x3;
	v29 =	vld.idx.msk [tilespmem:v29+s21+$0x0], $0xffff  }
0x46b: {  	v31 =	vand.u32 $0xFFFFFC00, v47  }
0x46c: {  	v31 =	vadd.s32 v23, v31;
	v30 =	vand.u32 $0x7F, v46  }
0x46d: {  	v30 =	vor.u32 v30, v31;
	_ =	sdelay $0x1  }
0x46e: {  	v29 =	vadd.f32 v29, v28;
	_ =	sdelay $0x1  }
0x46f: {  	[tilespmem:s24+$0x330] =	vst v29;
	v29 =	vadd.s32 s30, v19  }
0x470: {  	v30 =	vld.idx.msk [tilespmem:v30+s21+$0x0], $0xffff;
	v48 =	vshll.u32 v29, $0x3  }
0x471: {  	v31 =	vand.u32 $0xFFFFFC00, v48  }
0x472: {  	v29 =	vand.u32 $0x7F, v29;
	v31 =	vadd.s32 v25, v31  }
0x473: {  	v29 =	vor.u32 v29, v31;
	_ =	sdelay $0x1  }
0x474: {  	v30 =	vadd.f32 v30, v28;
	_ =	sdelay $0x1  }
0x475: {  	v49 =	vadd.s32 s30, v20;
	[tilespmem:s24+$0x340] =	vst v30  }
0x476: {  	v50 =	vshll.u32 v49, $0x3;
	v29 =	vld.idx.msk [tilespmem:v29+s21+$0x0], $0xffff  }
0x477: {  	v31 =	vand.u32 $0xFFFFFC00, v50  }
0x478: {  	v31 =	vadd.s32 v26, v31;
	v30 =	vand.u32 $0x7F, v49  }
0x479: {  	v30 =	vor.u32 v30, v31;
	_ =	sdelay $0x1  }
0x47a: {  	v29 =	vadd.f32 v29, v28;
	_ =	sdelay $0x1  }
0x47b: {  	[tilespmem:s24+$0x350] =	vst v29;
	v29 =	vadd.s32 s30, v24  }
0x47c: {  	v30 =	vld.idx.msk [tilespmem:v30+s21+$0x0], $0xffff;
	v51 =	vshll.u32 v29, $0x3  }
0x47d: {  	v31 =	vand.u32 $0xFFFFFC00, v51  }
0x47e: {  	v29 =	vand.u32 $0x7F, v29;
	v31 =	vadd.s32 v27, v31  }
0x47f: {  	v29 =	vor.u32 v29, v31;
	_ =	sdelay $0x1  }
0x480: {  	v30 =	vadd.f32 v30, v28;
	_ =	sdelay $0x1  }
0x481: {  	s30 =	sadd.s32 $0xF, s28;
	[tilespmem:s24+$0x360] =	vst v30  }
0x482: {  	v52 =	vadd.s32 s30, v12;
	v29 =	vld.idx.msk [tilespmem:v29+s21+$0x0], $0xffff  }
0x483: {  	v53 =	vshll.u32 v52, $0x3  }
0x484: {  	v31 =	vand.u32 $0xFFFFFC00, v53  }
0x485: {  	v31 =	vadd.s32 v16, v31;
	v30 =	vand.u32 $0x7F, v52  }
0x486: {  	v30 =	vor.u32 v30, v31  }
0x487: {  	v28 =	vadd.f32 v29, v28;
	_ =	sdelay $0x1  }
0x488: {  	[tilespmem:s24+$0x370] =	vst v28  }
0x489: {  	v29 =	vadd.s32 s30, v13;
	v28 =	vld [tilespmem:s29+$0x380]  }
0x48a: {  	v54 =	vshll.u32 v29, $0x3;
	v30 =	vld.idx.msk [tilespmem:v30+s21+$0x0], $0xffff  }
0x48b: {  	v31 =	vand.u32 $0xFFFFFC00, v54  }
0x48c: {  	v29 =	vand.u32 $0x7F, v29;
	v31 =	vadd.s32 v17, v31  }
0x48d: {  	v29 =	vor.u32 v29, v31;
	_ =	sdelay $0x1  }
0x48e: {  	v30 =	vadd.f32 v30, v28;
	_ =	sdelay $0x1  }
0x48f: {  	v55 =	vadd.s32 s30, v14;
	[tilespmem:s24+$0x380] =	vst v30  }
0x490: {  	v56 =	vshll.u32 v55, $0x3;
	v29 =	vld.idx.msk [tilespmem:v29+s21+$0x0], $0xffff  }
0x491: {  	v31 =	vand.u32 $0xFFFFFC00, v56  }
0x492: {  	v31 =	vadd.s32 v21, v31;
	v30 =	vand.u32 $0x7F, v55  }
0x493: {  	v30 =	vor.u32 v30, v31;
	_ =	sdelay $0x1  }
0x494: {  	v29 =	vadd.f32 v29, v28;
	_ =	sdelay $0x1  }
0x495: {  	[tilespmem:s24+$0x390] =	vst v29;
	v29 =	vadd.s32 s30, v15  }
0x496: {  	v30 =	vld.idx.msk [tilespmem:v30+s21+$0x0], $0xffff;
	v57 =	vshll.u32 v29, $0x3  }
0x497: {  	v31 =	vand.u32 $0xFFFFFC00, v57  }
0x498: {  	v29 =	vand.u32 $0x7F, v29;
	v31 =	vadd.s32 v22, v31  }
0x499: {  	v29 =	vor.u32 v29, v31;
	_ =	sdelay $0x1  }
0x49a: {  	v30 =	vadd.f32 v30, v28;
	_ =	sdelay $0x1  }
0x49b: {  	v58 =	vadd.s32 s30, v18;
	[tilespmem:s24+$0x3A0] =	vst v30  }
0x49c: {  	v59 =	vshll.u32 v58, $0x3;
	v29 =	vld.idx.msk [tilespmem:v29+s21+$0x0], $0xffff  }
0x49d: {  	v31 =	vand.u32 $0xFFFFFC00, v59  }
0x49e: {  	v31 =	vadd.s32 v23, v31;
	v30 =	vand.u32 $0x7F, v58  }
0x49f: {  	v30 =	vor.u32 v30, v31;
	_ =	sdelay $0x1  }
0x4a0: {  	v29 =	vadd.f32 v29, v28;
	_ =	sdelay $0x1  }
0x4a1: {  	[tilespmem:s24+$0x3B0] =	vst v29;
	v29 =	vadd.s32 s30, v19  }
0x4a2: {  	v30 =	vld.idx.msk [tilespmem:v30+s21+$0x0], $0xffff;
	v60 =	vshll.u32 v29, $0x3  }
0x4a3: {  	v31 =	vand.u32 $0xFFFFFC00, v60  }
0x4a4: {  	v29 =	vand.u32 $0x7F, v29;
	v31 =	vadd.s32 v25, v31  }
0x4a5: {  	v29 =	vor.u32 v29, v31;
	_ =	sdelay $0x1  }
0x4a6: {  	v30 =	vadd.f32 v30, v28;
	_ =	sdelay $0x1  }
0x4a7: {  	v61 =	vadd.s32 s30, v20;
	[tilespmem:s24+$0x3C0] =	vst v30  }
0x4a8: {  	v62 =	vshll.u32 v61, $0x3;
	v29 =	vld.idx.msk [tilespmem:v29+s21+$0x0], $0xffff  }
0x4a9: {  	v31 =	vand.u32 $0xFFFFFC00, v62  }
0x4aa: {  	v31 =	vadd.s32 v26, v31;
	v30 =	vand.u32 $0x7F, v61  }
0x4ab: {  	v30 =	vor.u32 v30, v31;
	_ =	sdelay $0x1  }
0x4ac: {  	v29 =	vadd.f32 v29, v28;
	_ =	sdelay $0x1  }
0x4ad: {  	[tilespmem:s24+$0x3D0] =	vst v29;
	v29 =	vadd.s32 s30, v24  }
0x4ae: {  	v30 =	vld.idx.msk [tilespmem:v30+s21+$0x0], $0xffff;
	v63 =	vshll.u32 v29, $0x3  }
0x4af: {  	v31 =	vand.u32 $0xFFFFFC00, v63  }
0x4b0: {  	v29 =	vand.u32 $0x7F, v29;
	v31 =	vadd.s32 v27, v31  }
0x4b1: {  	v29 =	vor.u32 v29, v31;
	_ =	sdelay $0x1  }
0x4b2: {  	v30 =	vadd.f32 v30, v28;
	_ =	sdelay $0x1  }
0x4b3: {  	[tilespmem:s24+$0x3E0] =	vst v30  }
0x4b4: {  	v29 =	vld.idx.msk [tilespmem:v29+s21+$0x0], $0xffff;
	_ =	sdelay $0x1  }
0x4b5: {  	p2 =	slt.u32 s28, $0x30  }
.Ltmp4:
0x4b6: {  	_ = 	snop;
	(pc) =	sbr.rel @p2 .LBB2_8-.Ltmp4, $3  }
0x4b7: {  	_ = 	snop  }
0x4b8: {  	v28 =	vadd.f32 v29, v28;
	_ =	sdelay $0x1  }
0x4b9: {  	s28 =	sadd.s32 $0x10, s28;
	s29 =	sadd.s32 $0x800, s29;
	[tilespmem:s24+$0x3F0] =	vst v28;
	s24 =	sadd.s32 $0x800, s24  }
0x4ba: {  	s24 =	sshll.u32 s25, $0x12;
	p2 =	sgt.u32 s5, $0x17  }
.Ltmp5:
0x4bb: {  	s24 =	sor.u32 s9, s24;
	(pc) =	sbr.rel @p2 .LBB2_11-.Ltmp5, $4  }
0x4bc: {  	s24 =	sshrl.u32 s24, $0x3  }
0x4bd: {  	_ =	strace $0x9000004A;
	s24 =	sadd.s32 s6, s24  }
0x4be: {  	[hbm4b:s24+s18] =	stream.strided.scatter [tilespmem:s26], [sflag:s23], $0x2000, s19, s18, $0x38;
	[tilespmem:$0x18680] =	vst v63  }
0x4bf: {  	_ =	strace $0x8000004B  }
0x4c0: {  	s23 =	sshll.u32 s5, $0x7  }
0x4c1: {  	s23 =	sand.u32 $0x3FFFFF80, s23  }
0x4c2: {  	v12 =	vld [tilespmem:s23+$0x400];
	_ =	sdelay $0x4  }
0x4c3: {  	v12 =	vtrunc.f32 v12  }
0x4c4: {  	v12 =	vcvt.f32.s32 v12;
	_ =	sdelay $0x1  }
0x4c5: {  	vm1 =	vgt.s32 v12, $0x0  }
0x4c6: {  	s24 =	smul.u32 $0xC350, s5;
	v12 =	vnsel vm1, $0x0, v12  }
0x4c7: {  	v12 =	vmin.u32 v12, $0x1869F  }
0x4c8: {  	s24 =	sadd.s32 $0x186A0, s24;
	v13 =	vshrl.u32 v12, $0x1  }
0x4c9: {  	v12 =	vshll.u32 v12, $0x6;
	v13 =	vadd.s32 s24, v13  }
0x4ca: {  	v12 =	vand.u32 $0x40, v12;
	[tilespmem:s0+$0x1000] =	vst v13  }
0x4cb: {  	[tilespmem:s0+$0x1100] =	vst v12  }
0x4cc: {  	v12 =	vld [tilespmem:s23+$0x410];
	_ =	sdelay $0x4  }
0x4cd: {  	v12 =	vtrunc.f32 v12  }
0x4ce: {  	v12 =	vcvt.f32.s32 v12;
	_ =	sdelay $0x1  }
0x4cf: {  	vm1 =	vgt.s32 v12, $0x0  }
0x4d0: {  	v12 =	vnsel vm1, $0x0, v12  }
0x4d1: {  	v12 =	vmin.u32 v12, $0x1869F  }
0x4d2: {  	v49 =	vshrl.u32 v12, $0x1  }
0x4d3: {  	s25 =	sor.u32 $0x1010, s0;
	v12 =	vshll.u32 v12, $0x6;
	v13 =	vadd.s32 s24, v49  }
0x4d4: {  	s28 =	sor.u32 $0x1110, s0;
	v12 =	vand.u32 $0x40, v12;
	[tilespmem:s25+$0x0] =	vst v13  }
0x4d5: {  	[tilespmem:s28+$0x0] =	vst v12  }
0x4d6: {  	v12 =	vld [tilespmem:s23+$0x420];
	_ =	sdelay $0x4  }
0x4d7: {  	v12 =	vtrunc.f32 v12  }
0x4d8: {  	v12 =	vcvt.f32.s32 v12;
	_ =	sdelay $0x1  }
0x4d9: {  	vm1 =	vgt.s32 v12, $0x0  }
0x4da: {  	v12 =	vnsel vm1, $0x0, v12  }
0x4db: {  	v12 =	vmin.u32 v12, $0x1869F  }
0x4dc: {  	v50 =	vshrl.u32 v12, $0x1  }
0x4dd: {  	s29 =	sor.u32 $0x1020, s0;
	v12 =	vshll.u32 v12, $0x6;
	v13 =	vadd.s32 s24, v50  }
0x4de: {  	s30 =	sor.u32 $0x1120, s0;
	v12 =	vand.u32 $0x40, v12;
	[tilespmem:s29+$0x0] =	vst v13  }
0x4df: {  	[tilespmem:s30+$0x0] =	vst v12  }
0x4e0: {  	v12 =	vld [tilespmem:s23+$0x430];
	_ =	sdelay $0x4  }
0x4e1: {  	v12 =	vtrunc.f32 v12  }
0x4e2: {  	v12 =	vcvt.f32.s32 v12;
	_ =	sdelay $0x1  }
0x4e3: {  	vm1 =	vgt.s32 v12, $0x0  }
0x4e4: {  	v12 =	vnsel vm1, $0x0, v12  }
0x4e5: {  	v12 =	vmin.u32 v12, $0x1869F  }
0x4e6: {  	v51 =	vshrl.u32 v12, $0x1  }
0x4e7: {  	s26 =	sor.u32 $0x1030, s0;
	v12 =	vshll.u32 v12, $0x6;
	v13 =	vadd.s32 s24, v51  }
0x4e8: {  	s28 =	sor.u32 $0x1130, s0;
	v12 =	vand.u32 $0x40, v12;
	[tilespmem:s26+$0x0] =	vst v13  }
0x4e9: {  	[tilespmem:s28+$0x0] =	vst v12  }
0x4ea: {  	v12 =	vld [tilespmem:s23+$0x440];
	_ =	sdelay $0x4  }
0x4eb: {  	v12 =	vtrunc.f32 v12  }
0x4ec: {  	v12 =	vcvt.f32.s32 v12;
	_ =	sdelay $0x1  }
0x4ed: {  	vm1 =	vgt.s32 v12, $0x0  }
0x4ee: {  	v12 =	vnsel vm1, $0x0, v12  }
0x4ef: {  	v12 =	vmin.u32 v12, $0x1869F  }
0x4f0: {  	v52 =	vshrl.u32 v12, $0x1  }
0x4f1: {  	s29 =	sor.u32 $0x1040, s0;
	v12 =	vshll.u32 v12, $0x6;
	v13 =	vadd.s32 s24, v52  }
0x4f2: {  	s30 =	sor.u32 $0x1140, s0;
	v12 =	vand.u32 $0x40, v12;
	[tilespmem:s29+$0x0] =	vst v13  }
0x4f3: {  	[tilespmem:s30+$0x0] =	vst v12  }
0x4f4: {  	v12 =	vld [tilespmem:s23+$0x450];
	_ =	sdelay $0x4  }
0x4f5: {  	v12 =	vtrunc.f32 v12  }
0x4f6: {  	v12 =	vcvt.f32.s32 v12;
	_ =	sdelay $0x1  }
0x4f7: {  	vm1 =	vgt.s32 v12, $0x0  }
0x4f8: {  	v12 =	vnsel vm1, $0x0, v12  }
0x4f9: {  	v12 =	vmin.u32 v12, $0x1869F  }
0x4fa: {  	v53 =	vshrl.u32 v12, $0x1  }
0x4fb: {  	s26 =	sor.u32 $0x1050, s0;
	v12 =	vshll.u32 v12, $0x6;
	v13 =	vadd.s32 s24, v53  }
0x4fc: {  	s28 =	sor.u32 $0x1150, s0;
	v12 =	vand.u32 $0x40, v12;
	[tilespmem:s26+$0x0] =	vst v13  }
0x4fd: {  	[tilespmem:s28+$0x0] =	vst v12  }
0x4fe: {  	v12 =	vld [tilespmem:s23+$0x460];
	_ =	sdelay $0x4  }
0x4ff: {  	v12 =	vtrunc.f32 v12  }
0x500: {  	v12 =	vcvt.f32.s32 v12;
	_ =	sdelay $0x1  }
0x501: {  	vm1 =	vgt.s32 v12, $0x0  }
0x502: {  	v12 =	vnsel vm1, $0x0, v12  }
0x503: {  	v12 =	vmin.u32 v12, $0x1869F  }
0x504: {  	v54 =	vshrl.u32 v12, $0x1  }
0x505: {  	s29 =	sor.u32 $0x1060, s0;
	v12 =	vshll.u32 v12, $0x6;
	v13 =	vadd.s32 s24, v54  }
0x506: {  	s30 =	sor.u32 $0x1160, s0;
	v12 =	vand.u32 $0x40, v12;
	[tilespmem:s29+$0x0] =	vst v13  }
0x507: {  	[tilespmem:s30+$0x0] =	vst v12  }
0x508: {  	v12 =	vld [tilespmem:s23+$0x470];
	_ =	sdelay $0x4  }
0x509: {  	v12 =	vtrunc.f32 v12  }
0x50a: {  	v12 =	vcvt.f32.s32 v12;
	_ =	sdelay $0x1  }
0x50b: {  	vm1 =	vgt.s32 v12, $0x0  }
0x50c: {  	v12 =	vnsel vm1, $0x0, v12  }
0x50d: {  	v12 =	vmin.u32 v12, $0x1869F  }
0x50e: {  	v55 =	vshrl.u32 v12, $0x1  }
0x50f: {  	v12 =	vshll.u32 v12, $0x6;
	v13 =	vadd.s32 s24, v55;
	s24 =	sor.u32 $0x1070, s0  }
0x510: {  	s25 =	sor.u32 $0x1170, s0;
	v12 =	vand.u32 $0x40, v12;
	[tilespmem:s24+$0x0] =	vst v13  }
0x511: {  	[tilespmem:s25+$0x0] =	vst v12  }
0x512: {  	v12 =	vld [tilespmem:s0+$0x1000];
	_ =	sdelay $0x4  }
0x513: {  	v56 =	vperm.xlane v12, v1;
	_ =	sdelay $0x1  }
0x514: {  	v12 =	vperm.xlane v12, v3;
	v13 =	vadd.s32 v2, v56;
	_ =	sdelay $0x1  }
0x515: {  	v12 =	vadd.s32 v2, v12  }
0x516: {  	s22 =	sshll.u32 s22, $0xF  }
0x517: {  	s26 =	sor.u32 $0x1200, s22  }
0x518: {  	[tilespmem:s26], [sflag:s12] =	stream.indirect_vreg.gather [hbm4b:s10+s8], $0x80, v13, vm0, $0x2000b8;
	[tilespmem:$0x18680] =	vst v63  }
0x519: {  	s28 =	sor.u32 $0x1A00, s22  }
0x51a: {  	[tilespmem:s28], [sflag:s12] =	stream.indirect_vreg.gather [hbm4b:s10+s8], $0x80, v12, vm0, $0x2000b8;
	[tilespmem:$0x18680] =	vst v63  }
0x51b: {  	v12 =	vld [tilespmem:s0+$0x1010];
	_ =	sdelay $0x4  }
0x51c: {  	v57 =	vperm.xlane v12, v1;
	_ =	sdelay $0x1  }
0x51d: {  	v12 =	vperm.xlane v12, v3;
	v13 =	vadd.s32 v2, v57;
	_ =	sdelay $0x1  }
0x51e: {  	v12 =	vadd.s32 v2, v12;
	_ =	sdelay $0x1  }
0x51f: {  	s29 =	sor.u32 $0x2200, s22  }
0x520: {  	[tilespmem:s29], [sflag:s12] =	stream.indirect_vreg.gather [hbm4b:s10+s8], $0x80, v13, vm0, $0x2000b8;
	[tilespmem:$0x18680] =	vst v63  }
0x521: {  	s30 =	sor.u32 $0x2A00, s22  }
0x522: {  	[tilespmem:s30], [sflag:s12] =	stream.indirect_vreg.gather [hbm4b:s10+s8], $0x80, v12, vm0, $0x2000b8;
	[tilespmem:$0x18680] =	vst v63  }
0x523: {  	v12 =	vld [tilespmem:s0+$0x1020];
	_ =	sdelay $0x4  }
0x524: {  	v58 =	vperm.xlane v12, v1;
	_ =	sdelay $0x1  }
0x525: {  	v12 =	vperm.xlane v12, v3;
	v13 =	vadd.s32 v2, v58;
	_ =	sdelay $0x1  }
0x526: {  	v12 =	vadd.s32 v2, v12;
	_ =	sdelay $0x1  }
0x527: {  	s24 =	sor.u32 $0x3200, s22  }
0x528: {  	[tilespmem:s24], [sflag:s12] =	stream.indirect_vreg.gather [hbm4b:s10+s8], $0x80, v13, vm0, $0x2000b8;
	[tilespmem:$0x18680] =	vst v63  }
0x529: {  	s25 =	sor.u32 $0x3A00, s22  }
0x52a: {  	[tilespmem:s25], [sflag:s12] =	stream.indirect_vreg.gather [hbm4b:s10+s8], $0x80, v12, vm0, $0x2000b8;
	[tilespmem:$0x18680] =	vst v63  }
0x52b: {  	v12 =	vld [tilespmem:s0+$0x1030];
	_ =	sdelay $0x4  }
0x52c: {  	v59 =	vperm.xlane v12, v1;
	_ =	sdelay $0x1  }
0x52d: {  	v12 =	vperm.xlane v12, v3;
	v13 =	vadd.s32 v2, v59;
	_ =	sdelay $0x1  }
0x52e: {  	v12 =	vadd.s32 v2, v12;
	_ =	sdelay $0x1  }
0x52f: {  	s26 =	sor.u32 $0x4200, s22  }
0x530: {  	[tilespmem:s26], [sflag:s12] =	stream.indirect_vreg.gather [hbm4b:s10+s8], $0x80, v13, vm0, $0x2000b8;
	[tilespmem:$0x18680] =	vst v63  }
0x531: {  	s28 =	sor.u32 $0x4A00, s22  }
0x532: {  	[tilespmem:s28], [sflag:s12] =	stream.indirect_vreg.gather [hbm4b:s10+s8], $0x80, v12, vm0, $0x2000b8;
	[tilespmem:$0x18680] =	vst v63  }
0x533: {  	v12 =	vld [tilespmem:s0+$0x1040];
	_ =	sdelay $0x4  }
0x534: {  	v60 =	vperm.xlane v12, v1;
	_ =	sdelay $0x1  }
0x535: {  	v12 =	vperm.xlane v12, v3;
	v13 =	vadd.s32 v2, v60;
	_ =	sdelay $0x1  }
0x536: {  	v12 =	vadd.s32 v2, v12;
	_ =	sdelay $0x1  }
0x537: {  	s29 =	sor.u32 $0x5200, s22  }
0x538: {  	[tilespmem:s29], [sflag:s12] =	stream.indirect_vreg.gather [hbm4b:s10+s8], $0x80, v13, vm0, $0x2000b8;
	[tilespmem:$0x18680] =	vst v63  }
0x539: {  	s30 =	sor.u32 $0x5A00, s22  }
0x53a: {  	[tilespmem:s30], [sflag:s12] =	stream.indirect_vreg.gather [hbm4b:s10+s8], $0x80, v12, vm0, $0x2000b8;
	[tilespmem:$0x18680] =	vst v63  }
0x53b: {  	v12 =	vld [tilespmem:s0+$0x1050];
	_ =	sdelay $0x4  }
0x53c: {  	v61 =	vperm.xlane v12, v1;
	_ =	sdelay $0x1  }
0x53d: {  	v12 =	vperm.xlane v12, v3;
	v13 =	vadd.s32 v2, v61;
	_ =	sdelay $0x1  }
0x53e: {  	v12 =	vadd.s32 v2, v12;
	_ =	sdelay $0x1  }
0x53f: {  	s24 =	sor.u32 $0x6200, s22  }
0x540: {  	[tilespmem:s24], [sflag:s12] =	stream.indirect_vreg.gather [hbm4b:s10+s8], $0x80, v13, vm0, $0x2000b8;
	[tilespmem:$0x18680] =	vst v63  }
0x541: {  	s25 =	sor.u32 $0x6A00, s22  }
0x542: {  	[tilespmem:s25], [sflag:s12] =	stream.indirect_vreg.gather [hbm4b:s10+s8], $0x80, v12, vm0, $0x2000b8;
	[tilespmem:$0x18680] =	vst v63  }
0x543: {  	v12 =	vld [tilespmem:s0+$0x1060];
	_ =	sdelay $0x4  }
0x544: {  	v62 =	vperm.xlane v12, v1;
	_ =	sdelay $0x1  }
0x545: {  	v12 =	vperm.xlane v12, v3;
	v13 =	vadd.s32 v2, v62;
	_ =	sdelay $0x1  }
0x546: {  	v12 =	vadd.s32 v2, v12;
	_ =	sdelay $0x1  }
0x547: {  	s26 =	sor.u32 $0x7200, s22  }
0x548: {  	[tilespmem:s26], [sflag:s12] =	stream.indirect_vreg.gather [hbm4b:s10+s8], $0x80, v13, vm0, $0x2000b8;
	[tilespmem:$0x18680] =	vst v63  }
0x549: {  	s28 =	sor.u32 $0x7A00, s22  }
0x54a: {  	[tilespmem:s28], [sflag:s12] =	stream.indirect_vreg.gather [hbm4b:s10+s8], $0x80, v12, vm0, $0x2000b8;
	[tilespmem:$0x18680] =	vst v63  }
0x54b: {  	v12 =	vld [tilespmem:s0+$0x1070];
	_ =	sdelay $0x4  }
0x54c: {  	v63 =	vperm.xlane v12, v1;
	_ =	sdelay $0x1  }
0x54d: {  	v12 =	vperm.xlane v12, v3;
	v13 =	vadd.s32 v2, v63;
	_ =	sdelay $0x1  }
0x54e: {  	v12 =	vadd.s32 v2, v12  }
.Ltmp6:
0x54f: {  	_ = 	snop;
	(pc) =	sbr.rel .LBB2_11-.Ltmp6, $4  }
0x550: {  	s29 =	sadd.s32 $0x8200, s22  }
0x551: {  	[tilespmem:s29], [sflag:s12] =	stream.indirect_vreg.gather [hbm4b:s10+s8], $0x80, v13, vm0, $0x2000b8;
	[tilespmem:$0x18680] =	vst v63  }
0x552: {  	s30 =	sadd.s32 $0x8A00, s22  }
0x553: {  	[tilespmem:s30], [sflag:s12] =	stream.indirect_vreg.gather [hbm4b:s10+s8], $0x80, v12, vm0, $0x2000b8;
	[tilespmem:$0x18680] =	vst v63  }
.LBB2_12:
0x554: {  	s0 =	sor.u32 $0x1, s20;
	s5 =	simm.s32 $0x0;
	p0 =	por $0x0, $0x0  }
.LBB2_13:
0x555: {  	s22 =	sand.u32 $0x1, s5  }
0x556: {  	s11 =	sadd.s32 $0x3, s22  }
0x557: {  	_ =	swait.ge [sflag:s11], $0x2000  }
0x558: {  	s23 =	sshll.u32 s5, $0x7;
	[sflag:s11] =	ssyncset.done $0x0  }
0x559: {  	s24 =	sand.u32 $0x3FFFFF80, s23;
	[sflag:s11] =	ssyncadd.s32 $0xFFFFE000  }
0x55a: {  	v12 =	vld [tilespmem:s24+$0x0]  }
0x55b: {  	v13 =	vld [tilespmem:s24+$0x10]  }
0x55c: {  	v14 =	vld [tilespmem:s24+$0x20]  }
0x55d: {  	s12 =	sadd.s32 s5, s0;
	s20 =	simm.s32 $0x1;
	v15 =	vld [tilespmem:s24+$0x30]  }
0x55e: {  	s12 =	sshll.u32 s12, $0x12;
	s20 =	simm.s32 @!p0 $0x0;
	v16 =	vld [tilespmem:s24+$0x40]  }
0x55f: {  	s22 =	sshll.u32 s22, $0xD;
	v20 =	vmov s23;
	s23 =	simm.s32 $0x11400;
	s12 =	sor.u32 s9, s12;
	v17 =	vld [tilespmem:s24+$0x50]  }
0x560: {  	s20 =	sshll.u32 s20, $0xD;
	s22 =	sadd.s32 $0x13200, s22;
	s12 =	sshrl.u32 s12, $0x3;
	v18 =	vld [tilespmem:s24+$0x60]  }
0x561: {  	s20 =	sadd.s32 $0x13400, s20;
	s12 =	sadd.s32 s6, s12;
	v19 =	vld [tilespmem:s24+$0x70];
	s24 =	simm.s32 $0x0  }
.LBB2_14:
0x562: {  	v21 =	vmov s24  }
0x563: {  	v21 =	vand.u32 $0x78, v21  }
0x564: {  	v21 =	vor.u32 v20, v21  }
0x565: {  	v21 =	vbroadcast v21, $0x0;
	_ =	sdelay $0x4  }
0x566: {  	v23 =	vld [tilespmem:s23+$0xFFFFFE00]  }
0x567: {  	v22 =	vld.idx.msk [tilespmem:v21+s15+$0x0], $0xffff  }
0x568: {  	v21 =	vld.idx.msk [tilespmem:v21+s16+$0x0], $0xffff;
	_ =	sdelay $0x4  }
0x569: {  	v21 =	vadd.f32 v23, v21;
	v23 =	vmul.f32 v22, v12  }
0x56a: {  	v24 =	vmul.f32 v22, v13  }
0x56b: {  	s25 =	sadd.s32 $0x1, s24;
	v25 =	vmul.f32 v22, v14;
	v23 =	vadd.f32 v21, v23  }
0x56c: {  	v27 =	vmov s25;
	v26 =	vmul.f32 v22, v15;
	v24 =	vadd.f32 v21, v24  }
0x56d: {  	v27 =	vand.u32 $0x79, v27;
	v33 =	vmul.f32 v22, v16;
	[tilespmem:s20+$0xFFFFFE00] =	vst v23;
	v23 =	vadd.f32 v21, v25  }
0x56e: {  	v27 =	vor.u32 v20, v27;
	v35 =	vmul.f32 v22, v17;
	v34 =	vadd.f32 v21, v26;
	[tilespmem:s20+$0xFFFFFE10] =	vst v24  }
0x56f: {  	v27 =	vbroadcast v27, $0x0;
	v36 =	vmul.f32 v22, v18;
	[tilespmem:s20+$0xFFFFFE20] =	vst v23;
	v23 =	vadd.f32 v21, v33  }
0x570: {  	v22 =	vmul.f32 v22, v19;
	v37 =	vadd.f32 v21, v35;
	[tilespmem:s20+$0xFFFFFE30] =	vst v34  }
0x571: {  	[tilespmem:s20+$0xFFFFFE40] =	vst v23;
	v23 =	vadd.f32 v21, v36  }
0x572: {  	[tilespmem:s20+$0xFFFFFE50] =	vst v37;
	v21 =	vadd.f32 v21, v22  }
0x573: {  	[tilespmem:s20+$0xFFFFFE60] =	vst v23  }
0x574: {  	[tilespmem:s20+$0xFFFFFE70] =	vst v21  }
0x575: {  	v21 =	vld.idx.msk [tilespmem:v27+s15+$0x0], $0xffff  }
0x576: {  	v22 =	vld.idx.msk [tilespmem:v27+s16+$0x0], $0xffff  }
0x577: {  	v23 =	vld [tilespmem:s23+$0xFFFFFE80];
	_ =	sdelay $0x4  }
0x578: {  	v22 =	vadd.f32 v23, v22;
	v23 =	vmul.f32 v21, v12  }
0x579: {  	s29 =	sadd.s32 $0x2, s24;
	v38 =	vmul.f32 v21, v13  }
0x57a: {  	v41 =	vmov s29;
	v40 =	vmul.f32 v21, v15;
	v23 =	vadd.f32 v22, v23  }
0x57b: {  	v27 =	vand.u32 $0x7A, v41;
	v39 =	vmul.f32 v21, v14;
	v24 =	vadd.f32 v22, v38  }
0x57c: {  	v27 =	vor.u32 v20, v27;
	v44 =	vmul.f32 v21, v17;
	v43 =	vadd.f32 v22, v40;
	[tilespmem:s20+$0xFFFFFE80] =	vst v23  }
0x57d: {  	v27 =	vbroadcast v27, $0x0;
	v42 =	vmul.f32 v21, v16;
	v23 =	vadd.f32 v22, v39;
	[tilespmem:s20+$0xFFFFFE90] =	vst v24  }
0x57e: {  	v45 =	vmul.f32 v21, v18;
	v21 =	vmul.f32 v21, v19;
	v46 =	vadd.f32 v22, v44;
	[tilespmem:s20+$0xFFFFFEB0] =	vst v43  }
0x57f: {  	[tilespmem:s20+$0xFFFFFEA0] =	vst v23;
	v23 =	vadd.f32 v22, v42  }
0x580: {  	v21 =	vadd.f32 v22, v21;
	[tilespmem:s20+$0xFFFFFED0] =	vst v46  }
0x581: {  	[tilespmem:s20+$0xFFFFFEC0] =	vst v23;
	v23 =	vadd.f32 v22, v45  }
0x582: {  	[tilespmem:s20+$0xFFFFFEF0] =	vst v21  }
0x583: {  	[tilespmem:s20+$0xFFFFFEE0] =	vst v23  }
0x584: {  	v21 =	vld.idx.msk [tilespmem:v27+s15+$0x0], $0xffff  }
0x585: {  	v22 =	vld.idx.msk [tilespmem:v27+s16+$0x0], $0xffff  }
0x586: {  	v23 =	vld [tilespmem:s23+$0xFFFFFF00];
	_ =	sdelay $0x4  }
0x587: {  	v22 =	vadd.f32 v23, v22;
	v23 =	vmul.f32 v21, v12  }
0x588: {  	s30 =	sadd.s32 $0x3, s24;
	v47 =	vmul.f32 v21, v13  }
0x589: {  	v50 =	vmov s30;
	v49 =	vmul.f32 v21, v15;
	v23 =	vadd.f32 v22, v23  }
0x58a: {  	v27 =	vand.u32 $0x7B, v50;
	v48 =	vmul.f32 v21, v14;
	v24 =	vadd.f32 v22, v47  }
0x58b: {  	v27 =	vor.u32 v20, v27;
	v53 =	vmul.f32 v21, v17;
	v52 =	vadd.f32 v22, v49;
	[tilespmem:s20+$0xFFFFFF00] =	vst v23  }
0x58c: {  	v27 =	vbroadcast v27, $0x0;
	v51 =	vmul.f32 v21, v16;
	v23 =	vadd.f32 v22, v48;
	[tilespmem:s20+$0xFFFFFF10] =	vst v24  }
0x58d: {  	v54 =	vmul.f32 v21, v18;
	v21 =	vmul.f32 v21, v19;
	v55 =	vadd.f32 v22, v53;
	[tilespmem:s20+$0xFFFFFF30] =	vst v52  }
0x58e: {  	[tilespmem:s20+$0xFFFFFF20] =	vst v23;
	v23 =	vadd.f32 v22, v51  }
0x58f: {  	v21 =	vadd.f32 v22, v21;
	[tilespmem:s20+$0xFFFFFF50] =	vst v55  }
0x590: {  	[tilespmem:s20+$0xFFFFFF40] =	vst v23;
	v23 =	vadd.f32 v22, v54  }
0x591: {  	[tilespmem:s20+$0xFFFFFF70] =	vst v21  }
0x592: {  	[tilespmem:s20+$0xFFFFFF60] =	vst v23  }
0x593: {  	v21 =	vld.idx.msk [tilespmem:v27+s15+$0x0], $0xffff  }
0x594: {  	v22 =	vld.idx.msk [tilespmem:v27+s16+$0x0], $0xffff  }
0x595: {  	v23 =	vld [tilespmem:s23+$0xFFFFFF80];
	_ =	sdelay $0x4  }
0x596: {  	v22 =	vadd.f32 v23, v22;
	v23 =	vmul.f32 v21, v12  }
0x597: {  	s26 =	sadd.s32 $0x4, s24;
	v56 =	vmul.f32 v21, v13  }
0x598: {  	v59 =	vmov s26;
	v58 =	vmul.f32 v21, v15;
	v23 =	vadd.f32 v22, v23  }
0x599: {  	v27 =	vand.u32 $0x7C, v59;
	v57 =	vmul.f32 v21, v14;
	v24 =	vadd.f32 v22, v56  }
0x59a: {  	v27 =	vor.u32 v20, v27;
	v62 =	vmul.f32 v21, v17;
	v61 =	vadd.f32 v22, v58;
	[tilespmem:s20+$0xFFFFFF80] =	vst v23  }
0x59b: {  	v27 =	vbroadcast v27, $0x0;
	v60 =	vmul.f32 v21, v16;
	v23 =	vadd.f32 v22, v57;
	[tilespmem:s20+$0xFFFFFF90] =	vst v24  }
0x59c: {  	v63 =	vmul.f32 v21, v18;
	v21 =	vmul.f32 v21, v19;
	v28 =	vadd.f32 v22, v62;
	[tilespmem:s20+$0xFFFFFFB0] =	vst v61  }
0x59d: {  	[tilespmem:s20+$0xFFFFFFA0] =	vst v23;
	v23 =	vadd.f32 v22, v60  }
0x59e: {  	v21 =	vadd.f32 v22, v21;
	[tilespmem:s20+$0xFFFFFFD0] =	vst v28  }
0x59f: {  	[tilespmem:s20+$0xFFFFFFC0] =	vst v23;
	v23 =	vadd.f32 v22, v63  }
0x5a0: {  	[tilespmem:s20+$0xFFFFFFF0] =	vst v21  }
0x5a1: {  	[tilespmem:s20+$0xFFFFFFE0] =	vst v23  }
0x5a2: {  	v21 =	vld.idx.msk [tilespmem:v27+s15+$0x0], $0xffff  }
0x5a3: {  	v22 =	vld.idx.msk [tilespmem:v27+s16+$0x0], $0xffff  }
0x5a4: {  	v23 =	vld [tilespmem:s23+$0x0];
	_ =	sdelay $0x4  }
0x5a5: {  	v22 =	vadd.f32 v23, v22;
	v23 =	vmul.f32 v21, v12  }
0x5a6: {  	s28 =	sadd.s32 $0x5, s24;
	v29 =	vmul.f32 v21, v13  }
0x5a7: {  	v32 =	vmov s28;
	v31 =	vmul.f32 v21, v15;
	v23 =	vadd.f32 v22, v23  }
0x5a8: {  	v27 =	vand.u32 $0x7D, v32;
	v30 =	vmul.f32 v21, v14;
	v24 =	vadd.f32 v22, v29  }
0x5a9: {  	v27 =	vor.u32 v20, v27;
	v35 =	vmul.f32 v21, v17;
	v34 =	vadd.f32 v22, v31;
	[tilespmem:s20+$0x0] =	vst v23  }
0x5aa: {  	v27 =	vbroadcast v27, $0x0;
	v33 =	vmul.f32 v21, v16;
	v23 =	vadd.f32 v22, v30;
	[tilespmem:s20+$0x10] =	vst v24  }
0x5ab: {  	v36 =	vmul.f32 v21, v18;
	v21 =	vmul.f32 v21, v19;
	v37 =	vadd.f32 v22, v35;
	[tilespmem:s20+$0x30] =	vst v34  }
0x5ac: {  	[tilespmem:s20+$0x20] =	vst v23;
	v23 =	vadd.f32 v22, v33  }
0x5ad: {  	v21 =	vadd.f32 v22, v21;
	[tilespmem:s20+$0x50] =	vst v37  }
0x5ae: {  	[tilespmem:s20+$0x40] =	vst v23;
	v23 =	vadd.f32 v22, v36  }
0x5af: {  	[tilespmem:s20+$0x70] =	vst v21  }
0x5b0: {  	[tilespmem:s20+$0x60] =	vst v23  }
0x5b1: {  	v21 =	vld.idx.msk [tilespmem:v27+s15+$0x0], $0xffff  }
0x5b2: {  	v22 =	vld.idx.msk [tilespmem:v27+s16+$0x0], $0xffff  }
0x5b3: {  	v23 =	vld [tilespmem:s23+$0x80];
	_ =	sdelay $0x4  }
0x5b4: {  	v22 =	vadd.f32 v23, v22;
	v23 =	vmul.f32 v21, v12  }
0x5b5: {  	s29 =	sadd.s32 $0x6, s24;
	v38 =	vmul.f32 v21, v13  }
0x5b6: {  	v41 =	vmov s29;
	v40 =	vmul.f32 v21, v15;
	v23 =	vadd.f32 v22, v23  }
0x5b7: {  	v27 =	vand.u32 $0x7E, v41;
	v39 =	vmul.f32 v21, v14;
	v24 =	vadd.f32 v22, v38  }
0x5b8: {  	v27 =	vor.u32 v20, v27;
	v44 =	vmul.f32 v21, v17;
	v43 =	vadd.f32 v22, v40;
	[tilespmem:s20+$0x80] =	vst v23  }
0x5b9: {  	v27 =	vbroadcast v27, $0x0;
	v42 =	vmul.f32 v21, v16;
	v23 =	vadd.f32 v22, v39;
	[tilespmem:s20+$0x90] =	vst v24  }
0x5ba: {  	v45 =	vmul.f32 v21, v18;
	v21 =	vmul.f32 v21, v19;
	v46 =	vadd.f32 v22, v44;
	[tilespmem:s20+$0xB0] =	vst v43  }
0x5bb: {  	[tilespmem:s20+$0xA0] =	vst v23;
	v23 =	vadd.f32 v22, v42  }
0x5bc: {  	v21 =	vadd.f32 v22, v21;
	[tilespmem:s20+$0xD0] =	vst v46  }
0x5bd: {  	[tilespmem:s20+$0xC0] =	vst v23;
	v23 =	vadd.f32 v22, v45  }
0x5be: {  	[tilespmem:s20+$0xF0] =	vst v21  }
0x5bf: {  	[tilespmem:s20+$0xE0] =	vst v23  }
0x5c0: {  	v21 =	vld.idx.msk [tilespmem:v27+s15+$0x0], $0xffff  }
0x5c1: {  	v22 =	vld.idx.msk [tilespmem:v27+s16+$0x0], $0xffff  }
0x5c2: {  	v23 =	vld [tilespmem:s23+$0x100];
	_ =	sdelay $0x4  }
0x5c3: {  	v22 =	vadd.f32 v23, v22;
	v23 =	vmul.f32 v21, v12  }
0x5c4: {  	s30 =	sadd.s32 $0x7, s24;
	v47 =	vmul.f32 v21, v13  }
0x5c5: {  	v50 =	vmov s30;
	v49 =	vmul.f32 v21, v15;
	v23 =	vadd.f32 v22, v23  }
0x5c6: {  	v27 =	vand.u32 $0x7F, v50;
	v48 =	vmul.f32 v21, v14;
	v24 =	vadd.f32 v22, v47  }
0x5c7: {  	v27 =	vor.u32 v20, v27;
	v53 =	vmul.f32 v21, v17;
	v52 =	vadd.f32 v22, v49;
	[tilespmem:s20+$0x100] =	vst v23  }
0x5c8: {  	v27 =	vbroadcast v27, $0x0;
	v51 =	vmul.f32 v21, v16;
	v23 =	vadd.f32 v22, v48;
	[tilespmem:s20+$0x110] =	vst v24  }
0x5c9: {  	v54 =	vmul.f32 v21, v18;
	v21 =	vmul.f32 v21, v19;
	v55 =	vadd.f32 v22, v53;
	[tilespmem:s20+$0x130] =	vst v52  }
0x5ca: {  	[tilespmem:s20+$0x120] =	vst v23;
	v23 =	vadd.f32 v22, v51  }
0x5cb: {  	v21 =	vadd.f32 v22, v21;
	[tilespmem:s20+$0x150] =	vst v55  }
0x5cc: {  	[tilespmem:s20+$0x140] =	vst v23;
	v23 =	vadd.f32 v22, v54  }
0x5cd: {  	[tilespmem:s20+$0x170] =	vst v21  }
0x5ce: {  	[tilespmem:s20+$0x160] =	vst v23  }
0x5cf: {  	v21 =	vld.idx.msk [tilespmem:v27+s15+$0x0], $0xffff  }
0x5d0: {  	v22 =	vld.idx.msk [tilespmem:v27+s16+$0x0], $0xffff  }
0x5d1: {  	v23 =	vld [tilespmem:s23+$0x180];
	_ =	sdelay $0x4  }
0x5d2: {  	v22 =	vadd.f32 v23, v22;
	v23 =	vmul.f32 v21, v12  }
0x5d3: {  	v56 =	vmul.f32 v21, v13  }
0x5d4: {  	v58 =	vmul.f32 v21, v15;
	v23 =	vadd.f32 v22, v23  }
0x5d5: {  	v57 =	vmul.f32 v21, v14;
	v24 =	vadd.f32 v22, v56  }
0x5d6: {  	v61 =	vmul.f32 v21, v17;
	v60 =	vadd.f32 v22, v58;
	[tilespmem:s20+$0x180] =	vst v23  }
0x5d7: {  	v59 =	vmul.f32 v21, v16;
	v23 =	vadd.f32 v22, v57;
	[tilespmem:s20+$0x190] =	vst v24  }
0x5d8: {  	p1 =	slt.u32 s24, $0x38;
	v62 =	vmul.f32 v21, v18;
	v21 =	vmul.f32 v21, v19;
	v63 =	vadd.f32 v22, v61;
	[tilespmem:s20+$0x1B0] =	vst v60  }
.Ltmp7:
0x5d9: {  	[tilespmem:s20+$0x1A0] =	vst v23;
	v23 =	vadd.f32 v22, v59;
	(pc) =	sbr.rel @p1 .LBB2_14-.Ltmp7, $4  }
0x5da: {  	v21 =	vadd.f32 v22, v21;
	[tilespmem:s20+$0x1D0] =	vst v63  }
0x5db: {  	[tilespmem:s20+$0x1C0] =	vst v23;
	v23 =	vadd.f32 v22, v62  }
0x5dc: {  	[tilespmem:s20+$0x1F0] =	vst v21  }
0x5dd: {  	s24 =	sadd.s32 $0x8, s24;
	s23 =	sadd.s32 $0x400, s23;
	[tilespmem:s20+$0x1E0] =	vst v23;
	s20 =	sadd.s32 $0x400, s20  }
0x5de: {  	s5 =	sadd.s32 $0x1, s5  }
0x5df: {  	p1 =	sne.s32 s5, $0x6  }
.Ltmp8:
0x5e0: {  	_ = 	snop;
	(pc) =	sbr.rel @p1 .LBB2_13-.Ltmp8, $3  }
0x5e1: {  	_ =	sdelay $0x1  }
0x5e2: {  	[hbm4b:s12+s18] =	stream.strided.scatter [tilespmem:s22], [sflag:s11], $0x2000, s19, s18, $0x38;
	[tilespmem:$0x18680] =	vst v63  }
0x5e3: {  	p0 =	por !p0, !p0  }
0x5e4: {  	s4 =	sadd.s32 $0x1, s4  }
0x5e5: {  	p0 =	sne.s32 s4, $0x14  }
.Ltmp9:
0x5e6: {  	_ = 	snop;
	(pc) =	sbr.rel @p0 .LBB2_4-.Ltmp9, $1  }
0x5e7: {  	_ =	sdelay $0x3  }
0x5e8: {  	s0 =	simm.s32 $0x3  }
0x5e9: {  	_ =	swait.ge [sflag:s0], $0x2000  }
0x5ea: {  	[sflag:s0] =	ssyncset.done $0x0  }
0x5eb: {  	s3 =	simm.s32 $0x4;
	[sflag:s0] =	ssyncadd.s32 $0xFFFFE000  }
0x5ec: {  	_ =	swait.ge [sflag:s3], $0x2000  }
0x5ed: {  	s4 =	rddreg [dreg:$0xa]  }
0x5ee: {  	s30 =	rddreg [dreg:$0x9];
	s4 =	sadd.s32 $0x1, s4  }
0x5ef: {  	p0 =	sne.s32 s4, s30  }
.Ltmp10:
0x5f0: {  	_ = 	snop;
	(pc) =	sbr.rel @p0 .LBB2_1-.Ltmp10, $3  }
0x5f1: {  	_ =	sdelay $0x1  }
0x5f2: {  	[sflag:s3] =	ssyncset.done $0x0  }
0x5f3: {  	[sflag:s3] =	ssyncadd.s32 $0xFFFFE000  }
0x5f4: {  	_ =	sfence.sel $0x180000  }
0x5f5: {  	[bflag:$0x0] =	sbarrier.arrive $0xFFFF  }
0x5f6: {  	_ =	strace $0x90000047  }
0x5f7: {  	s0 =	stileid.u32;
	[bflag:$0x2] =	sbarrier.arrive $0xFFFF  }
0x5f8: {  	p0 =	sne.s32 s0, $0x0;
	s0 =	rddreg [dreg:$0x7]  }
0x5f9: {  	s0 =	sadd.s32 @!p0 $0x100000, s0  }
0x5fa: {  	[sflag:s0] =	ssyncadd.tile.s32 @!p0 $0x1;
	_ =	shalt  }
.Lfunc_end2:
_tile_overlayer_lowered:
.L_overlay_start_2:
0x5fb: {  	(tag) =	ssettag $0x2  }
0x5fc: {  	s0 =	rddreg [dreg:$0x0];
	s2 =	stileid.u32  }
0x5fd: {  	s1 =	rddreg [dreg:$0x1];
	p0 =	sne.s32 s2, $0x0  }
0x5fe: {  	s3 =	rddreg [dreg:$0x2];
	[bflag:$0x3] =	sbarrier.arrive $0xFFFF;
	s2 =	simm.s32 @!p0 $0x1C05  }
0x5ff: {  	[timem:s3], [sflag:s2] =	dma.local @!p0 [hbm:s0], s1  }
0x600: {  	s0 =	simm.s32 @!p0 $0x5  }
0x601: {  	_ =	swait.ge @!p0 [sflag:s0], s1  }
0x602: {  	s1 =	ssub.s32 @!p0 $0x0, s1;
	[sflag:s0] =	ssyncset.done @!p0 $0x0  }
0x603: {  	[sflag:s0] =	ssyncadd.s32 @!p0 s1  }
0x604: {  	[bflag:$0x3] =	sbarrier.arrive $0xFFFF  }
0x605: {  	_ =	shalt  }

</sc_bundles>
